<compile_context>
chip_gen: v7x
topology: tpu7x:2x2x1
jax: 0.10.2.dev20260603
libtpu: 0.0.44.dev20260713+nightly
codegen_flags: <defaults>
</compile_context>

<pallas_src>
import functools

import jax
import jax.numpy as jnp
from jax import lax
from jax.experimental import pallas as pl
from jax.experimental.pallas import tpu as pltpu
from jax.experimental.pallas import tpu_sc as plsc

_NC = 2
_NS = 16
_LN = 16
_CW = 128
_NB = 4
_NSEG = 4


def _make_sc_kernels(NE, NV, HD):
    NT = _NC * _NS
    Et = NE // NT
    assert Et * NT == NE and Et % _CW == 0
    RW = Et // _CW
    NVP = -(-NV // (_NS * 8)) * (_NS * 8)
    NP = NVP // _NS
    mesh = plsc.VectorSubcoreMesh(
        core_axis_name="c", subcore_axis_name="s",
        num_cores=_NC, num_subcores=_NS)

    @functools.partial(
        pl.kernel,
        out_type=jax.ShapeDtypeStruct((_NC, NVP, _LN), jnp.float32),
        mesh=mesh,
        compiler_params=pltpu.CompilerParams(use_tc_tiling_on_sc=False),
        scratch_types=[
            pltpu.VMEM((RW, _CW), jnp.int32),
            pltpu.VMEM((_CW, _LN), jnp.float32),
            pltpu.VMEM_SHARED((NVP, _LN), jnp.float32),
        ],
    )
    def hist(dstr, ones_h, zeros_h, out, didx, ones_v, hacc):
        c = lax.axis_index("c")
        s = lax.axis_index("s")
        wid = c * _NS + s
        pltpu.sync_copy(dstr.at[wid], didx)
        pltpu.sync_copy(ones_h, ones_v)
        pltpu.sync_copy(zeros_h, hacc.at[pl.ds(s * NP, NP)])
        plsc.subcore_barrier()

        def body(j, carry):
            pltpu.sync_copy(ones_v, hacc.at[didx.at[j]], add=True)
            return carry

        lax.fori_loop(0, RW, body, 0)
        plsc.subcore_barrier()
        pltpu.sync_copy(hacc.at[pl.ds(s * NP, NP)], out.at[c, pl.ds(s * NP, NP)])

    HH = HD // 2
    ET = NE // _NS
    NCH = ET // _CW
    NB = _NB
    assert NCH * _CW == ET and NCH % NB == 0

    NSEG = _NSEG
    SCH = NCH // NSEG
    KG = 3
    KS = NB - KG
    assert SCH % NB == 0
    NPT = NV // _NS

    @functools.partial(
        pl.kernel,
        out_type=jax.ShapeDtypeStruct((_NC, NVP, HH), jnp.float32),
        mesh=mesh,
        compiler_params=pltpu.CompilerParams(use_tc_tiling_on_sc=False),
        scratch_types=[
            pltpu.VMEM((SCH, _CW), jnp.int32),
            pltpu.VMEM((SCH, _CW), jnp.int32),
            [pltpu.VMEM((_CW, HH), jnp.float32)] * NB,
            [pltpu.SemaphoreType.DMA] * NB,
            [pltpu.SemaphoreType.DMA] * NB,
            pltpu.VMEM_SHARED((NVP, HH), jnp.float32),
            pltpu.VMEM_SHARED((NVP, HH), jnp.float32),
        ],
    )
    def spmm(m_h, srcr, dstr, zeros_h, out, sidx, didx, bufs, gsems, ssems,
             acc, table):
        c = lax.axis_index("c")
        s = lax.axis_index("s")
        pltpu.sync_copy(m_h.at[c, pl.ds(s * NPT, NPT)],
                        table.at[pl.ds(s * NPT, NPT)])
        pltpu.sync_copy(zeros_h, acc.at[pl.ds(s * NP, NP)])
        plsc.subcore_barrier()

        def seg(q, carry):
            pltpu.sync_copy(srcr.at[s, pl.ds(q * SCH, SCH)], sidx)
            pltpu.sync_copy(dstr.at[s, pl.ds(q * SCH, SCH)], didx)
            for t in range(KG):
                pltpu.make_async_copy(
                    table.at[sidx.at[t]], bufs[t], gsems[t]).start()

            def kbody(k, carry2):
                j0 = k * NB
                for b in range(NB):
                    j = j0 + b
                    pltpu.make_async_copy(
                        table.at[sidx.at[j]], bufs[b], gsems[b]).wait()
                    pltpu.async_copy(bufs[b], acc.at[didx.at[j]], ssems[b],
                                     add=True)
                    d = (b - KS) % NB

                    @pl.when(j + KG < SCH)
                    def _():
                        @pl.when(j >= KS)
                        def _():
                            pltpu.make_async_copy(
                                bufs[d], acc.at[didx.at[j - KS]],
                                ssems[d]).wait()
                        pltpu.make_async_copy(
                            table.at[sidx.at[j + KG]], bufs[d],
                            gsems[d]).start()
                return carry2

            lax.fori_loop(0, SCH // NB, kbody, 0)
            for j in range(SCH - NB, SCH):
                b = j % NB
                pltpu.make_async_copy(
                    bufs[b], acc.at[didx.at[j]], ssems[b]).wait()
            return carry

        lax.fori_loop(0, NSEG, seg, 0)
        plsc.subcore_barrier()
        pltpu.sync_copy(acc.at[pl.ds(s * NP, NP)], out.at[c, pl.ds(s * NP, NP)])

    return hist, spmm, NVP


def _split_store(mn_ref, mn, HH):
    mn_ref[0] = mn[:, :HH]
    mn_ref[1] = mn[:, HH:]


def _psum_cat(p_ref, m_ref, NV, HH):
    lo = p_ref[0, :NV, :] + m_ref[0]
    hi = p_ref[1, :NV, :] + m_ref[1]
    return jnp.concatenate([lo, hi], axis=1)


def _make_k0_body(NV, HH):
    def body(xp_ref, hp_ref, ing_ref, inb_ref, w0_ref, dinv_ref, m0_ref):
        hp = hp_ref[...][:, :NV, :]
        deg = 1.0 + jnp.sum(jnp.sum(hp, axis=2), axis=0) * (1.0 / _LN)
        dinv = lax.rsqrt(deg)[:, None]
        dinv_ref[...] = dinv
        x = xp_ref[...]
        mu = jnp.mean(x, axis=0, keepdims=True)
        var = jnp.mean((x - mu) ** 2, axis=0, keepdims=True)
        xb = (x - mu) / jnp.sqrt(var + 1e-5) * ing_ref[...] + inb_ref[...]
        m0 = dinv * jnp.dot(xb, w0_ref[...],
                            preferred_element_type=jnp.float32)
        _split_store(m0_ref, m0, HH)
    return body


def _make_kb_body(has_res, NV, HH):
    def body(p_ref, m_ref, hprev_ref, dinv_ref, b_ref, g_ref, be_ref, w_ref,
             h_ref, mn_ref):
        dinv = dinv_ref[...]
        hn = dinv * _psum_cat(p_ref, m_ref, NV, HH) + b_ref[...]
        mu = jnp.mean(hn, axis=0, keepdims=True)
        var = jnp.mean((hn - mu) ** 2, axis=0, keepdims=True)
        hb = (hn - mu) / jnp.sqrt(var + 1e-5) * g_ref[...] + be_ref[...]
        if has_res:
            hb = hb + hprev_ref[...]
        h = jnp.maximum(hb, 0.0)
        h_ref[...] = h
        mn = dinv * jnp.dot(h, w_ref[...],
                            preferred_element_type=jnp.float32)
        _split_store(mn_ref, mn, HH)
    return body


def _make_k4_body(G, NV, HH):
    def body(p_ref, m_ref, hprev_ref, dinv_ref, b_ref, g_ref, be_ref,
             batch_ref, lng_ref, lnb_ref, out_ref):
        dinv = dinv_ref[...]
        hn = dinv * _psum_cat(p_ref, m_ref, NV, HH) + b_ref[...]
        mu = jnp.mean(hn, axis=0, keepdims=True)
        var = jnp.mean((hn - mu) ** 2, axis=0, keepdims=True)
        hb = (hn - mu) / jnp.sqrt(var + 1e-5) * g_ref[...] + be_ref[...]
        h = jnp.maximum(hb + hprev_ref[...], 0.0)
        bat = jnp.broadcast_to(batch_ref[...], (G, NV))
        gid = lax.broadcasted_iota(jnp.int32, (G, NV), 0)
        oh = (bat == gid).astype(jnp.float32)
        cnt = jnp.sum(oh, axis=1, keepdims=True)
        ps = jnp.dot(oh, h, preferred_element_type=jnp.float32)
        pooled = ps / jnp.maximum(cnt, 1.0)
        pmu = jnp.mean(pooled, axis=1, keepdims=True)
        pvar = jnp.mean((pooled - pmu) ** 2, axis=1, keepdims=True)
        out_ref[...] = ((pooled - pmu) / jnp.sqrt(pvar + 1e-5) * lng_ref[...]
                        + lnb_ref[...])
    return body


def kernel(x, edge_index, batch, in_gamma, in_beta, W0, b0, g0, be0,
           W1, b1, g1, be1, W2, b2, g2, be2, W3, b3, g3, be3,
           ln_gamma, ln_beta):
    NV, F = x.shape
    NE = edge_index.shape[1]
    HD = W0.shape[1]
    G = 64
    NT = _NC * _NS
    HH = HD // 2
    NEP = -(-NE // (_NS * _CW * _NB * _NSEG)) * (_NS * _CW * _NB * _NSEG)
    RWH = NEP // NT // _CW
    NCH = NEP // _NS // _CW
    f32 = jnp.float32

    hist_fn, spmm_fn, NVP = _make_sc_kernels(NEP, NV, HD)
    NP = NVP // _NS
    assert NEP == NE or NVP > NV

    pad = NEP - NE
    i32 = jnp.int32
    src_flat = jnp.concatenate([edge_index[0], jnp.zeros((pad,), i32)])
    dst_flat = jnp.concatenate([edge_index[1], jnp.full((pad,), NV, i32)])
    src = src_flat.reshape(_NS, NCH, _CW)
    dst = dst_flat.reshape(_NS, NCH, _CW)
    dst_h = dst_flat.reshape(NT, RWH, _CW)
    zeros_h = jnp.zeros((NP, HH), f32)
    zeros16 = jnp.zeros((NP, _LN), f32)
    ones16 = jnp.ones((_CW, _LN), f32)

    hp = hist_fn(dst_h, ones16, zeros16)

    xp = jnp.pad(x, ((0, 0), (0, HD - F)))
    w0p = jnp.pad(W0, ((0, HD - F), (0, 0)))
    ing = jnp.pad(in_gamma, (0, HD - F)).reshape(1, HD)
    inb = jnp.pad(in_beta, (0, HD - F)).reshape(1, HD)

    sds = jax.ShapeDtypeStruct
    msd = sds((2, NV, HH), f32)
    tc_params = pltpu.CompilerParams(vmem_limit_bytes=100 * 1024 * 1024)
    dinv, m0 = pl.pallas_call(
        _make_k0_body(NV, HH),
        compiler_params=tc_params,
        out_shape=[sds((NV, 1), f32), msd],
    )(xp, hp, ing, inb, w0p)

    kb_first = pl.pallas_call(
        _make_kb_body(False, NV, HH),
        compiler_params=tc_params,
        out_shape=[sds((NV, HD), f32), msd],
    )
    kb_res = pl.pallas_call(
        _make_kb_body(True, NV, HH),
        compiler_params=tc_params,
        out_shape=[sds((NV, HD), f32), msd],
    )
    k4 = pl.pallas_call(
        _make_k4_body(G, NV, HH),
        compiler_params=tc_params,
        out_shape=sds((G, HD), f32),
    )

    r = lambda v: v.reshape(1, HD)

    p = spmm_fn(m0, src, dst, zeros_h)
    h1, m1 = kb_first(p, m0, m0, dinv, r(b0), r(g0), r(be0), W1)
    p = spmm_fn(m1, src, dst, zeros_h)
    h2, m2 = kb_res(p, m1, h1, dinv, r(b1), r(g1), r(be1), W2)
    p = spmm_fn(m2, src, dst, zeros_h)
    h3, m3 = kb_res(p, m2, h2, dinv, r(b2), r(g2), r(be2), W3)
    p = spmm_fn(m3, src, dst, zeros_h)
    out = k4(p, m3, h3, dinv, r(b3), r(g3), r(be3),
             batch.reshape(1, NV), ln_gamma.reshape(1, HD),
             ln_beta.reshape(1, HD))
    return out

# --- scband reference (transcript-rebuilt; emitter-appended) ---
"""Pipeline reference for scband-gcnembedder-with-logical-operators-18889266167946 (READ-ONLY COPY).

The authoritative reference and input builder live on the scoring server;
editing this copy changes nothing except your own understanding.
"""

import jax, jax.numpy as jnp
import numpy as np

N = 10000
E = 320000
H = 128
L = 4
G = 64
F_IN = 5


def _bn(h, gamma, beta, eps=1e-5):
    mu = jnp.mean(h, axis=0)
    var = jnp.var(h, axis=0)
    return (h - mu) / jnp.sqrt(var + eps) * gamma + beta


def _gcn(h, src, dst, W, b, n):
    loop = jnp.arange(n, dtype=src.dtype)
    s = jnp.concatenate([src, loop])
    d = jnp.concatenate([dst, loop])
    deg = jnp.zeros((n,), jnp.float32).at[d].add(1.0)
    dinv = jnp.where(deg > 0, 1.0 / jnp.sqrt(deg), 0.0)
    norm = dinv[s] * dinv[d]
    m = h @ W
    out = jnp.zeros((n, W.shape[1]), jnp.float32).at[d].add(m[s] * norm[:, None])
    return out + b


def setup_inputs(seed: int = 0) -> dict:
    key = jax.random.key(seed)
    ks = jax.random.split(key, 4)
    x = jax.random.normal(ks[0], (N, F_IN), dtype=jnp.float32)
    edge_index = jax.random.randint(ks[1], (2, E), 0, N, dtype=jnp.int32)
    batch = jnp.sort(jax.random.randint(ks[2], (N,), 0, G, dtype=jnp.int32))
    inp = {"x": x, "edge_index": edge_index, "batch": batch}
    inp["in_gamma"] = jnp.ones((F_IN,), jnp.float32)
    inp["in_beta"] = jnp.zeros((F_IN,), jnp.float32)
    for i in range(L):
        fan = F_IN if i == 0 else H
        inp["W%d" % i] = jax.random.normal(jax.random.fold_in(key, i + 10), (fan, H), dtype=jnp.float32) * (1.0 / np.sqrt(fan))
        inp["b%d" % i] = jnp.zeros((H,), jnp.float32)
        inp["g%d" % i] = jnp.ones((H,), jnp.float32)
        inp["be%d" % i] = jnp.zeros((H,), jnp.float32)
    inp["ln_gamma"] = jnp.ones((H,), jnp.float32)
    inp["ln_beta"] = jnp.zeros((H,), jnp.float32)
    return inp


def reference(x, edge_index, batch, in_gamma, in_beta, W0, b0, g0, be0, W1, b1, g1, be1, W2, b2, g2, be2, W3, b3, g3, be3, ln_gamma, ln_beta):
    Ws = [W0, W1, W2, W3]
    bs = [b0, b1, b2, b3]
    gs = [g0, g1, g2, g3]
    bes = [be0, be1, be2, be3]
    src, dst = edge_index[0], edge_index[1]
    h = _bn(x, in_gamma, in_beta)
    for i in range(L):
        h_new = _gcn(h, src, dst, Ws[i], bs[i], N)
        h_new = _bn(h_new, gs[i], bes[i])
        h = jax.nn.relu(h_new + (h if i > 0 else 0.0))
    ones = jnp.ones((N,), jnp.float32)
    cnt = jax.ops.segment_sum(ones, batch, num_segments=G)
    pooled = jax.ops.segment_sum(h, batch, num_segments=G) / jnp.maximum(cnt, 1.0)[:, None]
    mu = jnp.mean(pooled, axis=-1, keepdims=True)
    var = jnp.var(pooled, axis=-1, keepdims=True)
    return (pooled - mu) / jnp.sqrt(var + 1e-5) * ln_gamma + ln_beta

if __name__ == "__main__":
    import jax
    _d = setup_inputs()
    print(jax.jit(kernel)(*tuple(_d.values())))

</pallas_src>

<mosaic_0001>
#map = affine_map<(d0, d1) -> (0, 0, 0)>
#map1 = affine_map<(d0, d1) -> (0, 0)>
module attributes {stable_mosaic.version = 14 : i64} {
  func.func @hist(%arg0: i32, %arg1: i32, %arg2: memref<32x80x128xi32, #tpu.memory_space<hbm>>, %arg3: memref<128x16xf32, #tpu.memory_space<hbm>>, %arg4: memref<632x16xf32, #tpu.memory_space<hbm>>, %arg5: memref<2x10112x16xf32, #tpu.memory_space<hbm>>, %arg6: memref<80x128xi32, #tpu.memory_space<vmem>>, %arg7: memref<128x16xf32, #tpu.memory_space<vmem>>, %arg8: memref<10112x16xf32, #tpu.memory_space<vmem_shared>>) attributes {dimension_semantics = [#tpu.dimension_semantics<core_parallel>, #tpu.dimension_semantics<subcore_parallel>], iteration_bounds = array<i64: 2, 16>, scalar_prefetch = 0 : i64, scratch_operands = 3 : i64, tpu.core_type = #tpu.core_type<sc_vector_subcore>, window_params = [{transform_indices = #map}, {transform_indices = #map1}, {transform_indices = #map1}, {transform_indices = #map}]} {
    %mul3A = arith.constant 16 : i32
    %mul3A_0 = arith.muli %arg0, %mul3A : i32
    %add3A = arith.addi %mul3A_0, %arg1 : i32
    "tpu.region"() ({
      %run_scoped3A = tpu.sem_alloc : memref<!tpu.dma_semaphore, #tpu.memory_space<semaphore_mem>>
      %dma_start3A = arith.constant 0 : i32
      %dma_start3A_13 = arith.constant 0 : i32
      %dma_start3A_14 = tpu.memref_slice %arg2[%add3A, %dma_start3A, %dma_start3A_13] : memref<32x80x128xi32, #tpu.memory_space<hbm>> -> memref<1x80x128xi32, #tpu.memory_space<hbm>>
      %dma_start3A_15 = tpu.memref_squeeze %dma_start3A_14 : memref<1x80x128xi32, #tpu.memory_space<hbm>> -> memref<80x128xi32, #tpu.memory_space<hbm>>
      %dma_start3A_16 = arith.constant 0 : i32
      %dma_start3A_17 = arith.constant 0 : i32
      %dma_start3A_18 = tpu.memref_slice %arg2[%add3A, %dma_start3A_16, %dma_start3A_17] : memref<32x80x128xi32, #tpu.memory_space<hbm>> -> memref<1x80x128xi32, #tpu.memory_space<hbm>>
      %dma_start3A_19 = tpu.memref_squeeze %dma_start3A_18 : memref<1x80x128xi32, #tpu.memory_space<hbm>> -> memref<80x128xi32, #tpu.memory_space<hbm>>
      tpu.enqueue_dma source(%dma_start3A_19 : memref<80x128xi32, #tpu.memory_space<hbm>>) target(%arg6 : memref<80x128xi32, #tpu.memory_space<vmem>>) target_semaphore(%run_scoped3A : memref<!tpu.dma_semaphore, #tpu.memory_space<semaphore_mem>>)
      %dma_wait3A = arith.constant 0 : i32
      %dma_wait3A_20 = arith.constant 0 : i32
      %dma_wait3A_21 = tpu.memref_slice %arg2[%add3A, %dma_wait3A, %dma_wait3A_20] : memref<32x80x128xi32, #tpu.memory_space<hbm>> -> memref<1x80x128xi32, #tpu.memory_space<hbm>>
      %dma_wait3A_22 = tpu.memref_squeeze %dma_wait3A_21 : memref<1x80x128xi32, #tpu.memory_space<hbm>> -> memref<80x128xi32, #tpu.memory_space<hbm>>
      %dma_wait3A_23 = arith.constant 0 : i32
      %dma_wait3A_24 = arith.constant 0 : i32
      %dma_wait3A_25 = tpu.memref_slice %arg2[%add3A, %dma_wait3A_23, %dma_wait3A_24] : memref<32x80x128xi32, #tpu.memory_space<hbm>> -> memref<1x80x128xi32, #tpu.memory_space<hbm>>
      %dma_wait3A_26 = tpu.memref_squeeze %dma_wait3A_25 : memref<1x80x128xi32, #tpu.memory_space<hbm>> -> memref<80x128xi32, #tpu.memory_space<hbm>>
      tpu.wait_dma2 semaphore(%run_scoped3A : memref<!tpu.dma_semaphore, #tpu.memory_space<semaphore_mem>>) src(%dma_wait3A_26 : memref<80x128xi32, #tpu.memory_space<hbm>>) dst(%arg6 : memref<80x128xi32, #tpu.memory_space<vmem>>)
      tpu.yield
    }) : () -> ()
    "tpu.region"() ({
      %run_scoped3A = tpu.sem_alloc : memref<!tpu.dma_semaphore, #tpu.memory_space<semaphore_mem>>
      tpu.enqueue_dma source(%arg3 : memref<128x16xf32, #tpu.memory_space<hbm>>) target(%arg7 : memref<128x16xf32, #tpu.memory_space<vmem>>) target_semaphore(%run_scoped3A : memref<!tpu.dma_semaphore, #tpu.memory_space<semaphore_mem>>)
      tpu.wait_dma2 semaphore(%run_scoped3A : memref<!tpu.dma_semaphore, #tpu.memory_space<semaphore_mem>>) src(%arg3 : memref<128x16xf32, #tpu.memory_space<hbm>>) dst(%arg7 : memref<128x16xf32, #tpu.memory_space<vmem>>)
      tpu.yield
    }) : () -> ()
    %mul3A_1 = arith.constant 632 : i32
    %mul3A_2 = arith.muli %arg1, %mul3A_1 : i32
    "tpu.region"() ({
      %run_scoped3A = tpu.sem_alloc : memref<!tpu.dma_semaphore, #tpu.memory_space<semaphore_mem>>
      %dma_start3A = arith.constant 0 : i32
      %dma_start3A_13 = tpu.memref_slice %arg8[%mul3A_2, %dma_start3A] : memref<10112x16xf32, #tpu.memory_space<vmem_shared>> -> memref<632x16xf32, #tpu.memory_space<vmem_shared>>
      tpu.enqueue_dma source(%arg4 : memref<632x16xf32, #tpu.memory_space<hbm>>) target(%dma_start3A_13 : memref<632x16xf32, #tpu.memory_space<vmem_shared>>) target_semaphore(%run_scoped3A : memref<!tpu.dma_semaphore, #tpu.memory_space<semaphore_mem>>)
      %dma_wait3A = arith.constant 0 : i32
      %dma_wait3A_14 = tpu.memref_slice %arg8[%mul3A_2, %dma_wait3A] : memref<10112x16xf32, #tpu.memory_space<vmem_shared>> -> memref<632x16xf32, #tpu.memory_space<vmem_shared>>
      tpu.wait_dma2 semaphore(%run_scoped3A : memref<!tpu.dma_semaphore, #tpu.memory_space<semaphore_mem>>) src(%arg4 : memref<632x16xf32, #tpu.memory_space<hbm>>) dst(%dma_wait3A_14 : memref<632x16xf32, #tpu.memory_space<vmem_shared>>)
      tpu.yield
    }) : () -> ()
    %barrier3A = arith.constant 0 : index
    tpu.barrier barrier_id(%barrier3A)
    %scan3A = arith.constant 0 : i32
    %scan3A_3 = arith.constant 0 : i32
    %scan3A_4 = arith.constant 80 : i32
    %scan3A_5 = arith.addi %scan3A_3, %scan3A_4 : i32
    %scan3A_6 = arith.constant 1 : i32
    scf.for %scan3A_13 = %scan3A_3 to %scan3A_5 step %scan3A_6  : i32 {
      "tpu.region"() ({
        %run_scoped3A = tpu.sem_alloc : memref<!tpu.dma_semaphore, #tpu.memory_space<semaphore_mem>>
        %dma_start3A = arith.constant 0 : i32
        %dma_start3A_14 = tpu.memref_slice %arg6[%scan3A_13, %dma_start3A] : memref<80x128xi32, #tpu.memory_space<vmem>> -> memref<1x128xi32, #tpu.memory_space<vmem>>
        %dma_start3A_15 = tpu.memref_squeeze %dma_start3A_14 : memref<1x128xi32, #tpu.memory_space<vmem>> -> memref<128xi32, #tpu.memory_space<vmem>>
        %dma_start3A_16 = arith.constant 0 : i32
        %dma_start3A_17 = arith.constant 0 : i32
        %dma_start3A_18 = tpu.memref_slice %arg8[%dma_start3A_16, %dma_start3A_17] : memref<10112x16xf32, #tpu.memory_space<vmem_shared>> -> memref<10112x16xf32, #tpu.memory_space<vmem_shared>>
        tpu.enqueue_indirect_dma source(%arg7 : memref<128x16xf32, #tpu.memory_space<vmem>>) target(%dma_start3A_18 : memref<10112x16xf32, #tpu.memory_space<vmem_shared>>) offsets(%dma_start3A_15 : memref<128xi32, #tpu.memory_space<vmem>>) semaphore(%run_scoped3A : memref<!tpu.dma_semaphore, #tpu.memory_space<semaphore_mem>>) {add = true}
        %dma_wait3A = arith.constant 0 : i32
        %dma_wait3A_19 = tpu.memref_slice %arg6[%scan3A_13, %dma_wait3A] : memref<80x128xi32, #tpu.memory_space<vmem>> -> memref<1x128xi32, #tpu.memory_space<vmem>>
        %dma_wait3A_20 = tpu.memref_squeeze %dma_wait3A_19 : memref<1x128xi32, #tpu.memory_space<vmem>> -> memref<128xi32, #tpu.memory_space<vmem>>
        %dma_wait3A_21 = arith.constant 0 : i32
        %dma_wait3A_22 = arith.constant 0 : i32
        %dma_wait3A_23 = tpu.memref_slice %arg8[%dma_wait3A_21, %dma_wait3A_22] : memref<10112x16xf32, #tpu.memory_space<vmem_shared>> -> memref<10112x16xf32, #tpu.memory_space<vmem_shared>>
        tpu.wait_indirect_dma semaphore(%run_scoped3A : memref<!tpu.dma_semaphore, #tpu.memory_space<semaphore_mem>>) src(%arg7 : memref<128x16xf32, #tpu.memory_space<vmem>>) dst(%dma_wait3A_23 : memref<10112x16xf32, #tpu.memory_space<vmem_shared>>)
        tpu.yield
      }) : () -> ()
    }
    %scan3A_7 = arith.constant 80 : i32
    %barrier3A_8 = arith.constant 0 : index
    tpu.barrier barrier_id(%barrier3A_8)
    %mul3A_9 = arith.constant 632 : i32
    %mul3A_10 = arith.muli %arg1, %mul3A_9 : i32
    %mul3A_11 = arith.constant 632 : i32
    %mul3A_12 = arith.muli %arg1, %mul3A_11 : i32
    "tpu.region"() ({
      %run_scoped3A = tpu.sem_alloc : memref<!tpu.dma_semaphore, #tpu.memory_space<semaphore_mem>>
      %dma_start3A = arith.constant 0 : i32
      %dma_start3A_13 = tpu.memref_slice %arg5[%arg0, %mul3A_12, %dma_start3A] : memref<2x10112x16xf32, #tpu.memory_space<hbm>> -> memref<1x632x16xf32, #tpu.memory_space<hbm>>
      %dma_start3A_14 = tpu.memref_squeeze %dma_start3A_13 : memref<1x632x16xf32, #tpu.memory_space<hbm>> -> memref<632x16xf32, #tpu.memory_space<hbm>>
      %dma_start3A_15 = arith.constant 0 : i32
      %dma_start3A_16 = tpu.memref_slice %arg8[%mul3A_10, %dma_start3A_15] : memref<10112x16xf32, #tpu.memory_space<vmem_shared>> -> memref<632x16xf32, #tpu.memory_space<vmem_shared>>
      tpu.enqueue_dma source(%dma_start3A_16 : memref<632x16xf32, #tpu.memory_space<vmem_shared>>) target(%dma_start3A_14 : memref<632x16xf32, #tpu.memory_space<hbm>>) target_semaphore(%run_scoped3A : memref<!tpu.dma_semaphore, #tpu.memory_space<semaphore_mem>>)
      %dma_wait3A = arith.constant 0 : i32
      %dma_wait3A_17 = tpu.memref_slice %arg5[%arg0, %mul3A_12, %dma_wait3A] : memref<2x10112x16xf32, #tpu.memory_space<hbm>> -> memref<1x632x16xf32, #tpu.memory_space<hbm>>
      %dma_wait3A_18 = tpu.memref_squeeze %dma_wait3A_17 : memref<1x632x16xf32, #tpu.memory_space<hbm>> -> memref<632x16xf32, #tpu.memory_space<hbm>>
      %dma_wait3A_19 = arith.constant 0 : i32
      %dma_wait3A_20 = tpu.memref_slice %arg8[%mul3A_10, %dma_wait3A_19] : memref<10112x16xf32, #tpu.memory_space<vmem_shared>> -> memref<632x16xf32, #tpu.memory_space<vmem_shared>>
      tpu.wait_dma2 semaphore(%run_scoped3A : memref<!tpu.dma_semaphore, #tpu.memory_space<semaphore_mem>>) src(%dma_wait3A_20 : memref<632x16xf32, #tpu.memory_space<vmem_shared>>) dst(%dma_wait3A_18 : memref<632x16xf32, #tpu.memory_space<hbm>>)
      tpu.yield
    }) : () -> ()
    return
  }
}

#map = affine_map<(d0, d1) -> (0, 0, 0)>
#map1 = affine_map<(d0, d1) -> (0, 0)>
module attributes {stable_mosaic.version = 14 : i64} {
  func.func @spmm(%arg0: i32, %arg1: i32, %arg2: memref<2x10000x64xf32, #tpu.memory_space<hbm>>, %arg3: memref<16x160x128xi32, #tpu.memory_space<hbm>>, %arg4: memref<16x160x128xi32, #tpu.memory_space<hbm>>, %arg5: memref<632x64xf32, #tpu.memory_space<hbm>>, %arg6: memref<2x10112x64xf32, #tpu.memory_space<hbm>>, %arg7: memref<40x128xi32, #tpu.memory_space<vmem>>, %arg8: memref<40x128xi32, #tpu.memory_space<vmem>>, %arg9: memref<128x64xf32, #tpu.memory_space<vmem>>, %arg10: memref<128x64xf32, #tpu.memory_space<vmem>>, %arg11: memref<128x64xf32, #tpu.memory_space<vmem>>, %arg12: memref<128x64xf32, #tpu.memory_space<vmem>>, %arg13: memref<!tpu.dma_semaphore, #tpu.memory_space<semaphore_mem>>, %arg14: memref<!tpu.dma_semaphore, #tpu.memory_space<semaphore_mem>>, %arg15: memref<!tpu.dma_semaphore, #tpu.memory_space<semaphore_mem>>, %arg16: memref<!tpu.dma_semaphore, #tpu.memory_space<semaphore_mem>>, %arg17: memref<!tpu.dma_semaphore, #tpu.memory_space<semaphore_mem>>, %arg18: memref<!tpu.dma_semaphore, #tpu.memory_space<semaphore_mem>>, %arg19: memref<!tpu.dma_semaphore, #tpu.memory_space<semaphore_mem>>, %arg20: memref<!tpu.dma_semaphore, #tpu.memory_space<semaphore_mem>>, %arg21: memref<10112x64xf32, #tpu.memory_space<vmem_shared>>, %arg22: memref<10112x64xf32, #tpu.memory_space<vmem_shared>>) attributes {dimension_semantics = [#tpu.dimension_semantics<core_parallel>, #tpu.dimension_semantics<subcore_parallel>], iteration_bounds = array<i64: 2, 16>, scalar_prefetch = 0 : i64, scratch_operands = 16 : i64, tpu.core_type = #tpu.core_type<sc_vector_subcore>, window_params = [{transform_indices = #map}, {transform_indices = #map}, {transform_indices = #map}, {transform_indices = #map1}, {transform_indices = #map}]} {
    %mul3A = arith.constant 625 : i32
    %mul3A_0 = arith.muli %arg1, %mul3A : i32
    %mul3A_1 = arith.constant 625 : i32
    %mul3A_2 = arith.muli %arg1, %mul3A_1 : i32
    "tpu.region"() ({
      %run_scoped3A = tpu.sem_alloc : memref<!tpu.dma_semaphore, #tpu.memory_space<semaphore_mem>>
      %dma_start3A = arith.constant 0 : i32
      %dma_start3A_15 = tpu.memref_slice %arg22[%mul3A_2, %dma_start3A] : memref<10112x64xf32, #tpu.memory_space<vmem_shared>> -> memref<625x64xf32, #tpu.memory_space<vmem_shared>>
      %dma_start3A_16 = arith.constant 0 : i32
      %dma_start3A_17 = tpu.memref_slice %arg2[%arg0, %mul3A_0, %dma_start3A_16] : memref<2x10000x64xf32, #tpu.memory_space<hbm>> -> memref<1x625x64xf32, #tpu.memory_space<hbm>>
      %dma_start3A_18 = tpu.memref_squeeze %dma_start3A_17 : memref<1x625x64xf32, #tpu.memory_space<hbm>> -> memref<625x64xf32, #tpu.memory_space<hbm>>
      tpu.enqueue_dma source(%dma_start3A_18 : memref<625x64xf32, #tpu.memory_space<hbm>>) target(%dma_start3A_15 : memref<625x64xf32, #tpu.memory_space<vmem_shared>>) target_semaphore(%run_scoped3A : memref<!tpu.dma_semaphore, #tpu.memory_space<semaphore_mem>>)
      %dma_wait3A = arith.constant 0 : i32
      %dma_wait3A_19 = tpu.memref_slice %arg22[%mul3A_2, %dma_wait3A] : memref<10112x64xf32, #tpu.memory_space<vmem_shared>> -> memref<625x64xf32, #tpu.memory_space<vmem_shared>>
      %dma_wait3A_20 = arith.constant 0 : i32
      %dma_wait3A_21 = tpu.memref_slice %arg2[%arg0, %mul3A_0, %dma_wait3A_20] : memref<2x10000x64xf32, #tpu.memory_space<hbm>> -> memref<1x625x64xf32, #tpu.memory_space<hbm>>
      %dma_wait3A_22 = tpu.memref_squeeze %dma_wait3A_21 : memref<1x625x64xf32, #tpu.memory_space<hbm>> -> memref<625x64xf32, #tpu.memory_space<hbm>>
      tpu.wait_dma2 semaphore(%run_scoped3A : memref<!tpu.dma_semaphore, #tpu.memory_space<semaphore_mem>>) src(%dma_wait3A_22 : memref<625x64xf32, #tpu.memory_space<hbm>>) dst(%dma_wait3A_19 : memref<625x64xf32, #tpu.memory_space<vmem_shared>>)
      tpu.yield
    }) : () -> ()
    %mul3A_3 = arith.constant 632 : i32
    %mul3A_4 = arith.muli %arg1, %mul3A_3 : i32
    "tpu.region"() ({
      %run_scoped3A = tpu.sem_alloc : memref<!tpu.dma_semaphore, #tpu.memory_space<semaphore_mem>>
      %dma_start3A = arith.constant 0 : i32
      %dma_start3A_15 = tpu.memref_slice %arg21[%mul3A_4, %dma_start3A] : memref<10112x64xf32, #tpu.memory_space<vmem_shared>> -> memref<632x64xf32, #tpu.memory_space<vmem_shared>>
      tpu.enqueue_dma source(%arg5 : memref<632x64xf32, #tpu.memory_space<hbm>>) target(%dma_start3A_15 : memref<632x64xf32, #tpu.memory_space<vmem_shared>>) target_semaphore(%run_scoped3A : memref<!tpu.dma_semaphore, #tpu.memory_space<semaphore_mem>>)
      %dma_wait3A = arith.constant 0 : i32
      %dma_wait3A_16 = tpu.memref_slice %arg21[%mul3A_4, %dma_wait3A] : memref<10112x64xf32, #tpu.memory_space<vmem_shared>> -> memref<632x64xf32, #tpu.memory_space<vmem_shared>>
      tpu.wait_dma2 semaphore(%run_scoped3A : memref<!tpu.dma_semaphore, #tpu.memory_space<semaphore_mem>>) src(%arg5 : memref<632x64xf32, #tpu.memory_space<hbm>>) dst(%dma_wait3A_16 : memref<632x64xf32, #tpu.memory_space<vmem_shared>>)
      tpu.yield
    }) : () -> ()
    %barrier3A = arith.constant 0 : index
    tpu.barrier barrier_id(%barrier3A)
    %scan3A = arith.constant 0 : i32
    %scan3A_5 = arith.constant 0 : i32
    %scan3A_6 = arith.constant 4 : i32
    %scan3A_7 = arith.addi %scan3A_5, %scan3A_6 : i32
    %scan3A_8 = arith.constant 1 : i32
    scf.for %scan3A_15 = %scan3A_5 to %scan3A_7 step %scan3A_8  : i32 {
      %mul3A_16 = arith.constant 40 : i32
      %mul3A_17 = arith.muli %scan3A_15, %mul3A_16 : i32
      "tpu.region"() ({
        %run_scoped3A = tpu.sem_alloc : memref<!tpu.dma_semaphore, #tpu.memory_space<semaphore_mem>>
        %dma_start3A_73 = arith.constant 0 : i32
        %dma_start3A_74 = tpu.memref_slice %arg3[%arg1, %mul3A_17, %dma_start3A_73] : memref<16x160x128xi32, #tpu.memory_space<hbm>> -> memref<1x40x128xi32, #tpu.memory_space<hbm>>
        %dma_start3A_75 = tpu.memref_squeeze %dma_start3A_74 : memref<1x40x128xi32, #tpu.memory_space<hbm>> -> memref<40x128xi32, #tpu.memory_space<hbm>>
        %dma_start3A_76 = arith.constant 0 : i32
        %dma_start3A_77 = tpu.memref_slice %arg3[%arg1, %mul3A_17, %dma_start3A_76] : memref<16x160x128xi32, #tpu.memory_space<hbm>> -> memref<1x40x128xi32, #tpu.memory_space<hbm>>
        %dma_start3A_78 = tpu.memref_squeeze %dma_start3A_77 : memref<1x40x128xi32, #tpu.memory_space<hbm>> -> memref<40x128xi32, #tpu.memory_space<hbm>>
        tpu.enqueue_dma source(%dma_start3A_78 : memref<40x128xi32, #tpu.memory_space<hbm>>) target(%arg7 : memref<40x128xi32, #tpu.memory_space<vmem>>) target_semaphore(%run_scoped3A : memref<!tpu.dma_semaphore, #tpu.memory_space<semaphore_mem>>)
        %dma_wait3A_79 = arith.constant 0 : i32
        %dma_wait3A_80 = tpu.memref_slice %arg3[%arg1, %mul3A_17, %dma_wait3A_79] : memref<16x160x128xi32, #tpu.memory_space<hbm>> -> memref<1x40x128xi32, #tpu.memory_space<hbm>>
        %dma_wait3A_81 = tpu.memref_squeeze %dma_wait3A_80 : memref<1x40x128xi32, #tpu.memory_space<hbm>> -> memref<40x128xi32, #tpu.memory_space<hbm>>
        %dma_wait3A_82 = arith.constant 0 : i32
        %dma_wait3A_83 = tpu.memref_slice %arg3[%arg1, %mul3A_17, %dma_wait3A_82] : memref<16x160x128xi32, #tpu.memory_space<hbm>> -> memref<1x40x128xi32, #tpu.memory_space<hbm>>
        %dma_wait3A_84 = tpu.memref_squeeze %dma_wait3A_83 : memref<1x40x128xi32, #tpu.memory_space<hbm>> -> memref<40x128xi32, #tpu.memory_space<hbm>>
        tpu.wait_dma2 semaphore(%run_scoped3A : memref<!tpu.dma_semaphore, #tpu.memory_space<semaphore_mem>>) src(%dma_wait3A_84 : memref<40x128xi32, #tpu.memory_space<hbm>>) dst(%arg7 : memref<40x128xi32, #tpu.memory_space<vmem>>)
        tpu.yield
      }) : () -> ()
      %mul3A_18 = arith.constant 40 : i32
      %mul3A_19 = arith.muli %scan3A_15, %mul3A_18 : i32
      "tpu.region"() ({
        %run_scoped3A = tpu.sem_alloc : memref<!tpu.dma_semaphore, #tpu.memory_space<semaphore_mem>>
        %dma_start3A_73 = arith.constant 0 : i32
        %dma_start3A_74 = tpu.memref_slice %arg4[%arg1, %mul3A_19, %dma_start3A_73] : memref<16x160x128xi32, #tpu.memory_space<hbm>> -> memref<1x40x128xi32, #tpu.memory_space<hbm>>
        %dma_start3A_75 = tpu.memref_squeeze %dma_start3A_74 : memref<1x40x128xi32, #tpu.memory_space<hbm>> -> memref<40x128xi32, #tpu.memory_space<hbm>>
        %dma_start3A_76 = arith.constant 0 : i32
        %dma_start3A_77 = tpu.memref_slice %arg4[%arg1, %mul3A_19, %dma_start3A_76] : memref<16x160x128xi32, #tpu.memory_space<hbm>> -> memref<1x40x128xi32, #tpu.memory_space<hbm>>
        %dma_start3A_78 = tpu.memref_squeeze %dma_start3A_77 : memref<1x40x128xi32, #tpu.memory_space<hbm>> -> memref<40x128xi32, #tpu.memory_space<hbm>>
        tpu.enqueue_dma source(%dma_start3A_78 : memref<40x128xi32, #tpu.memory_space<hbm>>) target(%arg8 : memref<40x128xi32, #tpu.memory_space<vmem>>) target_semaphore(%run_scoped3A : memref<!tpu.dma_semaphore, #tpu.memory_space<semaphore_mem>>)
        %dma_wait3A_79 = arith.constant 0 : i32
        %dma_wait3A_80 = tpu.memref_slice %arg4[%arg1, %mul3A_19, %dma_wait3A_79] : memref<16x160x128xi32, #tpu.memory_space<hbm>> -> memref<1x40x128xi32, #tpu.memory_space<hbm>>
        %dma_wait3A_81 = tpu.memref_squeeze %dma_wait3A_80 : memref<1x40x128xi32, #tpu.memory_space<hbm>> -> memref<40x128xi32, #tpu.memory_space<hbm>>
        %dma_wait3A_82 = arith.constant 0 : i32
        %dma_wait3A_83 = tpu.memref_slice %arg4[%arg1, %mul3A_19, %dma_wait3A_82] : memref<16x160x128xi32, #tpu.memory_space<hbm>> -> memref<1x40x128xi32, #tpu.memory_space<hbm>>
        %dma_wait3A_84 = tpu.memref_squeeze %dma_wait3A_83 : memref<1x40x128xi32, #tpu.memory_space<hbm>> -> memref<40x128xi32, #tpu.memory_space<hbm>>
        tpu.wait_dma2 semaphore(%run_scoped3A : memref<!tpu.dma_semaphore, #tpu.memory_space<semaphore_mem>>) src(%dma_wait3A_84 : memref<40x128xi32, #tpu.memory_space<hbm>>) dst(%arg8 : memref<40x128xi32, #tpu.memory_space<vmem>>)
        tpu.yield
      }) : () -> ()
      %dma_start3A = arith.constant 0 : i32
      %dma_start3A_20 = arith.constant 0 : i32
      %dma_start3A_21 = tpu.memref_slice %arg7[%dma_start3A, %dma_start3A_20] : memref<40x128xi32, #tpu.memory_space<vmem>> -> memref<1x128xi32, #tpu.memory_space<vmem>>
      %dma_start3A_22 = tpu.memref_squeeze %dma_start3A_21 : memref<1x128xi32, #tpu.memory_space<vmem>> -> memref<128xi32, #tpu.memory_space<vmem>>
      %dma_start3A_23 = arith.constant 0 : i32
      %dma_start3A_24 = arith.constant 0 : i32
      %dma_start3A_25 = tpu.memref_slice %arg22[%dma_start3A_23, %dma_start3A_24] : memref<10112x64xf32, #tpu.memory_space<vmem_shared>> -> memref<10112x64xf32, #tpu.memory_space<vmem_shared>>
      tpu.enqueue_indirect_dma source(%dma_start3A_25 : memref<10112x64xf32, #tpu.memory_space<vmem_shared>>) target(%arg9 : memref<128x64xf32, #tpu.memory_space<vmem>>) offsets(%dma_start3A_22 : memref<128xi32, #tpu.memory_space<vmem>>) semaphore(%arg13 : memref<!tpu.dma_semaphore, #tpu.memory_space<semaphore_mem>>)
      %dma_start3A_26 = arith.constant 1 : i32
      %dma_start3A_27 = arith.constant 0 : i32
      %dma_start3A_28 = tpu.memref_slice %arg7[%dma_start3A_26, %dma_start3A_27] : memref<40x128xi32, #tpu.memory_space<vmem>> -> memref<1x128xi32, #tpu.memory_space<vmem>>
      %dma_start3A_29 = tpu.memref_squeeze %dma_start3A_28 : memref<1x128xi32, #tpu.memory_space<vmem>> -> memref<128xi32, #tpu.memory_space<vmem>>
      %dma_start3A_30 = arith.constant 0 : i32
      %dma_start3A_31 = arith.constant 0 : i32
      %dma_start3A_32 = tpu.memref_slice %arg22[%dma_start3A_30, %dma_start3A_31] : memref<10112x64xf32, #tpu.memory_space<vmem_shared>> -> memref<10112x64xf32, #tpu.memory_space<vmem_shared>>
      tpu.enqueue_indirect_dma source(%dma_start3A_32 : memref<10112x64xf32, #tpu.memory_space<vmem_shared>>) target(%arg10 : memref<128x64xf32, #tpu.memory_space<vmem>>) offsets(%dma_start3A_29 : memref<128xi32, #tpu.memory_space<vmem>>) semaphore(%arg14 : memref<!tpu.dma_semaphore, #tpu.memory_space<semaphore_mem>>)
      %dma_start3A_33 = arith.constant 2 : i32
      %dma_start3A_34 = arith.constant 0 : i32
      %dma_start3A_35 = tpu.memref_slice %arg7[%dma_start3A_33, %dma_start3A_34] : memref<40x128xi32, #tpu.memory_space<vmem>> -> memref<1x128xi32, #tpu.memory_space<vmem>>
      %dma_start3A_36 = tpu.memref_squeeze %dma_start3A_35 : memref<1x128xi32, #tpu.memory_space<vmem>> -> memref<128xi32, #tpu.memory_space<vmem>>
      %dma_start3A_37 = arith.constant 0 : i32
      %dma_start3A_38 = arith.constant 0 : i32
      %dma_start3A_39 = tpu.memref_slice %arg22[%dma_start3A_37, %dma_start3A_38] : memref<10112x64xf32, #tpu.memory_space<vmem_shared>> -> memref<10112x64xf32, #tpu.memory_space<vmem_shared>>
      tpu.enqueue_indirect_dma source(%dma_start3A_39 : memref<10112x64xf32, #tpu.memory_space<vmem_shared>>) target(%arg11 : memref<128x64xf32, #tpu.memory_space<vmem>>) offsets(%dma_start3A_36 : memref<128xi32, #tpu.memory_space<vmem>>) semaphore(%arg15 : memref<!tpu.dma_semaphore, #tpu.memory_space<semaphore_mem>>)
      %scan3A_40 = arith.constant 0 : i32
      %scan3A_41 = arith.constant 0 : i32
      %scan3A_42 = arith.constant 10 : i32
      %scan3A_43 = arith.addi %scan3A_41, %scan3A_42 : i32
      %scan3A_44 = arith.constant 1 : i32
      scf.for %scan3A_73 = %scan3A_41 to %scan3A_43 step %scan3A_44  : i32 {
        %mul3A_74 = arith.constant 4 : i32
        %mul3A_75 = arith.muli %scan3A_73, %mul3A_74 : i32
        %add3A = arith.constant 0 : i32
        %add3A_76 = arith.addi %mul3A_75, %add3A : i32
        %dma_wait3A_77 = arith.constant 0 : i32
        %dma_wait3A_78 = tpu.memref_slice %arg7[%add3A_76, %dma_wait3A_77] : memref<40x128xi32, #tpu.memory_space<vmem>> -> memref<1x128xi32, #tpu.memory_space<vmem>>
        %dma_wait3A_79 = tpu.memref_squeeze %dma_wait3A_78 : memref<1x128xi32, #tpu.memory_space<vmem>> -> memref<128xi32, #tpu.memory_space<vmem>>
        %dma_wait3A_80 = arith.constant 0 : i32
        %dma_wait3A_81 = arith.constant 0 : i32
        %dma_wait3A_82 = tpu.memref_slice %arg22[%dma_wait3A_80, %dma_wait3A_81] : memref<10112x64xf32, #tpu.memory_space<vmem_shared>> -> memref<10112x64xf32, #tpu.memory_space<vmem_shared>>
        tpu.wait_indirect_dma semaphore(%arg13 : memref<!tpu.dma_semaphore, #tpu.memory_space<semaphore_mem>>) src(%dma_wait3A_82 : memref<10112x64xf32, #tpu.memory_space<vmem_shared>>) dst(%arg9 : memref<128x64xf32, #tpu.memory_space<vmem>>)
        %dma_start3A_83 = arith.constant 0 : i32
        %dma_start3A_84 = tpu.memref_slice %arg8[%add3A_76, %dma_start3A_83] : memref<40x128xi32, #tpu.memory_space<vmem>> -> memref<1x128xi32, #tpu.memory_space<vmem>>
        %dma_start3A_85 = tpu.memref_squeeze %dma_start3A_84 : memref<1x128xi32, #tpu.memory_space<vmem>> -> memref<128xi32, #tpu.memory_space<vmem>>
        %dma_start3A_86 = arith.constant 0 : i32
        %dma_start3A_87 = arith.constant 0 : i32
        %dma_start3A_88 = tpu.memref_slice %arg21[%dma_start3A_86, %dma_start3A_87] : memref<10112x64xf32, #tpu.memory_space<vmem_shared>> -> memref<10112x64xf32, #tpu.memory_space<vmem_shared>>
        tpu.enqueue_indirect_dma source(%arg9 : memref<128x64xf32, #tpu.memory_space<vmem>>) target(%dma_start3A_88 : memref<10112x64xf32, #tpu.memory_space<vmem_shared>>) offsets(%dma_start3A_85 : memref<128xi32, #tpu.memory_space<vmem>>) semaphore(%arg17 : memref<!tpu.dma_semaphore, #tpu.memory_space<semaphore_mem>>) {add = true}
        %add3A_89 = arith.constant 3 : i32
        %add3A_90 = arith.addi %add3A_76, %add3A_89 : i32
        %lt3A = arith.constant 40 : i32
        %lt3A_91 = arith.cmpi slt, %add3A_90, %lt3A : i32
        %convert_element_type3A = arith.extui %lt3A_91 : i1 to i32
        %cond3A = arith.constant 0 : i32
        %cond3A_92 = arith.cmpi ne, %convert_element_type3A, %cond3A : i32
        scf.if %cond3A_92 {
          %ge3A = arith.constant 1 : i32
          %ge3A_156 = arith.cmpi sge, %add3A_76, %ge3A : i32
          %convert_element_type3A_157 = arith.extui %ge3A_156 : i1 to i32
          %cond3A_158 = arith.constant 0 : i32
          %cond3A_159 = arith.cmpi ne, %convert_element_type3A_157, %cond3A_158 : i32
          scf.if %cond3A_159 {
            %sub3A = arith.constant 1 : i32
            %sub3A_168 = arith.subi %add3A_76, %sub3A : i32
            %dma_wait3A_169 = arith.constant 0 : i32
            %dma_wait3A_170 = tpu.memref_slice %arg8[%sub3A_168, %dma_wait3A_169] : memref<40x128xi32, #tpu.memory_space<vmem>> -> memref<1x128xi32, #tpu.memory_space<vmem>>
            %dma_wait3A_171 = tpu.memref_squeeze %dma_wait3A_170 : memref<1x128xi32, #tpu.memory_space<vmem>> -> memref<128xi32, #tpu.memory_space<vmem>>
            %dma_wait3A_172 = arith.constant 0 : i32
            %dma_wait3A_173 = arith.constant 0 : i32
            %dma_wait3A_174 = tpu.memref_slice %arg21[%dma_wait3A_172, %dma_wait3A_173] : memref<10112x64xf32, #tpu.memory_space<vmem_shared>> -> memref<10112x64xf32, #tpu.memory_space<vmem_shared>>
            tpu.wait_indirect_dma semaphore(%arg20 : memref<!tpu.dma_semaphore, #tpu.memory_space<semaphore_mem>>) src(%arg12 : memref<128x64xf32, #tpu.memory_space<vmem>>) dst(%dma_wait3A_174 : memref<10112x64xf32, #tpu.memory_space<vmem_shared>>)
          } else {
          }
          %add3A_160 = arith.constant 3 : i32
          %add3A_161 = arith.addi %add3A_76, %add3A_160 : i32
          %dma_start3A_162 = arith.constant 0 : i32
          %dma_start3A_163 = tpu.memref_slice %arg7[%add3A_161, %dma_start3A_162] : memref<40x128xi32, #tpu.memory_space<vmem>> -> memref<1x128xi32, #tpu.memory_space<vmem>>
          %dma_start3A_164 = tpu.memref_squeeze %dma_start3A_163 : memref<1x128xi32, #tpu.memory_space<vmem>> -> memref<128xi32, #tpu.memory_space<vmem>>
          %dma_start3A_165 = arith.constant 0 : i32
          %dma_start3A_166 = arith.constant 0 : i32
          %dma_start3A_167 = tpu.memref_slice %arg22[%dma_start3A_165, %dma_start3A_166] : memref<10112x64xf32, #tpu.memory_space<vmem_shared>> -> memref<10112x64xf32, #tpu.memory_space<vmem_shared>>
          tpu.enqueue_indirect_dma source(%dma_start3A_167 : memref<10112x64xf32, #tpu.memory_space<vmem_shared>>) target(%arg12 : memref<128x64xf32, #tpu.memory_space<vmem>>) offsets(%dma_start3A_164 : memref<128xi32, #tpu.memory_space<vmem>>) semaphore(%arg16 : memref<!tpu.dma_semaphore, #tpu.memory_space<semaphore_mem>>)
        } else {
        }
        %add3A_93 = arith.constant 1 : i32
        %add3A_94 = arith.addi %mul3A_75, %add3A_93 : i32
        %dma_wait3A_95 = arith.constant 0 : i32
        %dma_wait3A_96 = tpu.memref_slice %arg7[%add3A_94, %dma_wait3A_95] : memref<40x128xi32, #tpu.memory_space<vmem>> -> memref<1x128xi32, #tpu.memory_space<vmem>>
        %dma_wait3A_97 = tpu.memref_squeeze %dma_wait3A_96 : memref<1x128xi32, #tpu.memory_space<vmem>> -> memref<128xi32, #tpu.memory_space<vmem>>
        %dma_wait3A_98 = arith.constant 0 : i32
        %dma_wait3A_99 = arith.constant 0 : i32
        %dma_wait3A_100 = tpu.memref_slice %arg22[%dma_wait3A_98, %dma_wait3A_99] : memref<10112x64xf32, #tpu.memory_space<vmem_shared>> -> memref<10112x64xf32, #tpu.memory_space<vmem_shared>>
        tpu.wait_indirect_dma semaphore(%arg14 : memref<!tpu.dma_semaphore, #tpu.memory_space<semaphore_mem>>) src(%dma_wait3A_100 : memref<10112x64xf32, #tpu.memory_space<vmem_shared>>) dst(%arg10 : memref<128x64xf32, #tpu.memory_space<vmem>>)
        %dma_start3A_101 = arith.constant 0 : i32
        %dma_start3A_102 = tpu.memref_slice %arg8[%add3A_94, %dma_start3A_101] : memref<40x128xi32, #tpu.memory_space<vmem>> -> memref<1x128xi32, #tpu.memory_space<vmem>>
        %dma_start3A_103 = tpu.memref_squeeze %dma_start3A_102 : memref<1x128xi32, #tpu.memory_space<vmem>> -> memref<128xi32, #tpu.memory_space<vmem>>
        %dma_start3A_104 = arith.constant 0 : i32
        %dma_start3A_105 = arith.constant 0 : i32
        %dma_start3A_106 = tpu.memref_slice %arg21[%dma_start3A_104, %dma_start3A_105] : memref<10112x64xf32, #tpu.memory_space<vmem_shared>> -> memref<10112x64xf32, #tpu.memory_space<vmem_shared>>
        tpu.enqueue_indirect_dma source(%arg10 : memref<128x64xf32, #tpu.memory_space<vmem>>) target(%dma_start3A_106 : memref<10112x64xf32, #tpu.memory_space<vmem_shared>>) offsets(%dma_start3A_103 : memref<128xi32, #tpu.memory_space<vmem>>) semaphore(%arg18 : memref<!tpu.dma_semaphore, #tpu.memory_space<semaphore_mem>>) {add = true}
        %add3A_107 = arith.constant 3 : i32
        %add3A_108 = arith.addi %add3A_94, %add3A_107 : i32
        %lt3A_109 = arith.constant 40 : i32
        %lt3A_110 = arith.cmpi slt, %add3A_108, %lt3A_109 : i32
        %convert_element_type3A_111 = arith.extui %lt3A_110 : i1 to i32
        %cond3A_112 = arith.constant 0 : i32
        %cond3A_113 = arith.cmpi ne, %convert_element_type3A_111, %cond3A_112 : i32
        scf.if %cond3A_113 {
          %ge3A = arith.constant 1 : i32
          %ge3A_156 = arith.cmpi sge, %add3A_94, %ge3A : i32
          %convert_element_type3A_157 = arith.extui %ge3A_156 : i1 to i32
          %cond3A_158 = arith.constant 0 : i32
          %cond3A_159 = arith.cmpi ne, %convert_element_type3A_157, %cond3A_158 : i32
          scf.if %cond3A_159 {
            %sub3A = arith.constant 1 : i32
            %sub3A_168 = arith.subi %add3A_94, %sub3A : i32
            %dma_wait3A_169 = arith.constant 0 : i32
            %dma_wait3A_170 = tpu.memref_slice %arg8[%sub3A_168, %dma_wait3A_169] : memref<40x128xi32, #tpu.memory_space<vmem>> -> memref<1x128xi32, #tpu.memory_space<vmem>>
            %dma_wait3A_171 = tpu.memref_squeeze %dma_wait3A_170 : memref<1x128xi32, #tpu.memory_space<vmem>> -> memref<128xi32, #tpu.memory_space<vmem>>
            %dma_wait3A_172 = arith.constant 0 : i32
            %dma_wait3A_173 = arith.constant 0 : i32
            %dma_wait3A_174 = tpu.memref_slice %arg21[%dma_wait3A_172, %dma_wait3A_173] : memref<10112x64xf32, #tpu.memory_space<vmem_shared>> -> memref<10112x64xf32, #tpu.memory_space<vmem_shared>>
            tpu.wait_indirect_dma semaphore(%arg17 : memref<!tpu.dma_semaphore, #tpu.memory_space<semaphore_mem>>) src(%arg9 : memref<128x64xf32, #tpu.memory_space<vmem>>) dst(%dma_wait3A_174 : memref<10112x64xf32, #tpu.memory_space<vmem_shared>>)
          } else {
          }
          %add3A_160 = arith.constant 3 : i32
          %add3A_161 = arith.addi %add3A_94, %add3A_160 : i32
          %dma_start3A_162 = arith.constant 0 : i32
          %dma_start3A_163 = tpu.memref_slice %arg7[%add3A_161, %dma_start3A_162] : memref<40x128xi32, #tpu.memory_space<vmem>> -> memref<1x128xi32, #tpu.memory_space<vmem>>
          %dma_start3A_164 = tpu.memref_squeeze %dma_start3A_163 : memref<1x128xi32, #tpu.memory_space<vmem>> -> memref<128xi32, #tpu.memory_space<vmem>>
          %dma_start3A_165 = arith.constant 0 : i32
          %dma_start3A_166 = arith.constant 0 : i32
          %dma_start3A_167 = tpu.memref_slice %arg22[%dma_start3A_165, %dma_start3A_166] : memref<10112x64xf32, #tpu.memory_space<vmem_shared>> -> memref<10112x64xf32, #tpu.memory_space<vmem_shared>>
          tpu.enqueue_indirect_dma source(%dma_start3A_167 : memref<10112x64xf32, #tpu.memory_space<vmem_shared>>) target(%arg9 : memref<128x64xf32, #tpu.memory_space<vmem>>) offsets(%dma_start3A_164 : memref<128xi32, #tpu.memory_space<vmem>>) semaphore(%arg13 : memref<!tpu.dma_semaphore, #tpu.memory_space<semaphore_mem>>)
        } else {
        }
        %add3A_114 = arith.constant 2 : i32
        %add3A_115 = arith.addi %mul3A_75, %add3A_114 : i32
        %dma_wait3A_116 = arith.constant 0 : i32
        %dma_wait3A_117 = tpu.memref_slice %arg7[%add3A_115, %dma_wait3A_116] : memref<40x128xi32, #tpu.memory_space<vmem>> -> memref<1x128xi32, #tpu.memory_space<vmem>>
        %dma_wait3A_118 = tpu.memref_squeeze %dma_wait3A_117 : memref<1x128xi32, #tpu.memory_space<vmem>> -> memref<128xi32, #tpu.memory_space<vmem>>
        %dma_wait3A_119 = arith.constant 0 : i32
        %dma_wait3A_120 = arith.constant 0 : i32
        %dma_wait3A_121 = tpu.memref_slice %arg22[%dma_wait3A_119, %dma_wait3A_120] : memref<10112x64xf32, #tpu.memory_space<vmem_shared>> -> memref<10112x64xf32, #tpu.memory_space<vmem_shared>>
        tpu.wait_indirect_dma semaphore(%arg15 : memref<!tpu.dma_semaphore, #tpu.memory_space<semaphore_mem>>) src(%dma_wait3A_121 : memref<10112x64xf32, #tpu.memory_space<vmem_shared>>) dst(%arg11 : memref<128x64xf32, #tpu.memory_space<vmem>>)
        %dma_start3A_122 = arith.constant 0 : i32
        %dma_start3A_123 = tpu.memref_slice %arg8[%add3A_115, %dma_start3A_122] : memref<40x128xi32, #tpu.memory_space<vmem>> -> memref<1x128xi32, #tpu.memory_space<vmem>>
        %dma_start3A_124 = tpu.memref_squeeze %dma_start3A_123 : memref<1x128xi32, #tpu.memory_space<vmem>> -> memref<128xi32, #tpu.memory_space<vmem>>
        %dma_start3A_125 = arith.constant 0 : i32
        %dma_start3A_126 = arith.constant 0 : i32
        %dma_start3A_127 = tpu.memref_slice %arg21[%dma_start3A_125, %dma_start3A_126] : memref<10112x64xf32, #tpu.memory_space<vmem_shared>> -> memref<10112x64xf32, #tpu.memory_space<vmem_shared>>
        tpu.enqueue_indirect_dma source(%arg11 : memref<128x64xf32, #tpu.memory_space<vmem>>) target(%dma_start3A_127 : memref<10112x64xf32, #tpu.memory_space<vmem_shared>>) offsets(%dma_start3A_124 : memref<128xi32, #tpu.memory_space<vmem>>) semaphore(%arg19 : memref<!tpu.dma_semaphore, #tpu.memory_space<semaphore_mem>>) {add = true}
        %add3A_128 = arith.constant 3 : i32
        %add3A_129 = arith.addi %add3A_115, %add3A_128 : i32
        %lt3A_130 = arith.constant 40 : i32
        %lt3A_131 = arith.cmpi slt, %add3A_129, %lt3A_130 : i32
        %convert_element_type3A_132 = arith.extui %lt3A_131 : i1 to i32
        %cond3A_133 = arith.constant 0 : i32
        %cond3A_134 = arith.cmpi ne, %convert_element_type3A_132, %cond3A_133 : i32
        scf.if %cond3A_134 {
          %ge3A = arith.constant 1 : i32
          %ge3A_156 = arith.cmpi sge, %add3A_115, %ge3A : i32
          %convert_element_type3A_157 = arith.extui %ge3A_156 : i1 to i32
          %cond3A_158 = arith.constant 0 : i32
          %cond3A_159 = arith.cmpi ne, %convert_element_type3A_157, %cond3A_158 : i32
          scf.if %cond3A_159 {
            %sub3A = arith.constant 1 : i32
            %sub3A_168 = arith.subi %add3A_115, %sub3A : i32
            %dma_wait3A_169 = arith.constant 0 : i32
            %dma_wait3A_170 = tpu.memref_slice %arg8[%sub3A_168, %dma_wait3A_169] : memref<40x128xi32, #tpu.memory_space<vmem>> -> memref<1x128xi32, #tpu.memory_space<vmem>>
            %dma_wait3A_171 = tpu.memref_squeeze %dma_wait3A_170 : memref<1x128xi32, #tpu.memory_space<vmem>> -> memref<128xi32, #tpu.memory_space<vmem>>
            %dma_wait3A_172 = arith.constant 0 : i32
            %dma_wait3A_173 = arith.constant 0 : i32
            %dma_wait3A_174 = tpu.memref_slice %arg21[%dma_wait3A_172, %dma_wait3A_173] : memref<10112x64xf32, #tpu.memory_space<vmem_shared>> -> memref<10112x64xf32, #tpu.memory_space<vmem_shared>>
            tpu.wait_indirect_dma semaphore(%arg18 : memref<!tpu.dma_semaphore, #tpu.memory_space<semaphore_mem>>) src(%arg10 : memref<128x64xf32, #tpu.memory_space<vmem>>) dst(%dma_wait3A_174 : memref<10112x64xf32, #tpu.memory_space<vmem_shared>>)
          } else {
          }
          %add3A_160 = arith.constant 3 : i32
          %add3A_161 = arith.addi %add3A_115, %add3A_160 : i32
          %dma_start3A_162 = arith.constant 0 : i32
          %dma_start3A_163 = tpu.memref_slice %arg7[%add3A_161, %dma_start3A_162] : memref<40x128xi32, #tpu.memory_space<vmem>> -> memref<1x128xi32, #tpu.memory_space<vmem>>
          %dma_start3A_164 = tpu.memref_squeeze %dma_start3A_163 : memref<1x128xi32, #tpu.memory_space<vmem>> -> memref<128xi32, #tpu.memory_space<vmem>>
          %dma_start3A_165 = arith.constant 0 : i32
          %dma_start3A_166 = arith.constant 0 : i32
          %dma_start3A_167 = tpu.memref_slice %arg22[%dma_start3A_165, %dma_start3A_166] : memref<10112x64xf32, #tpu.memory_space<vmem_shared>> -> memref<10112x64xf32, #tpu.memory_space<vmem_shared>>
          tpu.enqueue_indirect_dma source(%dma_start3A_167 : memref<10112x64xf32, #tpu.memory_space<vmem_shared>>) target(%arg10 : memref<128x64xf32, #tpu.memory_space<vmem>>) offsets(%dma_start3A_164 : memref<128xi32, #tpu.memory_space<vmem>>) semaphore(%arg14 : memref<!tpu.dma_semaphore, #tpu.memory_space<semaphore_mem>>)
        } else {
        }
        %add3A_135 = arith.constant 3 : i32
        %add3A_136 = arith.addi %mul3A_75, %add3A_135 : i32
        %dma_wait3A_137 = arith.constant 0 : i32
        %dma_wait3A_138 = tpu.memref_slice %arg7[%add3A_136, %dma_wait3A_137] : memref<40x128xi32, #tpu.memory_space<vmem>> -> memref<1x128xi32, #tpu.memory_space<vmem>>
        %dma_wait3A_139 = tpu.memref_squeeze %dma_wait3A_138 : memref<1x128xi32, #tpu.memory_space<vmem>> -> memref<128xi32, #tpu.memory_space<vmem>>
        %dma_wait3A_140 = arith.constant 0 : i32
        %dma_wait3A_141 = arith.constant 0 : i32
        %dma_wait3A_142 = tpu.memref_slice %arg22[%dma_wait3A_140, %dma_wait3A_141] : memref<10112x64xf32, #tpu.memory_space<vmem_shared>> -> memref<10112x64xf32, #tpu.memory_space<vmem_shared>>
        tpu.wait_indirect_dma semaphore(%arg16 : memref<!tpu.dma_semaphore, #tpu.memory_space<semaphore_mem>>) src(%dma_wait3A_142 : memref<10112x64xf32, #tpu.memory_space<vmem_shared>>) dst(%arg12 : memref<128x64xf32, #tpu.memory_space<vmem>>)
        %dma_start3A_143 = arith.constant 0 : i32
        %dma_start3A_144 = tpu.memref_slice %arg8[%add3A_136, %dma_start3A_143] : memref<40x128xi32, #tpu.memory_space<vmem>> -> memref<1x128xi32, #tpu.memory_space<vmem>>
        %dma_start3A_145 = tpu.memref_squeeze %dma_start3A_144 : memref<1x128xi32, #tpu.memory_space<vmem>> -> memref<128xi32, #tpu.memory_space<vmem>>
        %dma_start3A_146 = arith.constant 0 : i32
        %dma_start3A_147 = arith.constant 0 : i32
        %dma_start3A_148 = tpu.memref_slice %arg21[%dma_start3A_146, %dma_start3A_147] : memref<10112x64xf32, #tpu.memory_space<vmem_shared>> -> memref<10112x64xf32, #tpu.memory_space<vmem_shared>>
        tpu.enqueue_indirect_dma source(%arg12 : memref<128x64xf32, #tpu.memory_space<vmem>>) target(%dma_start3A_148 : memref<10112x64xf32, #tpu.memory_space<vmem_shared>>) offsets(%dma_start3A_145 : memref<128xi32, #tpu.memory_space<vmem>>) semaphore(%arg20 : memref<!tpu.dma_semaphore, #tpu.memory_space<semaphore_mem>>) {add = true}
        %add3A_149 = arith.constant 3 : i32
        %add3A_150 = arith.addi %add3A_136, %add3A_149 : i32
        %lt3A_151 = arith.constant 40 : i32
        %lt3A_152 = arith.cmpi slt, %add3A_150, %lt3A_151 : i32
        %convert_element_type3A_153 = arith.extui %lt3A_152 : i1 to i32
        %cond3A_154 = arith.constant 0 : i32
        %cond3A_155 = arith.cmpi ne, %convert_element_type3A_153, %cond3A_154 : i32
        scf.if %cond3A_155 {
          %ge3A = arith.constant 1 : i32
          %ge3A_156 = arith.cmpi sge, %add3A_136, %ge3A : i32
          %convert_element_type3A_157 = arith.extui %ge3A_156 : i1 to i32
          %cond3A_158 = arith.constant 0 : i32
          %cond3A_159 = arith.cmpi ne, %convert_element_type3A_157, %cond3A_158 : i32
          scf.if %cond3A_159 {
            %sub3A = arith.constant 1 : i32
            %sub3A_168 = arith.subi %add3A_136, %sub3A : i32
            %dma_wait3A_169 = arith.constant 0 : i32
            %dma_wait3A_170 = tpu.memref_slice %arg8[%sub3A_168, %dma_wait3A_169] : memref<40x128xi32, #tpu.memory_space<vmem>> -> memref<1x128xi32, #tpu.memory_space<vmem>>
            %dma_wait3A_171 = tpu.memref_squeeze %dma_wait3A_170 : memref<1x128xi32, #tpu.memory_space<vmem>> -> memref<128xi32, #tpu.memory_space<vmem>>
            %dma_wait3A_172 = arith.constant 0 : i32
            %dma_wait3A_173 = arith.constant 0 : i32
            %dma_wait3A_174 = tpu.memref_slice %arg21[%dma_wait3A_172, %dma_wait3A_173] : memref<10112x64xf32, #tpu.memory_space<vmem_shared>> -> memref<10112x64xf32, #tpu.memory_space<vmem_shared>>
            tpu.wait_indirect_dma semaphore(%arg19 : memref<!tpu.dma_semaphore, #tpu.memory_space<semaphore_mem>>) src(%arg11 : memref<128x64xf32, #tpu.memory_space<vmem>>) dst(%dma_wait3A_174 : memref<10112x64xf32, #tpu.memory_space<vmem_shared>>)
          } else {
          }
          %add3A_160 = arith.constant 3 : i32
          %add3A_161 = arith.addi %add3A_136, %add3A_160 : i32
          %dma_start3A_162 = arith.constant 0 : i32
          %dma_start3A_163 = tpu.memref_slice %arg7[%add3A_161, %dma_start3A_162] : memref<40x128xi32, #tpu.memory_space<vmem>> -> memref<1x128xi32, #tpu.memory_space<vmem>>
          %dma_start3A_164 = tpu.memref_squeeze %dma_start3A_163 : memref<1x128xi32, #tpu.memory_space<vmem>> -> memref<128xi32, #tpu.memory_space<vmem>>
          %dma_start3A_165 = arith.constant 0 : i32
          %dma_start3A_166 = arith.constant 0 : i32
          %dma_start3A_167 = tpu.memref_slice %arg22[%dma_start3A_165, %dma_start3A_166] : memref<10112x64xf32, #tpu.memory_space<vmem_shared>> -> memref<10112x64xf32, #tpu.memory_space<vmem_shared>>
          tpu.enqueue_indirect_dma source(%dma_start3A_167 : memref<10112x64xf32, #tpu.memory_space<vmem_shared>>) target(%arg11 : memref<128x64xf32, #tpu.memory_space<vmem>>) offsets(%dma_start3A_164 : memref<128xi32, #tpu.memory_space<vmem>>) semaphore(%arg15 : memref<!tpu.dma_semaphore, #tpu.memory_space<semaphore_mem>>)
        } else {
        }
      }
      %scan3A_45 = arith.constant 10 : i32
      %dma_wait3A = arith.constant 36 : i32
      %dma_wait3A_46 = arith.constant 0 : i32
      %dma_wait3A_47 = tpu.memref_slice %arg8[%dma_wait3A, %dma_wait3A_46] : memref<40x128xi32, #tpu.memory_space<vmem>> -> memref<1x128xi32, #tpu.memory_space<vmem>>
      %dma_wait3A_48 = tpu.memref_squeeze %dma_wait3A_47 : memref<1x128xi32, #tpu.memory_space<vmem>> -> memref<128xi32, #tpu.memory_space<vmem>>
      %dma_wait3A_49 = arith.constant 0 : i32
      %dma_wait3A_50 = arith.constant 0 : i32
      %dma_wait3A_51 = tpu.memref_slice %arg21[%dma_wait3A_49, %dma_wait3A_50] : memref<10112x64xf32, #tpu.memory_space<vmem_shared>> -> memref<10112x64xf32, #tpu.memory_space<vmem_shared>>
      tpu.wait_indirect_dma semaphore(%arg17 : memref<!tpu.dma_semaphore, #tpu.memory_space<semaphore_mem>>) src(%arg9 : memref<128x64xf32, #tpu.memory_space<vmem>>) dst(%dma_wait3A_51 : memref<10112x64xf32, #tpu.memory_space<vmem_shared>>)
      %dma_wait3A_52 = arith.constant 37 : i32
      %dma_wait3A_53 = arith.constant 0 : i32
      %dma_wait3A_54 = tpu.memref_slice %arg8[%dma_wait3A_52, %dma_wait3A_53] : memref<40x128xi32, #tpu.memory_space<vmem>> -> memref<1x128xi32, #tpu.memory_space<vmem>>
      %dma_wait3A_55 = tpu.memref_squeeze %dma_wait3A_54 : memref<1x128xi32, #tpu.memory_space<vmem>> -> memref<128xi32, #tpu.memory_space<vmem>>
      %dma_wait3A_56 = arith.constant 0 : i32
      %dma_wait3A_57 = arith.constant 0 : i32
      %dma_wait3A_58 = tpu.memref_slice %arg21[%dma_wait3A_56, %dma_wait3A_57] : memref<10112x64xf32, #tpu.memory_space<vmem_shared>> -> memref<10112x64xf32, #tpu.memory_space<vmem_shared>>
      tpu.wait_indirect_dma semaphore(%arg18 : memref<!tpu.dma_semaphore, #tpu.memory_space<semaphore_mem>>) src(%arg10 : memref<128x64xf32, #tpu.memory_space<vmem>>) dst(%dma_wait3A_58 : memref<10112x64xf32, #tpu.memory_space<vmem_shared>>)
      %dma_wait3A_59 = arith.constant 38 : i32
      %dma_wait3A_60 = arith.constant 0 : i32
      %dma_wait3A_61 = tpu.memref_slice %arg8[%dma_wait3A_59, %dma_wait3A_60] : memref<40x128xi32, #tpu.memory_space<vmem>> -> memref<1x128xi32, #tpu.memory_space<vmem>>
      %dma_wait3A_62 = tpu.memref_squeeze %dma_wait3A_61 : memref<1x128xi32, #tpu.memory_space<vmem>> -> memref<128xi32, #tpu.memory_space<vmem>>
      %dma_wait3A_63 = arith.constant 0 : i32
      %dma_wait3A_64 = arith.constant 0 : i32
      %dma_wait3A_65 = tpu.memref_slice %arg21[%dma_wait3A_63, %dma_wait3A_64] : memref<10112x64xf32, #tpu.memory_space<vmem_shared>> -> memref<10112x64xf32, #tpu.memory_space<vmem_shared>>
      tpu.wait_indirect_dma semaphore(%arg19 : memref<!tpu.dma_semaphore, #tpu.memory_space<semaphore_mem>>) src(%arg11 : memref<128x64xf32, #tpu.memory_space<vmem>>) dst(%dma_wait3A_65 : memref<10112x64xf32, #tpu.memory_space<vmem_shared>>)
      %dma_wait3A_66 = arith.constant 39 : i32
      %dma_wait3A_67 = arith.constant 0 : i32
      %dma_wait3A_68 = tpu.memref_slice %arg8[%dma_wait3A_66, %dma_wait3A_67] : memref<40x128xi32, #tpu.memory_space<vmem>> -> memref<1x128xi32, #tpu.memory_space<vmem>>
      %dma_wait3A_69 = tpu.memref_squeeze %dma_wait3A_68 : memref<1x128xi32, #tpu.memory_space<vmem>> -> memref<128xi32, #tpu.memory_space<vmem>>
      %dma_wait3A_70 = arith.constant 0 : i32
      %dma_wait3A_71 = arith.constant 0 : i32
      %dma_wait3A_72 = tpu.memref_slice %arg21[%dma_wait3A_70, %dma_wait3A_71] : memref<10112x64xf32, #tpu.memory_space<vmem_shared>> -> memref<10112x64xf32, #tpu.memory_space<vmem_shared>>
      tpu.wait_indirect_dma semaphore(%arg20 : memref<!tpu.dma_semaphore, #tpu.memory_space<semaphore_mem>>) src(%arg12 : memref<128x64xf32, #tpu.memory_space<vmem>>) dst(%dma_wait3A_72 : memref<10112x64xf32, #tpu.memory_space<vmem_shared>>)
    }
    %scan3A_9 = arith.constant 4 : i32
    %barrier3A_10 = arith.constant 0 : index
    tpu.barrier barrier_id(%barrier3A_10)
    %mul3A_11 = arith.constant 632 : i32
    %mul3A_12 = arith.muli %arg1, %mul3A_11 : i32
    %mul3A_13 = arith.constant 632 : i32
    %mul3A_14 = arith.muli %arg1, %mul3A_13 : i32
    "tpu.region"() ({
      %run_scoped3A = tpu.sem_alloc : memref<!tpu.dma_semaphore, #tpu.memory_space<semaphore_mem>>
      %dma_start3A = arith.constant 0 : i32
      %dma_start3A_15 = tpu.memref_slice %arg6[%arg0, %mul3A_14, %dma_start3A] : memref<2x10112x64xf32, #tpu.memory_space<hbm>> -> memref<1x632x64xf32, #tpu.memory_space<hbm>>
      %dma_start3A_16 = tpu.memref_squeeze %dma_start3A_15 : memref<1x632x64xf32, #tpu.memory_space<hbm>> -> memref<632x64xf32, #tpu.memory_space<hbm>>
      %dma_start3A_17 = arith.constant 0 : i32
      %dma_start3A_18 = tpu.memref_slice %arg21[%mul3A_12, %dma_start3A_17] : memref<10112x64xf32, #tpu.memory_space<vmem_shared>> -> memref<632x64xf32, #tpu.memory_space<vmem_shared>>
      tpu.enqueue_dma source(%dma_start3A_18 : memref<632x64xf32, #tpu.memory_space<vmem_shared>>) target(%dma_start3A_16 : memref<632x64xf32, #tpu.memory_space<hbm>>) target_semaphore(%run_scoped3A : memref<!tpu.dma_semaphore, #tpu.memory_space<semaphore_mem>>)
      %dma_wait3A = arith.constant 0 : i32
      %dma_wait3A_19 = tpu.memref_slice %arg6[%arg0, %mul3A_14, %dma_wait3A] : memref<2x10112x64xf32, #tpu.memory_space<hbm>> -> memref<1x632x64xf32, #tpu.memory_space<hbm>>
      %dma_wait3A_20 = tpu.memref_squeeze %dma_wait3A_19 : memref<1x632x64xf32, #tpu.memory_space<hbm>> -> memref<632x64xf32, #tpu.memory_space<hbm>>
      %dma_wait3A_21 = arith.constant 0 : i32
      %dma_wait3A_22 = tpu.memref_slice %arg21[%mul3A_12, %dma_wait3A_21] : memref<10112x64xf32, #tpu.memory_space<vmem_shared>> -> memref<632x64xf32, #tpu.memory_space<vmem_shared>>
      tpu.wait_dma2 semaphore(%run_scoped3A : memref<!tpu.dma_semaphore, #tpu.memory_space<semaphore_mem>>) src(%dma_wait3A_22 : memref<632x64xf32, #tpu.memory_space<vmem_shared>>) dst(%dma_wait3A_20 : memref<632x64xf32, #tpu.memory_space<hbm>>)
      tpu.yield
    }) : () -> ()
    return
  }
}

#map = affine_map<(d0, d1) -> (0, 0, 0)>
#map1 = affine_map<(d0, d1) -> (0, 0)>
module attributes {stable_mosaic.version = 14 : i64} {
  func.func @spmm(%arg0: i32, %arg1: i32, %arg2: memref<2x10000x64xf32, #tpu.memory_space<hbm>>, %arg3: memref<16x160x128xi32, #tpu.memory_space<hbm>>, %arg4: memref<16x160x128xi32, #tpu.memory_space<hbm>>, %arg5: memref<632x64xf32, #tpu.memory_space<hbm>>, %arg6: memref<2x10112x64xf32, #tpu.memory_space<hbm>>, %arg7: memref<40x128xi32, #tpu.memory_space<vmem>>, %arg8: memref<40x128xi32, #tpu.memory_space<vmem>>, %arg9: memref<128x64xf32, #tpu.memory_space<vmem>>, %arg10: memref<128x64xf32, #tpu.memory_space<vmem>>, %arg11: memref<128x64xf32, #tpu.memory_space<vmem>>, %arg12: memref<128x64xf32, #tpu.memory_space<vmem>>, %arg13: memref<!tpu.dma_semaphore, #tpu.memory_space<semaphore_mem>>, %arg14: memref<!tpu.dma_semaphore, #tpu.memory_space<semaphore_mem>>, %arg15: memref<!tpu.dma_semaphore, #tpu.memory_space<semaphore_mem>>, %arg16: memref<!tpu.dma_semaphore, #tpu.memory_space<semaphore_mem>>, %arg17: memref<!tpu.dma_semaphore, #tpu.memory_space<semaphore_mem>>, %arg18: memref<!tpu.dma_semaphore, #tpu.memory_space<semaphore_mem>>, %arg19: memref<!tpu.dma_semaphore, #tpu.memory_space<semaphore_mem>>, %arg20: memref<!tpu.dma_semaphore, #tpu.memory_space<semaphore_mem>>, %arg21: memref<10112x64xf32, #tpu.memory_space<vmem_shared>>, %arg22: memref<10112x64xf32, #tpu.memory_space<vmem_shared>>) attributes {dimension_semantics = [#tpu.dimension_semantics<core_parallel>, #tpu.dimension_semantics<subcore_parallel>], iteration_bounds = array<i64: 2, 16>, scalar_prefetch = 0 : i64, scratch_operands = 16 : i64, tpu.core_type = #tpu.core_type<sc_vector_subcore>, window_params = [{transform_indices = #map}, {transform_indices = #map}, {transform_indices = #map}, {transform_indices = #map1}, {transform_indices = #map}]} {
    %mul3A = arith.constant 625 : i32
    %mul3A_0 = arith.muli %arg1, %mul3A : i32
    %mul3A_1 = arith.constant 625 : i32
    %mul3A_2 = arith.muli %arg1, %mul3A_1 : i32
    "tpu.region"() ({
      %run_scoped3A = tpu.sem_alloc : memref<!tpu.dma_semaphore, #tpu.memory_space<semaphore_mem>>
      %dma_start3A = arith.constant 0 : i32
      %dma_start3A_15 = tpu.memref_slice %arg22[%mul3A_2, %dma_start3A] : memref<10112x64xf32, #tpu.memory_space<vmem_shared>> -> memref<625x64xf32, #tpu.memory_space<vmem_shared>>
      %dma_start3A_16 = arith.constant 0 : i32
      %dma_start3A_17 = tpu.memref_slice %arg2[%arg0, %mul3A_0, %dma_start3A_16] : memref<2x10000x64xf32, #tpu.memory_space<hbm>> -> memref<1x625x64xf32, #tpu.memory_space<hbm>>
      %dma_start3A_18 = tpu.memref_squeeze %dma_start3A_17 : memref<1x625x64xf32, #tpu.memory_space<hbm>> -> memref<625x64xf32, #tpu.memory_space<hbm>>
      tpu.enqueue_dma source(%dma_start3A_18 : memref<625x64xf32, #tpu.memory_space<hbm>>) target(%dma_start3A_15 : memref<625x64xf32, #tpu.memory_space<vmem_shared>>) target_semaphore(%run_scoped3A : memref<!tpu.dma_semaphore, #tpu.memory_space<semaphore_mem>>)
      %dma_wait3A = arith.constant 0 : i32
      %dma_wait3A_19 = tpu.memref_slice %arg22[%mul3A_2, %dma_wait3A] : memref<10112x64xf32, #tpu.memory_space<vmem_shared>> -> memref<625x64xf32, #tpu.memory_space<vmem_shared>>
      %dma_wait3A_20 = arith.constant 0 : i32
      %dma_wait3A_21 = tpu.memref_slice %arg2[%arg0, %mul3A_0, %dma_wait3A_20] : memref<2x10000x64xf32, #tpu.memory_space<hbm>> -> memref<1x625x64xf32, #tpu.memory_space<hbm>>
      %dma_wait3A_22 = tpu.memref_squeeze %dma_wait3A_21 : memref<1x625x64xf32, #tpu.memory_space<hbm>> -> memref<625x64xf32, #tpu.memory_space<hbm>>
      tpu.wait_dma2 semaphore(%run_scoped3A : memref<!tpu.dma_semaphore, #tpu.memory_space<semaphore_mem>>) src(%dma_wait3A_22 : memref<625x64xf32, #tpu.memory_space<hbm>>) dst(%dma_wait3A_19 : memref<625x64xf32, #tpu.memory_space<vmem_shared>>)
      tpu.yield
    }) : () -> ()
    %mul3A_3 = arith.constant 632 : i32
    %mul3A_4 = arith.muli %arg1, %mul3A_3 : i32
    "tpu.region"() ({
      %run_scoped3A = tpu.sem_alloc : memref<!tpu.dma_semaphore, #tpu.memory_space<semaphore_mem>>
      %dma_start3A = arith.constant 0 : i32
      %dma_start3A_15 = tpu.memref_slice %arg21[%mul3A_4, %dma_start3A] : memref<10112x64xf32, #tpu.memory_space<vmem_shared>> -> memref<632x64xf32, #tpu.memory_space<vmem_shared>>
      tpu.enqueue_dma source(%arg5 : memref<632x64xf32, #tpu.memory_space<hbm>>) target(%dma_start3A_15 : memref<632x64xf32, #tpu.memory_space<vmem_shared>>) target_semaphore(%run_scoped3A : memref<!tpu.dma_semaphore, #tpu.memory_space<semaphore_mem>>)
      %dma_wait3A = arith.constant 0 : i32
      %dma_wait3A_16 = tpu.memref_slice %arg21[%mul3A_4, %dma_wait3A] : memref<10112x64xf32, #tpu.memory_space<vmem_shared>> -> memref<632x64xf32, #tpu.memory_space<vmem_shared>>
      tpu.wait_dma2 semaphore(%run_scoped3A : memref<!tpu.dma_semaphore, #tpu.memory_space<semaphore_mem>>) src(%arg5 : memref<632x64xf32, #tpu.memory_space<hbm>>) dst(%dma_wait3A_16 : memref<632x64xf32, #tpu.memory_space<vmem_shared>>)
      tpu.yield
    }) : () -> ()
    %barrier3A = arith.constant 0 : index
    tpu.barrier barrier_id(%barrier3A)
    %scan3A = arith.constant 0 : i32
    %scan3A_5 = arith.constant 0 : i32
    %scan3A_6 = arith.constant 4 : i32
    %scan3A_7 = arith.addi %scan3A_5, %scan3A_6 : i32
    %scan3A_8 = arith.constant 1 : i32
    scf.for %scan3A_15 = %scan3A_5 to %scan3A_7 step %scan3A_8  : i32 {
      %mul3A_16 = arith.constant 40 : i32
      %mul3A_17 = arith.muli %scan3A_15, %mul3A_16 : i32
      "tpu.region"() ({
        %run_scoped3A = tpu.sem_alloc : memref<!tpu.dma_semaphore, #tpu.memory_space<semaphore_mem>>
        %dma_start3A_73 = arith.constant 0 : i32
        %dma_start3A_74 = tpu.memref_slice %arg3[%arg1, %mul3A_17, %dma_start3A_73] : memref<16x160x128xi32, #tpu.memory_space<hbm>> -> memref<1x40x128xi32, #tpu.memory_space<hbm>>
        %dma_start3A_75 = tpu.memref_squeeze %dma_start3A_74 : memref<1x40x128xi32, #tpu.memory_space<hbm>> -> memref<40x128xi32, #tpu.memory_space<hbm>>
        %dma_start3A_76 = arith.constant 0 : i32
        %dma_start3A_77 = tpu.memref_slice %arg3[%arg1, %mul3A_17, %dma_start3A_76] : memref<16x160x128xi32, #tpu.memory_space<hbm>> -> memref<1x40x128xi32, #tpu.memory_space<hbm>>
        %dma_start3A_78 = tpu.memref_squeeze %dma_start3A_77 : memref<1x40x128xi32, #tpu.memory_space<hbm>> -> memref<40x128xi32, #tpu.memory_space<hbm>>
        tpu.enqueue_dma source(%dma_start3A_78 : memref<40x128xi32, #tpu.memory_space<hbm>>) target(%arg7 : memref<40x128xi32, #tpu.memory_space<vmem>>) target_semaphore(%run_scoped3A : memref<!tpu.dma_semaphore, #tpu.memory_space<semaphore_mem>>)
        %dma_wait3A_79 = arith.constant 0 : i32
        %dma_wait3A_80 = tpu.memref_slice %arg3[%arg1, %mul3A_17, %dma_wait3A_79] : memref<16x160x128xi32, #tpu.memory_space<hbm>> -> memref<1x40x128xi32, #tpu.memory_space<hbm>>
        %dma_wait3A_81 = tpu.memref_squeeze %dma_wait3A_80 : memref<1x40x128xi32, #tpu.memory_space<hbm>> -> memref<40x128xi32, #tpu.memory_space<hbm>>
        %dma_wait3A_82 = arith.constant 0 : i32
        %dma_wait3A_83 = tpu.memref_slice %arg3[%arg1, %mul3A_17, %dma_wait3A_82] : memref<16x160x128xi32, #tpu.memory_space<hbm>> -> memref<1x40x128xi32, #tpu.memory_space<hbm>>
        %dma_wait3A_84 = tpu.memref_squeeze %dma_wait3A_83 : memref<1x40x128xi32, #tpu.memory_space<hbm>> -> memref<40x128xi32, #tpu.memory_space<hbm>>
        tpu.wait_dma2 semaphore(%run_scoped3A : memref<!tpu.dma_semaphore, #tpu.memory_space<semaphore_mem>>) src(%dma_wait3A_84 : memref<40x128xi32, #tpu.memory_space<hbm>>) dst(%arg7 : memref<40x128xi32, #tpu.memory_space<vmem>>)
        tpu.yield
      }) : () -> ()
      %mul3A_18 = arith.constant 40 : i32
      %mul3A_19 = arith.muli %scan3A_15, %mul3A_18 : i32
      "tpu.region"() ({
        %run_scoped3A = tpu.sem_alloc : memref<!tpu.dma_semaphore, #tpu.memory_space<semaphore_mem>>
        %dma_start3A_73 = arith.constant 0 : i32
        %dma_start3A_74 = tpu.memref_slice %arg4[%arg1, %mul3A_19, %dma_start3A_73] : memref<16x160x128xi32, #tpu.memory_space<hbm>> -> memref<1x40x128xi32, #tpu.memory_space<hbm>>
        %dma_start3A_75 = tpu.memref_squeeze %dma_start3A_74 : memref<1x40x128xi32, #tpu.memory_space<hbm>> -> memref<40x128xi32, #tpu.memory_space<hbm>>
        %dma_start3A_76 = arith.constant 0 : i32
        %dma_start3A_77 = tpu.memref_slice %arg4[%arg1, %mul3A_19, %dma_start3A_76] : memref<16x160x128xi32, #tpu.memory_space<hbm>> -> memref<1x40x128xi32, #tpu.memory_space<hbm>>
        %dma_start3A_78 = tpu.memref_squeeze %dma_start3A_77 : memref<1x40x128xi32, #tpu.memory_space<hbm>> -> memref<40x128xi32, #tpu.memory_space<hbm>>
        tpu.enqueue_dma source(%dma_start3A_78 : memref<40x128xi32, #tpu.memory_space<hbm>>) target(%arg8 : memref<40x128xi32, #tpu.memory_space<vmem>>) target_semaphore(%run_scoped3A : memref<!tpu.dma_semaphore, #tpu.memory_space<semaphore_mem>>)
        %dma_wait3A_79 = arith.constant 0 : i32
        %dma_wait3A_80 = tpu.memref_slice %arg4[%arg1, %mul3A_19, %dma_wait3A_79] : memref<16x160x128xi32, #tpu.memory_space<hbm>> -> memref<1x40x128xi32, #tpu.memory_space<hbm>>
        %dma_wait3A_81 = tpu.memref_squeeze %dma_wait3A_80 : memref<1x40x128xi32, #tpu.memory_space<hbm>> -> memref<40x128xi32, #tpu.memory_space<hbm>>
        %dma_wait3A_82 = arith.constant 0 : i32
        %dma_wait3A_83 = tpu.memref_slice %arg4[%arg1, %mul3A_19, %dma_wait3A_82] : memref<16x160x128xi32, #tpu.memory_space<hbm>> -> memref<1x40x128xi32, #tpu.memory_space<hbm>>
        %dma_wait3A_84 = tpu.memref_squeeze %dma_wait3A_83 : memref<1x40x128xi32, #tpu.memory_space<hbm>> -> memref<40x128xi32, #tpu.memory_space<hbm>>
        tpu.wait_dma2 semaphore(%run_scoped3A : memref<!tpu.dma_semaphore, #tpu.memory_space<semaphore_mem>>) src(%dma_wait3A_84 : memref<40x128xi32, #tpu.memory_space<hbm>>) dst(%arg8 : memref<40x128xi32, #tpu.memory_space<vmem>>)
        tpu.yield
      }) : () -> ()
      %dma_start3A = arith.constant 0 : i32
      %dma_start3A_20 = arith.constant 0 : i32
      %dma_start3A_21 = tpu.memref_slice %arg7[%dma_start3A, %dma_start3A_20] : memref<40x128xi32, #tpu.memory_space<vmem>> -> memref<1x128xi32, #tpu.memory_space<vmem>>
      %dma_start3A_22 = tpu.memref_squeeze %dma_start3A_21 : memref<1x128xi32, #tpu.memory_space<vmem>> -> memref<128xi32, #tpu.memory_space<vmem>>
      %dma_start3A_23 = arith.constant 0 : i32
      %dma_start3A_24 = arith.constant 0 : i32
      %dma_start3A_25 = tpu.memref_slice %arg22[%dma_start3A_23, %dma_start3A_24] : memref<10112x64xf32, #tpu.memory_space<vmem_shared>> -> memref<10112x64xf32, #tpu.memory_space<vmem_shared>>
      tpu.enqueue_indirect_dma source(%dma_start3A_25 : memref<10112x64xf32, #tpu.memory_space<vmem_shared>>) target(%arg9 : memref<128x64xf32, #tpu.memory_space<vmem>>) offsets(%dma_start3A_22 : memref<128xi32, #tpu.memory_space<vmem>>) semaphore(%arg13 : memref<!tpu.dma_semaphore, #tpu.memory_space<semaphore_mem>>)
      %dma_start3A_26 = arith.constant 1 : i32
      %dma_start3A_27 = arith.constant 0 : i32
      %dma_start3A_28 = tpu.memref_slice %arg7[%dma_start3A_26, %dma_start3A_27] : memref<40x128xi32, #tpu.memory_space<vmem>> -> memref<1x128xi32, #tpu.memory_space<vmem>>
      %dma_start3A_29 = tpu.memref_squeeze %dma_start3A_28 : memref<1x128xi32, #tpu.memory_space<vmem>> -> memref<128xi32, #tpu.memory_space<vmem>>
      %dma_start3A_30 = arith.constant 0 : i32
      %dma_start3A_31 = arith.constant 0 : i32
      %dma_start3A_32 = tpu.memref_slice %arg22[%dma_start3A_30, %dma_start3A_31] : memref<10112x64xf32, #tpu.memory_space<vmem_shared>> -> memref<10112x64xf32, #tpu.memory_space<vmem_shared>>
      tpu.enqueue_indirect_dma source(%dma_start3A_32 : memref<10112x64xf32, #tpu.memory_space<vmem_shared>>) target(%arg10 : memref<128x64xf32, #tpu.memory_space<vmem>>) offsets(%dma_start3A_29 : memref<128xi32, #tpu.memory_space<vmem>>) semaphore(%arg14 : memref<!tpu.dma_semaphore, #tpu.memory_space<semaphore_mem>>)
      %dma_start3A_33 = arith.constant 2 : i32
      %dma_start3A_34 = arith.constant 0 : i32
      %dma_start3A_35 = tpu.memref_slice %arg7[%dma_start3A_33, %dma_start3A_34] : memref<40x128xi32, #tpu.memory_space<vmem>> -> memref<1x128xi32, #tpu.memory_space<vmem>>
      %dma_start3A_36 = tpu.memref_squeeze %dma_start3A_35 : memref<1x128xi32, #tpu.memory_space<vmem>> -> memref<128xi32, #tpu.memory_space<vmem>>
      %dma_start3A_37 = arith.constant 0 : i32
      %dma_start3A_38 = arith.constant 0 : i32
      %dma_start3A_39 = tpu.memref_slice %arg22[%dma_start3A_37, %dma_start3A_38] : memref<10112x64xf32, #tpu.memory_space<vmem_shared>> -> memref<10112x64xf32, #tpu.memory_space<vmem_shared>>
      tpu.enqueue_indirect_dma source(%dma_start3A_39 : memref<10112x64xf32, #tpu.memory_space<vmem_shared>>) target(%arg11 : memref<128x64xf32, #tpu.memory_space<vmem>>) offsets(%dma_start3A_36 : memref<128xi32, #tpu.memory_space<vmem>>) semaphore(%arg15 : memref<!tpu.dma_semaphore, #tpu.memory_space<semaphore_mem>>)
      %scan3A_40 = arith.constant 0 : i32
      %scan3A_41 = arith.constant 0 : i32
      %scan3A_42 = arith.constant 10 : i32
      %scan3A_43 = arith.addi %scan3A_41, %scan3A_42 : i32
      %scan3A_44 = arith.constant 1 : i32
      scf.for %scan3A_73 = %scan3A_41 to %scan3A_43 step %scan3A_44  : i32 {
        %mul3A_74 = arith.constant 4 : i32
        %mul3A_75 = arith.muli %scan3A_73, %mul3A_74 : i32
        %add3A = arith.constant 0 : i32
        %add3A_76 = arith.addi %mul3A_75, %add3A : i32
        %dma_wait3A_77 = arith.constant 0 : i32
        %dma_wait3A_78 = tpu.memref_slice %arg7[%add3A_76, %dma_wait3A_77] : memref<40x128xi32, #tpu.memory_space<vmem>> -> memref<1x128xi32, #tpu.memory_space<vmem>>
        %dma_wait3A_79 = tpu.memref_squeeze %dma_wait3A_78 : memref<1x128xi32, #tpu.memory_space<vmem>> -> memref<128xi32, #tpu.memory_space<vmem>>
        %dma_wait3A_80 = arith.constant 0 : i32
        %dma_wait3A_81 = arith.constant 0 : i32
        %dma_wait3A_82 = tpu.memref_slice %arg22[%dma_wait3A_80, %dma_wait3A_81] : memref<10112x64xf32, #tpu.memory_space<vmem_shared>> -> memref<10112x64xf32, #tpu.memory_space<vmem_shared>>
        tpu.wait_indirect_dma semaphore(%arg13 : memref<!tpu.dma_semaphore, #tpu.memory_space<semaphore_mem>>) src(%dma_wait3A_82 : memref<10112x64xf32, #tpu.memory_space<vmem_shared>>) dst(%arg9 : memref<128x64xf32, #tpu.memory_space<vmem>>)
        %dma_start3A_83 = arith.constant 0 : i32
        %dma_start3A_84 = tpu.memref_slice %arg8[%add3A_76, %dma_start3A_83] : memref<40x128xi32, #tpu.memory_space<vmem>> -> memref<1x128xi32, #tpu.memory_space<vmem>>
        %dma_start3A_85 = tpu.memref_squeeze %dma_start3A_84 : memref<1x128xi32, #tpu.memory_space<vmem>> -> memref<128xi32, #tpu.memory_space<vmem>>
        %dma_start3A_86 = arith.constant 0 : i32
        %dma_start3A_87 = arith.constant 0 : i32
        %dma_start3A_88 = tpu.memref_slice %arg21[%dma_start3A_86, %dma_start3A_87] : memref<10112x64xf32, #tpu.memory_space<vmem_shared>> -> memref<10112x64xf32, #tpu.memory_space<vmem_shared>>
        tpu.enqueue_indirect_dma source(%arg9 : memref<128x64xf32, #tpu.memory_space<vmem>>) target(%dma_start3A_88 : memref<10112x64xf32, #tpu.memory_space<vmem_shared>>) offsets(%dma_start3A_85 : memref<128xi32, #tpu.memory_space<vmem>>) semaphore(%arg17 : memref<!tpu.dma_semaphore, #tpu.memory_space<semaphore_mem>>) {add = true}
        %add3A_89 = arith.constant 3 : i32
        %add3A_90 = arith.addi %add3A_76, %add3A_89 : i32
        %lt3A = arith.constant 40 : i32
        %lt3A_91 = arith.cmpi slt, %add3A_90, %lt3A : i32
        %convert_element_type3A = arith.extui %lt3A_91 : i1 to i32
        %cond3A = arith.constant 0 : i32
        %cond3A_92 = arith.cmpi ne, %convert_element_type3A, %cond3A : i32
        scf.if %cond3A_92 {
          %ge3A = arith.constant 1 : i32
          %ge3A_156 = arith.cmpi sge, %add3A_76, %ge3A : i32
          %convert_element_type3A_157 = arith.extui %ge3A_156 : i1 to i32
          %cond3A_158 = arith.constant 0 : i32
          %cond3A_159 = arith.cmpi ne, %convert_element_type3A_157, %cond3A_158 : i32
          scf.if %cond3A_159 {
            %sub3A = arith.constant 1 : i32
            %sub3A_168 = arith.subi %add3A_76, %sub3A : i32
            %dma_wait3A_169 = arith.constant 0 : i32
            %dma_wait3A_170 = tpu.memref_slice %arg8[%sub3A_168, %dma_wait3A_169] : memref<40x128xi32, #tpu.memory_space<vmem>> -> memref<1x128xi32, #tpu.memory_space<vmem>>
            %dma_wait3A_171 = tpu.memref_squeeze %dma_wait3A_170 : memref<1x128xi32, #tpu.memory_space<vmem>> -> memref<128xi32, #tpu.memory_space<vmem>>
            %dma_wait3A_172 = arith.constant 0 : i32
            %dma_wait3A_173 = arith.constant 0 : i32
            %dma_wait3A_174 = tpu.memref_slice %arg21[%dma_wait3A_172, %dma_wait3A_173] : memref<10112x64xf32, #tpu.memory_space<vmem_shared>> -> memref<10112x64xf32, #tpu.memory_space<vmem_shared>>
            tpu.wait_indirect_dma semaphore(%arg20 : memref<!tpu.dma_semaphore, #tpu.memory_space<semaphore_mem>>) src(%arg12 : memref<128x64xf32, #tpu.memory_space<vmem>>) dst(%dma_wait3A_174 : memref<10112x64xf32, #tpu.memory_space<vmem_shared>>)
          } else {
          }
          %add3A_160 = arith.constant 3 : i32
          %add3A_161 = arith.addi %add3A_76, %add3A_160 : i32
          %dma_start3A_162 = arith.constant 0 : i32
          %dma_start3A_163 = tpu.memref_slice %arg7[%add3A_161, %dma_start3A_162] : memref<40x128xi32, #tpu.memory_space<vmem>> -> memref<1x128xi32, #tpu.memory_space<vmem>>
          %dma_start3A_164 = tpu.memref_squeeze %dma_start3A_163 : memref<1x128xi32, #tpu.memory_space<vmem>> -> memref<128xi32, #tpu.memory_space<vmem>>
          %dma_start3A_165 = arith.constant 0 : i32
          %dma_start3A_166 = arith.constant 0 : i32
          %dma_start3A_167 = tpu.memref_slice %arg22[%dma_start3A_165, %dma_start3A_166] : memref<10112x64xf32, #tpu.memory_space<vmem_shared>> -> memref<10112x64xf32, #tpu.memory_space<vmem_shared>>
          tpu.enqueue_indirect_dma source(%dma_start3A_167 : memref<10112x64xf32, #tpu.memory_space<vmem_shared>>) target(%arg12 : memref<128x64xf32, #tpu.memory_space<vmem>>) offsets(%dma_start3A_164 : memref<128xi32, #tpu.memory_space<vmem>>) semaphore(%arg16 : memref<!tpu.dma_semaphore, #tpu.memory_space<semaphore_mem>>)
        } else {
        }
        %add3A_93 = arith.constant 1 : i32
        %add3A_94 = arith.addi %mul3A_75, %add3A_93 : i32
        %dma_wait3A_95 = arith.constant 0 : i32
        %dma_wait3A_96 = tpu.memref_slice %arg7[%add3A_94, %dma_wait3A_95] : memref<40x128xi32, #tpu.memory_space<vmem>> -> memref<1x128xi32, #tpu.memory_space<vmem>>
        %dma_wait3A_97 = tpu.memref_squeeze %dma_wait3A_96 : memref<1x128xi32, #tpu.memory_space<vmem>> -> memref<128xi32, #tpu.memory_space<vmem>>
        %dma_wait3A_98 = arith.constant 0 : i32
        %dma_wait3A_99 = arith.constant 0 : i32
        %dma_wait3A_100 = tpu.memref_slice %arg22[%dma_wait3A_98, %dma_wait3A_99] : memref<10112x64xf32, #tpu.memory_space<vmem_shared>> -> memref<10112x64xf32, #tpu.memory_space<vmem_shared>>
        tpu.wait_indirect_dma semaphore(%arg14 : memref<!tpu.dma_semaphore, #tpu.memory_space<semaphore_mem>>) src(%dma_wait3A_100 : memref<10112x64xf32, #tpu.memory_space<vmem_shared>>) dst(%arg10 : memref<128x64xf32, #tpu.memory_space<vmem>>)
        %dma_start3A_101 = arith.constant 0 : i32
        %dma_start3A_102 = tpu.memref_slice %arg8[%add3A_94, %dma_start3A_101] : memref<40x128xi32, #tpu.memory_space<vmem>> -> memref<1x128xi32, #tpu.memory_space<vmem>>
        %dma_start3A_103 = tpu.memref_squeeze %dma_start3A_102 : memref<1x128xi32, #tpu.memory_space<vmem>> -> memref<128xi32, #tpu.memory_space<vmem>>
        %dma_start3A_104 = arith.constant 0 : i32
        %dma_start3A_105 = arith.constant 0 : i32
        %dma_start3A_106 = tpu.memref_slice %arg21[%dma_start3A_104, %dma_start3A_105] : memref<10112x64xf32, #tpu.memory_space<vmem_shared>> -> memref<10112x64xf32, #tpu.memory_space<vmem_shared>>
        tpu.enqueue_indirect_dma source(%arg10 : memref<128x64xf32, #tpu.memory_space<vmem>>) target(%dma_start3A_106 : memref<10112x64xf32, #tpu.memory_space<vmem_shared>>) offsets(%dma_start3A_103 : memref<128xi32, #tpu.memory_space<vmem>>) semaphore(%arg18 : memref<!tpu.dma_semaphore, #tpu.memory_space<semaphore_mem>>) {add = true}
        %add3A_107 = arith.constant 3 : i32
        %add3A_108 = arith.addi %add3A_94, %add3A_107 : i32
        %lt3A_109 = arith.constant 40 : i32
        %lt3A_110 = arith.cmpi slt, %add3A_108, %lt3A_109 : i32
        %convert_element_type3A_111 = arith.extui %lt3A_110 : i1 to i32
        %cond3A_112 = arith.constant 0 : i32
        %cond3A_113 = arith.cmpi ne, %convert_element_type3A_111, %cond3A_112 : i32
        scf.if %cond3A_113 {
          %ge3A = arith.constant 1 : i32
          %ge3A_156 = arith.cmpi sge, %add3A_94, %ge3A : i32
          %convert_element_type3A_157 = arith.extui %ge3A_156 : i1 to i32
          %cond3A_158 = arith.constant 0 : i32
          %cond3A_159 = arith.cmpi ne, %convert_element_type3A_157, %cond3A_158 : i32
          scf.if %cond3A_159 {
            %sub3A = arith.constant 1 : i32
            %sub3A_168 = arith.subi %add3A_94, %sub3A : i32
            %dma_wait3A_169 = arith.constant 0 : i32
            %dma_wait3A_170 = tpu.memref_slice %arg8[%sub3A_168, %dma_wait3A_169] : memref<40x128xi32, #tpu.memory_space<vmem>> -> memref<1x128xi32, #tpu.memory_space<vmem>>
            %dma_wait3A_171 = tpu.memref_squeeze %dma_wait3A_170 : memref<1x128xi32, #tpu.memory_space<vmem>> -> memref<128xi32, #tpu.memory_space<vmem>>
            %dma_wait3A_172 = arith.constant 0 : i32
            %dma_wait3A_173 = arith.constant 0 : i32
            %dma_wait3A_174 = tpu.memref_slice %arg21[%dma_wait3A_172, %dma_wait3A_173] : memref<10112x64xf32, #tpu.memory_space<vmem_shared>> -> memref<10112x64xf32, #tpu.memory_space<vmem_shared>>
            tpu.wait_indirect_dma semaphore(%arg17 : memref<!tpu.dma_semaphore, #tpu.memory_space<semaphore_mem>>) src(%arg9 : memref<128x64xf32, #tpu.memory_space<vmem>>) dst(%dma_wait3A_174 : memref<10112x64xf32, #tpu.memory_space<vmem_shared>>)
          } else {
          }
          %add3A_160 = arith.constant 3 : i32
          %add3A_161 = arith.addi %add3A_94, %add3A_160 : i32
          %dma_start3A_162 = arith.constant 0 : i32
          %dma_start3A_163 = tpu.memref_slice %arg7[%add3A_161, %dma_start3A_162] : memref<40x128xi32, #tpu.memory_space<vmem>> -> memref<1x128xi32, #tpu.memory_space<vmem>>
          %dma_start3A_164 = tpu.memref_squeeze %dma_start3A_163 : memref<1x128xi32, #tpu.memory_space<vmem>> -> memref<128xi32, #tpu.memory_space<vmem>>
          %dma_start3A_165 = arith.constant 0 : i32
          %dma_start3A_166 = arith.constant 0 : i32
          %dma_start3A_167 = tpu.memref_slice %arg22[%dma_start3A_165, %dma_start3A_166] : memref<10112x64xf32, #tpu.memory_space<vmem_shared>> -> memref<10112x64xf32, #tpu.memory_space<vmem_shared>>
          tpu.enqueue_indirect_dma source(%dma_start3A_167 : memref<10112x64xf32, #tpu.memory_space<vmem_shared>>) target(%arg9 : memref<128x64xf32, #tpu.memory_space<vmem>>) offsets(%dma_start3A_164 : memref<128xi32, #tpu.memory_space<vmem>>) semaphore(%arg13 : memref<!tpu.dma_semaphore, #tpu.memory_space<semaphore_mem>>)
        } else {
        }
        %add3A_114 = arith.constant 2 : i32
        %add3A_115 = arith.addi %mul3A_75, %add3A_114 : i32
        %dma_wait3A_116 = arith.constant 0 : i32
        %dma_wait3A_117 = tpu.memref_slice %arg7[%add3A_115, %dma_wait3A_116] : memref<40x128xi32, #tpu.memory_space<vmem>> -> memref<1x128xi32, #tpu.memory_space<vmem>>
        %dma_wait3A_118 = tpu.memref_squeeze %dma_wait3A_117 : memref<1x128xi32, #tpu.memory_space<vmem>> -> memref<128xi32, #tpu.memory_space<vmem>>
        %dma_wait3A_119 = arith.constant 0 : i32
        %dma_wait3A_120 = arith.constant 0 : i32
        %dma_wait3A_121 = tpu.memref_slice %arg22[%dma_wait3A_119, %dma_wait3A_120] : memref<10112x64xf32, #tpu.memory_space<vmem_shared>> -> memref<10112x64xf32, #tpu.memory_space<vmem_shared>>
        tpu.wait_indirect_dma semaphore(%arg15 : memref<!tpu.dma_semaphore, #tpu.memory_space<semaphore_mem>>) src(%dma_wait3A_121 : memref<10112x64xf32, #tpu.memory_space<vmem_shared>>) dst(%arg11 : memref<128x64xf32, #tpu.memory_space<vmem>>)
        %dma_start3A_122 = arith.constant 0 : i32
        %dma_start3A_123 = tpu.memref_slice %arg8[%add3A_115, %dma_start3A_122] : memref<40x128xi32, #tpu.memory_space<vmem>> -> memref<1x128xi32, #tpu.memory_space<vmem>>
        %dma_start3A_124 = tpu.memref_squeeze %dma_start3A_123 : memref<1x128xi32, #tpu.memory_space<vmem>> -> memref<128xi32, #tpu.memory_space<vmem>>
        %dma_start3A_125 = arith.constant 0 : i32
        %dma_start3A_126 = arith.constant 0 : i32
        %dma_start3A_127 = tpu.memref_slice %arg21[%dma_start3A_125, %dma_start3A_126] : memref<10112x64xf32, #tpu.memory_space<vmem_shared>> -> memref<10112x64xf32, #tpu.memory_space<vmem_shared>>
        tpu.enqueue_indirect_dma source(%arg11 : memref<128x64xf32, #tpu.memory_space<vmem>>) target(%dma_start3A_127 : memref<10112x64xf32, #tpu.memory_space<vmem_shared>>) offsets(%dma_start3A_124 : memref<128xi32, #tpu.memory_space<vmem>>) semaphore(%arg19 : memref<!tpu.dma_semaphore, #tpu.memory_space<semaphore_mem>>) {add = true}
        %add3A_128 = arith.constant 3 : i32
        %add3A_129 = arith.addi %add3A_115, %add3A_128 : i32
        %lt3A_130 = arith.constant 40 : i32
        %lt3A_131 = arith.cmpi slt, %add3A_129, %lt3A_130 : i32
        %convert_element_type3A_132 = arith.extui %lt3A_131 : i1 to i32
        %cond3A_133 = arith.constant 0 : i32
        %cond3A_134 = arith.cmpi ne, %convert_element_type3A_132, %cond3A_133 : i32
        scf.if %cond3A_134 {
          %ge3A = arith.constant 1 : i32
          %ge3A_156 = arith.cmpi sge, %add3A_115, %ge3A : i32
          %convert_element_type3A_157 = arith.extui %ge3A_156 : i1 to i32
          %cond3A_158 = arith.constant 0 : i32
          %cond3A_159 = arith.cmpi ne, %convert_element_type3A_157, %cond3A_158 : i32
          scf.if %cond3A_159 {
            %sub3A = arith.constant 1 : i32
            %sub3A_168 = arith.subi %add3A_115, %sub3A : i32
            %dma_wait3A_169 = arith.constant 0 : i32
            %dma_wait3A_170 = tpu.memref_slice %arg8[%sub3A_168, %dma_wait3A_169] : memref<40x128xi32, #tpu.memory_space<vmem>> -> memref<1x128xi32, #tpu.memory_space<vmem>>
            %dma_wait3A_171 = tpu.memref_squeeze %dma_wait3A_170 : memref<1x128xi32, #tpu.memory_space<vmem>> -> memref<128xi32, #tpu.memory_space<vmem>>
            %dma_wait3A_172 = arith.constant 0 : i32
            %dma_wait3A_173 = arith.constant 0 : i32
            %dma_wait3A_174 = tpu.memref_slice %arg21[%dma_wait3A_172, %dma_wait3A_173] : memref<10112x64xf32, #tpu.memory_space<vmem_shared>> -> memref<10112x64xf32, #tpu.memory_space<vmem_shared>>
            tpu.wait_indirect_dma semaphore(%arg18 : memref<!tpu.dma_semaphore, #tpu.memory_space<semaphore_mem>>) src(%arg10 : memref<128x64xf32, #tpu.memory_space<vmem>>) dst(%dma_wait3A_174 : memref<10112x64xf32, #tpu.memory_space<vmem_shared>>)
          } else {
          }
          %add3A_160 = arith.constant 3 : i32
          %add3A_161 = arith.addi %add3A_115, %add3A_160 : i32
          %dma_start3A_162 = arith.constant 0 : i32
          %dma_start3A_163 = tpu.memref_slice %arg7[%add3A_161, %dma_start3A_162] : memref<40x128xi32, #tpu.memory_space<vmem>> -> memref<1x128xi32, #tpu.memory_space<vmem>>
          %dma_start3A_164 = tpu.memref_squeeze %dma_start3A_163 : memref<1x128xi32, #tpu.memory_space<vmem>> -> memref<128xi32, #tpu.memory_space<vmem>>
          %dma_start3A_165 = arith.constant 0 : i32
          %dma_start3A_166 = arith.constant 0 : i32
          %dma_start3A_167 = tpu.memref_slice %arg22[%dma_start3A_165, %dma_start3A_166] : memref<10112x64xf32, #tpu.memory_space<vmem_shared>> -> memref<10112x64xf32, #tpu.memory_space<vmem_shared>>
          tpu.enqueue_indirect_dma source(%dma_start3A_167 : memref<10112x64xf32, #tpu.memory_space<vmem_shared>>) target(%arg10 : memref<128x64xf32, #tpu.memory_space<vmem>>) offsets(%dma_start3A_164 : memref<128xi32, #tpu.memory_space<vmem>>) semaphore(%arg14 : memref<!tpu.dma_semaphore, #tpu.memory_space<semaphore_mem>>)
        } else {
        }
        %add3A_135 = arith.constant 3 : i32
        %add3A_136 = arith.addi %mul3A_75, %add3A_135 : i32
        %dma_wait3A_137 = arith.constant 0 : i32
        %dma_wait3A_138 = tpu.memref_slice %arg7[%add3A_136, %dma_wait3A_137] : memref<40x128xi32, #tpu.memory_space<vmem>> -> memref<1x128xi32, #tpu.memory_space<vmem>>
        %dma_wait3A_139 = tpu.memref_squeeze %dma_wait3A_138 : memref<1x128xi32, #tpu.memory_space<vmem>> -> memref<128xi32, #tpu.memory_space<vmem>>
        %dma_wait3A_140 = arith.constant 0 : i32
        %dma_wait3A_141 = arith.constant 0 : i32
        %dma_wait3A_142 = tpu.memref_slice %arg22[%dma_wait3A_140, %dma_wait3A_141] : memref<10112x64xf32, #tpu.memory_space<vmem_shared>> -> memref<10112x64xf32, #tpu.memory_space<vmem_shared>>
        tpu.wait_indirect_dma semaphore(%arg16 : memref<!tpu.dma_semaphore, #tpu.memory_space<semaphore_mem>>) src(%dma_wait3A_142 : memref<10112x64xf32, #tpu.memory_space<vmem_shared>>) dst(%arg12 : memref<128x64xf32, #tpu.memory_space<vmem>>)
        %dma_start3A_143 = arith.constant 0 : i32
        %dma_start3A_144 = tpu.memref_slice %arg8[%add3A_136, %dma_start3A_143] : memref<40x128xi32, #tpu.memory_space<vmem>> -> memref<1x128xi32, #tpu.memory_space<vmem>>
        %dma_start3A_145 = tpu.memref_squeeze %dma_start3A_144 : memref<1x128xi32, #tpu.memory_space<vmem>> -> memref<128xi32, #tpu.memory_space<vmem>>
        %dma_start3A_146 = arith.constant 0 : i32
        %dma_start3A_147 = arith.constant 0 : i32
        %dma_start3A_148 = tpu.memref_slice %arg21[%dma_start3A_146, %dma_start3A_147] : memref<10112x64xf32, #tpu.memory_space<vmem_shared>> -> memref<10112x64xf32, #tpu.memory_space<vmem_shared>>
        tpu.enqueue_indirect_dma source(%arg12 : memref<128x64xf32, #tpu.memory_space<vmem>>) target(%dma_start3A_148 : memref<10112x64xf32, #tpu.memory_space<vmem_shared>>) offsets(%dma_start3A_145 : memref<128xi32, #tpu.memory_space<vmem>>) semaphore(%arg20 : memref<!tpu.dma_semaphore, #tpu.memory_space<semaphore_mem>>) {add = true}
        %add3A_149 = arith.constant 3 : i32
        %add3A_150 = arith.addi %add3A_136, %add3A_149 : i32
        %lt3A_151 = arith.constant 40 : i32
        %lt3A_152 = arith.cmpi slt, %add3A_150, %lt3A_151 : i32
        %convert_element_type3A_153 = arith.extui %lt3A_152 : i1 to i32
        %cond3A_154 = arith.constant 0 : i32
        %cond3A_155 = arith.cmpi ne, %convert_element_type3A_153, %cond3A_154 : i32
        scf.if %cond3A_155 {
          %ge3A = arith.constant 1 : i32
          %ge3A_156 = arith.cmpi sge, %add3A_136, %ge3A : i32
          %convert_element_type3A_157 = arith.extui %ge3A_156 : i1 to i32
          %cond3A_158 = arith.constant 0 : i32
          %cond3A_159 = arith.cmpi ne, %convert_element_type3A_157, %cond3A_158 : i32
          scf.if %cond3A_159 {
            %sub3A = arith.constant 1 : i32
            %sub3A_168 = arith.subi %add3A_136, %sub3A : i32
            %dma_wait3A_169 = arith.constant 0 : i32
            %dma_wait3A_170 = tpu.memref_slice %arg8[%sub3A_168, %dma_wait3A_169] : memref<40x128xi32, #tpu.memory_space<vmem>> -> memref<1x128xi32, #tpu.memory_space<vmem>>
            %dma_wait3A_171 = tpu.memref_squeeze %dma_wait3A_170 : memref<1x128xi32, #tpu.memory_space<vmem>> -> memref<128xi32, #tpu.memory_space<vmem>>
            %dma_wait3A_172 = arith.constant 0 : i32
            %dma_wait3A_173 = arith.constant 0 : i32
            %dma_wait3A_174 = tpu.memref_slice %arg21[%dma_wait3A_172, %dma_wait3A_173] : memref<10112x64xf32, #tpu.memory_space<vmem_shared>> -> memref<10112x64xf32, #tpu.memory_space<vmem_shared>>
            tpu.wait_indirect_dma semaphore(%arg19 : memref<!tpu.dma_semaphore, #tpu.memory_space<semaphore_mem>>) src(%arg11 : memref<128x64xf32, #tpu.memory_space<vmem>>) dst(%dma_wait3A_174 : memref<10112x64xf32, #tpu.memory_space<vmem_shared>>)
          } else {
          }
          %add3A_160 = arith.constant 3 : i32
          %add3A_161 = arith.addi %add3A_136, %add3A_160 : i32
          %dma_start3A_162 = arith.constant 0 : i32
          %dma_start3A_163 = tpu.memref_slice %arg7[%add3A_161, %dma_start3A_162] : memref<40x128xi32, #tpu.memory_space<vmem>> -> memref<1x128xi32, #tpu.memory_space<vmem>>
          %dma_start3A_164 = tpu.memref_squeeze %dma_start3A_163 : memref<1x128xi32, #tpu.memory_space<vmem>> -> memref<128xi32, #tpu.memory_space<vmem>>
          %dma_start3A_165 = arith.constant 0 : i32
          %dma_start3A_166 = arith.constant 0 : i32
          %dma_start3A_167 = tpu.memref_slice %arg22[%dma_start3A_165, %dma_start3A_166] : memref<10112x64xf32, #tpu.memory_space<vmem_shared>> -> memref<10112x64xf32, #tpu.memory_space<vmem_shared>>
          tpu.enqueue_indirect_dma source(%dma_start3A_167 : memref<10112x64xf32, #tpu.memory_space<vmem_shared>>) target(%arg11 : memref<128x64xf32, #tpu.memory_space<vmem>>) offsets(%dma_start3A_164 : memref<128xi32, #tpu.memory_space<vmem>>) semaphore(%arg15 : memref<!tpu.dma_semaphore, #tpu.memory_space<semaphore_mem>>)
        } else {
        }
      }
      %scan3A_45 = arith.constant 10 : i32
      %dma_wait3A = arith.constant 36 : i32
      %dma_wait3A_46 = arith.constant 0 : i32
      %dma_wait3A_47 = tpu.memref_slice %arg8[%dma_wait3A, %dma_wait3A_46] : memref<40x128xi32, #tpu.memory_space<vmem>> -> memref<1x128xi32, #tpu.memory_space<vmem>>
      %dma_wait3A_48 = tpu.memref_squeeze %dma_wait3A_47 : memref<1x128xi32, #tpu.memory_space<vmem>> -> memref<128xi32, #tpu.memory_space<vmem>>
      %dma_wait3A_49 = arith.constant 0 : i32
      %dma_wait3A_50 = arith.constant 0 : i32
      %dma_wait3A_51 = tpu.memref_slice %arg21[%dma_wait3A_49, %dma_wait3A_50] : memref<10112x64xf32, #tpu.memory_space<vmem_shared>> -> memref<10112x64xf32, #tpu.memory_space<vmem_shared>>
      tpu.wait_indirect_dma semaphore(%arg17 : memref<!tpu.dma_semaphore, #tpu.memory_space<semaphore_mem>>) src(%arg9 : memref<128x64xf32, #tpu.memory_space<vmem>>) dst(%dma_wait3A_51 : memref<10112x64xf32, #tpu.memory_space<vmem_shared>>)
      %dma_wait3A_52 = arith.constant 37 : i32
      %dma_wait3A_53 = arith.constant 0 : i32
      %dma_wait3A_54 = tpu.memref_slice %arg8[%dma_wait3A_52, %dma_wait3A_53] : memref<40x128xi32, #tpu.memory_space<vmem>> -> memref<1x128xi32, #tpu.memory_space<vmem>>
      %dma_wait3A_55 = tpu.memref_squeeze %dma_wait3A_54 : memref<1x128xi32, #tpu.memory_space<vmem>> -> memref<128xi32, #tpu.memory_space<vmem>>
      %dma_wait3A_56 = arith.constant 0 : i32
      %dma_wait3A_57 = arith.constant 0 : i32
      %dma_wait3A_58 = tpu.memref_slice %arg21[%dma_wait3A_56, %dma_wait3A_57] : memref<10112x64xf32, #tpu.memory_space<vmem_shared>> -> memref<10112x64xf32, #tpu.memory_space<vmem_shared>>
      tpu.wait_indirect_dma semaphore(%arg18 : memref<!tpu.dma_semaphore, #tpu.memory_space<semaphore_mem>>) src(%arg10 : memref<128x64xf32, #tpu.memory_space<vmem>>) dst(%dma_wait3A_58 : memref<10112x64xf32, #tpu.memory_space<vmem_shared>>)
      %dma_wait3A_59 = arith.constant 38 : i32
      %dma_wait3A_60 = arith.constant 0 : i32
      %dma_wait3A_61 = tpu.memref_slice %arg8[%dma_wait3A_59, %dma_wait3A_60] : memref<40x128xi32, #tpu.memory_space<vmem>> -> memref<1x128xi32, #tpu.memory_space<vmem>>
      %dma_wait3A_62 = tpu.memref_squeeze %dma_wait3A_61 : memref<1x128xi32, #tpu.memory_space<vmem>> -> memref<128xi32, #tpu.memory_space<vmem>>
      %dma_wait3A_63 = arith.constant 0 : i32
      %dma_wait3A_64 = arith.constant 0 : i32
      %dma_wait3A_65 = tpu.memref_slice %arg21[%dma_wait3A_63, %dma_wait3A_64] : memref<10112x64xf32, #tpu.memory_space<vmem_shared>> -> memref<10112x64xf32, #tpu.memory_space<vmem_shared>>
      tpu.wait_indirect_dma semaphore(%arg19 : memref<!tpu.dma_semaphore, #tpu.memory_space<semaphore_mem>>) src(%arg11 : memref<128x64xf32, #tpu.memory_space<vmem>>) dst(%dma_wait3A_65 : memref<10112x64xf32, #tpu.memory_space<vmem_shared>>)
      %dma_wait3A_66 = arith.constant 39 : i32
      %dma_wait3A_67 = arith.constant 0 : i32
      %dma_wait3A_68 = tpu.memref_slice %arg8[%dma_wait3A_66, %dma_wait3A_67] : memref<40x128xi32, #tpu.memory_space<vmem>> -> memref<1x128xi32, #tpu.memory_space<vmem>>
      %dma_wait3A_69 = tpu.memref_squeeze %dma_wait3A_68 : memref<1x128xi32, #tpu.memory_space<vmem>> -> memref<128xi32, #tpu.memory_space<vmem>>
      %dma_wait3A_70 = arith.constant 0 : i32
      %dma_wait3A_71 = arith.constant 0 : i32
      %dma_wait3A_72 = tpu.memref_slice %arg21[%dma_wait3A_70, %dma_wait3A_71] : memref<10112x64xf32, #tpu.memory_space<vmem_shared>> -> memref<10112x64xf32, #tpu.memory_space<vmem_shared>>
      tpu.wait_indirect_dma semaphore(%arg20 : memref<!tpu.dma_semaphore, #tpu.memory_space<semaphore_mem>>) src(%arg12 : memref<128x64xf32, #tpu.memory_space<vmem>>) dst(%dma_wait3A_72 : memref<10112x64xf32, #tpu.memory_space<vmem_shared>>)
    }
    %scan3A_9 = arith.constant 4 : i32
    %barrier3A_10 = arith.constant 0 : index
    tpu.barrier barrier_id(%barrier3A_10)
    %mul3A_11 = arith.constant 632 : i32
    %mul3A_12 = arith.muli %arg1, %mul3A_11 : i32
    %mul3A_13 = arith.constant 632 : i32
    %mul3A_14 = arith.muli %arg1, %mul3A_13 : i32
    "tpu.region"() ({
      %run_scoped3A = tpu.sem_alloc : memref<!tpu.dma_semaphore, #tpu.memory_space<semaphore_mem>>
      %dma_start3A = arith.constant 0 : i32
      %dma_start3A_15 = tpu.memref_slice %arg6[%arg0, %mul3A_14, %dma_start3A] : memref<2x10112x64xf32, #tpu.memory_space<hbm>> -> memref<1x632x64xf32, #tpu.memory_space<hbm>>
      %dma_start3A_16 = tpu.memref_squeeze %dma_start3A_15 : memref<1x632x64xf32, #tpu.memory_space<hbm>> -> memref<632x64xf32, #tpu.memory_space<hbm>>
      %dma_start3A_17 = arith.constant 0 : i32
      %dma_start3A_18 = tpu.memref_slice %arg21[%mul3A_12, %dma_start3A_17] : memref<10112x64xf32, #tpu.memory_space<vmem_shared>> -> memref<632x64xf32, #tpu.memory_space<vmem_shared>>
      tpu.enqueue_dma source(%dma_start3A_18 : memref<632x64xf32, #tpu.memory_space<vmem_shared>>) target(%dma_start3A_16 : memref<632x64xf32, #tpu.memory_space<hbm>>) target_semaphore(%run_scoped3A : memref<!tpu.dma_semaphore, #tpu.memory_space<semaphore_mem>>)
      %dma_wait3A = arith.constant 0 : i32
      %dma_wait3A_19 = tpu.memref_slice %arg6[%arg0, %mul3A_14, %dma_wait3A] : memref<2x10112x64xf32, #tpu.memory_space<hbm>> -> memref<1x632x64xf32, #tpu.memory_space<hbm>>
      %dma_wait3A_20 = tpu.memref_squeeze %dma_wait3A_19 : memref<1x632x64xf32, #tpu.memory_space<hbm>> -> memref<632x64xf32, #tpu.memory_space<hbm>>
      %dma_wait3A_21 = arith.constant 0 : i32
      %dma_wait3A_22 = tpu.memref_slice %arg21[%mul3A_12, %dma_wait3A_21] : memref<10112x64xf32, #tpu.memory_space<vmem_shared>> -> memref<632x64xf32, #tpu.memory_space<vmem_shared>>
      tpu.wait_dma2 semaphore(%run_scoped3A : memref<!tpu.dma_semaphore, #tpu.memory_space<semaphore_mem>>) src(%dma_wait3A_22 : memref<632x64xf32, #tpu.memory_space<vmem_shared>>) dst(%dma_wait3A_20 : memref<632x64xf32, #tpu.memory_space<hbm>>)
      tpu.yield
    }) : () -> ()
    return
  }
}

#map = affine_map<(d0, d1) -> (0, 0, 0)>
#map1 = affine_map<(d0, d1) -> (0, 0)>
module attributes {stable_mosaic.version = 14 : i64} {
  func.func @spmm(%arg0: i32, %arg1: i32, %arg2: memref<2x10000x64xf32, #tpu.memory_space<hbm>>, %arg3: memref<16x160x128xi32, #tpu.memory_space<hbm>>, %arg4: memref<16x160x128xi32, #tpu.memory_space<hbm>>, %arg5: memref<632x64xf32, #tpu.memory_space<hbm>>, %arg6: memref<2x10112x64xf32, #tpu.memory_space<hbm>>, %arg7: memref<40x128xi32, #tpu.memory_space<vmem>>, %arg8: memref<40x128xi32, #tpu.memory_space<vmem>>, %arg9: memref<128x64xf32, #tpu.memory_space<vmem>>, %arg10: memref<128x64xf32, #tpu.memory_space<vmem>>, %arg11: memref<128x64xf32, #tpu.memory_space<vmem>>, %arg12: memref<128x64xf32, #tpu.memory_space<vmem>>, %arg13: memref<!tpu.dma_semaphore, #tpu.memory_space<semaphore_mem>>, %arg14: memref<!tpu.dma_semaphore, #tpu.memory_space<semaphore_mem>>, %arg15: memref<!tpu.dma_semaphore, #tpu.memory_space<semaphore_mem>>, %arg16: memref<!tpu.dma_semaphore, #tpu.memory_space<semaphore_mem>>, %arg17: memref<!tpu.dma_semaphore, #tpu.memory_space<semaphore_mem>>, %arg18: memref<!tpu.dma_semaphore, #tpu.memory_space<semaphore_mem>>, %arg19: memref<!tpu.dma_semaphore, #tpu.memory_space<semaphore_mem>>, %arg20: memref<!tpu.dma_semaphore, #tpu.memory_space<semaphore_mem>>, %arg21: memref<10112x64xf32, #tpu.memory_space<vmem_shared>>, %arg22: memref<10112x64xf32, #tpu.memory_space<vmem_shared>>) attributes {dimension_semantics = [#tpu.dimension_semantics<core_parallel>, #tpu.dimension_semantics<subcore_parallel>], iteration_bounds = array<i64: 2, 16>, scalar_prefetch = 0 : i64, scratch_operands = 16 : i64, tpu.core_type = #tpu.core_type<sc_vector_subcore>, window_params = [{transform_indices = #map}, {transform_indices = #map}, {transform_indices = #map}, {transform_indices = #map1}, {transform_indices = #map}]} {
    %mul3A = arith.constant 625 : i32
    %mul3A_0 = arith.muli %arg1, %mul3A : i32
    %mul3A_1 = arith.constant 625 : i32
    %mul3A_2 = arith.muli %arg1, %mul3A_1 : i32
    "tpu.region"() ({
      %run_scoped3A = tpu.sem_alloc : memref<!tpu.dma_semaphore, #tpu.memory_space<semaphore_mem>>
      %dma_start3A = arith.constant 0 : i32
      %dma_start3A_15 = tpu.memref_slice %arg22[%mul3A_2, %dma_start3A] : memref<10112x64xf32, #tpu.memory_space<vmem_shared>> -> memref<625x64xf32, #tpu.memory_space<vmem_shared>>
      %dma_start3A_16 = arith.constant 0 : i32
      %dma_start3A_17 = tpu.memref_slice %arg2[%arg0, %mul3A_0, %dma_start3A_16] : memref<2x10000x64xf32, #tpu.memory_space<hbm>> -> memref<1x625x64xf32, #tpu.memory_space<hbm>>
      %dma_start3A_18 = tpu.memref_squeeze %dma_start3A_17 : memref<1x625x64xf32, #tpu.memory_space<hbm>> -> memref<625x64xf32, #tpu.memory_space<hbm>>
      tpu.enqueue_dma source(%dma_start3A_18 : memref<625x64xf32, #tpu.memory_space<hbm>>) target(%dma_start3A_15 : memref<625x64xf32, #tpu.memory_space<vmem_shared>>) target_semaphore(%run_scoped3A : memref<!tpu.dma_semaphore, #tpu.memory_space<semaphore_mem>>)
      %dma_wait3A = arith.constant 0 : i32
      %dma_wait3A_19 = tpu.memref_slice %arg22[%mul3A_2, %dma_wait3A] : memref<10112x64xf32, #tpu.memory_space<vmem_shared>> -> memref<625x64xf32, #tpu.memory_space<vmem_shared>>
      %dma_wait3A_20 = arith.constant 0 : i32
      %dma_wait3A_21 = tpu.memref_slice %arg2[%arg0, %mul3A_0, %dma_wait3A_20] : memref<2x10000x64xf32, #tpu.memory_space<hbm>> -> memref<1x625x64xf32, #tpu.memory_space<hbm>>
      %dma_wait3A_22 = tpu.memref_squeeze %dma_wait3A_21 : memref<1x625x64xf32, #tpu.memory_space<hbm>> -> memref<625x64xf32, #tpu.memory_space<hbm>>
      tpu.wait_dma2 semaphore(%run_scoped3A : memref<!tpu.dma_semaphore, #tpu.memory_space<semaphore_mem>>) src(%dma_wait3A_22 : memref<625x64xf32, #tpu.memory_space<hbm>>) dst(%dma_wait3A_19 : memref<625x64xf32, #tpu.memory_space<vmem_shared>>)
      tpu.yield
    }) : () -> ()
    %mul3A_3 = arith.constant 632 : i32
    %mul3A_4 = arith.muli %arg1, %mul3A_3 : i32
    "tpu.region"() ({
      %run_scoped3A = tpu.sem_alloc : memref<!tpu.dma_semaphore, #tpu.memory_space<semaphore_mem>>
      %dma_start3A = arith.constant 0 : i32
      %dma_start3A_15 = tpu.memref_slice %arg21[%mul3A_4, %dma_start3A] : memref<10112x64xf32, #tpu.memory_space<vmem_shared>> -> memref<632x64xf32, #tpu.memory_space<vmem_shared>>
      tpu.enqueue_dma source(%arg5 : memref<632x64xf32, #tpu.memory_space<hbm>>) target(%dma_start3A_15 : memref<632x64xf32, #tpu.memory_space<vmem_shared>>) target_semaphore(%run_scoped3A : memref<!tpu.dma_semaphore, #tpu.memory_space<semaphore_mem>>)
      %dma_wait3A = arith.constant 0 : i32
      %dma_wait3A_16 = tpu.memref_slice %arg21[%mul3A_4, %dma_wait3A] : memref<10112x64xf32, #tpu.memory_space<vmem_shared>> -> memref<632x64xf32, #tpu.memory_space<vmem_shared>>
      tpu.wait_dma2 semaphore(%run_scoped3A : memref<!tpu.dma_semaphore, #tpu.memory_space<semaphore_mem>>) src(%arg5 : memref<632x64xf32, #tpu.memory_space<hbm>>) dst(%dma_wait3A_16 : memref<632x64xf32, #tpu.memory_space<vmem_shared>>)
      tpu.yield
    }) : () -> ()
    %barrier3A = arith.constant 0 : index
    tpu.barrier barrier_id(%barrier3A)
    %scan3A = arith.constant 0 : i32
    %scan3A_5 = arith.constant 0 : i32
    %scan3A_6 = arith.constant 4 : i32
    %scan3A_7 = arith.addi %scan3A_5, %scan3A_6 : i32
    %scan3A_8 = arith.constant 1 : i32
    scf.for %scan3A_15 = %scan3A_5 to %scan3A_7 step %scan3A_8  : i32 {
      %mul3A_16 = arith.constant 40 : i32
      %mul3A_17 = arith.muli %scan3A_15, %mul3A_16 : i32
      "tpu.region"() ({
        %run_scoped3A = tpu.sem_alloc : memref<!tpu.dma_semaphore, #tpu.memory_space<semaphore_mem>>
        %dma_start3A_73 = arith.constant 0 : i32
        %dma_start3A_74 = tpu.memref_slice %arg3[%arg1, %mul3A_17, %dma_start3A_73] : memref<16x160x128xi32, #tpu.memory_space<hbm>> -> memref<1x40x128xi32, #tpu.memory_space<hbm>>
        %dma_start3A_75 = tpu.memref_squeeze %dma_start3A_74 : memref<1x40x128xi32, #tpu.memory_space<hbm>> -> memref<40x128xi32, #tpu.memory_space<hbm>>
        %dma_start3A_76 = arith.constant 0 : i32
        %dma_start3A_77 = tpu.memref_slice %arg3[%arg1, %mul3A_17, %dma_start3A_76] : memref<16x160x128xi32, #tpu.memory_space<hbm>> -> memref<1x40x128xi32, #tpu.memory_space<hbm>>
        %dma_start3A_78 = tpu.memref_squeeze %dma_start3A_77 : memref<1x40x128xi32, #tpu.memory_space<hbm>> -> memref<40x128xi32, #tpu.memory_space<hbm>>
        tpu.enqueue_dma source(%dma_start3A_78 : memref<40x128xi32, #tpu.memory_space<hbm>>) target(%arg7 : memref<40x128xi32, #tpu.memory_space<vmem>>) target_semaphore(%run_scoped3A : memref<!tpu.dma_semaphore, #tpu.memory_space<semaphore_mem>>)
        %dma_wait3A_79 = arith.constant 0 : i32
        %dma_wait3A_80 = tpu.memref_slice %arg3[%arg1, %mul3A_17, %dma_wait3A_79] : memref<16x160x128xi32, #tpu.memory_space<hbm>> -> memref<1x40x128xi32, #tpu.memory_space<hbm>>
        %dma_wait3A_81 = tpu.memref_squeeze %dma_wait3A_80 : memref<1x40x128xi32, #tpu.memory_space<hbm>> -> memref<40x128xi32, #tpu.memory_space<hbm>>
        %dma_wait3A_82 = arith.constant 0 : i32
        %dma_wait3A_83 = tpu.memref_slice %arg3[%arg1, %mul3A_17, %dma_wait3A_82] : memref<16x160x128xi32, #tpu.memory_space<hbm>> -> memref<1x40x128xi32, #tpu.memory_space<hbm>>
        %dma_wait3A_84 = tpu.memref_squeeze %dma_wait3A_83 : memref<1x40x128xi32, #tpu.memory_space<hbm>> -> memref<40x128xi32, #tpu.memory_space<hbm>>
        tpu.wait_dma2 semaphore(%run_scoped3A : memref<!tpu.dma_semaphore, #tpu.memory_space<semaphore_mem>>) src(%dma_wait3A_84 : memref<40x128xi32, #tpu.memory_space<hbm>>) dst(%arg7 : memref<40x128xi32, #tpu.memory_space<vmem>>)
        tpu.yield
      }) : () -> ()
      %mul3A_18 = arith.constant 40 : i32
      %mul3A_19 = arith.muli %scan3A_15, %mul3A_18 : i32
      "tpu.region"() ({
        %run_scoped3A = tpu.sem_alloc : memref<!tpu.dma_semaphore, #tpu.memory_space<semaphore_mem>>
        %dma_start3A_73 = arith.constant 0 : i32
        %dma_start3A_74 = tpu.memref_slice %arg4[%arg1, %mul3A_19, %dma_start3A_73] : memref<16x160x128xi32, #tpu.memory_space<hbm>> -> memref<1x40x128xi32, #tpu.memory_space<hbm>>
        %dma_start3A_75 = tpu.memref_squeeze %dma_start3A_74 : memref<1x40x128xi32, #tpu.memory_space<hbm>> -> memref<40x128xi32, #tpu.memory_space<hbm>>
        %dma_start3A_76 = arith.constant 0 : i32
        %dma_start3A_77 = tpu.memref_slice %arg4[%arg1, %mul3A_19, %dma_start3A_76] : memref<16x160x128xi32, #tpu.memory_space<hbm>> -> memref<1x40x128xi32, #tpu.memory_space<hbm>>
        %dma_start3A_78 = tpu.memref_squeeze %dma_start3A_77 : memref<1x40x128xi32, #tpu.memory_space<hbm>> -> memref<40x128xi32, #tpu.memory_space<hbm>>
        tpu.enqueue_dma source(%dma_start3A_78 : memref<40x128xi32, #tpu.memory_space<hbm>>) target(%arg8 : memref<40x128xi32, #tpu.memory_space<vmem>>) target_semaphore(%run_scoped3A : memref<!tpu.dma_semaphore, #tpu.memory_space<semaphore_mem>>)
        %dma_wait3A_79 = arith.constant 0 : i32
        %dma_wait3A_80 = tpu.memref_slice %arg4[%arg1, %mul3A_19, %dma_wait3A_79] : memref<16x160x128xi32, #tpu.memory_space<hbm>> -> memref<1x40x128xi32, #tpu.memory_space<hbm>>
        %dma_wait3A_81 = tpu.memref_squeeze %dma_wait3A_80 : memref<1x40x128xi32, #tpu.memory_space<hbm>> -> memref<40x128xi32, #tpu.memory_space<hbm>>
        %dma_wait3A_82 = arith.constant 0 : i32
        %dma_wait3A_83 = tpu.memref_slice %arg4[%arg1, %mul3A_19, %dma_wait3A_82] : memref<16x160x128xi32, #tpu.memory_space<hbm>> -> memref<1x40x128xi32, #tpu.memory_space<hbm>>
        %dma_wait3A_84 = tpu.memref_squeeze %dma_wait3A_83 : memref<1x40x128xi32, #tpu.memory_space<hbm>> -> memref<40x128xi32, #tpu.memory_space<hbm>>
        tpu.wait_dma2 semaphore(%run_scoped3A : memref<!tpu.dma_semaphore, #tpu.memory_space<semaphore_mem>>) src(%dma_wait3A_84 : memref<40x128xi32, #tpu.memory_space<hbm>>) dst(%arg8 : memref<40x128xi32, #tpu.memory_space<vmem>>)
        tpu.yield
      }) : () -> ()
      %dma_start3A = arith.constant 0 : i32
      %dma_start3A_20 = arith.constant 0 : i32
      %dma_start3A_21 = tpu.memref_slice %arg7[%dma_start3A, %dma_start3A_20] : memref<40x128xi32, #tpu.memory_space<vmem>> -> memref<1x128xi32, #tpu.memory_space<vmem>>
      %dma_start3A_22 = tpu.memref_squeeze %dma_start3A_21 : memref<1x128xi32, #tpu.memory_space<vmem>> -> memref<128xi32, #tpu.memory_space<vmem>>
      %dma_start3A_23 = arith.constant 0 : i32
      %dma_start3A_24 = arith.constant 0 : i32
      %dma_start3A_25 = tpu.memref_slice %arg22[%dma_start3A_23, %dma_start3A_24] : memref<10112x64xf32, #tpu.memory_space<vmem_shared>> -> memref<10112x64xf32, #tpu.memory_space<vmem_shared>>
      tpu.enqueue_indirect_dma source(%dma_start3A_25 : memref<10112x64xf32, #tpu.memory_space<vmem_shared>>) target(%arg9 : memref<128x64xf32, #tpu.memory_space<vmem>>) offsets(%dma_start3A_22 : memref<128xi32, #tpu.memory_space<vmem>>) semaphore(%arg13 : memref<!tpu.dma_semaphore, #tpu.memory_space<semaphore_mem>>)
      %dma_start3A_26 = arith.constant 1 : i32
      %dma_start3A_27 = arith.constant 0 : i32
      %dma_start3A_28 = tpu.memref_slice %arg7[%dma_start3A_26, %dma_start3A_27] : memref<40x128xi32, #tpu.memory_space<vmem>> -> memref<1x128xi32, #tpu.memory_space<vmem>>
      %dma_start3A_29 = tpu.memref_squeeze %dma_start3A_28 : memref<1x128xi32, #tpu.memory_space<vmem>> -> memref<128xi32, #tpu.memory_space<vmem>>
      %dma_start3A_30 = arith.constant 0 : i32
      %dma_start3A_31 = arith.constant 0 : i32
      %dma_start3A_32 = tpu.memref_slice %arg22[%dma_start3A_30, %dma_start3A_31] : memref<10112x64xf32, #tpu.memory_space<vmem_shared>> -> memref<10112x64xf32, #tpu.memory_space<vmem_shared>>
      tpu.enqueue_indirect_dma source(%dma_start3A_32 : memref<10112x64xf32, #tpu.memory_space<vmem_shared>>) target(%arg10 : memref<128x64xf32, #tpu.memory_space<vmem>>) offsets(%dma_start3A_29 : memref<128xi32, #tpu.memory_space<vmem>>) semaphore(%arg14 : memref<!tpu.dma_semaphore, #tpu.memory_space<semaphore_mem>>)
      %dma_start3A_33 = arith.constant 2 : i32
      %dma_start3A_34 = arith.constant 0 : i32
      %dma_start3A_35 = tpu.memref_slice %arg7[%dma_start3A_33, %dma_start3A_34] : memref<40x128xi32, #tpu.memory_space<vmem>> -> memref<1x128xi32, #tpu.memory_space<vmem>>
      %dma_start3A_36 = tpu.memref_squeeze %dma_start3A_35 : memref<1x128xi32, #tpu.memory_space<vmem>> -> memref<128xi32, #tpu.memory_space<vmem>>
      %dma_start3A_37 = arith.constant 0 : i32
      %dma_start3A_38 = arith.constant 0 : i32
      %dma_start3A_39 = tpu.memref_slice %arg22[%dma_start3A_37, %dma_start3A_38] : memref<10112x64xf32, #tpu.memory_space<vmem_shared>> -> memref<10112x64xf32, #tpu.memory_space<vmem_shared>>
      tpu.enqueue_indirect_dma source(%dma_start3A_39 : memref<10112x64xf32, #tpu.memory_space<vmem_shared>>) target(%arg11 : memref<128x64xf32, #tpu.memory_space<vmem>>) offsets(%dma_start3A_36 : memref<128xi32, #tpu.memory_space<vmem>>) semaphore(%arg15 : memref<!tpu.dma_semaphore, #tpu.memory_space<semaphore_mem>>)
      %scan3A_40 = arith.constant 0 : i32
      %scan3A_41 = arith.constant 0 : i32
      %scan3A_42 = arith.constant 10 : i32
      %scan3A_43 = arith.addi %scan3A_41, %scan3A_42 : i32
      %scan3A_44 = arith.constant 1 : i32
      scf.for %scan3A_73 = %scan3A_41 to %scan3A_43 step %scan3A_44  : i32 {
        %mul3A_74 = arith.constant 4 : i32
        %mul3A_75 = arith.muli %scan3A_73, %mul3A_74 : i32
        %add3A = arith.constant 0 : i32
        %add3A_76 = arith.addi %mul3A_75, %add3A : i32
        %dma_wait3A_77 = arith.constant 0 : i32
        %dma_wait3A_78 = tpu.memref_slice %arg7[%add3A_76, %dma_wait3A_77] : memref<40x128xi32, #tpu.memory_space<vmem>> -> memref<1x128xi32, #tpu.memory_space<vmem>>
        %dma_wait3A_79 = tpu.memref_squeeze %dma_wait3A_78 : memref<1x128xi32, #tpu.memory_space<vmem>> -> memref<128xi32, #tpu.memory_space<vmem>>
        %dma_wait3A_80 = arith.constant 0 : i32
        %dma_wait3A_81 = arith.constant 0 : i32
        %dma_wait3A_82 = tpu.memref_slice %arg22[%dma_wait3A_80, %dma_wait3A_81] : memref<10112x64xf32, #tpu.memory_space<vmem_shared>> -> memref<10112x64xf32, #tpu.memory_space<vmem_shared>>
        tpu.wait_indirect_dma semaphore(%arg13 : memref<!tpu.dma_semaphore, #tpu.memory_space<semaphore_mem>>) src(%dma_wait3A_82 : memref<10112x64xf32, #tpu.memory_space<vmem_shared>>) dst(%arg9 : memref<128x64xf32, #tpu.memory_space<vmem>>)
        %dma_start3A_83 = arith.constant 0 : i32
        %dma_start3A_84 = tpu.memref_slice %arg8[%add3A_76, %dma_start3A_83] : memref<40x128xi32, #tpu.memory_space<vmem>> -> memref<1x128xi32, #tpu.memory_space<vmem>>
        %dma_start3A_85 = tpu.memref_squeeze %dma_start3A_84 : memref<1x128xi32, #tpu.memory_space<vmem>> -> memref<128xi32, #tpu.memory_space<vmem>>
        %dma_start3A_86 = arith.constant 0 : i32
        %dma_start3A_87 = arith.constant 0 : i32
        %dma_start3A_88 = tpu.memref_slice %arg21[%dma_start3A_86, %dma_start3A_87] : memref<10112x64xf32, #tpu.memory_space<vmem_shared>> -> memref<10112x64xf32, #tpu.memory_space<vmem_shared>>
        tpu.enqueue_indirect_dma source(%arg9 : memref<128x64xf32, #tpu.memory_space<vmem>>) target(%dma_start3A_88 : memref<10112x64xf32, #tpu.memory_space<vmem_shared>>) offsets(%dma_start3A_85 : memref<128xi32, #tpu.memory_space<vmem>>) semaphore(%arg17 : memref<!tpu.dma_semaphore, #tpu.memory_space<semaphore_mem>>) {add = true}
        %add3A_89 = arith.constant 3 : i32
        %add3A_90 = arith.addi %add3A_76, %add3A_89 : i32
        %lt3A = arith.constant 40 : i32
        %lt3A_91 = arith.cmpi slt, %add3A_90, %lt3A : i32
        %convert_element_type3A = arith.extui %lt3A_91 : i1 to i32
        %cond3A = arith.constant 0 : i32
        %cond3A_92 = arith.cmpi ne, %convert_element_type3A, %cond3A : i32
        scf.if %cond3A_92 {
          %ge3A = arith.constant 1 : i32
          %ge3A_156 = arith.cmpi sge, %add3A_76, %ge3A : i32
          %convert_element_type3A_157 = arith.extui %ge3A_156 : i1 to i32
          %cond3A_158 = arith.constant 0 : i32
          %cond3A_159 = arith.cmpi ne, %convert_element_type3A_157, %cond3A_158 : i32
          scf.if %cond3A_159 {
            %sub3A = arith.constant 1 : i32
            %sub3A_168 = arith.subi %add3A_76, %sub3A : i32
            %dma_wait3A_169 = arith.constant 0 : i32
            %dma_wait3A_170 = tpu.memref_slice %arg8[%sub3A_168, %dma_wait3A_169] : memref<40x128xi32, #tpu.memory_space<vmem>> -> memref<1x128xi32, #tpu.memory_space<vmem>>
            %dma_wait3A_171 = tpu.memref_squeeze %dma_wait3A_170 : memref<1x128xi32, #tpu.memory_space<vmem>> -> memref<128xi32, #tpu.memory_space<vmem>>
            %dma_wait3A_172 = arith.constant 0 : i32
            %dma_wait3A_173 = arith.constant 0 : i32
            %dma_wait3A_174 = tpu.memref_slice %arg21[%dma_wait3A_172, %dma_wait3A_173] : memref<10112x64xf32, #tpu.memory_space<vmem_shared>> -> memref<10112x64xf32, #tpu.memory_space<vmem_shared>>
            tpu.wait_indirect_dma semaphore(%arg20 : memref<!tpu.dma_semaphore, #tpu.memory_space<semaphore_mem>>) src(%arg12 : memref<128x64xf32, #tpu.memory_space<vmem>>) dst(%dma_wait3A_174 : memref<10112x64xf32, #tpu.memory_space<vmem_shared>>)
          } else {
          }
          %add3A_160 = arith.constant 3 : i32
          %add3A_161 = arith.addi %add3A_76, %add3A_160 : i32
          %dma_start3A_162 = arith.constant 0 : i32
          %dma_start3A_163 = tpu.memref_slice %arg7[%add3A_161, %dma_start3A_162] : memref<40x128xi32, #tpu.memory_space<vmem>> -> memref<1x128xi32, #tpu.memory_space<vmem>>
          %dma_start3A_164 = tpu.memref_squeeze %dma_start3A_163 : memref<1x128xi32, #tpu.memory_space<vmem>> -> memref<128xi32, #tpu.memory_space<vmem>>
          %dma_start3A_165 = arith.constant 0 : i32
          %dma_start3A_166 = arith.constant 0 : i32
          %dma_start3A_167 = tpu.memref_slice %arg22[%dma_start3A_165, %dma_start3A_166] : memref<10112x64xf32, #tpu.memory_space<vmem_shared>> -> memref<10112x64xf32, #tpu.memory_space<vmem_shared>>
          tpu.enqueue_indirect_dma source(%dma_start3A_167 : memref<10112x64xf32, #tpu.memory_space<vmem_shared>>) target(%arg12 : memref<128x64xf32, #tpu.memory_space<vmem>>) offsets(%dma_start3A_164 : memref<128xi32, #tpu.memory_space<vmem>>) semaphore(%arg16 : memref<!tpu.dma_semaphore, #tpu.memory_space<semaphore_mem>>)
        } else {
        }
        %add3A_93 = arith.constant 1 : i32
        %add3A_94 = arith.addi %mul3A_75, %add3A_93 : i32
        %dma_wait3A_95 = arith.constant 0 : i32
        %dma_wait3A_96 = tpu.memref_slice %arg7[%add3A_94, %dma_wait3A_95] : memref<40x128xi32, #tpu.memory_space<vmem>> -> memref<1x128xi32, #tpu.memory_space<vmem>>
        %dma_wait3A_97 = tpu.memref_squeeze %dma_wait3A_96 : memref<1x128xi32, #tpu.memory_space<vmem>> -> memref<128xi32, #tpu.memory_space<vmem>>
        %dma_wait3A_98 = arith.constant 0 : i32
        %dma_wait3A_99 = arith.constant 0 : i32
        %dma_wait3A_100 = tpu.memref_slice %arg22[%dma_wait3A_98, %dma_wait3A_99] : memref<10112x64xf32, #tpu.memory_space<vmem_shared>> -> memref<10112x64xf32, #tpu.memory_space<vmem_shared>>
        tpu.wait_indirect_dma semaphore(%arg14 : memref<!tpu.dma_semaphore, #tpu.memory_space<semaphore_mem>>) src(%dma_wait3A_100 : memref<10112x64xf32, #tpu.memory_space<vmem_shared>>) dst(%arg10 : memref<128x64xf32, #tpu.memory_space<vmem>>)
        %dma_start3A_101 = arith.constant 0 : i32
        %dma_start3A_102 = tpu.memref_slice %arg8[%add3A_94, %dma_start3A_101] : memref<40x128xi32, #tpu.memory_space<vmem>> -> memref<1x128xi32, #tpu.memory_space<vmem>>
        %dma_start3A_103 = tpu.memref_squeeze %dma_start3A_102 : memref<1x128xi32, #tpu.memory_space<vmem>> -> memref<128xi32, #tpu.memory_space<vmem>>
        %dma_start3A_104 = arith.constant 0 : i32
        %dma_start3A_105 = arith.constant 0 : i32
        %dma_start3A_106 = tpu.memref_slice %arg21[%dma_start3A_104, %dma_start3A_105] : memref<10112x64xf32, #tpu.memory_space<vmem_shared>> -> memref<10112x64xf32, #tpu.memory_space<vmem_shared>>
        tpu.enqueue_indirect_dma source(%arg10 : memref<128x64xf32, #tpu.memory_space<vmem>>) target(%dma_start3A_106 : memref<10112x64xf32, #tpu.memory_space<vmem_shared>>) offsets(%dma_start3A_103 : memref<128xi32, #tpu.memory_space<vmem>>) semaphore(%arg18 : memref<!tpu.dma_semaphore, #tpu.memory_space<semaphore_mem>>) {add = true}
        %add3A_107 = arith.constant 3 : i32
        %add3A_108 = arith.addi %add3A_94, %add3A_107 : i32
        %lt3A_109 = arith.constant 40 : i32
        %lt3A_110 = arith.cmpi slt, %add3A_108, %lt3A_109 : i32
        %convert_element_type3A_111 = arith.extui %lt3A_110 : i1 to i32
        %cond3A_112 = arith.constant 0 : i32
        %cond3A_113 = arith.cmpi ne, %convert_element_type3A_111, %cond3A_112 : i32
        scf.if %cond3A_113 {
          %ge3A = arith.constant 1 : i32
          %ge3A_156 = arith.cmpi sge, %add3A_94, %ge3A : i32
          %convert_element_type3A_157 = arith.extui %ge3A_156 : i1 to i32
          %cond3A_158 = arith.constant 0 : i32
          %cond3A_159 = arith.cmpi ne, %convert_element_type3A_157, %cond3A_158 : i32
          scf.if %cond3A_159 {
            %sub3A = arith.constant 1 : i32
            %sub3A_168 = arith.subi %add3A_94, %sub3A : i32
            %dma_wait3A_169 = arith.constant 0 : i32
            %dma_wait3A_170 = tpu.memref_slice %arg8[%sub3A_168, %dma_wait3A_169] : memref<40x128xi32, #tpu.memory_space<vmem>> -> memref<1x128xi32, #tpu.memory_space<vmem>>
            %dma_wait3A_171 = tpu.memref_squeeze %dma_wait3A_170 : memref<1x128xi32, #tpu.memory_space<vmem>> -> memref<128xi32, #tpu.memory_space<vmem>>
            %dma_wait3A_172 = arith.constant 0 : i32
            %dma_wait3A_173 = arith.constant 0 : i32
            %dma_wait3A_174 = tpu.memref_slice %arg21[%dma_wait3A_172, %dma_wait3A_173] : memref<10112x64xf32, #tpu.memory_space<vmem_shared>> -> memref<10112x64xf32, #tpu.memory_space<vmem_shared>>
            tpu.wait_indirect_dma semaphore(%arg17 : memref<!tpu.dma_semaphore, #tpu.memory_space<semaphore_mem>>) src(%arg9 : memref<128x64xf32, #tpu.memory_space<vmem>>) dst(%dma_wait3A_174 : memref<10112x64xf32, #tpu.memory_space<vmem_shared>>)
          } else {
          }
          %add3A_160 = arith.constant 3 : i32
          %add3A_161 = arith.addi %add3A_94, %add3A_160 : i32
          %dma_start3A_162 = arith.constant 0 : i32
          %dma_start3A_163 = tpu.memref_slice %arg7[%add3A_161, %dma_start3A_162] : memref<40x128xi32, #tpu.memory_space<vmem>> -> memref<1x128xi32, #tpu.memory_space<vmem>>
          %dma_start3A_164 = tpu.memref_squeeze %dma_start3A_163 : memref<1x128xi32, #tpu.memory_space<vmem>> -> memref<128xi32, #tpu.memory_space<vmem>>
          %dma_start3A_165 = arith.constant 0 : i32
          %dma_start3A_166 = arith.constant 0 : i32
          %dma_start3A_167 = tpu.memref_slice %arg22[%dma_start3A_165, %dma_start3A_166] : memref<10112x64xf32, #tpu.memory_space<vmem_shared>> -> memref<10112x64xf32, #tpu.memory_space<vmem_shared>>
          tpu.enqueue_indirect_dma source(%dma_start3A_167 : memref<10112x64xf32, #tpu.memory_space<vmem_shared>>) target(%arg9 : memref<128x64xf32, #tpu.memory_space<vmem>>) offsets(%dma_start3A_164 : memref<128xi32, #tpu.memory_space<vmem>>) semaphore(%arg13 : memref<!tpu.dma_semaphore, #tpu.memory_space<semaphore_mem>>)
        } else {
        }
        %add3A_114 = arith.constant 2 : i32
        %add3A_115 = arith.addi %mul3A_75, %add3A_114 : i32
        %dma_wait3A_116 = arith.constant 0 : i32
        %dma_wait3A_117 = tpu.memref_slice %arg7[%add3A_115, %dma_wait3A_116] : memref<40x128xi32, #tpu.memory_space<vmem>> -> memref<1x128xi32, #tpu.memory_space<vmem>>
        %dma_wait3A_118 = tpu.memref_squeeze %dma_wait3A_117 : memref<1x128xi32, #tpu.memory_space<vmem>> -> memref<128xi32, #tpu.memory_space<vmem>>
        %dma_wait3A_119 = arith.constant 0 : i32
        %dma_wait3A_120 = arith.constant 0 : i32
        %dma_wait3A_121 = tpu.memref_slice %arg22[%dma_wait3A_119, %dma_wait3A_120] : memref<10112x64xf32, #tpu.memory_space<vmem_shared>> -> memref<10112x64xf32, #tpu.memory_space<vmem_shared>>
        tpu.wait_indirect_dma semaphore(%arg15 : memref<!tpu.dma_semaphore, #tpu.memory_space<semaphore_mem>>) src(%dma_wait3A_121 : memref<10112x64xf32, #tpu.memory_space<vmem_shared>>) dst(%arg11 : memref<128x64xf32, #tpu.memory_space<vmem>>)
        %dma_start3A_122 = arith.constant 0 : i32
        %dma_start3A_123 = tpu.memref_slice %arg8[%add3A_115, %dma_start3A_122] : memref<40x128xi32, #tpu.memory_space<vmem>> -> memref<1x128xi32, #tpu.memory_space<vmem>>
        %dma_start3A_124 = tpu.memref_squeeze %dma_start3A_123 : memref<1x128xi32, #tpu.memory_space<vmem>> -> memref<128xi32, #tpu.memory_space<vmem>>
        %dma_start3A_125 = arith.constant 0 : i32
        %dma_start3A_126 = arith.constant 0 : i32
        %dma_start3A_127 = tpu.memref_slice %arg21[%dma_start3A_125, %dma_start3A_126] : memref<10112x64xf32, #tpu.memory_space<vmem_shared>> -> memref<10112x64xf32, #tpu.memory_space<vmem_shared>>
        tpu.enqueue_indirect_dma source(%arg11 : memref<128x64xf32, #tpu.memory_space<vmem>>) target(%dma_start3A_127 : memref<10112x64xf32, #tpu.memory_space<vmem_shared>>) offsets(%dma_start3A_124 : memref<128xi32, #tpu.memory_space<vmem>>) semaphore(%arg19 : memref<!tpu.dma_semaphore, #tpu.memory_space<semaphore_mem>>) {add = true}
        %add3A_128 = arith.constant 3 : i32
        %add3A_129 = arith.addi %add3A_115, %add3A_128 : i32
        %lt3A_130 = arith.constant 40 : i32
        %lt3A_131 = arith.cmpi slt, %add3A_129, %lt3A_130 : i32
        %convert_element_type3A_132 = arith.extui %lt3A_131 : i1 to i32
        %cond3A_133 = arith.constant 0 : i32
        %cond3A_134 = arith.cmpi ne, %convert_element_type3A_132, %cond3A_133 : i32
        scf.if %cond3A_134 {
          %ge3A = arith.constant 1 : i32
          %ge3A_156 = arith.cmpi sge, %add3A_115, %ge3A : i32
          %convert_element_type3A_157 = arith.extui %ge3A_156 : i1 to i32
          %cond3A_158 = arith.constant 0 : i32
          %cond3A_159 = arith.cmpi ne, %convert_element_type3A_157, %cond3A_158 : i32
          scf.if %cond3A_159 {
            %sub3A = arith.constant 1 : i32
            %sub3A_168 = arith.subi %add3A_115, %sub3A : i32
            %dma_wait3A_169 = arith.constant 0 : i32
            %dma_wait3A_170 = tpu.memref_slice %arg8[%sub3A_168, %dma_wait3A_169] : memref<40x128xi32, #tpu.memory_space<vmem>> -> memref<1x128xi32, #tpu.memory_space<vmem>>
            %dma_wait3A_171 = tpu.memref_squeeze %dma_wait3A_170 : memref<1x128xi32, #tpu.memory_space<vmem>> -> memref<128xi32, #tpu.memory_space<vmem>>
            %dma_wait3A_172 = arith.constant 0 : i32
            %dma_wait3A_173 = arith.constant 0 : i32
            %dma_wait3A_174 = tpu.memref_slice %arg21[%dma_wait3A_172, %dma_wait3A_173] : memref<10112x64xf32, #tpu.memory_space<vmem_shared>> -> memref<10112x64xf32, #tpu.memory_space<vmem_shared>>
            tpu.wait_indirect_dma semaphore(%arg18 : memref<!tpu.dma_semaphore, #tpu.memory_space<semaphore_mem>>) src(%arg10 : memref<128x64xf32, #tpu.memory_space<vmem>>) dst(%dma_wait3A_174 : memref<10112x64xf32, #tpu.memory_space<vmem_shared>>)
          } else {
          }
          %add3A_160 = arith.constant 3 : i32
          %add3A_161 = arith.addi %add3A_115, %add3A_160 : i32
          %dma_start3A_162 = arith.constant 0 : i32
          %dma_start3A_163 = tpu.memref_slice %arg7[%add3A_161, %dma_start3A_162] : memref<40x128xi32, #tpu.memory_space<vmem>> -> memref<1x128xi32, #tpu.memory_space<vmem>>
          %dma_start3A_164 = tpu.memref_squeeze %dma_start3A_163 : memref<1x128xi32, #tpu.memory_space<vmem>> -> memref<128xi32, #tpu.memory_space<vmem>>
          %dma_start3A_165 = arith.constant 0 : i32
          %dma_start3A_166 = arith.constant 0 : i32
          %dma_start3A_167 = tpu.memref_slice %arg22[%dma_start3A_165, %dma_start3A_166] : memref<10112x64xf32, #tpu.memory_space<vmem_shared>> -> memref<10112x64xf32, #tpu.memory_space<vmem_shared>>
          tpu.enqueue_indirect_dma source(%dma_start3A_167 : memref<10112x64xf32, #tpu.memory_space<vmem_shared>>) target(%arg10 : memref<128x64xf32, #tpu.memory_space<vmem>>) offsets(%dma_start3A_164 : memref<128xi32, #tpu.memory_space<vmem>>) semaphore(%arg14 : memref<!tpu.dma_semaphore, #tpu.memory_space<semaphore_mem>>)
        } else {
        }
        %add3A_135 = arith.constant 3 : i32
        %add3A_136 = arith.addi %mul3A_75, %add3A_135 : i32
        %dma_wait3A_137 = arith.constant 0 : i32
        %dma_wait3A_138 = tpu.memref_slice %arg7[%add3A_136, %dma_wait3A_137] : memref<40x128xi32, #tpu.memory_space<vmem>> -> memref<1x128xi32, #tpu.memory_space<vmem>>
        %dma_wait3A_139 = tpu.memref_squeeze %dma_wait3A_138 : memref<1x128xi32, #tpu.memory_space<vmem>> -> memref<128xi32, #tpu.memory_space<vmem>>
        %dma_wait3A_140 = arith.constant 0 : i32
        %dma_wait3A_141 = arith.constant 0 : i32
        %dma_wait3A_142 = tpu.memref_slice %arg22[%dma_wait3A_140, %dma_wait3A_141] : memref<10112x64xf32, #tpu.memory_space<vmem_shared>> -> memref<10112x64xf32, #tpu.memory_space<vmem_shared>>
        tpu.wait_indirect_dma semaphore(%arg16 : memref<!tpu.dma_semaphore, #tpu.memory_space<semaphore_mem>>) src(%dma_wait3A_142 : memref<10112x64xf32, #tpu.memory_space<vmem_shared>>) dst(%arg12 : memref<128x64xf32, #tpu.memory_space<vmem>>)
        %dma_start3A_143 = arith.constant 0 : i32
        %dma_start3A_144 = tpu.memref_slice %arg8[%add3A_136, %dma_start3A_143] : memref<40x128xi32, #tpu.memory_space<vmem>> -> memref<1x128xi32, #tpu.memory_space<vmem>>
        %dma_start3A_145 = tpu.memref_squeeze %dma_start3A_144 : memref<1x128xi32, #tpu.memory_space<vmem>> -> memref<128xi32, #tpu.memory_space<vmem>>
        %dma_start3A_146 = arith.constant 0 : i32
        %dma_start3A_147 = arith.constant 0 : i32
        %dma_start3A_148 = tpu.memref_slice %arg21[%dma_start3A_146, %dma_start3A_147] : memref<10112x64xf32, #tpu.memory_space<vmem_shared>> -> memref<10112x64xf32, #tpu.memory_space<vmem_shared>>
        tpu.enqueue_indirect_dma source(%arg12 : memref<128x64xf32, #tpu.memory_space<vmem>>) target(%dma_start3A_148 : memref<10112x64xf32, #tpu.memory_space<vmem_shared>>) offsets(%dma_start3A_145 : memref<128xi32, #tpu.memory_space<vmem>>) semaphore(%arg20 : memref<!tpu.dma_semaphore, #tpu.memory_space<semaphore_mem>>) {add = true}
        %add3A_149 = arith.constant 3 : i32
        %add3A_150 = arith.addi %add3A_136, %add3A_149 : i32
        %lt3A_151 = arith.constant 40 : i32
        %lt3A_152 = arith.cmpi slt, %add3A_150, %lt3A_151 : i32
        %convert_element_type3A_153 = arith.extui %lt3A_152 : i1 to i32
        %cond3A_154 = arith.constant 0 : i32
        %cond3A_155 = arith.cmpi ne, %convert_element_type3A_153, %cond3A_154 : i32
        scf.if %cond3A_155 {
          %ge3A = arith.constant 1 : i32
          %ge3A_156 = arith.cmpi sge, %add3A_136, %ge3A : i32
          %convert_element_type3A_157 = arith.extui %ge3A_156 : i1 to i32
          %cond3A_158 = arith.constant 0 : i32
          %cond3A_159 = arith.cmpi ne, %convert_element_type3A_157, %cond3A_158 : i32
          scf.if %cond3A_159 {
            %sub3A = arith.constant 1 : i32
            %sub3A_168 = arith.subi %add3A_136, %sub3A : i32
            %dma_wait3A_169 = arith.constant 0 : i32
            %dma_wait3A_170 = tpu.memref_slice %arg8[%sub3A_168, %dma_wait3A_169] : memref<40x128xi32, #tpu.memory_space<vmem>> -> memref<1x128xi32, #tpu.memory_space<vmem>>
            %dma_wait3A_171 = tpu.memref_squeeze %dma_wait3A_170 : memref<1x128xi32, #tpu.memory_space<vmem>> -> memref<128xi32, #tpu.memory_space<vmem>>
            %dma_wait3A_172 = arith.constant 0 : i32
            %dma_wait3A_173 = arith.constant 0 : i32
            %dma_wait3A_174 = tpu.memref_slice %arg21[%dma_wait3A_172, %dma_wait3A_173] : memref<10112x64xf32, #tpu.memory_space<vmem_shared>> -> memref<10112x64xf32, #tpu.memory_space<vmem_shared>>
            tpu.wait_indirect_dma semaphore(%arg19 : memref<!tpu.dma_semaphore, #tpu.memory_space<semaphore_mem>>) src(%arg11 : memref<128x64xf32, #tpu.memory_space<vmem>>) dst(%dma_wait3A_174 : memref<10112x64xf32, #tpu.memory_space<vmem_shared>>)
          } else {
          }
          %add3A_160 = arith.constant 3 : i32
          %add3A_161 = arith.addi %add3A_136, %add3A_160 : i32
          %dma_start3A_162 = arith.constant 0 : i32
          %dma_start3A_163 = tpu.memref_slice %arg7[%add3A_161, %dma_start3A_162] : memref<40x128xi32, #tpu.memory_space<vmem>> -> memref<1x128xi32, #tpu.memory_space<vmem>>
          %dma_start3A_164 = tpu.memref_squeeze %dma_start3A_163 : memref<1x128xi32, #tpu.memory_space<vmem>> -> memref<128xi32, #tpu.memory_space<vmem>>
          %dma_start3A_165 = arith.constant 0 : i32
          %dma_start3A_166 = arith.constant 0 : i32
          %dma_start3A_167 = tpu.memref_slice %arg22[%dma_start3A_165, %dma_start3A_166] : memref<10112x64xf32, #tpu.memory_space<vmem_shared>> -> memref<10112x64xf32, #tpu.memory_space<vmem_shared>>
          tpu.enqueue_indirect_dma source(%dma_start3A_167 : memref<10112x64xf32, #tpu.memory_space<vmem_shared>>) target(%arg11 : memref<128x64xf32, #tpu.memory_space<vmem>>) offsets(%dma_start3A_164 : memref<128xi32, #tpu.memory_space<vmem>>) semaphore(%arg15 : memref<!tpu.dma_semaphore, #tpu.memory_space<semaphore_mem>>)
        } else {
        }
      }
      %scan3A_45 = arith.constant 10 : i32
      %dma_wait3A = arith.constant 36 : i32
      %dma_wait3A_46 = arith.constant 0 : i32
      %dma_wait3A_47 = tpu.memref_slice %arg8[%dma_wait3A, %dma_wait3A_46] : memref<40x128xi32, #tpu.memory_space<vmem>> -> memref<1x128xi32, #tpu.memory_space<vmem>>
      %dma_wait3A_48 = tpu.memref_squeeze %dma_wait3A_47 : memref<1x128xi32, #tpu.memory_space<vmem>> -> memref<128xi32, #tpu.memory_space<vmem>>
      %dma_wait3A_49 = arith.constant 0 : i32
      %dma_wait3A_50 = arith.constant 0 : i32
      %dma_wait3A_51 = tpu.memref_slice %arg21[%dma_wait3A_49, %dma_wait3A_50] : memref<10112x64xf32, #tpu.memory_space<vmem_shared>> -> memref<10112x64xf32, #tpu.memory_space<vmem_shared>>
      tpu.wait_indirect_dma semaphore(%arg17 : memref<!tpu.dma_semaphore, #tpu.memory_space<semaphore_mem>>) src(%arg9 : memref<128x64xf32, #tpu.memory_space<vmem>>) dst(%dma_wait3A_51 : memref<10112x64xf32, #tpu.memory_space<vmem_shared>>)
      %dma_wait3A_52 = arith.constant 37 : i32
      %dma_wait3A_53 = arith.constant 0 : i32
      %dma_wait3A_54 = tpu.memref_slice %arg8[%dma_wait3A_52, %dma_wait3A_53] : memref<40x128xi32, #tpu.memory_space<vmem>> -> memref<1x128xi32, #tpu.memory_space<vmem>>
      %dma_wait3A_55 = tpu.memref_squeeze %dma_wait3A_54 : memref<1x128xi32, #tpu.memory_space<vmem>> -> memref<128xi32, #tpu.memory_space<vmem>>
      %dma_wait3A_56 = arith.constant 0 : i32
      %dma_wait3A_57 = arith.constant 0 : i32
      %dma_wait3A_58 = tpu.memref_slice %arg21[%dma_wait3A_56, %dma_wait3A_57] : memref<10112x64xf32, #tpu.memory_space<vmem_shared>> -> memref<10112x64xf32, #tpu.memory_space<vmem_shared>>
      tpu.wait_indirect_dma semaphore(%arg18 : memref<!tpu.dma_semaphore, #tpu.memory_space<semaphore_mem>>) src(%arg10 : memref<128x64xf32, #tpu.memory_space<vmem>>) dst(%dma_wait3A_58 : memref<10112x64xf32, #tpu.memory_space<vmem_shared>>)
      %dma_wait3A_59 = arith.constant 38 : i32
      %dma_wait3A_60 = arith.constant 0 : i32
      %dma_wait3A_61 = tpu.memref_slice %arg8[%dma_wait3A_59, %dma_wait3A_60] : memref<40x128xi32, #tpu.memory_space<vmem>> -> memref<1x128xi32, #tpu.memory_space<vmem>>
      %dma_wait3A_62 = tpu.memref_squeeze %dma_wait3A_61 : memref<1x128xi32, #tpu.memory_space<vmem>> -> memref<128xi32, #tpu.memory_space<vmem>>
      %dma_wait3A_63 = arith.constant 0 : i32
      %dma_wait3A_64 = arith.constant 0 : i32
      %dma_wait3A_65 = tpu.memref_slice %arg21[%dma_wait3A_63, %dma_wait3A_64] : memref<10112x64xf32, #tpu.memory_space<vmem_shared>> -> memref<10112x64xf32, #tpu.memory_space<vmem_shared>>
      tpu.wait_indirect_dma semaphore(%arg19 : memref<!tpu.dma_semaphore, #tpu.memory_space<semaphore_mem>>) src(%arg11 : memref<128x64xf32, #tpu.memory_space<vmem>>) dst(%dma_wait3A_65 : memref<10112x64xf32, #tpu.memory_space<vmem_shared>>)
      %dma_wait3A_66 = arith.constant 39 : i32
      %dma_wait3A_67 = arith.constant 0 : i32
      %dma_wait3A_68 = tpu.memref_slice %arg8[%dma_wait3A_66, %dma_wait3A_67] : memref<40x128xi32, #tpu.memory_space<vmem>> -> memref<1x128xi32, #tpu.memory_space<vmem>>
      %dma_wait3A_69 = tpu.memref_squeeze %dma_wait3A_68 : memref<1x128xi32, #tpu.memory_space<vmem>> -> memref<128xi32, #tpu.memory_space<vmem>>
      %dma_wait3A_70 = arith.constant 0 : i32
      %dma_wait3A_71 = arith.constant 0 : i32
      %dma_wait3A_72 = tpu.memref_slice %arg21[%dma_wait3A_70, %dma_wait3A_71] : memref<10112x64xf32, #tpu.memory_space<vmem_shared>> -> memref<10112x64xf32, #tpu.memory_space<vmem_shared>>
      tpu.wait_indirect_dma semaphore(%arg20 : memref<!tpu.dma_semaphore, #tpu.memory_space<semaphore_mem>>) src(%arg12 : memref<128x64xf32, #tpu.memory_space<vmem>>) dst(%dma_wait3A_72 : memref<10112x64xf32, #tpu.memory_space<vmem_shared>>)
    }
    %scan3A_9 = arith.constant 4 : i32
    %barrier3A_10 = arith.constant 0 : index
    tpu.barrier barrier_id(%barrier3A_10)
    %mul3A_11 = arith.constant 632 : i32
    %mul3A_12 = arith.muli %arg1, %mul3A_11 : i32
    %mul3A_13 = arith.constant 632 : i32
    %mul3A_14 = arith.muli %arg1, %mul3A_13 : i32
    "tpu.region"() ({
      %run_scoped3A = tpu.sem_alloc : memref<!tpu.dma_semaphore, #tpu.memory_space<semaphore_mem>>
      %dma_start3A = arith.constant 0 : i32
      %dma_start3A_15 = tpu.memref_slice %arg6[%arg0, %mul3A_14, %dma_start3A] : memref<2x10112x64xf32, #tpu.memory_space<hbm>> -> memref<1x632x64xf32, #tpu.memory_space<hbm>>
      %dma_start3A_16 = tpu.memref_squeeze %dma_start3A_15 : memref<1x632x64xf32, #tpu.memory_space<hbm>> -> memref<632x64xf32, #tpu.memory_space<hbm>>
      %dma_start3A_17 = arith.constant 0 : i32
      %dma_start3A_18 = tpu.memref_slice %arg21[%mul3A_12, %dma_start3A_17] : memref<10112x64xf32, #tpu.memory_space<vmem_shared>> -> memref<632x64xf32, #tpu.memory_space<vmem_shared>>
      tpu.enqueue_dma source(%dma_start3A_18 : memref<632x64xf32, #tpu.memory_space<vmem_shared>>) target(%dma_start3A_16 : memref<632x64xf32, #tpu.memory_space<hbm>>) target_semaphore(%run_scoped3A : memref<!tpu.dma_semaphore, #tpu.memory_space<semaphore_mem>>)
      %dma_wait3A = arith.constant 0 : i32
      %dma_wait3A_19 = tpu.memref_slice %arg6[%arg0, %mul3A_14, %dma_wait3A] : memref<2x10112x64xf32, #tpu.memory_space<hbm>> -> memref<1x632x64xf32, #tpu.memory_space<hbm>>
      %dma_wait3A_20 = tpu.memref_squeeze %dma_wait3A_19 : memref<1x632x64xf32, #tpu.memory_space<hbm>> -> memref<632x64xf32, #tpu.memory_space<hbm>>
      %dma_wait3A_21 = arith.constant 0 : i32
      %dma_wait3A_22 = tpu.memref_slice %arg21[%mul3A_12, %dma_wait3A_21] : memref<10112x64xf32, #tpu.memory_space<vmem_shared>> -> memref<632x64xf32, #tpu.memory_space<vmem_shared>>
      tpu.wait_dma2 semaphore(%run_scoped3A : memref<!tpu.dma_semaphore, #tpu.memory_space<semaphore_mem>>) src(%dma_wait3A_22 : memref<632x64xf32, #tpu.memory_space<vmem_shared>>) dst(%dma_wait3A_20 : memref<632x64xf32, #tpu.memory_space<hbm>>)
      tpu.yield
    }) : () -> ()
    return
  }
}

#map = affine_map<(d0, d1) -> (0, 0, 0)>
#map1 = affine_map<(d0, d1) -> (0, 0)>
module attributes {stable_mosaic.version = 14 : i64} {
  func.func @spmm(%arg0: i32, %arg1: i32, %arg2: memref<2x10000x64xf32, #tpu.memory_space<hbm>>, %arg3: memref<16x160x128xi32, #tpu.memory_space<hbm>>, %arg4: memref<16x160x128xi32, #tpu.memory_space<hbm>>, %arg5: memref<632x64xf32, #tpu.memory_space<hbm>>, %arg6: memref<2x10112x64xf32, #tpu.memory_space<hbm>>, %arg7: memref<40x128xi32, #tpu.memory_space<vmem>>, %arg8: memref<40x128xi32, #tpu.memory_space<vmem>>, %arg9: memref<128x64xf32, #tpu.memory_space<vmem>>, %arg10: memref<128x64xf32, #tpu.memory_space<vmem>>, %arg11: memref<128x64xf32, #tpu.memory_space<vmem>>, %arg12: memref<128x64xf32, #tpu.memory_space<vmem>>, %arg13: memref<!tpu.dma_semaphore, #tpu.memory_space<semaphore_mem>>, %arg14: memref<!tpu.dma_semaphore, #tpu.memory_space<semaphore_mem>>, %arg15: memref<!tpu.dma_semaphore, #tpu.memory_space<semaphore_mem>>, %arg16: memref<!tpu.dma_semaphore, #tpu.memory_space<semaphore_mem>>, %arg17: memref<!tpu.dma_semaphore, #tpu.memory_space<semaphore_mem>>, %arg18: memref<!tpu.dma_semaphore, #tpu.memory_space<semaphore_mem>>, %arg19: memref<!tpu.dma_semaphore, #tpu.memory_space<semaphore_mem>>, %arg20: memref<!tpu.dma_semaphore, #tpu.memory_space<semaphore_mem>>, %arg21: memref<10112x64xf32, #tpu.memory_space<vmem_shared>>, %arg22: memref<10112x64xf32, #tpu.memory_space<vmem_shared>>) attributes {dimension_semantics = [#tpu.dimension_semantics<core_parallel>, #tpu.dimension_semantics<subcore_parallel>], iteration_bounds = array<i64: 2, 16>, scalar_prefetch = 0 : i64, scratch_operands = 16 : i64, tpu.core_type = #tpu.core_type<sc_vector_subcore>, window_params = [{transform_indices = #map}, {transform_indices = #map}, {transform_indices = #map}, {transform_indices = #map1}, {transform_indices = #map}]} {
    %mul3A = arith.constant 625 : i32
    %mul3A_0 = arith.muli %arg1, %mul3A : i32
    %mul3A_1 = arith.constant 625 : i32
    %mul3A_2 = arith.muli %arg1, %mul3A_1 : i32
    "tpu.region"() ({
      %run_scoped3A = tpu.sem_alloc : memref<!tpu.dma_semaphore, #tpu.memory_space<semaphore_mem>>
      %dma_start3A = arith.constant 0 : i32
      %dma_start3A_15 = tpu.memref_slice %arg22[%mul3A_2, %dma_start3A] : memref<10112x64xf32, #tpu.memory_space<vmem_shared>> -> memref<625x64xf32, #tpu.memory_space<vmem_shared>>
      %dma_start3A_16 = arith.constant 0 : i32
      %dma_start3A_17 = tpu.memref_slice %arg2[%arg0, %mul3A_0, %dma_start3A_16] : memref<2x10000x64xf32, #tpu.memory_space<hbm>> -> memref<1x625x64xf32, #tpu.memory_space<hbm>>
      %dma_start3A_18 = tpu.memref_squeeze %dma_start3A_17 : memref<1x625x64xf32, #tpu.memory_space<hbm>> -> memref<625x64xf32, #tpu.memory_space<hbm>>
      tpu.enqueue_dma source(%dma_start3A_18 : memref<625x64xf32, #tpu.memory_space<hbm>>) target(%dma_start3A_15 : memref<625x64xf32, #tpu.memory_space<vmem_shared>>) target_semaphore(%run_scoped3A : memref<!tpu.dma_semaphore, #tpu.memory_space<semaphore_mem>>)
      %dma_wait3A = arith.constant 0 : i32
      %dma_wait3A_19 = tpu.memref_slice %arg22[%mul3A_2, %dma_wait3A] : memref<10112x64xf32, #tpu.memory_space<vmem_shared>> -> memref<625x64xf32, #tpu.memory_space<vmem_shared>>
      %dma_wait3A_20 = arith.constant 0 : i32
      %dma_wait3A_21 = tpu.memref_slice %arg2[%arg0, %mul3A_0, %dma_wait3A_20] : memref<2x10000x64xf32, #tpu.memory_space<hbm>> -> memref<1x625x64xf32, #tpu.memory_space<hbm>>
      %dma_wait3A_22 = tpu.memref_squeeze %dma_wait3A_21 : memref<1x625x64xf32, #tpu.memory_space<hbm>> -> memref<625x64xf32, #tpu.memory_space<hbm>>
      tpu.wait_dma2 semaphore(%run_scoped3A : memref<!tpu.dma_semaphore, #tpu.memory_space<semaphore_mem>>) src(%dma_wait3A_22 : memref<625x64xf32, #tpu.memory_space<hbm>>) dst(%dma_wait3A_19 : memref<625x64xf32, #tpu.memory_space<vmem_shared>>)
      tpu.yield
    }) : () -> ()
    %mul3A_3 = arith.constant 632 : i32
    %mul3A_4 = arith.muli %arg1, %mul3A_3 : i32
    "tpu.region"() ({
      %run_scoped3A = tpu.sem_alloc : memref<!tpu.dma_semaphore, #tpu.memory_space<semaphore_mem>>
      %dma_start3A = arith.constant 0 : i32
      %dma_start3A_15 = tpu.memref_slice %arg21[%mul3A_4, %dma_start3A] : memref<10112x64xf32, #tpu.memory_space<vmem_shared>> -> memref<632x64xf32, #tpu.memory_space<vmem_shared>>
      tpu.enqueue_dma source(%arg5 : memref<632x64xf32, #tpu.memory_space<hbm>>) target(%dma_start3A_15 : memref<632x64xf32, #tpu.memory_space<vmem_shared>>) target_semaphore(%run_scoped3A : memref<!tpu.dma_semaphore, #tpu.memory_space<semaphore_mem>>)
      %dma_wait3A = arith.constant 0 : i32
      %dma_wait3A_16 = tpu.memref_slice %arg21[%mul3A_4, %dma_wait3A] : memref<10112x64xf32, #tpu.memory_space<vmem_shared>> -> memref<632x64xf32, #tpu.memory_space<vmem_shared>>
      tpu.wait_dma2 semaphore(%run_scoped3A : memref<!tpu.dma_semaphore, #tpu.memory_space<semaphore_mem>>) src(%arg5 : memref<632x64xf32, #tpu.memory_space<hbm>>) dst(%dma_wait3A_16 : memref<632x64xf32, #tpu.memory_space<vmem_shared>>)
      tpu.yield
    }) : () -> ()
    %barrier3A = arith.constant 0 : index
    tpu.barrier barrier_id(%barrier3A)
    %scan3A = arith.constant 0 : i32
    %scan3A_5 = arith.constant 0 : i32
    %scan3A_6 = arith.constant 4 : i32
    %scan3A_7 = arith.addi %scan3A_5, %scan3A_6 : i32
    %scan3A_8 = arith.constant 1 : i32
    scf.for %scan3A_15 = %scan3A_5 to %scan3A_7 step %scan3A_8  : i32 {
      %mul3A_16 = arith.constant 40 : i32
      %mul3A_17 = arith.muli %scan3A_15, %mul3A_16 : i32
      "tpu.region"() ({
        %run_scoped3A = tpu.sem_alloc : memref<!tpu.dma_semaphore, #tpu.memory_space<semaphore_mem>>
        %dma_start3A_73 = arith.constant 0 : i32
        %dma_start3A_74 = tpu.memref_slice %arg3[%arg1, %mul3A_17, %dma_start3A_73] : memref<16x160x128xi32, #tpu.memory_space<hbm>> -> memref<1x40x128xi32, #tpu.memory_space<hbm>>
        %dma_start3A_75 = tpu.memref_squeeze %dma_start3A_74 : memref<1x40x128xi32, #tpu.memory_space<hbm>> -> memref<40x128xi32, #tpu.memory_space<hbm>>
        %dma_start3A_76 = arith.constant 0 : i32
        %dma_start3A_77 = tpu.memref_slice %arg3[%arg1, %mul3A_17, %dma_start3A_76] : memref<16x160x128xi32, #tpu.memory_space<hbm>> -> memref<1x40x128xi32, #tpu.memory_space<hbm>>
        %dma_start3A_78 = tpu.memref_squeeze %dma_start3A_77 : memref<1x40x128xi32, #tpu.memory_space<hbm>> -> memref<40x128xi32, #tpu.memory_space<hbm>>
        tpu.enqueue_dma source(%dma_start3A_78 : memref<40x128xi32, #tpu.memory_space<hbm>>) target(%arg7 : memref<40x128xi32, #tpu.memory_space<vmem>>) target_semaphore(%run_scoped3A : memref<!tpu.dma_semaphore, #tpu.memory_space<semaphore_mem>>)
        %dma_wait3A_79 = arith.constant 0 : i32
        %dma_wait3A_80 = tpu.memref_slice %arg3[%arg1, %mul3A_17, %dma_wait3A_79] : memref<16x160x128xi32, #tpu.memory_space<hbm>> -> memref<1x40x128xi32, #tpu.memory_space<hbm>>
        %dma_wait3A_81 = tpu.memref_squeeze %dma_wait3A_80 : memref<1x40x128xi32, #tpu.memory_space<hbm>> -> memref<40x128xi32, #tpu.memory_space<hbm>>
        %dma_wait3A_82 = arith.constant 0 : i32
        %dma_wait3A_83 = tpu.memref_slice %arg3[%arg1, %mul3A_17, %dma_wait3A_82] : memref<16x160x128xi32, #tpu.memory_space<hbm>> -> memref<1x40x128xi32, #tpu.memory_space<hbm>>
        %dma_wait3A_84 = tpu.memref_squeeze %dma_wait3A_83 : memref<1x40x128xi32, #tpu.memory_space<hbm>> -> memref<40x128xi32, #tpu.memory_space<hbm>>
        tpu.wait_dma2 semaphore(%run_scoped3A : memref<!tpu.dma_semaphore, #tpu.memory_space<semaphore_mem>>) src(%dma_wait3A_84 : memref<40x128xi32, #tpu.memory_space<hbm>>) dst(%arg7 : memref<40x128xi32, #tpu.memory_space<vmem>>)
        tpu.yield
      }) : () -> ()
      %mul3A_18 = arith.constant 40 : i32
      %mul3A_19 = arith.muli %scan3A_15, %mul3A_18 : i32
      "tpu.region"() ({
        %run_scoped3A = tpu.sem_alloc : memref<!tpu.dma_semaphore, #tpu.memory_space<semaphore_mem>>
        %dma_start3A_73 = arith.constant 0 : i32
        %dma_start3A_74 = tpu.memref_slice %arg4[%arg1, %mul3A_19, %dma_start3A_73] : memref<16x160x128xi32, #tpu.memory_space<hbm>> -> memref<1x40x128xi32, #tpu.memory_space<hbm>>
        %dma_start3A_75 = tpu.memref_squeeze %dma_start3A_74 : memref<1x40x128xi32, #tpu.memory_space<hbm>> -> memref<40x128xi32, #tpu.memory_space<hbm>>
        %dma_start3A_76 = arith.constant 0 : i32
        %dma_start3A_77 = tpu.memref_slice %arg4[%arg1, %mul3A_19, %dma_start3A_76] : memref<16x160x128xi32, #tpu.memory_space<hbm>> -> memref<1x40x128xi32, #tpu.memory_space<hbm>>
        %dma_start3A_78 = tpu.memref_squeeze %dma_start3A_77 : memref<1x40x128xi32, #tpu.memory_space<hbm>> -> memref<40x128xi32, #tpu.memory_space<hbm>>
        tpu.enqueue_dma source(%dma_start3A_78 : memref<40x128xi32, #tpu.memory_space<hbm>>) target(%arg8 : memref<40x128xi32, #tpu.memory_space<vmem>>) target_semaphore(%run_scoped3A : memref<!tpu.dma_semaphore, #tpu.memory_space<semaphore_mem>>)
        %dma_wait3A_79 = arith.constant 0 : i32
        %dma_wait3A_80 = tpu.memref_slice %arg4[%arg1, %mul3A_19, %dma_wait3A_79] : memref<16x160x128xi32, #tpu.memory_space<hbm>> -> memref<1x40x128xi32, #tpu.memory_space<hbm>>
        %dma_wait3A_81 = tpu.memref_squeeze %dma_wait3A_80 : memref<1x40x128xi32, #tpu.memory_space<hbm>> -> memref<40x128xi32, #tpu.memory_space<hbm>>
        %dma_wait3A_82 = arith.constant 0 : i32
        %dma_wait3A_83 = tpu.memref_slice %arg4[%arg1, %mul3A_19, %dma_wait3A_82] : memref<16x160x128xi32, #tpu.memory_space<hbm>> -> memref<1x40x128xi32, #tpu.memory_space<hbm>>
        %dma_wait3A_84 = tpu.memref_squeeze %dma_wait3A_83 : memref<1x40x128xi32, #tpu.memory_space<hbm>> -> memref<40x128xi32, #tpu.memory_space<hbm>>
        tpu.wait_dma2 semaphore(%run_scoped3A : memref<!tpu.dma_semaphore, #tpu.memory_space<semaphore_mem>>) src(%dma_wait3A_84 : memref<40x128xi32, #tpu.memory_space<hbm>>) dst(%arg8 : memref<40x128xi32, #tpu.memory_space<vmem>>)
        tpu.yield
      }) : () -> ()
      %dma_start3A = arith.constant 0 : i32
      %dma_start3A_20 = arith.constant 0 : i32
      %dma_start3A_21 = tpu.memref_slice %arg7[%dma_start3A, %dma_start3A_20] : memref<40x128xi32, #tpu.memory_space<vmem>> -> memref<1x128xi32, #tpu.memory_space<vmem>>
      %dma_start3A_22 = tpu.memref_squeeze %dma_start3A_21 : memref<1x128xi32, #tpu.memory_space<vmem>> -> memref<128xi32, #tpu.memory_space<vmem>>
      %dma_start3A_23 = arith.constant 0 : i32
      %dma_start3A_24 = arith.constant 0 : i32
      %dma_start3A_25 = tpu.memref_slice %arg22[%dma_start3A_23, %dma_start3A_24] : memref<10112x64xf32, #tpu.memory_space<vmem_shared>> -> memref<10112x64xf32, #tpu.memory_space<vmem_shared>>
      tpu.enqueue_indirect_dma source(%dma_start3A_25 : memref<10112x64xf32, #tpu.memory_space<vmem_shared>>) target(%arg9 : memref<128x64xf32, #tpu.memory_space<vmem>>) offsets(%dma_start3A_22 : memref<128xi32, #tpu.memory_space<vmem>>) semaphore(%arg13 : memref<!tpu.dma_semaphore, #tpu.memory_space<semaphore_mem>>)
      %dma_start3A_26 = arith.constant 1 : i32
      %dma_start3A_27 = arith.constant 0 : i32
      %dma_start3A_28 = tpu.memref_slice %arg7[%dma_start3A_26, %dma_start3A_27] : memref<40x128xi32, #tpu.memory_space<vmem>> -> memref<1x128xi32, #tpu.memory_space<vmem>>
      %dma_start3A_29 = tpu.memref_squeeze %dma_start3A_28 : memref<1x128xi32, #tpu.memory_space<vmem>> -> memref<128xi32, #tpu.memory_space<vmem>>
      %dma_start3A_30 = arith.constant 0 : i32
      %dma_start3A_31 = arith.constant 0 : i32
      %dma_start3A_32 = tpu.memref_slice %arg22[%dma_start3A_30, %dma_start3A_31] : memref<10112x64xf32, #tpu.memory_space<vmem_shared>> -> memref<10112x64xf32, #tpu.memory_space<vmem_shared>>
      tpu.enqueue_indirect_dma source(%dma_start3A_32 : memref<10112x64xf32, #tpu.memory_space<vmem_shared>>) target(%arg10 : memref<128x64xf32, #tpu.memory_space<vmem>>) offsets(%dma_start3A_29 : memref<128xi32, #tpu.memory_space<vmem>>) semaphore(%arg14 : memref<!tpu.dma_semaphore, #tpu.memory_space<semaphore_mem>>)
      %dma_start3A_33 = arith.constant 2 : i32
      %dma_start3A_34 = arith.constant 0 : i32
      %dma_start3A_35 = tpu.memref_slice %arg7[%dma_start3A_33, %dma_start3A_34] : memref<40x128xi32, #tpu.memory_space<vmem>> -> memref<1x128xi32, #tpu.memory_space<vmem>>
      %dma_start3A_36 = tpu.memref_squeeze %dma_start3A_35 : memref<1x128xi32, #tpu.memory_space<vmem>> -> memref<128xi32, #tpu.memory_space<vmem>>
      %dma_start3A_37 = arith.constant 0 : i32
      %dma_start3A_38 = arith.constant 0 : i32
      %dma_start3A_39 = tpu.memref_slice %arg22[%dma_start3A_37, %dma_start3A_38] : memref<10112x64xf32, #tpu.memory_space<vmem_shared>> -> memref<10112x64xf32, #tpu.memory_space<vmem_shared>>
      tpu.enqueue_indirect_dma source(%dma_start3A_39 : memref<10112x64xf32, #tpu.memory_space<vmem_shared>>) target(%arg11 : memref<128x64xf32, #tpu.memory_space<vmem>>) offsets(%dma_start3A_36 : memref<128xi32, #tpu.memory_space<vmem>>) semaphore(%arg15 : memref<!tpu.dma_semaphore, #tpu.memory_space<semaphore_mem>>)
      %scan3A_40 = arith.constant 0 : i32
      %scan3A_41 = arith.constant 0 : i32
      %scan3A_42 = arith.constant 10 : i32
      %scan3A_43 = arith.addi %scan3A_41, %scan3A_42 : i32
      %scan3A_44 = arith.constant 1 : i32
      scf.for %scan3A_73 = %scan3A_41 to %scan3A_43 step %scan3A_44  : i32 {
        %mul3A_74 = arith.constant 4 : i32
        %mul3A_75 = arith.muli %scan3A_73, %mul3A_74 : i32
        %add3A = arith.constant 0 : i32
        %add3A_76 = arith.addi %mul3A_75, %add3A : i32
        %dma_wait3A_77 = arith.constant 0 : i32
        %dma_wait3A_78 = tpu.memref_slice %arg7[%add3A_76, %dma_wait3A_77] : memref<40x128xi32, #tpu.memory_space<vmem>> -> memref<1x128xi32, #tpu.memory_space<vmem>>
        %dma_wait3A_79 = tpu.memref_squeeze %dma_wait3A_78 : memref<1x128xi32, #tpu.memory_space<vmem>> -> memref<128xi32, #tpu.memory_space<vmem>>
        %dma_wait3A_80 = arith.constant 0 : i32
        %dma_wait3A_81 = arith.constant 0 : i32
        %dma_wait3A_82 = tpu.memref_slice %arg22[%dma_wait3A_80, %dma_wait3A_81] : memref<10112x64xf32, #tpu.memory_space<vmem_shared>> -> memref<10112x64xf32, #tpu.memory_space<vmem_shared>>
        tpu.wait_indirect_dma semaphore(%arg13 : memref<!tpu.dma_semaphore, #tpu.memory_space<semaphore_mem>>) src(%dma_wait3A_82 : memref<10112x64xf32, #tpu.memory_space<vmem_shared>>) dst(%arg9 : memref<128x64xf32, #tpu.memory_space<vmem>>)
        %dma_start3A_83 = arith.constant 0 : i32
        %dma_start3A_84 = tpu.memref_slice %arg8[%add3A_76, %dma_start3A_83] : memref<40x128xi32, #tpu.memory_space<vmem>> -> memref<1x128xi32, #tpu.memory_space<vmem>>
        %dma_start3A_85 = tpu.memref_squeeze %dma_start3A_84 : memref<1x128xi32, #tpu.memory_space<vmem>> -> memref<128xi32, #tpu.memory_space<vmem>>
        %dma_start3A_86 = arith.constant 0 : i32
        %dma_start3A_87 = arith.constant 0 : i32
        %dma_start3A_88 = tpu.memref_slice %arg21[%dma_start3A_86, %dma_start3A_87] : memref<10112x64xf32, #tpu.memory_space<vmem_shared>> -> memref<10112x64xf32, #tpu.memory_space<vmem_shared>>
        tpu.enqueue_indirect_dma source(%arg9 : memref<128x64xf32, #tpu.memory_space<vmem>>) target(%dma_start3A_88 : memref<10112x64xf32, #tpu.memory_space<vmem_shared>>) offsets(%dma_start3A_85 : memref<128xi32, #tpu.memory_space<vmem>>) semaphore(%arg17 : memref<!tpu.dma_semaphore, #tpu.memory_space<semaphore_mem>>) {add = true}
        %add3A_89 = arith.constant 3 : i32
        %add3A_90 = arith.addi %add3A_76, %add3A_89 : i32
        %lt3A = arith.constant 40 : i32
        %lt3A_91 = arith.cmpi slt, %add3A_90, %lt3A : i32
        %convert_element_type3A = arith.extui %lt3A_91 : i1 to i32
        %cond3A = arith.constant 0 : i32
        %cond3A_92 = arith.cmpi ne, %convert_element_type3A, %cond3A : i32
        scf.if %cond3A_92 {
          %ge3A = arith.constant 1 : i32
          %ge3A_156 = arith.cmpi sge, %add3A_76, %ge3A : i32
          %convert_element_type3A_157 = arith.extui %ge3A_156 : i1 to i32
          %cond3A_158 = arith.constant 0 : i32
          %cond3A_159 = arith.cmpi ne, %convert_element_type3A_157, %cond3A_158 : i32
          scf.if %cond3A_159 {
            %sub3A = arith.constant 1 : i32
            %sub3A_168 = arith.subi %add3A_76, %sub3A : i32
            %dma_wait3A_169 = arith.constant 0 : i32
            %dma_wait3A_170 = tpu.memref_slice %arg8[%sub3A_168, %dma_wait3A_169] : memref<40x128xi32, #tpu.memory_space<vmem>> -> memref<1x128xi32, #tpu.memory_space<vmem>>
            %dma_wait3A_171 = tpu.memref_squeeze %dma_wait3A_170 : memref<1x128xi32, #tpu.memory_space<vmem>> -> memref<128xi32, #tpu.memory_space<vmem>>
            %dma_wait3A_172 = arith.constant 0 : i32
            %dma_wait3A_173 = arith.constant 0 : i32
            %dma_wait3A_174 = tpu.memref_slice %arg21[%dma_wait3A_172, %dma_wait3A_173] : memref<10112x64xf32, #tpu.memory_space<vmem_shared>> -> memref<10112x64xf32, #tpu.memory_space<vmem_shared>>
            tpu.wait_indirect_dma semaphore(%arg20 : memref<!tpu.dma_semaphore, #tpu.memory_space<semaphore_mem>>) src(%arg12 : memref<128x64xf32, #tpu.memory_space<vmem>>) dst(%dma_wait3A_174 : memref<10112x64xf32, #tpu.memory_space<vmem_shared>>)
          } else {
          }
          %add3A_160 = arith.constant 3 : i32
          %add3A_161 = arith.addi %add3A_76, %add3A_160 : i32
          %dma_start3A_162 = arith.constant 0 : i32
          %dma_start3A_163 = tpu.memref_slice %arg7[%add3A_161, %dma_start3A_162] : memref<40x128xi32, #tpu.memory_space<vmem>> -> memref<1x128xi32, #tpu.memory_space<vmem>>
          %dma_start3A_164 = tpu.memref_squeeze %dma_start3A_163 : memref<1x128xi32, #tpu.memory_space<vmem>> -> memref<128xi32, #tpu.memory_space<vmem>>
          %dma_start3A_165 = arith.constant 0 : i32
          %dma_start3A_166 = arith.constant 0 : i32
          %dma_start3A_167 = tpu.memref_slice %arg22[%dma_start3A_165, %dma_start3A_166] : memref<10112x64xf32, #tpu.memory_space<vmem_shared>> -> memref<10112x64xf32, #tpu.memory_space<vmem_shared>>
          tpu.enqueue_indirect_dma source(%dma_start3A_167 : memref<10112x64xf32, #tpu.memory_space<vmem_shared>>) target(%arg12 : memref<128x64xf32, #tpu.memory_space<vmem>>) offsets(%dma_start3A_164 : memref<128xi32, #tpu.memory_space<vmem>>) semaphore(%arg16 : memref<!tpu.dma_semaphore, #tpu.memory_space<semaphore_mem>>)
        } else {
        }
        %add3A_93 = arith.constant 1 : i32
        %add3A_94 = arith.addi %mul3A_75, %add3A_93 : i32
        %dma_wait3A_95 = arith.constant 0 : i32
        %dma_wait3A_96 = tpu.memref_slice %arg7[%add3A_94, %dma_wait3A_95] : memref<40x128xi32, #tpu.memory_space<vmem>> -> memref<1x128xi32, #tpu.memory_space<vmem>>
        %dma_wait3A_97 = tpu.memref_squeeze %dma_wait3A_96 : memref<1x128xi32, #tpu.memory_space<vmem>> -> memref<128xi32, #tpu.memory_space<vmem>>
        %dma_wait3A_98 = arith.constant 0 : i32
        %dma_wait3A_99 = arith.constant 0 : i32
        %dma_wait3A_100 = tpu.memref_slice %arg22[%dma_wait3A_98, %dma_wait3A_99] : memref<10112x64xf32, #tpu.memory_space<vmem_shared>> -> memref<10112x64xf32, #tpu.memory_space<vmem_shared>>
        tpu.wait_indirect_dma semaphore(%arg14 : memref<!tpu.dma_semaphore, #tpu.memory_space<semaphore_mem>>) src(%dma_wait3A_100 : memref<10112x64xf32, #tpu.memory_space<vmem_shared>>) dst(%arg10 : memref<128x64xf32, #tpu.memory_space<vmem>>)
        %dma_start3A_101 = arith.constant 0 : i32
        %dma_start3A_102 = tpu.memref_slice %arg8[%add3A_94, %dma_start3A_101] : memref<40x128xi32, #tpu.memory_space<vmem>> -> memref<1x128xi32, #tpu.memory_space<vmem>>
        %dma_start3A_103 = tpu.memref_squeeze %dma_start3A_102 : memref<1x128xi32, #tpu.memory_space<vmem>> -> memref<128xi32, #tpu.memory_space<vmem>>
        %dma_start3A_104 = arith.constant 0 : i32
        %dma_start3A_105 = arith.constant 0 : i32
        %dma_start3A_106 = tpu.memref_slice %arg21[%dma_start3A_104, %dma_start3A_105] : memref<10112x64xf32, #tpu.memory_space<vmem_shared>> -> memref<10112x64xf32, #tpu.memory_space<vmem_shared>>
        tpu.enqueue_indirect_dma source(%arg10 : memref<128x64xf32, #tpu.memory_space<vmem>>) target(%dma_start3A_106 : memref<10112x64xf32, #tpu.memory_space<vmem_shared>>) offsets(%dma_start3A_103 : memref<128xi32, #tpu.memory_space<vmem>>) semaphore(%arg18 : memref<!tpu.dma_semaphore, #tpu.memory_space<semaphore_mem>>) {add = true}
        %add3A_107 = arith.constant 3 : i32
        %add3A_108 = arith.addi %add3A_94, %add3A_107 : i32
        %lt3A_109 = arith.constant 40 : i32
        %lt3A_110 = arith.cmpi slt, %add3A_108, %lt3A_109 : i32
        %convert_element_type3A_111 = arith.extui %lt3A_110 : i1 to i32
        %cond3A_112 = arith.constant 0 : i32
        %cond3A_113 = arith.cmpi ne, %convert_element_type3A_111, %cond3A_112 : i32
        scf.if %cond3A_113 {
          %ge3A = arith.constant 1 : i32
          %ge3A_156 = arith.cmpi sge, %add3A_94, %ge3A : i32
          %convert_element_type3A_157 = arith.extui %ge3A_156 : i1 to i32
          %cond3A_158 = arith.constant 0 : i32
          %cond3A_159 = arith.cmpi ne, %convert_element_type3A_157, %cond3A_158 : i32
          scf.if %cond3A_159 {
            %sub3A = arith.constant 1 : i32
            %sub3A_168 = arith.subi %add3A_94, %sub3A : i32
            %dma_wait3A_169 = arith.constant 0 : i32
            %dma_wait3A_170 = tpu.memref_slice %arg8[%sub3A_168, %dma_wait3A_169] : memref<40x128xi32, #tpu.memory_space<vmem>> -> memref<1x128xi32, #tpu.memory_space<vmem>>
            %dma_wait3A_171 = tpu.memref_squeeze %dma_wait3A_170 : memref<1x128xi32, #tpu.memory_space<vmem>> -> memref<128xi32, #tpu.memory_space<vmem>>
            %dma_wait3A_172 = arith.constant 0 : i32
            %dma_wait3A_173 = arith.constant 0 : i32
            %dma_wait3A_174 = tpu.memref_slice %arg21[%dma_wait3A_172, %dma_wait3A_173] : memref<10112x64xf32, #tpu.memory_space<vmem_shared>> -> memref<10112x64xf32, #tpu.memory_space<vmem_shared>>
            tpu.wait_indirect_dma semaphore(%arg17 : memref<!tpu.dma_semaphore, #tpu.memory_space<semaphore_mem>>) src(%arg9 : memref<128x64xf32, #tpu.memory_space<vmem>>) dst(%dma_wait3A_174 : memref<10112x64xf32, #tpu.memory_space<vmem_shared>>)
          } else {
          }
          %add3A_160 = arith.constant 3 : i32
          %add3A_161 = arith.addi %add3A_94, %add3A_160 : i32
          %dma_start3A_162 = arith.constant 0 : i32
          %dma_start3A_163 = tpu.memref_slice %arg7[%add3A_161, %dma_start3A_162] : memref<40x128xi32, #tpu.memory_space<vmem>> -> memref<1x128xi32, #tpu.memory_space<vmem>>
          %dma_start3A_164 = tpu.memref_squeeze %dma_start3A_163 : memref<1x128xi32, #tpu.memory_space<vmem>> -> memref<128xi32, #tpu.memory_space<vmem>>
          %dma_start3A_165 = arith.constant 0 : i32
          %dma_start3A_166 = arith.constant 0 : i32
          %dma_start3A_167 = tpu.memref_slice %arg22[%dma_start3A_165, %dma_start3A_166] : memref<10112x64xf32, #tpu.memory_space<vmem_shared>> -> memref<10112x64xf32, #tpu.memory_space<vmem_shared>>
          tpu.enqueue_indirect_dma source(%dma_start3A_167 : memref<10112x64xf32, #tpu.memory_space<vmem_shared>>) target(%arg9 : memref<128x64xf32, #tpu.memory_space<vmem>>) offsets(%dma_start3A_164 : memref<128xi32, #tpu.memory_space<vmem>>) semaphore(%arg13 : memref<!tpu.dma_semaphore, #tpu.memory_space<semaphore_mem>>)
        } else {
        }
        %add3A_114 = arith.constant 2 : i32
        %add3A_115 = arith.addi %mul3A_75, %add3A_114 : i32
        %dma_wait3A_116 = arith.constant 0 : i32
        %dma_wait3A_117 = tpu.memref_slice %arg7[%add3A_115, %dma_wait3A_116] : memref<40x128xi32, #tpu.memory_space<vmem>> -> memref<1x128xi32, #tpu.memory_space<vmem>>
        %dma_wait3A_118 = tpu.memref_squeeze %dma_wait3A_117 : memref<1x128xi32, #tpu.memory_space<vmem>> -> memref<128xi32, #tpu.memory_space<vmem>>
        %dma_wait3A_119 = arith.constant 0 : i32
        %dma_wait3A_120 = arith.constant 0 : i32
        %dma_wait3A_121 = tpu.memref_slice %arg22[%dma_wait3A_119, %dma_wait3A_120] : memref<10112x64xf32, #tpu.memory_space<vmem_shared>> -> memref<10112x64xf32, #tpu.memory_space<vmem_shared>>
        tpu.wait_indirect_dma semaphore(%arg15 : memref<!tpu.dma_semaphore, #tpu.memory_space<semaphore_mem>>) src(%dma_wait3A_121 : memref<10112x64xf32, #tpu.memory_space<vmem_shared>>) dst(%arg11 : memref<128x64xf32, #tpu.memory_space<vmem>>)
        %dma_start3A_122 = arith.constant 0 : i32
        %dma_start3A_123 = tpu.memref_slice %arg8[%add3A_115, %dma_start3A_122] : memref<40x128xi32, #tpu.memory_space<vmem>> -> memref<1x128xi32, #tpu.memory_space<vmem>>
        %dma_start3A_124 = tpu.memref_squeeze %dma_start3A_123 : memref<1x128xi32, #tpu.memory_space<vmem>> -> memref<128xi32, #tpu.memory_space<vmem>>
        %dma_start3A_125 = arith.constant 0 : i32
        %dma_start3A_126 = arith.constant 0 : i32
        %dma_start3A_127 = tpu.memref_slice %arg21[%dma_start3A_125, %dma_start3A_126] : memref<10112x64xf32, #tpu.memory_space<vmem_shared>> -> memref<10112x64xf32, #tpu.memory_space<vmem_shared>>
        tpu.enqueue_indirect_dma source(%arg11 : memref<128x64xf32, #tpu.memory_space<vmem>>) target(%dma_start3A_127 : memref<10112x64xf32, #tpu.memory_space<vmem_shared>>) offsets(%dma_start3A_124 : memref<128xi32, #tpu.memory_space<vmem>>) semaphore(%arg19 : memref<!tpu.dma_semaphore, #tpu.memory_space<semaphore_mem>>) {add = true}
        %add3A_128 = arith.constant 3 : i32
        %add3A_129 = arith.addi %add3A_115, %add3A_128 : i32
        %lt3A_130 = arith.constant 40 : i32
        %lt3A_131 = arith.cmpi slt, %add3A_129, %lt3A_130 : i32
        %convert_element_type3A_132 = arith.extui %lt3A_131 : i1 to i32
        %cond3A_133 = arith.constant 0 : i32
        %cond3A_134 = arith.cmpi ne, %convert_element_type3A_132, %cond3A_133 : i32
        scf.if %cond3A_134 {
          %ge3A = arith.constant 1 : i32
          %ge3A_156 = arith.cmpi sge, %add3A_115, %ge3A : i32
          %convert_element_type3A_157 = arith.extui %ge3A_156 : i1 to i32
          %cond3A_158 = arith.constant 0 : i32
          %cond3A_159 = arith.cmpi ne, %convert_element_type3A_157, %cond3A_158 : i32
          scf.if %cond3A_159 {
            %sub3A = arith.constant 1 : i32
            %sub3A_168 = arith.subi %add3A_115, %sub3A : i32
            %dma_wait3A_169 = arith.constant 0 : i32
            %dma_wait3A_170 = tpu.memref_slice %arg8[%sub3A_168, %dma_wait3A_169] : memref<40x128xi32, #tpu.memory_space<vmem>> -> memref<1x128xi32, #tpu.memory_space<vmem>>
            %dma_wait3A_171 = tpu.memref_squeeze %dma_wait3A_170 : memref<1x128xi32, #tpu.memory_space<vmem>> -> memref<128xi32, #tpu.memory_space<vmem>>
            %dma_wait3A_172 = arith.constant 0 : i32
            %dma_wait3A_173 = arith.constant 0 : i32
            %dma_wait3A_174 = tpu.memref_slice %arg21[%dma_wait3A_172, %dma_wait3A_173] : memref<10112x64xf32, #tpu.memory_space<vmem_shared>> -> memref<10112x64xf32, #tpu.memory_space<vmem_shared>>
            tpu.wait_indirect_dma semaphore(%arg18 : memref<!tpu.dma_semaphore, #tpu.memory_space<semaphore_mem>>) src(%arg10 : memref<128x64xf32, #tpu.memory_space<vmem>>) dst(%dma_wait3A_174 : memref<10112x64xf32, #tpu.memory_space<vmem_shared>>)
          } else {
          }
          %add3A_160 = arith.constant 3 : i32
          %add3A_161 = arith.addi %add3A_115, %add3A_160 : i32
          %dma_start3A_162 = arith.constant 0 : i32
          %dma_start3A_163 = tpu.memref_slice %arg7[%add3A_161, %dma_start3A_162] : memref<40x128xi32, #tpu.memory_space<vmem>> -> memref<1x128xi32, #tpu.memory_space<vmem>>
          %dma_start3A_164 = tpu.memref_squeeze %dma_start3A_163 : memref<1x128xi32, #tpu.memory_space<vmem>> -> memref<128xi32, #tpu.memory_space<vmem>>
          %dma_start3A_165 = arith.constant 0 : i32
          %dma_start3A_166 = arith.constant 0 : i32
          %dma_start3A_167 = tpu.memref_slice %arg22[%dma_start3A_165, %dma_start3A_166] : memref<10112x64xf32, #tpu.memory_space<vmem_shared>> -> memref<10112x64xf32, #tpu.memory_space<vmem_shared>>
          tpu.enqueue_indirect_dma source(%dma_start3A_167 : memref<10112x64xf32, #tpu.memory_space<vmem_shared>>) target(%arg10 : memref<128x64xf32, #tpu.memory_space<vmem>>) offsets(%dma_start3A_164 : memref<128xi32, #tpu.memory_space<vmem>>) semaphore(%arg14 : memref<!tpu.dma_semaphore, #tpu.memory_space<semaphore_mem>>)
        } else {
        }
        %add3A_135 = arith.constant 3 : i32
        %add3A_136 = arith.addi %mul3A_75, %add3A_135 : i32
        %dma_wait3A_137 = arith.constant 0 : i32
        %dma_wait3A_138 = tpu.memref_slice %arg7[%add3A_136, %dma_wait3A_137] : memref<40x128xi32, #tpu.memory_space<vmem>> -> memref<1x128xi32, #tpu.memory_space<vmem>>
        %dma_wait3A_139 = tpu.memref_squeeze %dma_wait3A_138 : memref<1x128xi32, #tpu.memory_space<vmem>> -> memref<128xi32, #tpu.memory_space<vmem>>
        %dma_wait3A_140 = arith.constant 0 : i32
        %dma_wait3A_141 = arith.constant 0 : i32
        %dma_wait3A_142 = tpu.memref_slice %arg22[%dma_wait3A_140, %dma_wait3A_141] : memref<10112x64xf32, #tpu.memory_space<vmem_shared>> -> memref<10112x64xf32, #tpu.memory_space<vmem_shared>>
        tpu.wait_indirect_dma semaphore(%arg16 : memref<!tpu.dma_semaphore, #tpu.memory_space<semaphore_mem>>) src(%dma_wait3A_142 : memref<10112x64xf32, #tpu.memory_space<vmem_shared>>) dst(%arg12 : memref<128x64xf32, #tpu.memory_space<vmem>>)
        %dma_start3A_143 = arith.constant 0 : i32
        %dma_start3A_144 = tpu.memref_slice %arg8[%add3A_136, %dma_start3A_143] : memref<40x128xi32, #tpu.memory_space<vmem>> -> memref<1x128xi32, #tpu.memory_space<vmem>>
        %dma_start3A_145 = tpu.memref_squeeze %dma_start3A_144 : memref<1x128xi32, #tpu.memory_space<vmem>> -> memref<128xi32, #tpu.memory_space<vmem>>
        %dma_start3A_146 = arith.constant 0 : i32
        %dma_start3A_147 = arith.constant 0 : i32
        %dma_start3A_148 = tpu.memref_slice %arg21[%dma_start3A_146, %dma_start3A_147] : memref<10112x64xf32, #tpu.memory_space<vmem_shared>> -> memref<10112x64xf32, #tpu.memory_space<vmem_shared>>
        tpu.enqueue_indirect_dma source(%arg12 : memref<128x64xf32, #tpu.memory_space<vmem>>) target(%dma_start3A_148 : memref<10112x64xf32, #tpu.memory_space<vmem_shared>>) offsets(%dma_start3A_145 : memref<128xi32, #tpu.memory_space<vmem>>) semaphore(%arg20 : memref<!tpu.dma_semaphore, #tpu.memory_space<semaphore_mem>>) {add = true}
        %add3A_149 = arith.constant 3 : i32
        %add3A_150 = arith.addi %add3A_136, %add3A_149 : i32
        %lt3A_151 = arith.constant 40 : i32
        %lt3A_152 = arith.cmpi slt, %add3A_150, %lt3A_151 : i32
        %convert_element_type3A_153 = arith.extui %lt3A_152 : i1 to i32
        %cond3A_154 = arith.constant 0 : i32
        %cond3A_155 = arith.cmpi ne, %convert_element_type3A_153, %cond3A_154 : i32
        scf.if %cond3A_155 {
          %ge3A = arith.constant 1 : i32
          %ge3A_156 = arith.cmpi sge, %add3A_136, %ge3A : i32
          %convert_element_type3A_157 = arith.extui %ge3A_156 : i1 to i32
          %cond3A_158 = arith.constant 0 : i32
          %cond3A_159 = arith.cmpi ne, %convert_element_type3A_157, %cond3A_158 : i32
          scf.if %cond3A_159 {
            %sub3A = arith.constant 1 : i32
            %sub3A_168 = arith.subi %add3A_136, %sub3A : i32
            %dma_wait3A_169 = arith.constant 0 : i32
            %dma_wait3A_170 = tpu.memref_slice %arg8[%sub3A_168, %dma_wait3A_169] : memref<40x128xi32, #tpu.memory_space<vmem>> -> memref<1x128xi32, #tpu.memory_space<vmem>>
            %dma_wait3A_171 = tpu.memref_squeeze %dma_wait3A_170 : memref<1x128xi32, #tpu.memory_space<vmem>> -> memref<128xi32, #tpu.memory_space<vmem>>
            %dma_wait3A_172 = arith.constant 0 : i32
            %dma_wait3A_173 = arith.constant 0 : i32
            %dma_wait3A_174 = tpu.memref_slice %arg21[%dma_wait3A_172, %dma_wait3A_173] : memref<10112x64xf32, #tpu.memory_space<vmem_shared>> -> memref<10112x64xf32, #tpu.memory_space<vmem_shared>>
            tpu.wait_indirect_dma semaphore(%arg19 : memref<!tpu.dma_semaphore, #tpu.memory_space<semaphore_mem>>) src(%arg11 : memref<128x64xf32, #tpu.memory_space<vmem>>) dst(%dma_wait3A_174 : memref<10112x64xf32, #tpu.memory_space<vmem_shared>>)
          } else {
          }
          %add3A_160 = arith.constant 3 : i32
          %add3A_161 = arith.addi %add3A_136, %add3A_160 : i32
          %dma_start3A_162 = arith.constant 0 : i32
          %dma_start3A_163 = tpu.memref_slice %arg7[%add3A_161, %dma_start3A_162] : memref<40x128xi32, #tpu.memory_space<vmem>> -> memref<1x128xi32, #tpu.memory_space<vmem>>
          %dma_start3A_164 = tpu.memref_squeeze %dma_start3A_163 : memref<1x128xi32, #tpu.memory_space<vmem>> -> memref<128xi32, #tpu.memory_space<vmem>>
          %dma_start3A_165 = arith.constant 0 : i32
          %dma_start3A_166 = arith.constant 0 : i32
          %dma_start3A_167 = tpu.memref_slice %arg22[%dma_start3A_165, %dma_start3A_166] : memref<10112x64xf32, #tpu.memory_space<vmem_shared>> -> memref<10112x64xf32, #tpu.memory_space<vmem_shared>>
          tpu.enqueue_indirect_dma source(%dma_start3A_167 : memref<10112x64xf32, #tpu.memory_space<vmem_shared>>) target(%arg11 : memref<128x64xf32, #tpu.memory_space<vmem>>) offsets(%dma_start3A_164 : memref<128xi32, #tpu.memory_space<vmem>>) semaphore(%arg15 : memref<!tpu.dma_semaphore, #tpu.memory_space<semaphore_mem>>)
        } else {
        }
      }
      %scan3A_45 = arith.constant 10 : i32
      %dma_wait3A = arith.constant 36 : i32
      %dma_wait3A_46 = arith.constant 0 : i32
      %dma_wait3A_47 = tpu.memref_slice %arg8[%dma_wait3A, %dma_wait3A_46] : memref<40x128xi32, #tpu.memory_space<vmem>> -> memref<1x128xi32, #tpu.memory_space<vmem>>
      %dma_wait3A_48 = tpu.memref_squeeze %dma_wait3A_47 : memref<1x128xi32, #tpu.memory_space<vmem>> -> memref<128xi32, #tpu.memory_space<vmem>>
      %dma_wait3A_49 = arith.constant 0 : i32
      %dma_wait3A_50 = arith.constant 0 : i32
      %dma_wait3A_51 = tpu.memref_slice %arg21[%dma_wait3A_49, %dma_wait3A_50] : memref<10112x64xf32, #tpu.memory_space<vmem_shared>> -> memref<10112x64xf32, #tpu.memory_space<vmem_shared>>
      tpu.wait_indirect_dma semaphore(%arg17 : memref<!tpu.dma_semaphore, #tpu.memory_space<semaphore_mem>>) src(%arg9 : memref<128x64xf32, #tpu.memory_space<vmem>>) dst(%dma_wait3A_51 : memref<10112x64xf32, #tpu.memory_space<vmem_shared>>)
      %dma_wait3A_52 = arith.constant 37 : i32
      %dma_wait3A_53 = arith.constant 0 : i32
      %dma_wait3A_54 = tpu.memref_slice %arg8[%dma_wait3A_52, %dma_wait3A_53] : memref<40x128xi32, #tpu.memory_space<vmem>> -> memref<1x128xi32, #tpu.memory_space<vmem>>
      %dma_wait3A_55 = tpu.memref_squeeze %dma_wait3A_54 : memref<1x128xi32, #tpu.memory_space<vmem>> -> memref<128xi32, #tpu.memory_space<vmem>>
      %dma_wait3A_56 = arith.constant 0 : i32
      %dma_wait3A_57 = arith.constant 0 : i32
      %dma_wait3A_58 = tpu.memref_slice %arg21[%dma_wait3A_56, %dma_wait3A_57] : memref<10112x64xf32, #tpu.memory_space<vmem_shared>> -> memref<10112x64xf32, #tpu.memory_space<vmem_shared>>
      tpu.wait_indirect_dma semaphore(%arg18 : memref<!tpu.dma_semaphore, #tpu.memory_space<semaphore_mem>>) src(%arg10 : memref<128x64xf32, #tpu.memory_space<vmem>>) dst(%dma_wait3A_58 : memref<10112x64xf32, #tpu.memory_space<vmem_shared>>)
      %dma_wait3A_59 = arith.constant 38 : i32
      %dma_wait3A_60 = arith.constant 0 : i32
      %dma_wait3A_61 = tpu.memref_slice %arg8[%dma_wait3A_59, %dma_wait3A_60] : memref<40x128xi32, #tpu.memory_space<vmem>> -> memref<1x128xi32, #tpu.memory_space<vmem>>
      %dma_wait3A_62 = tpu.memref_squeeze %dma_wait3A_61 : memref<1x128xi32, #tpu.memory_space<vmem>> -> memref<128xi32, #tpu.memory_space<vmem>>
      %dma_wait3A_63 = arith.constant 0 : i32
      %dma_wait3A_64 = arith.constant 0 : i32
      %dma_wait3A_65 = tpu.memref_slice %arg21[%dma_wait3A_63, %dma_wait3A_64] : memref<10112x64xf32, #tpu.memory_space<vmem_shared>> -> memref<10112x64xf32, #tpu.memory_space<vmem_shared>>
      tpu.wait_indirect_dma semaphore(%arg19 : memref<!tpu.dma_semaphore, #tpu.memory_space<semaphore_mem>>) src(%arg11 : memref<128x64xf32, #tpu.memory_space<vmem>>) dst(%dma_wait3A_65 : memref<10112x64xf32, #tpu.memory_space<vmem_shared>>)
      %dma_wait3A_66 = arith.constant 39 : i32
      %dma_wait3A_67 = arith.constant 0 : i32
      %dma_wait3A_68 = tpu.memref_slice %arg8[%dma_wait3A_66, %dma_wait3A_67] : memref<40x128xi32, #tpu.memory_space<vmem>> -> memref<1x128xi32, #tpu.memory_space<vmem>>
      %dma_wait3A_69 = tpu.memref_squeeze %dma_wait3A_68 : memref<1x128xi32, #tpu.memory_space<vmem>> -> memref<128xi32, #tpu.memory_space<vmem>>
      %dma_wait3A_70 = arith.constant 0 : i32
      %dma_wait3A_71 = arith.constant 0 : i32
      %dma_wait3A_72 = tpu.memref_slice %arg21[%dma_wait3A_70, %dma_wait3A_71] : memref<10112x64xf32, #tpu.memory_space<vmem_shared>> -> memref<10112x64xf32, #tpu.memory_space<vmem_shared>>
      tpu.wait_indirect_dma semaphore(%arg20 : memref<!tpu.dma_semaphore, #tpu.memory_space<semaphore_mem>>) src(%arg12 : memref<128x64xf32, #tpu.memory_space<vmem>>) dst(%dma_wait3A_72 : memref<10112x64xf32, #tpu.memory_space<vmem_shared>>)
    }
    %scan3A_9 = arith.constant 4 : i32
    %barrier3A_10 = arith.constant 0 : index
    tpu.barrier barrier_id(%barrier3A_10)
    %mul3A_11 = arith.constant 632 : i32
    %mul3A_12 = arith.muli %arg1, %mul3A_11 : i32
    %mul3A_13 = arith.constant 632 : i32
    %mul3A_14 = arith.muli %arg1, %mul3A_13 : i32
    "tpu.region"() ({
      %run_scoped3A = tpu.sem_alloc : memref<!tpu.dma_semaphore, #tpu.memory_space<semaphore_mem>>
      %dma_start3A = arith.constant 0 : i32
      %dma_start3A_15 = tpu.memref_slice %arg6[%arg0, %mul3A_14, %dma_start3A] : memref<2x10112x64xf32, #tpu.memory_space<hbm>> -> memref<1x632x64xf32, #tpu.memory_space<hbm>>
      %dma_start3A_16 = tpu.memref_squeeze %dma_start3A_15 : memref<1x632x64xf32, #tpu.memory_space<hbm>> -> memref<632x64xf32, #tpu.memory_space<hbm>>
      %dma_start3A_17 = arith.constant 0 : i32
      %dma_start3A_18 = tpu.memref_slice %arg21[%mul3A_12, %dma_start3A_17] : memref<10112x64xf32, #tpu.memory_space<vmem_shared>> -> memref<632x64xf32, #tpu.memory_space<vmem_shared>>
      tpu.enqueue_dma source(%dma_start3A_18 : memref<632x64xf32, #tpu.memory_space<vmem_shared>>) target(%dma_start3A_16 : memref<632x64xf32, #tpu.memory_space<hbm>>) target_semaphore(%run_scoped3A : memref<!tpu.dma_semaphore, #tpu.memory_space<semaphore_mem>>)
      %dma_wait3A = arith.constant 0 : i32
      %dma_wait3A_19 = tpu.memref_slice %arg6[%arg0, %mul3A_14, %dma_wait3A] : memref<2x10112x64xf32, #tpu.memory_space<hbm>> -> memref<1x632x64xf32, #tpu.memory_space<hbm>>
      %dma_wait3A_20 = tpu.memref_squeeze %dma_wait3A_19 : memref<1x632x64xf32, #tpu.memory_space<hbm>> -> memref<632x64xf32, #tpu.memory_space<hbm>>
      %dma_wait3A_21 = arith.constant 0 : i32
      %dma_wait3A_22 = tpu.memref_slice %arg21[%mul3A_12, %dma_wait3A_21] : memref<10112x64xf32, #tpu.memory_space<vmem_shared>> -> memref<632x64xf32, #tpu.memory_space<vmem_shared>>
      tpu.wait_dma2 semaphore(%run_scoped3A : memref<!tpu.dma_semaphore, #tpu.memory_space<semaphore_mem>>) src(%dma_wait3A_22 : memref<632x64xf32, #tpu.memory_space<vmem_shared>>) dst(%dma_wait3A_20 : memref<632x64xf32, #tpu.memory_space<hbm>>)
      tpu.yield
    }) : () -> ()
    return
  }
}

module attributes {stable_mosaic.version = 14 : i64} {
  func.func @body(%arg0: memref<10000x128xf32, #tpu.memory_space<vmem>>, %arg1: memref<2x10112x16xf32, #tpu.memory_space<vmem>>, %arg2: memref<1x128xf32, #tpu.memory_space<vmem>>, %arg3: memref<1x128xf32, #tpu.memory_space<vmem>>, %arg4: memref<128x128xf32, #tpu.memory_space<vmem>>, %arg5: memref<10000x1xf32, #tpu.memory_space<vmem>>, %arg6: memref<2x10000x64xf32, #tpu.memory_space<vmem>>) attributes {dimension_semantics = [], scalar_prefetch = 0 : i64, scratch_operands = 0 : i64, tpu.core_type = #tpu.core_type<tc>} {
    %get3A = arith.constant 0 : index
    %get3A_0 = arith.constant 0 : index
    %get3A_1 = arith.constant 0 : index
    %get3A_2 = vector.load %arg1[%get3A, %get3A_0, %get3A_1] : memref<2x10112x16xf32, #tpu.memory_space<vmem>>, vector<2x10112x16xf32>
    %slice3A = vector.extract_strided_slice %get3A_2 {offsets = [0, 0, 0], sizes = [2, 10000, 16], strides = [1, 1, 1]} : vector<2x10112x16xf32> to vector<2x10000x16xf32>
    %reduce_sum3A = arith.constant dense<0.000000e+00> : vector<2x10000xf32>
    %reduce_sum3A_3 = vector.multi_reduction <add>, %slice3A, %reduce_sum3A [2] : vector<2x10000x16xf32> to vector<2x10000xf32>
    %reduce_sum3A_4 = arith.constant dense<0.000000e+00> : vector<10000xf32>
    %reduce_sum3A_5 = vector.multi_reduction <add>, %reduce_sum3A_3, %reduce_sum3A_4 [0] : vector<2x10000xf32> to vector<10000xf32>
    %mul3A = arith.constant 6.250000e-02 : f32
    %mul3A_6 = vector.broadcast %mul3A : f32 to vector<10000xf32>
    %mul3A_7 = arith.mulf %reduce_sum3A_5, %mul3A_6 : vector<10000xf32>
    %add3A = arith.constant 1.000000e+00 : f32
    %add3A_8 = vector.broadcast %add3A : f32 to vector<10000xf32>
    %add3A_9 = arith.addf %add3A_8, %mul3A_7 : vector<10000xf32>
    %rsqrt3A = math.rsqrt %add3A_9 : vector<10000xf32>
    %broadcast_in_dim3A = vector.shape_cast %rsqrt3A : vector<10000xf32> to vector<10000x1xf32>
    %swap3A = arith.constant 0 : index
    %swap3A_10 = arith.constant 0 : index
    %swap3A_11 = vector.load %arg5[%swap3A, %swap3A_10] : memref<10000x1xf32, #tpu.memory_space<vmem>>, vector<10000x1xf32>
    tpu.vector_store %arg5[%swap3A, %swap3A_10], %broadcast_in_dim3A {strides = array<i32>} : memref<10000x1xf32, #tpu.memory_space<vmem>>, vector<10000x1xf32>,
    %get3A_12 = arith.constant 0 : index
    %get3A_13 = arith.constant 0 : index
    %get3A_14 = vector.load %arg0[%get3A_12, %get3A_13] : memref<10000x128xf32, #tpu.memory_space<vmem>>, vector<10000x128xf32>
    %reduce_sum3A_15 = arith.constant dense<0.000000e+00> : vector<128xf32>
    %reduce_sum3A_16 = vector.multi_reduction <add>, %get3A_14, %reduce_sum3A_15 [0] : vector<10000x128xf32> to vector<128xf32>
    %broadcast_in_dim3A_17 = vector.shape_cast %reduce_sum3A_16 : vector<128xf32> to vector<1x128xf32>
    %div3A = arith.constant 1.000000e+04 : f32
    %div3A_18 = vector.broadcast %div3A : f32 to vector<1x128xf32>
    %div3A_19 = arith.divf %broadcast_in_dim3A_17, %div3A_18 : vector<1x128xf32>
    %sub3A = vector.broadcast %div3A_19 : vector<1x128xf32> to vector<10000x128xf32>
    %sub3A_20 = arith.subf %get3A_14, %sub3A : vector<10000x128xf32>
    %integer_pow3A = arith.mulf %sub3A_20, %sub3A_20 : vector<10000x128xf32>
    %reduce_sum3A_21 = arith.constant dense<0.000000e+00> : vector<128xf32>
    %reduce_sum3A_22 = vector.multi_reduction <add>, %integer_pow3A, %reduce_sum3A_21 [0] : vector<10000x128xf32> to vector<128xf32>
    %broadcast_in_dim3A_23 = vector.shape_cast %reduce_sum3A_22 : vector<128xf32> to vector<1x128xf32>
    %div3A_24 = arith.constant 1.000000e+04 : f32
    %div3A_25 = vector.broadcast %div3A_24 : f32 to vector<1x128xf32>
    %div3A_26 = arith.divf %broadcast_in_dim3A_23, %div3A_25 : vector<1x128xf32>
    %sub3A_27 = vector.broadcast %div3A_19 : vector<1x128xf32> to vector<10000x128xf32>
    %sub3A_28 = arith.subf %get3A_14, %sub3A_27 : vector<10000x128xf32>
    %add3A_29 = arith.constant 9.99999974E-6 : f32
    %add3A_30 = vector.broadcast %add3A_29 : f32 to vector<1x128xf32>
    %add3A_31 = arith.addf %div3A_26, %add3A_30 : vector<1x128xf32>
    %sqrt3A = math.sqrt %add3A_31 : vector<1x128xf32>
    %div3A_32 = vector.broadcast %sqrt3A : vector<1x128xf32> to vector<10000x128xf32>
    %div3A_33 = arith.divf %sub3A_28, %div3A_32 : vector<10000x128xf32>
    %get3A_34 = arith.constant 0 : index
    %get3A_35 = arith.constant 0 : index
    %get3A_36 = vector.load %arg2[%get3A_34, %get3A_35] : memref<1x128xf32, #tpu.memory_space<vmem>>, vector<1x128xf32>
    %mul3A_37 = vector.broadcast %get3A_36 : vector<1x128xf32> to vector<10000x128xf32>
    %mul3A_38 = arith.mulf %div3A_33, %mul3A_37 : vector<10000x128xf32>
    %get3A_39 = arith.constant 0 : index
    %get3A_40 = arith.constant 0 : index
    %get3A_41 = vector.load %arg3[%get3A_39, %get3A_40] : memref<1x128xf32, #tpu.memory_space<vmem>>, vector<1x128xf32>
    %add3A_42 = vector.broadcast %get3A_41 : vector<1x128xf32> to vector<10000x128xf32>
    %add3A_43 = arith.addf %mul3A_38, %add3A_42 : vector<10000x128xf32>
    %get3A_44 = arith.constant 0 : index
    %get3A_45 = arith.constant 0 : index
    %get3A_46 = vector.load %arg4[%get3A_44, %get3A_45] : memref<128x128xf32, #tpu.memory_space<vmem>>, vector<128x128xf32>
    %dot_general3A = arith.constant dense<0.000000e+00> : vector<10000x128xf32>
    %dot_general3A_47 = tpu.matmul %add3A_43, %get3A_46, %dot_general3A {dimension_numbers = #tpu.dot_dimension_numbers<[1], [0], [0], [1], [0, 0, 1, 1], [], []>, transpose_lhs_hint = false} : vector<10000x128xf32>, vector<128x128xf32>, vector<10000x128xf32> -> vector<10000x128xf32>
    %mul3A_48 = vector.broadcast %broadcast_in_dim3A : vector<10000x1xf32> to vector<10000x128xf32>
    %mul3A_49 = arith.mulf %mul3A_48, %dot_general3A_47 : vector<10000x128xf32>
    %slice3A_50 = vector.extract_strided_slice %mul3A_49 {offsets = [0, 0], sizes = [10000, 64], strides = [1, 1]} : vector<10000x128xf32> to vector<10000x64xf32>
    %swap3A_51 = arith.constant 0 : index
    %swap3A_52 = arith.constant 0 : index
    %swap3A_53 = arith.constant 0 : index
    %swap3A_54 = vector.load %arg6[%swap3A_51, %swap3A_52, %swap3A_53] : memref<2x10000x64xf32, #tpu.memory_space<vmem>>, vector<1x10000x64xf32>
    %swap3A_55 = vector.shape_cast %swap3A_54 : vector<1x10000x64xf32> to vector<10000x64xf32>
    %swap3A_56 = vector.shape_cast %slice3A_50 : vector<10000x64xf32> to vector<1x10000x64xf32>
    tpu.vector_store %arg6[%swap3A_51, %swap3A_52, %swap3A_53], %swap3A_56 {strides = array<i32>} : memref<2x10000x64xf32, #tpu.memory_space<vmem>>, vector<1x10000x64xf32>,
    %slice3A_57 = vector.extract_strided_slice %mul3A_49 {offsets = [0, 64], sizes = [10000, 64], strides = [1, 1]} : vector<10000x128xf32> to vector<10000x64xf32>
    %swap3A_58 = arith.constant 1 : index
    %swap3A_59 = arith.constant 0 : index
    %swap3A_60 = arith.constant 0 : index
    %swap3A_61 = vector.load %arg6[%swap3A_58, %swap3A_59, %swap3A_60] : memref<2x10000x64xf32, #tpu.memory_space<vmem>>, vector<1x10000x64xf32>
    %swap3A_62 = vector.shape_cast %swap3A_61 : vector<1x10000x64xf32> to vector<10000x64xf32>
    %swap3A_63 = vector.shape_cast %slice3A_57 : vector<10000x64xf32> to vector<1x10000x64xf32>
    tpu.vector_store %arg6[%swap3A_58, %swap3A_59, %swap3A_60], %swap3A_63 {strides = array<i32>} : memref<2x10000x64xf32, #tpu.memory_space<vmem>>, vector<1x10000x64xf32>,
    return
  }
}

module attributes {stable_mosaic.version = 14 : i64} {
  func.func @body(%arg0: memref<2x10112x64xf32, #tpu.memory_space<vmem>>, %arg1: memref<2x10000x64xf32, #tpu.memory_space<vmem>>, %arg2: memref<2x10000x64xf32, #tpu.memory_space<vmem>>, %arg3: memref<10000x1xf32, #tpu.memory_space<vmem>>, %arg4: memref<1x128xf32, #tpu.memory_space<vmem>>, %arg5: memref<1x128xf32, #tpu.memory_space<vmem>>, %arg6: memref<1x128xf32, #tpu.memory_space<vmem>>, %arg7: memref<128x128xf32, #tpu.memory_space<vmem>>, %arg8: memref<10000x128xf32, #tpu.memory_space<vmem>>, %arg9: memref<2x10000x64xf32, #tpu.memory_space<vmem>>) attributes {dimension_semantics = [], scalar_prefetch = 0 : i64, scratch_operands = 0 : i64, tpu.core_type = #tpu.core_type<tc>} {
    %get3A = arith.constant 0 : index
    %get3A_0 = arith.constant 0 : index
    %get3A_1 = vector.load %arg3[%get3A, %get3A_0] : memref<10000x1xf32, #tpu.memory_space<vmem>>, vector<10000x1xf32>
    %get3A_2 = arith.constant 0 : index
    %get3A_3 = arith.constant 0 : index
    %get3A_4 = arith.constant 0 : index
    %get3A_5 = vector.load %arg0[%get3A_2, %get3A_3, %get3A_4] : memref<2x10112x64xf32, #tpu.memory_space<vmem>>, vector<1x10000x64xf32>
    %get3A_6 = vector.shape_cast %get3A_5 : vector<1x10000x64xf32> to vector<10000x64xf32>
    %get3A_7 = arith.constant 0 : index
    %get3A_8 = arith.constant 0 : index
    %get3A_9 = arith.constant 0 : index
    %get3A_10 = vector.load %arg1[%get3A_7, %get3A_8, %get3A_9] : memref<2x10000x64xf32, #tpu.memory_space<vmem>>, vector<1x10000x64xf32>
    %get3A_11 = vector.shape_cast %get3A_10 : vector<1x10000x64xf32> to vector<10000x64xf32>
    %add3A = arith.addf %get3A_6, %get3A_11 : vector<10000x64xf32>
    %get3A_12 = arith.constant 1 : index
    %get3A_13 = arith.constant 0 : index
    %get3A_14 = arith.constant 0 : index
    %get3A_15 = vector.load %arg0[%get3A_12, %get3A_13, %get3A_14] : memref<2x10112x64xf32, #tpu.memory_space<vmem>>, vector<1x10000x64xf32>
    %get3A_16 = vector.shape_cast %get3A_15 : vector<1x10000x64xf32> to vector<10000x64xf32>
    %get3A_17 = arith.constant 1 : index
    %get3A_18 = arith.constant 0 : index
    %get3A_19 = arith.constant 0 : index
    %get3A_20 = vector.load %arg1[%get3A_17, %get3A_18, %get3A_19] : memref<2x10000x64xf32, #tpu.memory_space<vmem>>, vector<1x10000x64xf32>
    %get3A_21 = vector.shape_cast %get3A_20 : vector<1x10000x64xf32> to vector<10000x64xf32>
    %add3A_22 = arith.addf %get3A_16, %get3A_21 : vector<10000x64xf32>
    %concatenate3A = tpu.concatenate %add3A, %add3A_22 in 1 : vector<10000x64xf32>, vector<10000x64xf32> -> vector<10000x128xf32>
    %mul3A = vector.broadcast %get3A_1 : vector<10000x1xf32> to vector<10000x128xf32>
    %mul3A_23 = arith.mulf %mul3A, %concatenate3A : vector<10000x128xf32>
    %get3A_24 = arith.constant 0 : index
    %get3A_25 = arith.constant 0 : index
    %get3A_26 = vector.load %arg4[%get3A_24, %get3A_25] : memref<1x128xf32, #tpu.memory_space<vmem>>, vector<1x128xf32>
    %add3A_27 = vector.broadcast %get3A_26 : vector<1x128xf32> to vector<10000x128xf32>
    %add3A_28 = arith.addf %mul3A_23, %add3A_27 : vector<10000x128xf32>
    %reduce_sum3A = arith.constant dense<0.000000e+00> : vector<128xf32>
    %reduce_sum3A_29 = vector.multi_reduction <add>, %add3A_28, %reduce_sum3A [0] : vector<10000x128xf32> to vector<128xf32>
    %broadcast_in_dim3A = vector.shape_cast %reduce_sum3A_29 : vector<128xf32> to vector<1x128xf32>
    %div3A = arith.constant 1.000000e+04 : f32
    %div3A_30 = vector.broadcast %div3A : f32 to vector<1x128xf32>
    %div3A_31 = arith.divf %broadcast_in_dim3A, %div3A_30 : vector<1x128xf32>
    %sub3A = vector.broadcast %div3A_31 : vector<1x128xf32> to vector<10000x128xf32>
    %sub3A_32 = arith.subf %add3A_28, %sub3A : vector<10000x128xf32>
    %integer_pow3A = arith.mulf %sub3A_32, %sub3A_32 : vector<10000x128xf32>
    %reduce_sum3A_33 = arith.constant dense<0.000000e+00> : vector<128xf32>
    %reduce_sum3A_34 = vector.multi_reduction <add>, %integer_pow3A, %reduce_sum3A_33 [0] : vector<10000x128xf32> to vector<128xf32>
    %broadcast_in_dim3A_35 = vector.shape_cast %reduce_sum3A_34 : vector<128xf32> to vector<1x128xf32>
    %div3A_36 = arith.constant 1.000000e+04 : f32
    %div3A_37 = vector.broadcast %div3A_36 : f32 to vector<1x128xf32>
    %div3A_38 = arith.divf %broadcast_in_dim3A_35, %div3A_37 : vector<1x128xf32>
    %sub3A_39 = vector.broadcast %div3A_31 : vector<1x128xf32> to vector<10000x128xf32>
    %sub3A_40 = arith.subf %add3A_28, %sub3A_39 : vector<10000x128xf32>
    %add3A_41 = arith.constant 9.99999974E-6 : f32
    %add3A_42 = vector.broadcast %add3A_41 : f32 to vector<1x128xf32>
    %add3A_43 = arith.addf %div3A_38, %add3A_42 : vector<1x128xf32>
    %sqrt3A = math.sqrt %add3A_43 : vector<1x128xf32>
    %div3A_44 = vector.broadcast %sqrt3A : vector<1x128xf32> to vector<10000x128xf32>
    %div3A_45 = arith.divf %sub3A_40, %div3A_44 : vector<10000x128xf32>
    %get3A_46 = arith.constant 0 : index
    %get3A_47 = arith.constant 0 : index
    %get3A_48 = vector.load %arg5[%get3A_46, %get3A_47] : memref<1x128xf32, #tpu.memory_space<vmem>>, vector<1x128xf32>
    %mul3A_49 = vector.broadcast %get3A_48 : vector<1x128xf32> to vector<10000x128xf32>
    %mul3A_50 = arith.mulf %div3A_45, %mul3A_49 : vector<10000x128xf32>
    %get3A_51 = arith.constant 0 : index
    %get3A_52 = arith.constant 0 : index
    %get3A_53 = vector.load %arg6[%get3A_51, %get3A_52] : memref<1x128xf32, #tpu.memory_space<vmem>>, vector<1x128xf32>
    %add3A_54 = vector.broadcast %get3A_53 : vector<1x128xf32> to vector<10000x128xf32>
    %add3A_55 = arith.addf %mul3A_50, %add3A_54 : vector<10000x128xf32>
    %max3A = arith.constant 0.000000e+00 : f32
    %max3A_56 = vector.broadcast %max3A : f32 to vector<10000x128xf32>
    %max3A_57 = arith.maximumf %add3A_55, %max3A_56 : vector<10000x128xf32>
    %swap3A = arith.constant 0 : index
    %swap3A_58 = arith.constant 0 : index
    %swap3A_59 = vector.load %arg8[%swap3A, %swap3A_58] : memref<10000x128xf32, #tpu.memory_space<vmem>>, vector<10000x128xf32>
    tpu.vector_store %arg8[%swap3A, %swap3A_58], %max3A_57 {strides = array<i32>} : memref<10000x128xf32, #tpu.memory_space<vmem>>, vector<10000x128xf32>,
    %get3A_60 = arith.constant 0 : index
    %get3A_61 = arith.constant 0 : index
    %get3A_62 = vector.load %arg7[%get3A_60, %get3A_61] : memref<128x128xf32, #tpu.memory_space<vmem>>, vector<128x128xf32>
    %dot_general3A = arith.constant dense<0.000000e+00> : vector<10000x128xf32>
    %dot_general3A_63 = tpu.matmul %max3A_57, %get3A_62, %dot_general3A {dimension_numbers = #tpu.dot_dimension_numbers<[1], [0], [0], [1], [0, 0, 1, 1], [], []>, transpose_lhs_hint = false} : vector<10000x128xf32>, vector<128x128xf32>, vector<10000x128xf32> -> vector<10000x128xf32>
    %mul3A_64 = vector.broadcast %get3A_1 : vector<10000x1xf32> to vector<10000x128xf32>
    %mul3A_65 = arith.mulf %mul3A_64, %dot_general3A_63 : vector<10000x128xf32>
    %slice3A = vector.extract_strided_slice %mul3A_65 {offsets = [0, 0], sizes = [10000, 64], strides = [1, 1]} : vector<10000x128xf32> to vector<10000x64xf32>
    %swap3A_66 = arith.constant 0 : index
    %swap3A_67 = arith.constant 0 : index
    %swap3A_68 = arith.constant 0 : index
    %swap3A_69 = vector.load %arg9[%swap3A_66, %swap3A_67, %swap3A_68] : memref<2x10000x64xf32, #tpu.memory_space<vmem>>, vector<1x10000x64xf32>
    %swap3A_70 = vector.shape_cast %swap3A_69 : vector<1x10000x64xf32> to vector<10000x64xf32>
    %swap3A_71 = vector.shape_cast %slice3A : vector<10000x64xf32> to vector<1x10000x64xf32>
    tpu.vector_store %arg9[%swap3A_66, %swap3A_67, %swap3A_68], %swap3A_71 {strides = array<i32>} : memref<2x10000x64xf32, #tpu.memory_space<vmem>>, vector<1x10000x64xf32>,
    %slice3A_72 = vector.extract_strided_slice %mul3A_65 {offsets = [0, 64], sizes = [10000, 64], strides = [1, 1]} : vector<10000x128xf32> to vector<10000x64xf32>
    %swap3A_73 = arith.constant 1 : index
    %swap3A_74 = arith.constant 0 : index
    %swap3A_75 = arith.constant 0 : index
    %swap3A_76 = vector.load %arg9[%swap3A_73, %swap3A_74, %swap3A_75] : memref<2x10000x64xf32, #tpu.memory_space<vmem>>, vector<1x10000x64xf32>
    %swap3A_77 = vector.shape_cast %swap3A_76 : vector<1x10000x64xf32> to vector<10000x64xf32>
    %swap3A_78 = vector.shape_cast %slice3A_72 : vector<10000x64xf32> to vector<1x10000x64xf32>
    tpu.vector_store %arg9[%swap3A_73, %swap3A_74, %swap3A_75], %swap3A_78 {strides = array<i32>} : memref<2x10000x64xf32, #tpu.memory_space<vmem>>, vector<1x10000x64xf32>,
    return
  }
}

module attributes {stable_mosaic.version = 14 : i64} {
  func.func @body(%arg0: memref<2x10112x64xf32, #tpu.memory_space<vmem>>, %arg1: memref<2x10000x64xf32, #tpu.memory_space<vmem>>, %arg2: memref<10000x128xf32, #tpu.memory_space<vmem>>, %arg3: memref<10000x1xf32, #tpu.memory_space<vmem>>, %arg4: memref<1x128xf32, #tpu.memory_space<vmem>>, %arg5: memref<1x128xf32, #tpu.memory_space<vmem>>, %arg6: memref<1x128xf32, #tpu.memory_space<vmem>>, %arg7: memref<128x128xf32, #tpu.memory_space<vmem>>, %arg8: memref<10000x128xf32, #tpu.memory_space<vmem>>, %arg9: memref<2x10000x64xf32, #tpu.memory_space<vmem>>) attributes {dimension_semantics = [], scalar_prefetch = 0 : i64, scratch_operands = 0 : i64, tpu.core_type = #tpu.core_type<tc>} {
    %get3A = arith.constant 0 : index
    %get3A_0 = arith.constant 0 : index
    %get3A_1 = vector.load %arg3[%get3A, %get3A_0] : memref<10000x1xf32, #tpu.memory_space<vmem>>, vector<10000x1xf32>
    %get3A_2 = arith.constant 0 : index
    %get3A_3 = arith.constant 0 : index
    %get3A_4 = arith.constant 0 : index
    %get3A_5 = vector.load %arg0[%get3A_2, %get3A_3, %get3A_4] : memref<2x10112x64xf32, #tpu.memory_space<vmem>>, vector<1x10000x64xf32>
    %get3A_6 = vector.shape_cast %get3A_5 : vector<1x10000x64xf32> to vector<10000x64xf32>
    %get3A_7 = arith.constant 0 : index
    %get3A_8 = arith.constant 0 : index
    %get3A_9 = arith.constant 0 : index
    %get3A_10 = vector.load %arg1[%get3A_7, %get3A_8, %get3A_9] : memref<2x10000x64xf32, #tpu.memory_space<vmem>>, vector<1x10000x64xf32>
    %get3A_11 = vector.shape_cast %get3A_10 : vector<1x10000x64xf32> to vector<10000x64xf32>
    %add3A = arith.addf %get3A_6, %get3A_11 : vector<10000x64xf32>
    %get3A_12 = arith.constant 1 : index
    %get3A_13 = arith.constant 0 : index
    %get3A_14 = arith.constant 0 : index
    %get3A_15 = vector.load %arg0[%get3A_12, %get3A_13, %get3A_14] : memref<2x10112x64xf32, #tpu.memory_space<vmem>>, vector<1x10000x64xf32>
    %get3A_16 = vector.shape_cast %get3A_15 : vector<1x10000x64xf32> to vector<10000x64xf32>
    %get3A_17 = arith.constant 1 : index
    %get3A_18 = arith.constant 0 : index
    %get3A_19 = arith.constant 0 : index
    %get3A_20 = vector.load %arg1[%get3A_17, %get3A_18, %get3A_19] : memref<2x10000x64xf32, #tpu.memory_space<vmem>>, vector<1x10000x64xf32>
    %get3A_21 = vector.shape_cast %get3A_20 : vector<1x10000x64xf32> to vector<10000x64xf32>
    %add3A_22 = arith.addf %get3A_16, %get3A_21 : vector<10000x64xf32>
    %concatenate3A = tpu.concatenate %add3A, %add3A_22 in 1 : vector<10000x64xf32>, vector<10000x64xf32> -> vector<10000x128xf32>
    %mul3A = vector.broadcast %get3A_1 : vector<10000x1xf32> to vector<10000x128xf32>
    %mul3A_23 = arith.mulf %mul3A, %concatenate3A : vector<10000x128xf32>
    %get3A_24 = arith.constant 0 : index
    %get3A_25 = arith.constant 0 : index
    %get3A_26 = vector.load %arg4[%get3A_24, %get3A_25] : memref<1x128xf32, #tpu.memory_space<vmem>>, vector<1x128xf32>
    %add3A_27 = vector.broadcast %get3A_26 : vector<1x128xf32> to vector<10000x128xf32>
    %add3A_28 = arith.addf %mul3A_23, %add3A_27 : vector<10000x128xf32>
    %reduce_sum3A = arith.constant dense<0.000000e+00> : vector<128xf32>
    %reduce_sum3A_29 = vector.multi_reduction <add>, %add3A_28, %reduce_sum3A [0] : vector<10000x128xf32> to vector<128xf32>
    %broadcast_in_dim3A = vector.shape_cast %reduce_sum3A_29 : vector<128xf32> to vector<1x128xf32>
    %div3A = arith.constant 1.000000e+04 : f32
    %div3A_30 = vector.broadcast %div3A : f32 to vector<1x128xf32>
    %div3A_31 = arith.divf %broadcast_in_dim3A, %div3A_30 : vector<1x128xf32>
    %sub3A = vector.broadcast %div3A_31 : vector<1x128xf32> to vector<10000x128xf32>
    %sub3A_32 = arith.subf %add3A_28, %sub3A : vector<10000x128xf32>
    %integer_pow3A = arith.mulf %sub3A_32, %sub3A_32 : vector<10000x128xf32>
    %reduce_sum3A_33 = arith.constant dense<0.000000e+00> : vector<128xf32>
    %reduce_sum3A_34 = vector.multi_reduction <add>, %integer_pow3A, %reduce_sum3A_33 [0] : vector<10000x128xf32> to vector<128xf32>
    %broadcast_in_dim3A_35 = vector.shape_cast %reduce_sum3A_34 : vector<128xf32> to vector<1x128xf32>
    %div3A_36 = arith.constant 1.000000e+04 : f32
    %div3A_37 = vector.broadcast %div3A_36 : f32 to vector<1x128xf32>
    %div3A_38 = arith.divf %broadcast_in_dim3A_35, %div3A_37 : vector<1x128xf32>
    %sub3A_39 = vector.broadcast %div3A_31 : vector<1x128xf32> to vector<10000x128xf32>
    %sub3A_40 = arith.subf %add3A_28, %sub3A_39 : vector<10000x128xf32>
    %add3A_41 = arith.constant 9.99999974E-6 : f32
    %add3A_42 = vector.broadcast %add3A_41 : f32 to vector<1x128xf32>
    %add3A_43 = arith.addf %div3A_38, %add3A_42 : vector<1x128xf32>
    %sqrt3A = math.sqrt %add3A_43 : vector<1x128xf32>
    %div3A_44 = vector.broadcast %sqrt3A : vector<1x128xf32> to vector<10000x128xf32>
    %div3A_45 = arith.divf %sub3A_40, %div3A_44 : vector<10000x128xf32>
    %get3A_46 = arith.constant 0 : index
    %get3A_47 = arith.constant 0 : index
    %get3A_48 = vector.load %arg5[%get3A_46, %get3A_47] : memref<1x128xf32, #tpu.memory_space<vmem>>, vector<1x128xf32>
    %mul3A_49 = vector.broadcast %get3A_48 : vector<1x128xf32> to vector<10000x128xf32>
    %mul3A_50 = arith.mulf %div3A_45, %mul3A_49 : vector<10000x128xf32>
    %get3A_51 = arith.constant 0 : index
    %get3A_52 = arith.constant 0 : index
    %get3A_53 = vector.load %arg6[%get3A_51, %get3A_52] : memref<1x128xf32, #tpu.memory_space<vmem>>, vector<1x128xf32>
    %add3A_54 = vector.broadcast %get3A_53 : vector<1x128xf32> to vector<10000x128xf32>
    %add3A_55 = arith.addf %mul3A_50, %add3A_54 : vector<10000x128xf32>
    %get3A_56 = arith.constant 0 : index
    %get3A_57 = arith.constant 0 : index
    %get3A_58 = vector.load %arg2[%get3A_56, %get3A_57] : memref<10000x128xf32, #tpu.memory_space<vmem>>, vector<10000x128xf32>
    %add3A_59 = arith.addf %add3A_55, %get3A_58 : vector<10000x128xf32>
    %max3A = arith.constant 0.000000e+00 : f32
    %max3A_60 = vector.broadcast %max3A : f32 to vector<10000x128xf32>
    %max3A_61 = arith.maximumf %add3A_59, %max3A_60 : vector<10000x128xf32>
    %swap3A = arith.constant 0 : index
    %swap3A_62 = arith.constant 0 : index
    %swap3A_63 = vector.load %arg8[%swap3A, %swap3A_62] : memref<10000x128xf32, #tpu.memory_space<vmem>>, vector<10000x128xf32>
    tpu.vector_store %arg8[%swap3A, %swap3A_62], %max3A_61 {strides = array<i32>} : memref<10000x128xf32, #tpu.memory_space<vmem>>, vector<10000x128xf32>,
    %get3A_64 = arith.constant 0 : index
    %get3A_65 = arith.constant 0 : index
    %get3A_66 = vector.load %arg7[%get3A_64, %get3A_65] : memref<128x128xf32, #tpu.memory_space<vmem>>, vector<128x128xf32>
    %dot_general3A = arith.constant dense<0.000000e+00> : vector<10000x128xf32>
    %dot_general3A_67 = tpu.matmul %max3A_61, %get3A_66, %dot_general3A {dimension_numbers = #tpu.dot_dimension_numbers<[1], [0], [0], [1], [0, 0, 1, 1], [], []>, transpose_lhs_hint = false} : vector<10000x128xf32>, vector<128x128xf32>, vector<10000x128xf32> -> vector<10000x128xf32>
    %mul3A_68 = vector.broadcast %get3A_1 : vector<10000x1xf32> to vector<10000x128xf32>
    %mul3A_69 = arith.mulf %mul3A_68, %dot_general3A_67 : vector<10000x128xf32>
    %slice3A = vector.extract_strided_slice %mul3A_69 {offsets = [0, 0], sizes = [10000, 64], strides = [1, 1]} : vector<10000x128xf32> to vector<10000x64xf32>
    %swap3A_70 = arith.constant 0 : index
    %swap3A_71 = arith.constant 0 : index
    %swap3A_72 = arith.constant 0 : index
    %swap3A_73 = vector.load %arg9[%swap3A_70, %swap3A_71, %swap3A_72] : memref<2x10000x64xf32, #tpu.memory_space<vmem>>, vector<1x10000x64xf32>
    %swap3A_74 = vector.shape_cast %swap3A_73 : vector<1x10000x64xf32> to vector<10000x64xf32>
    %swap3A_75 = vector.shape_cast %slice3A : vector<10000x64xf32> to vector<1x10000x64xf32>
    tpu.vector_store %arg9[%swap3A_70, %swap3A_71, %swap3A_72], %swap3A_75 {strides = array<i32>} : memref<2x10000x64xf32, #tpu.memory_space<vmem>>, vector<1x10000x64xf32>,
    %slice3A_76 = vector.extract_strided_slice %mul3A_69 {offsets = [0, 64], sizes = [10000, 64], strides = [1, 1]} : vector<10000x128xf32> to vector<10000x64xf32>
    %swap3A_77 = arith.constant 1 : index
    %swap3A_78 = arith.constant 0 : index
    %swap3A_79 = arith.constant 0 : index
    %swap3A_80 = vector.load %arg9[%swap3A_77, %swap3A_78, %swap3A_79] : memref<2x10000x64xf32, #tpu.memory_space<vmem>>, vector<1x10000x64xf32>
    %swap3A_81 = vector.shape_cast %swap3A_80 : vector<1x10000x64xf32> to vector<10000x64xf32>
    %swap3A_82 = vector.shape_cast %slice3A_76 : vector<10000x64xf32> to vector<1x10000x64xf32>
    tpu.vector_store %arg9[%swap3A_77, %swap3A_78, %swap3A_79], %swap3A_82 {strides = array<i32>} : memref<2x10000x64xf32, #tpu.memory_space<vmem>>, vector<1x10000x64xf32>,
    return
  }
}

module attributes {stable_mosaic.version = 14 : i64} {
  func.func @body(%arg0: memref<2x10112x64xf32, #tpu.memory_space<vmem>>, %arg1: memref<2x10000x64xf32, #tpu.memory_space<vmem>>, %arg2: memref<10000x128xf32, #tpu.memory_space<vmem>>, %arg3: memref<10000x1xf32, #tpu.memory_space<vmem>>, %arg4: memref<1x128xf32, #tpu.memory_space<vmem>>, %arg5: memref<1x128xf32, #tpu.memory_space<vmem>>, %arg6: memref<1x128xf32, #tpu.memory_space<vmem>>, %arg7: memref<1x10000xi32, #tpu.memory_space<vmem>>, %arg8: memref<1x128xf32, #tpu.memory_space<vmem>>, %arg9: memref<1x128xf32, #tpu.memory_space<vmem>>, %arg10: memref<64x128xf32, #tpu.memory_space<vmem>>) attributes {dimension_semantics = [], scalar_prefetch = 0 : i64, scratch_operands = 0 : i64, tpu.core_type = #tpu.core_type<tc>} {
    %get3A = arith.constant 0 : index
    %get3A_0 = arith.constant 0 : index
    %get3A_1 = vector.load %arg3[%get3A, %get3A_0] : memref<10000x1xf32, #tpu.memory_space<vmem>>, vector<10000x1xf32>
    %get3A_2 = arith.constant 0 : index
    %get3A_3 = arith.constant 0 : index
    %get3A_4 = arith.constant 0 : index
    %get3A_5 = vector.load %arg0[%get3A_2, %get3A_3, %get3A_4] : memref<2x10112x64xf32, #tpu.memory_space<vmem>>, vector<1x10000x64xf32>
    %get3A_6 = vector.shape_cast %get3A_5 : vector<1x10000x64xf32> to vector<10000x64xf32>
    %get3A_7 = arith.constant 0 : index
    %get3A_8 = arith.constant 0 : index
    %get3A_9 = arith.constant 0 : index
    %get3A_10 = vector.load %arg1[%get3A_7, %get3A_8, %get3A_9] : memref<2x10000x64xf32, #tpu.memory_space<vmem>>, vector<1x10000x64xf32>
    %get3A_11 = vector.shape_cast %get3A_10 : vector<1x10000x64xf32> to vector<10000x64xf32>
    %add3A = arith.addf %get3A_6, %get3A_11 : vector<10000x64xf32>
    %get3A_12 = arith.constant 1 : index
    %get3A_13 = arith.constant 0 : index
    %get3A_14 = arith.constant 0 : index
    %get3A_15 = vector.load %arg0[%get3A_12, %get3A_13, %get3A_14] : memref<2x10112x64xf32, #tpu.memory_space<vmem>>, vector<1x10000x64xf32>
    %get3A_16 = vector.shape_cast %get3A_15 : vector<1x10000x64xf32> to vector<10000x64xf32>
    %get3A_17 = arith.constant 1 : index
    %get3A_18 = arith.constant 0 : index
    %get3A_19 = arith.constant 0 : index
    %get3A_20 = vector.load %arg1[%get3A_17, %get3A_18, %get3A_19] : memref<2x10000x64xf32, #tpu.memory_space<vmem>>, vector<1x10000x64xf32>
    %get3A_21 = vector.shape_cast %get3A_20 : vector<1x10000x64xf32> to vector<10000x64xf32>
    %add3A_22 = arith.addf %get3A_16, %get3A_21 : vector<10000x64xf32>
    %concatenate3A = tpu.concatenate %add3A, %add3A_22 in 1 : vector<10000x64xf32>, vector<10000x64xf32> -> vector<10000x128xf32>
    %mul3A = vector.broadcast %get3A_1 : vector<10000x1xf32> to vector<10000x128xf32>
    %mul3A_23 = arith.mulf %mul3A, %concatenate3A : vector<10000x128xf32>
    %get3A_24 = arith.constant 0 : index
    %get3A_25 = arith.constant 0 : index
    %get3A_26 = vector.load %arg4[%get3A_24, %get3A_25] : memref<1x128xf32, #tpu.memory_space<vmem>>, vector<1x128xf32>
    %add3A_27 = vector.broadcast %get3A_26 : vector<1x128xf32> to vector<10000x128xf32>
    %add3A_28 = arith.addf %mul3A_23, %add3A_27 : vector<10000x128xf32>
    %reduce_sum3A = arith.constant dense<0.000000e+00> : vector<128xf32>
    %reduce_sum3A_29 = vector.multi_reduction <add>, %add3A_28, %reduce_sum3A [0] : vector<10000x128xf32> to vector<128xf32>
    %broadcast_in_dim3A = vector.shape_cast %reduce_sum3A_29 : vector<128xf32> to vector<1x128xf32>
    %div3A = arith.constant 1.000000e+04 : f32
    %div3A_30 = vector.broadcast %div3A : f32 to vector<1x128xf32>
    %div3A_31 = arith.divf %broadcast_in_dim3A, %div3A_30 : vector<1x128xf32>
    %sub3A = vector.broadcast %div3A_31 : vector<1x128xf32> to vector<10000x128xf32>
    %sub3A_32 = arith.subf %add3A_28, %sub3A : vector<10000x128xf32>
    %integer_pow3A = arith.mulf %sub3A_32, %sub3A_32 : vector<10000x128xf32>
    %reduce_sum3A_33 = arith.constant dense<0.000000e+00> : vector<128xf32>
    %reduce_sum3A_34 = vector.multi_reduction <add>, %integer_pow3A, %reduce_sum3A_33 [0] : vector<10000x128xf32> to vector<128xf32>
    %broadcast_in_dim3A_35 = vector.shape_cast %reduce_sum3A_34 : vector<128xf32> to vector<1x128xf32>
    %div3A_36 = arith.constant 1.000000e+04 : f32
    %div3A_37 = vector.broadcast %div3A_36 : f32 to vector<1x128xf32>
    %div3A_38 = arith.divf %broadcast_in_dim3A_35, %div3A_37 : vector<1x128xf32>
    %sub3A_39 = vector.broadcast %div3A_31 : vector<1x128xf32> to vector<10000x128xf32>
    %sub3A_40 = arith.subf %add3A_28, %sub3A_39 : vector<10000x128xf32>
    %add3A_41 = arith.constant 9.99999974E-6 : f32
    %add3A_42 = vector.broadcast %add3A_41 : f32 to vector<1x128xf32>
    %add3A_43 = arith.addf %div3A_38, %add3A_42 : vector<1x128xf32>
    %sqrt3A = math.sqrt %add3A_43 : vector<1x128xf32>
    %div3A_44 = vector.broadcast %sqrt3A : vector<1x128xf32> to vector<10000x128xf32>
    %div3A_45 = arith.divf %sub3A_40, %div3A_44 : vector<10000x128xf32>
    %get3A_46 = arith.constant 0 : index
    %get3A_47 = arith.constant 0 : index
    %get3A_48 = vector.load %arg5[%get3A_46, %get3A_47] : memref<1x128xf32, #tpu.memory_space<vmem>>, vector<1x128xf32>
    %mul3A_49 = vector.broadcast %get3A_48 : vector<1x128xf32> to vector<10000x128xf32>
    %mul3A_50 = arith.mulf %div3A_45, %mul3A_49 : vector<10000x128xf32>
    %get3A_51 = arith.constant 0 : index
    %get3A_52 = arith.constant 0 : index
    %get3A_53 = vector.load %arg6[%get3A_51, %get3A_52] : memref<1x128xf32, #tpu.memory_space<vmem>>, vector<1x128xf32>
    %add3A_54 = vector.broadcast %get3A_53 : vector<1x128xf32> to vector<10000x128xf32>
    %add3A_55 = arith.addf %mul3A_50, %add3A_54 : vector<10000x128xf32>
    %get3A_56 = arith.constant 0 : index
    %get3A_57 = arith.constant 0 : index
    %get3A_58 = vector.load %arg2[%get3A_56, %get3A_57] : memref<10000x128xf32, #tpu.memory_space<vmem>>, vector<10000x128xf32>
    %add3A_59 = arith.addf %add3A_55, %get3A_58 : vector<10000x128xf32>
    %max3A = arith.constant 0.000000e+00 : f32
    %max3A_60 = vector.broadcast %max3A : f32 to vector<10000x128xf32>
    %max3A_61 = arith.maximumf %add3A_59, %max3A_60 : vector<10000x128xf32>
    %get3A_62 = arith.constant 0 : index
    %get3A_63 = arith.constant 0 : index
    %get3A_64 = vector.load %arg7[%get3A_62, %get3A_63] : memref<1x10000xi32, #tpu.memory_space<vmem>>, vector<1x10000xi32>
    %broadcast_in_dim3A_65 = vector.shape_cast %get3A_64 : vector<1x10000xi32> to vector<1x10000xi32>
    %broadcast_in_dim3A_66 = vector.broadcast %broadcast_in_dim3A_65 : vector<1x10000xi32> to vector<64x10000xi32>
    %iota3A = tpu.iota {dimensions = array<i32: 0>} : vector<64x10000xi32>
    %eq3A = arith.cmpi eq, %broadcast_in_dim3A_66, %iota3A : vector<64x10000xi32>
    %convert_element_type3A = arith.extui %eq3A : vector<64x10000xi1> to vector<64x10000xi32>
    %convert_element_type3A_67 = arith.sitofp %convert_element_type3A : vector<64x10000xi32> to vector<64x10000xf32>
    %reduce_sum3A_68 = arith.constant dense<0.000000e+00> : vector<64xf32>
    %reduce_sum3A_69 = vector.multi_reduction <add>, %convert_element_type3A_67, %reduce_sum3A_68 [1] : vector<64x10000xf32> to vector<64xf32>
    %broadcast_in_dim3A_70 = vector.shape_cast %reduce_sum3A_69 : vector<64xf32> to vector<64x1xf32>
    %dot_general3A = arith.constant dense<0.000000e+00> : vector<64x128xf32>
    %dot_general3A_71 = tpu.matmul %convert_element_type3A_67, %max3A_61, %dot_general3A {dimension_numbers = #tpu.dot_dimension_numbers<[1], [0], [0], [1], [0, 0, 1, 1], [], []>, transpose_lhs_hint = false} : vector<64x10000xf32>, vector<10000x128xf32>, vector<64x128xf32> -> vector<64x128xf32>
    %max3A_72 = arith.constant 1.000000e+00 : f32
    %max3A_73 = vector.broadcast %max3A_72 : f32 to vector<64x1xf32>
    %max3A_74 = arith.maximumf %broadcast_in_dim3A_70, %max3A_73 : vector<64x1xf32>
    %div3A_75 = vector.broadcast %max3A_74 : vector<64x1xf32> to vector<64x128xf32>
    %div3A_76 = arith.divf %dot_general3A_71, %div3A_75 : vector<64x128xf32>
    %reduce_sum3A_77 = arith.constant dense<0.000000e+00> : vector<64xf32>
    %reduce_sum3A_78 = vector.multi_reduction <add>, %div3A_76, %reduce_sum3A_77 [1] : vector<64x128xf32> to vector<64xf32>
    %broadcast_in_dim3A_79 = vector.shape_cast %reduce_sum3A_78 : vector<64xf32> to vector<64x1xf32>
    %div3A_80 = arith.constant 1.280000e+02 : f32
    %div3A_81 = vector.broadcast %div3A_80 : f32 to vector<64x1xf32>
    %div3A_82 = arith.divf %broadcast_in_dim3A_79, %div3A_81 : vector<64x1xf32>
    %sub3A_83 = vector.broadcast %div3A_82 : vector<64x1xf32> to vector<64x128xf32>
    %sub3A_84 = arith.subf %div3A_76, %sub3A_83 : vector<64x128xf32>
    %integer_pow3A_85 = arith.mulf %sub3A_84, %sub3A_84 : vector<64x128xf32>
    %reduce_sum3A_86 = arith.constant dense<0.000000e+00> : vector<64xf32>
    %reduce_sum3A_87 = vector.multi_reduction <add>, %integer_pow3A_85, %reduce_sum3A_86 [1] : vector<64x128xf32> to vector<64xf32>
    %broadcast_in_dim3A_88 = vector.shape_cast %reduce_sum3A_87 : vector<64xf32> to vector<64x1xf32>
    %div3A_89 = arith.constant 1.280000e+02 : f32
    %div3A_90 = vector.broadcast %div3A_89 : f32 to vector<64x1xf32>
    %div3A_91 = arith.divf %broadcast_in_dim3A_88, %div3A_90 : vector<64x1xf32>
    %sub3A_92 = vector.broadcast %div3A_82 : vector<64x1xf32> to vector<64x128xf32>
    %sub3A_93 = arith.subf %div3A_76, %sub3A_92 : vector<64x128xf32>
    %add3A_94 = arith.constant 9.99999974E-6 : f32
    %add3A_95 = vector.broadcast %add3A_94 : f32 to vector<64x1xf32>
    %add3A_96 = arith.addf %div3A_91, %add3A_95 : vector<64x1xf32>
    %sqrt3A_97 = math.sqrt %add3A_96 : vector<64x1xf32>
    %div3A_98 = vector.broadcast %sqrt3A_97 : vector<64x1xf32> to vector<64x128xf32>
    %div3A_99 = arith.divf %sub3A_93, %div3A_98 : vector<64x128xf32>
    %get3A_100 = arith.constant 0 : index
    %get3A_101 = arith.constant 0 : index
    %get3A_102 = vector.load %arg8[%get3A_100, %get3A_101] : memref<1x128xf32, #tpu.memory_space<vmem>>, vector<1x128xf32>
    %mul3A_103 = vector.broadcast %get3A_102 : vector<1x128xf32> to vector<64x128xf32>
    %mul3A_104 = arith.mulf %div3A_99, %mul3A_103 : vector<64x128xf32>
    %get3A_105 = arith.constant 0 : index
    %get3A_106 = arith.constant 0 : index
    %get3A_107 = vector.load %arg9[%get3A_105, %get3A_106] : memref<1x128xf32, #tpu.memory_space<vmem>>, vector<1x128xf32>
    %add3A_108 = vector.broadcast %get3A_107 : vector<1x128xf32> to vector<64x128xf32>
    %add3A_109 = arith.addf %mul3A_104, %add3A_108 : vector<64x128xf32>
    %swap3A = arith.constant 0 : index
    %swap3A_110 = arith.constant 0 : index
    %swap3A_111 = vector.load %arg10[%swap3A, %swap3A_110] : memref<64x128xf32, #tpu.memory_space<vmem>>, vector<64x128xf32>
    tpu.vector_store %arg10[%swap3A, %swap3A_110], %add3A_109 {strides = array<i32>} : memref<64x128xf32, #tpu.memory_space<vmem>>, vector<64x128xf32>,
    return
  }
}

</mosaic_0001>

<sc_bundles>
// kernel: kernel.12.cloned.1.call-start
scs
__scs_entry_jumppad:
0x0: {  	(pc) =	sbr.rel $0x88, $3  }
0x1: {  	(tag) =	ssettag $0x0;
	lr =	simm.s32 $0x1  }
0x2: {  	[smem:$0x3F8A] =	sst lr;
	_ =	strace $0xD0000000  }
0x3: {  	_ = 	snop  }
0x4: {  	_ = 	snop  }
0x5: {  	_ = 	snop  }
0x6: {  	_ = 	snop  }
0x7: {  	_ = 	snop  }
__scs_overlays_trampoline_lowered:
0x8: {  	[smem:$0x3F99] =	sst s0  }
0x9: {  	[smem:$0x3F9A] =	sst s1  }
0xa: {  	[smem:$0x3F9B] =	sst s2  }
0xb: {  	[smem:$0x3F9C] =	sst s3  }
0xc: {  	[smem:$0x3F9D] =	sst s4  }
0xd: {  	[smem:$0x3F9E] =	sst s5  }
0xe: {  	[smem:$0x3F9F] =	sst s6  }
0xf: {  	[smem:$0x3FA0] =	sst s7  }
0x10: {  	[smem:$0x3FA1] =	sst s8  }
0x11: {  	[smem:$0x3FA2] =	sst s9;
	s0 =	simm.s32 @!p0 $0x0  }
0x12: {  	s1 =	sld [smem:$0x3F88];
	s0 =	simm.s32 @p0 $0x1  }
0x13: {  	[smem:$0x3FA3] =	sst s0;
	s0 =	simm.s32 @!p1 $0x0  }
0x14: {  	s2 =	sld [smem:$0x3F87];
	s0 =	simm.s32 @p1 $0x1  }
0x15: {  	[smem:$0x3FA4] =	sst s0;
	s0 =	simm.s32 @!p2 $0x0  }
0x16: {  	s3 =	sld [smem:$0x3FDB];
	s0 =	simm.s32 @p2 $0x1  }
0x17: {  	s4 =	simm.s32 $0x1BF5;
	[smem:$0x3FA6] =	sst s0  }
0x18: {  	s0 =	sld [smem:$0x3F89];
	_ =	swait.ge [sflag:s4], $0x0  }
0x19: {  	s7 =	sld [smem:$0x3F8A]  }
0x1a: {  	s8 =	sadd.s32 $0xFFFFE003, lr  }
0x1b: {  	s9 =	sadd.s32 $0xFFFFFEF7, lr;
	s5 =	simm.s32 $0xFFFFFFFF;
	p2 =	slt.u32 s8, $0xFFFFF086  }
0x1c: {  	p1 =	slt.u32 s9, $0xF7A;
	s5 =	simm.s32 @!p2 $0x0  }
0x1d: {  	s5 =	simm.s32 @p1 $0x1;
	p0 =	seq.s32 s7, s2  }
0x1e: {  	s7 =	smul.u32 @!p0 $0xF7A, s2;
	p2 =	seq.s32 @!p0 s5, $0x0  }
0x1f: {  	s9 =	smul.u32 $0xF7A, s1;
	s8 =	simm.s32 @!p0 $0x1BF5;
	p2 =	por !p2, p0  }
0x20: {  	[sflag:s8] =	ssyncset.s32 @!p0 $0xFFFFF086;
	s6 =	sadd.s32 @!p0 s3, s7;
	s7 =	simm.s32 @!p0 $0x108  }
0x21: {  	s3 =	sadd.s32 s3, s9;
	s6 =	sadd.s32 @!p0 $0x88, s6;
	s7 =	simm.s32 @p2 $0x1082  }
0x22: {  	[simem:s7], [sflag:s8] =	dma.local @!p0 [hbm:s6], $0xF7A  }
0x23: {  	s9 =	sor.u32 $0xD0000000, s2;
	s6 =	simm.s32 $0x108;
	_ =	swait.ge @!p0 [sflag:s8], $0x0  }
0x24: {  	s3 =	sadd.s32 $0x88, s3;
	s6 =	simm.s32 @!p1 $0x1082;
	[sflag:s4] =	ssyncset.s32 $0xFFFFF086  }
0x25: {  	[simem:s6], [sflag:s4] =	dma.local [hbm:s3], $0xF7A  }
0x26: {  	[smem:$0x3F8A] =	sst s1;
	(tag) =	ssettag s2;
	_ =	strace s9  }
0x27: {  	s1 =	sld [smem:$0x3F9A]  }
0x28: {  	s2 =	sld [smem:$0x3F9B]  }
0x29: {  	s4 =	sld [smem:$0x3F9D]  }
0x2a: {  	p0 =	seq.s32 s5, $0x0;
	s5 =	sld [smem:$0x3F9E]  }
0x2b: {  	s6 =	sld [smem:$0x3F9F]  }
0x2c: {  	s7 =	sld [smem:$0x3FA0]  }
0x2d: {  	s3 =	simm.s32 $0x108;
	s8 =	sld [smem:$0x3FA1]  }
0x2e: {  	s3 =	simm.s32 @!p0 $0x1082;
	s9 =	sld [smem:$0x3FA2]  }
0x2f: {  	lr =	sadd.s32 s0, s3;
	s0 =	sld [smem:$0x3F99]  }
0x30: {  	s3 =	sld [smem:$0x3F9C]  }
0x31: {  	[smem:$0x3FA5] =	sst s10  }
0x32: {  	s10 =	sld [smem:$0x3FA3];
	_ =	sdelay $0x3  }
0x33: {  	p0 =	seq.s32 s10, $0x1;
	s10 =	sld [smem:$0x3FA5];
	_ =	sdelay $0x3  }
0x34: {  	[smem:$0x3FA5] =	sst s10  }
0x35: {  	s10 =	sld [smem:$0x3FA4];
	_ =	sdelay $0x3  }
0x36: {  	p1 =	seq.s32 s10, $0x1;
	s10 =	sld [smem:$0x3FA5];
	_ =	sdelay $0x3  }
0x37: {  	[smem:$0x3FA5] =	sst s10  }
0x38: {  	s10 =	sld [smem:$0x3FA6]  }
0x39: {  	_ = 	snop;
	(pc) =	sbr.ind lr, $3  }
0x3a: {  	_ = 	snop  }
0x3b: {  	_ = 	snop  }
0x3c: {  	p2 =	seq.s32 s10, $0x1;
	s10 =	sld [smem:$0x3FA5]  }
0x3d: {  	_ =	shalt  }
0x3e: {  	_ =	shalt  }
0x3f: {  	_ =	shalt  }
0x40: {  	_ =	shalt  }
0x41: {  	_ =	shalt  }
0x42: {  	_ =	shalt  }
0x43: {  	_ =	shalt  }
0x44: {  	_ =	shalt  }
0x45: {  	_ =	shalt  }
0x46: {  	_ =	shalt  }
0x47: {  	_ =	shalt  }
0x48: {  	_ =	shalt  }
0x49: {  	_ =	shalt  }
0x4a: {  	_ =	shalt  }
0x4b: {  	_ =	shalt  }
0x4c: {  	_ =	shalt  }
0x4d: {  	_ =	shalt  }
0x4e: {  	_ =	shalt  }
0x4f: {  	_ =	shalt  }
0x50: {  	_ =	shalt  }
0x51: {  	_ =	shalt  }
0x52: {  	_ =	shalt  }
0x53: {  	_ =	shalt  }
0x54: {  	_ =	shalt  }
0x55: {  	_ =	shalt  }
0x56: {  	_ =	shalt  }
0x57: {  	_ =	shalt  }
0x58: {  	_ =	shalt  }
0x59: {  	_ =	shalt  }
0x5a: {  	_ =	shalt  }
0x5b: {  	_ =	shalt  }
0x5c: {  	_ =	shalt  }
0x5d: {  	_ =	shalt  }
0x5e: {  	_ =	shalt  }
0x5f: {  	_ =	shalt  }
0x60: {  	_ =	shalt  }
0x61: {  	_ =	shalt  }
0x62: {  	_ =	shalt  }
0x63: {  	_ =	shalt  }
0x64: {  	_ =	shalt  }
0x65: {  	_ =	shalt  }
0x66: {  	_ =	shalt  }
0x67: {  	_ =	shalt  }
0x68: {  	_ =	shalt  }
0x69: {  	_ =	shalt  }
0x6a: {  	_ =	shalt  }
0x6b: {  	_ =	shalt  }
0x6c: {  	_ =	shalt  }
0x6d: {  	_ =	shalt  }
0x6e: {  	_ =	shalt  }
0x6f: {  	_ =	shalt  }
0x70: {  	_ =	shalt  }
0x71: {  	_ =	shalt  }
0x72: {  	_ =	shalt  }
0x73: {  	_ =	shalt  }
0x74: {  	_ =	shalt  }
0x75: {  	_ =	shalt  }
0x76: {  	_ =	shalt  }
0x77: {  	_ =	shalt  }
0x78: {  	_ =	shalt  }
0x79: {  	_ =	shalt  }
0x7a: {  	_ =	shalt  }
0x7b: {  	_ =	shalt  }
0x7c: {  	_ =	shalt  }
0x7d: {  	_ =	shalt  }
0x7e: {  	_ =	shalt  }
0x7f: {  	_ =	shalt  }
0x80: {  	_ =	shalt  }
0x81: {  	_ =	shalt  }
0x82: {  	_ =	shalt  }
0x83: {  	_ =	shalt  }
0x84: {  	_ =	shalt  }
0x85: {  	_ =	shalt  }
0x86: {  	_ =	shalt  }
0x87: {  	_ =	shalt  }
.Lfunc_end0:
.L_simem_size_0:
called_computation_lowered:
.L_overlay_start_0:
0x88: {  	s2 =	sld [smem:$0x3FD9]  }
0x89: {  	s3 =	sld [smem:$0x3FFE];
	_ =	sdelay $0x1  }
0x8a: {  	s1 =	srdreg.scid  }
0x8b: {  	s0 =	sand.u32 $0x1, s1  }
0x8c: {  	s17 =	sshll.u32 s0, $0xA;
	s2 =	sadd.s32 s3, s2  }
0x8d: {  	s2 =	sadd.s32 s2, s17  }
0x8e: {  	[smem:$0x3FB1] =	sst s2  }
0x8f: {  	_ = 	snop  }
0x90: {  	s2 =	sld [smem:$0x3FD0];
	(tm) =	ssettm $0x1  }
0x91: {  	s18 =	sld [smem:$0x3FFB];
	_ =	sdelay $0x3  }
0x92: {  	_ =	strace s18  }
0x93: {  	s3 =	sld [smem:$0x3FFC];
	_ =	sdelay $0x3  }
0x94: {  	_ =	strace s3  }
0x95: {  	s3 =	sld [smem:$0x3FFD];
	_ =	sdelay $0x3  }
0x96: {  	_ =	strace s3  }
0x97: {  	_ =	strace $0x8FFFFFFF  }
0x98: {  	s19 =	sld [smem:$0x3FDB];
	_ =	sdelay $0x1  }
0x99: {  	s4 =	simm.s32 $_scs_section_size  }
0x9a: {  	s5 =	simm.s32 $_size__tile_overlayer_lowered;
	s6 =	simm.s32 $_tile_overlayer_lowered  }
0x9b: {  	s22 =	simm.s32 $0x1BFF;
	s21 =	sshll.u32 s6, $0x1;
	s3 =	sadd.s32 s4, s19  }
0x9c: {  	s7 =	simm.s32 $0x0;
	s20 =	sshll.u32 s5, $0x1;
	s5 =	sadd.s32 s21, s3  }
0x9d: {  	[timem:s7], [sflag:s22] =	dma.local [hbm:s5], s20  }
0x9e: {  	_ =	swait.ge [sflag:s22], s20  }
0x9f: {  	s4 =	ssub.s32 $0x0, s20;
	[sflag:s22] =	ssyncset.done $0x0  }
0xa0: {  	[sflag:s22] =	ssyncadd.s32 s4;
	_ =	sdelay $0x1  }
0xa1: {  	s23 =	simm.s32 $0x1B8B  }
0xa2: {  	_ =	swait.ge [sflag:s23], $0x1  }
0xa3: {  	[sflag:s23] =	ssyncset.done $0x0  }
0xa4: {  	s25 =	simm.s32 $0x1B8E;
	s24 =	sld [smem:$0x3FFE];
	[sflag:s23] =	ssyncadd.s32 $0xFFFFFFFF  }
0xa5: {  	s26 =	simm.s32 $execute0_lowered;
	[smem:$0x3FD2] =	sst s25  }
0xa6: {  	s5 =	sshll.u32 s26, $0x1;
	_ =	strace $0x80000046;
	[dreg:$0x1] =	wrdreg $0xFFFFFFFF  }
0xa7: {  	s28 =	simm.s32 $_size_execute0_lowered;
	s3 =	sadd.s32 s3, s5;
	[dreg:$0x0] =	wrdreg $0x0  }
0xa8: {  	s5 =	sshll.u32 s28, $0x1;
	[dreg:$0x2] =	wrdreg s3  }
0xa9: {  	[dreg:$0x3] =	wrdreg s5  }
0xaa: {  	[dreg:$0x4] =	wrdreg $0xC0  }
0xab: {  	_ =	task [dreg:s7], $0x5FFFF  }
0xac: {  	[dreg:$0x1] =	wrdreg $0xFFFFFFFF  }
0xad: {  	[dreg:$0x0] =	wrdreg $0x60  }
0xae: {  	[dreg:$0x2] =	wrdreg s24  }
0xaf: {  	[dreg:$0x3] =	wrdreg s2  }
0xb0: {  	[dreg:$0x4] =	wrdreg $0x30000  }
0xb1: {  	[dreg:$0x5] =	wrdreg $0x9  }
0xb2: {  	_ =	task.clear_ibuf [dreg:s7], $0x6FFFF;
	_ =	strace $0x90000046  }
0xb3: {  	s29 =	simm.s32 $0x9;
	_ =	strace $0x80000048  }
0xb4: {  	_ =	swait.ge [sflag:s29], $0x1  }
0xb5: {  	[sflag:s29] =	ssyncadd.s32 $0xFFFFFFFF  }
0xb6: {  	_ =	strace $0x90000048  }
0xb7: {  	_ =	sfence  }
0xb8: {  	s30 =	sld [smem:$0x0];
	_ =	sdelay $0x2  }
0xb9: {  	s31 =	sshll.u32 s1, $0xD;
	s1 =	sshrl.u32 s1, $0x2  }
0xba: {  	s3 =	sand.u32 $0x4000, s31;
	s1 =	sadd.s32 s1, s30  }
0xbb: {  	s0 =	sor.u32 s3, s0;
	s1 =	sshll.u32 s1, $0x11  }
0xbc: {  	s0 =	sor.u32 s1, s0  }
0xbd: {  	s0 =	sadd.s32 $0x8F2B, s0  }
0xbe: {  	[sflag:s0] =	ssyncadd.remote.s32 $0x1  }
0xbf: {  	_ =	sfence.sel $0xFFFF  }
0xc0: {  	[dreg:$0x0] =	wrdreg $0xFFFFFFFF;
	(pc) =	sbr.abs _section_cstart, $3  }
0xc1: {  	[dreg:$0x1] =	wrdreg $0xFFFFFFFF  }
0xc2: {  	_ =	task.clear_ibuf [dreg:s7], $0x2FFFF;
	_ =	strace $0x9FFFFFFF  }
0xc3: {  	(tm) =	ssettm $0x7FFFFFFF  }
tec
execute0_lowered:
.L_overlay_start_1:
0x0: {  	(tag) =	ssettag $0x1  }
0x1: {  	s6 =	rddreg [dreg:$0x0]  }
0x2: {  	s2 =	rddreg [dreg:$0x1]  }
0x3: {  	s0 =	srdreg.scid;
	s3 =	rddreg [dreg:$0x2]  }
0x4: {  	s1 =	stileid.u32;
	s4 =	simm.s32 $0x0;
	s13 =	simm.s32 $0x80  }
0x5: {  	s14 =	simm.s32 $0x0;
	s5 =	sand.u32 $0x1, s0;
	s0 =	rddreg [dreg:$0x3]  }
0x6: {  	s8 =	smul.u32 $0x2780, s1;
	[smem:$0x7FF] =	sst s4;
	s11 =	sshll.u32 s1, $0x6  }
0x7: {  	s7 =	sshll.u32 s5, $0x4;
	s9 =	smul.u32 $0x27800, s5;
	_ =	strace $0x80000047  }
0x8: {  	s10 =	ssub.s32 $0x2, s5;
	s5 =	sadd.s32 $0xC000, s6;
	s11 =	sor.u32 $0x1C01, s11  }
0x9: {  	s7 =	sor.u32 s1, s7;
	s31 =	sshrl.u32 s10, $0x1;
	s12 =	sadd.s32 s8, s3  }
0xa: {  	s7 =	smul.u32 $0x500, s7;
	s9 =	sadd.s32 s8, s9;
	s10 =	ssub.s32 s10, s31  }
0xb: {  	s12 =	sshrl.u32 s12, $0x3;
	s9 =	sshrl.u32 s9, $0x3;
	s8 =	smax.u32 s10, $0x1  }
0xc: {  	s10 =	simm.s32 $0x2800;
	s7 =	sadd.s32 s7, s6;
	s9 =	sadd.s32 s9, s6  }
0xd: {  	s6 =	sadd.s32 $0x2000, s7;
	s7 =	sadd.s32 $0xC600, s9;
	s9 =	simm.s32 $0x1  }
.LBB2_1:
0xe: {  	[tilespmem:s4], [sflag:$0x1] =	stream.linear.gather [hbm4b:s6+s4], $0x2800, $0x38;
	[tilespmem:$0x5780] =	vst v63  }
0xf: {  	_ =	swait.ge [sflag:s9], $0x2800  }
0x10: {  	[sflag:s9] =	ssyncset.done $0x0  }
0x11: {  	[sflag:s9] =	ssyncadd.s32 $0xFFFFD800  }
0x12: {  	[tilespmem:s10], [sflag:$0x1] =	stream.linear.gather [hbm4b:s2+s4], $0x800, $0x38;
	[tilespmem:$0x5780] =	vst v63  }
0x13: {  	_ =	swait.ge [sflag:s9], $0x800  }
0x14: {  	[sflag:s9] =	ssyncset.done $0x0  }
0x15: {  	[sflag:s9] =	ssyncadd.s32 $0xFFFFF800  }
0x16: {  	[spmem:s12], [sflag:s11] =	dma.local [hbm:s5], $0x4F0  }
0x17: {  	_ =	swait.ge [sflag:s9], $0x4F0  }
0x18: {  	[sflag:s9] =	ssyncset.done $0x0  }
0x19: {  	[sflag:s9] =	ssyncadd.s32 $0xFFFFFB10  }
0x1a: {  	s15 =	simm.s32 $0x0;
	[bflag:$0x0] =	sbarrier.arrive $0xFFFF  }
0x1b: {  	[spmem:s3] =	stream.indirect.scatter.add.f32 [tilespmem:s10], [sflag:$0x1], $0x10, s15, s13, $0xb8;
	[tilespmem:$0x5780] =	vst v63  }
0x1c: {  	_ =	swait.ge [sflag:s9], $0x800  }
0x1d: {  	s15 =	simm.s32 $0x200;
	[sflag:s9] =	ssyncset.done $0x0  }
.LBB2_2:
0x1e: {  	s16 =	sshra.s32 s15, $0x2;
	[sflag:s9] =	ssyncadd.s32 $0xFFFFF800;
	p0 =	sne.s32 s15, $0x9E00  }
0x1f: {  	[spmem:s3] =	stream.indirect.scatter.add.f32 [tilespmem:s10], [sflag:$0x1], $0x10, s16, s13, $0xb8;
	[tilespmem:$0x5780] =	vst v63  }
.Ltmp0:
0x20: {  	_ = 	snop;
	(pc) =	sbr.rel @p0 .LBB2_2-.Ltmp0, $4  }
0x21: {  	_ = 	snop  }
0x22: {  	s15 =	sadd.s32 $0x200, s15  }
0x23: {  	_ =	swait.ge [sflag:s9], $0x800  }
0x24: {  	[sflag:s9] =	ssyncset.done $0x0  }
0x25: {  	s14 =	sadd.s32 $0x1, s14  }
0x26: {  	[sflag:s9] =	ssyncadd.s32 $0xFFFFF800;
	p0 =	sne.s32 s14, s8  }
.Ltmp1:
0x27: {  	[bflag:$0x0] =	sbarrier.arrive $0xFFFF;
	(pc) =	sbr.rel @p0 .LBB2_1-.Ltmp1, $4  }
0x28: {  	[hbm:s7], [sflag:s11] =	dma.local [spmem:s12], $0x4F0  }
0x29: {  	_ =	swait.ge [sflag:s9], $0x4F0  }
0x2a: {  	[sflag:s9] =	ssyncset.done $0x0  }
0x2b: {  	[sflag:s9] =	ssyncadd.s32 $0xFFFFFB10  }
0x2c: {  	_ =	sfence.sel $0x180000  }
0x2d: {  	[bflag:$0x0] =	sbarrier.arrive $0xFFFF  }
0x2e: {  	p0 =	sne.s32 s1, $0x0;
	_ =	strace $0x90000047  }
0x2f: {  	s0 =	sadd.s32 @!p0 $0x100000, s0;
	[bflag:$0x2] =	sbarrier.arrive $0xFFFF  }
0x30: {  	[sflag:s0] =	ssyncadd.tile.s32 @!p0 $0x1;
	_ =	shalt  }
.Lfunc_end2:
_tile_overlayer_lowered:
.L_overlay_start_2:
0x31: {  	(tag) =	ssettag $0x2  }
0x32: {  	s0 =	rddreg [dreg:$0x0];
	s2 =	stileid.u32  }
0x33: {  	s1 =	rddreg [dreg:$0x1];
	p0 =	sne.s32 s2, $0x0  }
0x34: {  	s3 =	rddreg [dreg:$0x2];
	[bflag:$0x3] =	sbarrier.arrive $0xFFFF;
	s2 =	simm.s32 @!p0 $0x1C01  }
0x35: {  	[timem:s3], [sflag:s2] =	dma.local @!p0 [hbm:s0], s1  }
0x36: {  	s0 =	simm.s32 @!p0 $0x1  }
0x37: {  	_ =	swait.ge @!p0 [sflag:s0], s1  }
0x38: {  	s1 =	ssub.s32 @!p0 $0x0, s1;
	[sflag:s0] =	ssyncset.done @!p0 $0x0  }
0x39: {  	[sflag:s0] =	ssyncadd.s32 @!p0 s1  }
0x3a: {  	[bflag:$0x3] =	sbarrier.arrive $0xFFFF  }
0x3b: {  	_ =	shalt  }

// kernel: kernel.15.cloned.1.call-start
scs
__scs_entry_jumppad:
0x0: {  	(pc) =	sbr.rel $0x88, $3  }
0x1: {  	(tag) =	ssettag $0x0;
	lr =	simm.s32 $0x1  }
0x2: {  	[smem:$0x3F8A] =	sst lr;
	_ =	strace $0xD0000000  }
0x3: {  	_ = 	snop  }
0x4: {  	_ = 	snop  }
0x5: {  	_ = 	snop  }
0x6: {  	_ = 	snop  }
0x7: {  	_ = 	snop  }
__scs_overlays_trampoline_lowered:
0x8: {  	[smem:$0x3F99] =	sst s0  }
0x9: {  	[smem:$0x3F9A] =	sst s1  }
0xa: {  	[smem:$0x3F9B] =	sst s2  }
0xb: {  	[smem:$0x3F9C] =	sst s3  }
0xc: {  	[smem:$0x3F9D] =	sst s4  }
0xd: {  	[smem:$0x3F9E] =	sst s5  }
0xe: {  	[smem:$0x3F9F] =	sst s6  }
0xf: {  	[smem:$0x3FA0] =	sst s7  }
0x10: {  	[smem:$0x3FA1] =	sst s8  }
0x11: {  	[smem:$0x3FA2] =	sst s9;
	s0 =	simm.s32 @!p0 $0x0  }
0x12: {  	s1 =	sld [smem:$0x3F88];
	s0 =	simm.s32 @p0 $0x1  }
0x13: {  	[smem:$0x3FA3] =	sst s0;
	s0 =	simm.s32 @!p1 $0x0  }
0x14: {  	s2 =	sld [smem:$0x3F87];
	s0 =	simm.s32 @p1 $0x1  }
0x15: {  	[smem:$0x3FA4] =	sst s0;
	s0 =	simm.s32 @!p2 $0x0  }
0x16: {  	s3 =	sld [smem:$0x3FDB];
	s0 =	simm.s32 @p2 $0x1  }
0x17: {  	s4 =	simm.s32 $0x1BF5;
	[smem:$0x3FA6] =	sst s0  }
0x18: {  	s0 =	sld [smem:$0x3F89];
	_ =	swait.ge [sflag:s4], $0x0  }
0x19: {  	s7 =	sld [smem:$0x3F8A]  }
0x1a: {  	s8 =	sadd.s32 $0xFFFFE003, lr  }
0x1b: {  	s9 =	sadd.s32 $0xFFFFFEF7, lr;
	s5 =	simm.s32 $0xFFFFFFFF;
	p2 =	slt.u32 s8, $0xFFFFF086  }
0x1c: {  	p1 =	slt.u32 s9, $0xF7A;
	s5 =	simm.s32 @!p2 $0x0  }
0x1d: {  	s5 =	simm.s32 @p1 $0x1;
	p0 =	seq.s32 s7, s2  }
0x1e: {  	s7 =	smul.u32 @!p0 $0xF7A, s2;
	p2 =	seq.s32 @!p0 s5, $0x0  }
0x1f: {  	s9 =	smul.u32 $0xF7A, s1;
	s8 =	simm.s32 @!p0 $0x1BF5;
	p2 =	por !p2, p0  }
0x20: {  	[sflag:s8] =	ssyncset.s32 @!p0 $0xFFFFF086;
	s6 =	sadd.s32 @!p0 s3, s7;
	s7 =	simm.s32 @!p0 $0x108  }
0x21: {  	s3 =	sadd.s32 s3, s9;
	s6 =	sadd.s32 @!p0 $0x88, s6;
	s7 =	simm.s32 @p2 $0x1082  }
0x22: {  	[simem:s7], [sflag:s8] =	dma.local @!p0 [hbm:s6], $0xF7A  }
0x23: {  	s9 =	sor.u32 $0xD0000000, s2;
	s6 =	simm.s32 $0x108;
	_ =	swait.ge @!p0 [sflag:s8], $0x0  }
0x24: {  	s3 =	sadd.s32 $0x88, s3;
	s6 =	simm.s32 @!p1 $0x1082;
	[sflag:s4] =	ssyncset.s32 $0xFFFFF086  }
0x25: {  	[simem:s6], [sflag:s4] =	dma.local [hbm:s3], $0xF7A  }
0x26: {  	[smem:$0x3F8A] =	sst s1;
	(tag) =	ssettag s2;
	_ =	strace s9  }
0x27: {  	s1 =	sld [smem:$0x3F9A]  }
0x28: {  	s2 =	sld [smem:$0x3F9B]  }
0x29: {  	s4 =	sld [smem:$0x3F9D]  }
0x2a: {  	p0 =	seq.s32 s5, $0x0;
	s5 =	sld [smem:$0x3F9E]  }
0x2b: {  	s6 =	sld [smem:$0x3F9F]  }
0x2c: {  	s7 =	sld [smem:$0x3FA0]  }
0x2d: {  	s3 =	simm.s32 $0x108;
	s8 =	sld [smem:$0x3FA1]  }
0x2e: {  	s3 =	simm.s32 @!p0 $0x1082;
	s9 =	sld [smem:$0x3FA2]  }
0x2f: {  	lr =	sadd.s32 s0, s3;
	s0 =	sld [smem:$0x3F99]  }
0x30: {  	s3 =	sld [smem:$0x3F9C]  }
0x31: {  	[smem:$0x3FA5] =	sst s10  }
0x32: {  	s10 =	sld [smem:$0x3FA3];
	_ =	sdelay $0x3  }
0x33: {  	p0 =	seq.s32 s10, $0x1;
	s10 =	sld [smem:$0x3FA5];
	_ =	sdelay $0x3  }
0x34: {  	[smem:$0x3FA5] =	sst s10  }
0x35: {  	s10 =	sld [smem:$0x3FA4];
	_ =	sdelay $0x3  }
0x36: {  	p1 =	seq.s32 s10, $0x1;
	s10 =	sld [smem:$0x3FA5];
	_ =	sdelay $0x3  }
0x37: {  	[smem:$0x3FA5] =	sst s10  }
0x38: {  	s10 =	sld [smem:$0x3FA6]  }
0x39: {  	_ = 	snop;
	(pc) =	sbr.ind lr, $3  }
0x3a: {  	_ = 	snop  }
0x3b: {  	_ = 	snop  }
0x3c: {  	p2 =	seq.s32 s10, $0x1;
	s10 =	sld [smem:$0x3FA5]  }
0x3d: {  	_ =	shalt  }
0x3e: {  	_ =	shalt  }
0x3f: {  	_ =	shalt  }
0x40: {  	_ =	shalt  }
0x41: {  	_ =	shalt  }
0x42: {  	_ =	shalt  }
0x43: {  	_ =	shalt  }
0x44: {  	_ =	shalt  }
0x45: {  	_ =	shalt  }
0x46: {  	_ =	shalt  }
0x47: {  	_ =	shalt  }
0x48: {  	_ =	shalt  }
0x49: {  	_ =	shalt  }
0x4a: {  	_ =	shalt  }
0x4b: {  	_ =	shalt  }
0x4c: {  	_ =	shalt  }
0x4d: {  	_ =	shalt  }
0x4e: {  	_ =	shalt  }
0x4f: {  	_ =	shalt  }
0x50: {  	_ =	shalt  }
0x51: {  	_ =	shalt  }
0x52: {  	_ =	shalt  }
0x53: {  	_ =	shalt  }
0x54: {  	_ =	shalt  }
0x55: {  	_ =	shalt  }
0x56: {  	_ =	shalt  }
0x57: {  	_ =	shalt  }
0x58: {  	_ =	shalt  }
0x59: {  	_ =	shalt  }
0x5a: {  	_ =	shalt  }
0x5b: {  	_ =	shalt  }
0x5c: {  	_ =	shalt  }
0x5d: {  	_ =	shalt  }
0x5e: {  	_ =	shalt  }
0x5f: {  	_ =	shalt  }
0x60: {  	_ =	shalt  }
0x61: {  	_ =	shalt  }
0x62: {  	_ =	shalt  }
0x63: {  	_ =	shalt  }
0x64: {  	_ =	shalt  }
0x65: {  	_ =	shalt  }
0x66: {  	_ =	shalt  }
0x67: {  	_ =	shalt  }
0x68: {  	_ =	shalt  }
0x69: {  	_ =	shalt  }
0x6a: {  	_ =	shalt  }
0x6b: {  	_ =	shalt  }
0x6c: {  	_ =	shalt  }
0x6d: {  	_ =	shalt  }
0x6e: {  	_ =	shalt  }
0x6f: {  	_ =	shalt  }
0x70: {  	_ =	shalt  }
0x71: {  	_ =	shalt  }
0x72: {  	_ =	shalt  }
0x73: {  	_ =	shalt  }
0x74: {  	_ =	shalt  }
0x75: {  	_ =	shalt  }
0x76: {  	_ =	shalt  }
0x77: {  	_ =	shalt  }
0x78: {  	_ =	shalt  }
0x79: {  	_ =	shalt  }
0x7a: {  	_ =	shalt  }
0x7b: {  	_ =	shalt  }
0x7c: {  	_ =	shalt  }
0x7d: {  	_ =	shalt  }
0x7e: {  	_ =	shalt  }
0x7f: {  	_ =	shalt  }
0x80: {  	_ =	shalt  }
0x81: {  	_ =	shalt  }
0x82: {  	_ =	shalt  }
0x83: {  	_ =	shalt  }
0x84: {  	_ =	shalt  }
0x85: {  	_ =	shalt  }
0x86: {  	_ =	shalt  }
0x87: {  	_ =	shalt  }
.Lfunc_end0:
.L_simem_size_0:
called_computation.1_lowered:
.L_overlay_start_0:
0x88: {  	s2 =	sld [smem:$0x3FD9]  }
0x89: {  	s3 =	sld [smem:$0x3FFE];
	_ =	sdelay $0x1  }
0x8a: {  	s1 =	srdreg.scid  }
0x8b: {  	s0 =	sand.u32 $0x1, s1  }
0x8c: {  	s16 =	sshll.u32 s0, $0xA;
	s2 =	sadd.s32 s3, s2  }
0x8d: {  	s2 =	sadd.s32 s2, s16  }
0x8e: {  	[smem:$0x3FB1] =	sst s2  }
0x8f: {  	_ = 	snop  }
0x90: {  	(tm) =	ssettm $0x1  }
0x91: {  	s17 =	sld [smem:$0x3FFB];
	_ =	sdelay $0x3  }
0x92: {  	_ =	strace s17  }
0x93: {  	s2 =	sld [smem:$0x3FFC];
	_ =	sdelay $0x3  }
0x94: {  	_ =	strace s2  }
0x95: {  	s2 =	sld [smem:$0x3FFD];
	_ =	sdelay $0x3  }
0x96: {  	_ =	strace s2  }
0x97: {  	_ =	strace $0x8FFFFFFF  }
0x98: {  	s18 =	sld [smem:$0x3FDB];
	_ =	sdelay $0x1  }
0x99: {  	s19 =	simm.s32 $_scs_section_size  }
0x9a: {  	s4 =	simm.s32 $_size__tile_overlayer_lowered;
	s5 =	simm.s32 $_tile_overlayer_lowered  }
0x9b: {  	s22 =	simm.s32 $0x1BFF;
	s21 =	sshll.u32 s5, $0x1;
	s2 =	sadd.s32 s19, s18  }
0x9c: {  	s6 =	simm.s32 $0x0;
	s20 =	sshll.u32 s4, $0x1;
	s4 =	sadd.s32 s21, s2  }
0x9d: {  	[timem:s6], [sflag:s22] =	dma.local [hbm:s4], s20  }
0x9e: {  	_ =	swait.ge [sflag:s22], s20  }
0x9f: {  	s3 =	ssub.s32 $0x0, s20;
	[sflag:s22] =	ssyncset.done $0x0  }
0xa0: {  	[sflag:s22] =	ssyncadd.s32 s3;
	_ =	sdelay $0x1  }
0xa1: {  	s23 =	simm.s32 $0x1B8B  }
0xa2: {  	_ =	swait.ge [sflag:s23], $0x1  }
0xa3: {  	[sflag:s23] =	ssyncset.done $0x0  }
0xa4: {  	s25 =	simm.s32 $0x1B8E;
	s24 =	sld [smem:$0x3FFE];
	[sflag:s23] =	ssyncadd.s32 $0xFFFFFFFF  }
0xa5: {  	s26 =	simm.s32 $execute0_lowered;
	[smem:$0x3FD2] =	sst s25  }
0xa6: {  	s4 =	sshll.u32 s26, $0x1;
	_ =	strace $0x80000049;
	[dreg:$0x1] =	wrdreg $0xFFFFFFFF  }
0xa7: {  	s28 =	simm.s32 $_size_execute0_lowered;
	s2 =	sadd.s32 s2, s4;
	[dreg:$0x0] =	wrdreg $0x0  }
0xa8: {  	s4 =	sshll.u32 s28, $0x1;
	[dreg:$0x2] =	wrdreg s2  }
0xa9: {  	[dreg:$0x3] =	wrdreg s4  }
0xaa: {  	[dreg:$0x4] =	wrdreg $0xC0  }
0xab: {  	_ =	task [dreg:s6], $0x5FFFF  }
0xac: {  	[dreg:$0x1] =	wrdreg $0xFFFFFFFF  }
0xad: {  	[dreg:$0x0] =	wrdreg $0x60  }
0xae: {  	[dreg:$0x2] =	wrdreg s24  }
0xaf: {  	[dreg:$0x3] =	wrdreg $0x146000  }
0xb0: {  	[dreg:$0x4] =	wrdreg $0xA8000  }
0xb1: {  	[dreg:$0x5] =	wrdreg $0x9  }
0xb2: {  	_ =	task.clear_ibuf [dreg:s6], $0x6FFFF;
	_ =	strace $0x90000049  }
0xb3: {  	s29 =	simm.s32 $0x9;
	_ =	strace $0x8000004B  }
0xb4: {  	_ =	swait.ge [sflag:s29], $0x1  }
0xb5: {  	[sflag:s29] =	ssyncadd.s32 $0xFFFFFFFF  }
0xb6: {  	_ =	strace $0x9000004B  }
0xb7: {  	_ =	sfence  }
0xb8: {  	s30 =	sld [smem:$0x0];
	_ =	sdelay $0x2  }
0xb9: {  	s31 =	sshll.u32 s1, $0xD;
	s1 =	sshrl.u32 s1, $0x2  }
0xba: {  	s3 =	sand.u32 $0x4000, s31;
	s1 =	sadd.s32 s1, s30  }
0xbb: {  	s0 =	sor.u32 s3, s0;
	s1 =	sshll.u32 s1, $0x11  }
0xbc: {  	s0 =	sor.u32 s1, s0  }
0xbd: {  	s0 =	sadd.s32 $0x8F2B, s0  }
0xbe: {  	[sflag:s0] =	ssyncadd.remote.s32 $0x1  }
0xbf: {  	_ =	sfence.sel $0xFFFF  }
0xc0: {  	[dreg:$0x0] =	wrdreg $0xFFFFFFFF;
	(pc) =	sbr.abs _section_cstart, $3  }
0xc1: {  	[dreg:$0x1] =	wrdreg $0xFFFFFFFF  }
0xc2: {  	_ =	task.clear_ibuf [dreg:s6], $0x2FFFF;
	_ =	strace $0x9FFFFFFF  }
0xc3: {  	(tm) =	ssettm $0x7FFFFFFF  }
tec
execute0_lowered:
.L_overlay_start_1:
0x0: {  	(tag) =	ssettag $0x1  }
0x1: {  	s0 =	rddreg [dreg:$0x0]  }
0x2: {  	s1 =	srdreg.scid;
	s2 =	rddreg [dreg:$0x1]  }
0x3: {  	s11 =	stileid.u32;
	s3 =	rddreg [dreg:$0x2]  }
0x4: {  	s15 =	simm.s32 $0x0;
	s14 =	simm.s32 $0x9;
	s16 =	simm.s32 $0x1400  }
0x5: {  	s17 =	simm.s32 $0x80;
	s18 =	simm.s32 $0x2800;
	s19 =	simm.s32 $0x4800  }
0x6: {  	s21 =	simm.s32 $0x6800;
	s22 =	simm.s32 $0x1;
	s28 =	simm.s32 $0x5  }
0x7: {  	s30 =	simm.s32 $0x3;
	s31 =	simm.s32 $0x1500;
	s7 =	smul.u32 $0x9C40, s11  }
0x8: {  	s13 =	simm.s32 $0x8;
	s1 =	sand.u32 $0x1, s1;
	s8 =	smul.u32 $0x9E00, s11  }
0x9: {  	[smem:$0x7FF] =	sst s15;
	s5 =	sadd.s32 $0x3DE00, s0;
	s4 =	smul.u32 $0x9C400, s1  }
0xa: {  	s12 =	sadd.s32 $0x33200, s0;
	s24 =	sshll.u32 s11, $0x6;
	s6 =	smul.u32 $0x9E000, s1  }
0xb: {  	_ =	strace $0x8000004A;
	s1 =	ssub.s32 $0x2, s1;
	[dreg:$0x5] =	wrdreg s12  }
0xc: {  	s12 =	simm.s32 $0x300;
	s10 =	sshrl.u32 s1, $0x1;
	s25 =	sadd.s32 s8, s3  }
0xd: {  	s4 =	sadd.s32 s7, s4;
	s9 =	sadd.s32 s8, s6;
	s6 =	sadd.s32 $0x2000, s0  }
0xe: {  	s1 =	ssub.s32 s1, s10;
	s7 =	sadd.s32 s7, s2;
	s10 =	smul.u32 $0x5000, s11  }
0xf: {  	s20 =	sshrl.u32 s25, $0x3;
	s25 =	simm.s32 $0x2;
	s8 =	simm.s32 $0x1580  }
0x10: {  	s11 =	simm.s32 $0x7;
	s4 =	sshrl.u32 s4, $0x3;
	s9 =	sshrl.u32 s9, $0x3  }
0x11: {  	s26 =	smax.u32 s1, $0x1;
	s29 =	sshrl.u32 s7, $0x3;
	[dreg:$0xb] =	wrdreg s20  }
.Ltmp0:
0x12: {  	s4 =	sadd.s32 s4, s0;
	[dreg:$0x9] =	wrdreg s26;
	(pc) =	sbr.rel .LBB2_1-.Ltmp0, $4  }
0x13: {  	s0 =	sadd.s32 s9, s0;
	s9 =	sor.u32 $0x1C09, s24;
	[dreg:$0xa] =	wrdreg s29  }
0x14: {  	s1 =	simm.s32 $0x6;
	s4 =	sadd.s32 $0xC000, s4;
	[dreg:$0x7] =	wrdreg s9  }
0x15: {  	s7 =	simm.s32 $0x4;
	s0 =	sadd.s32 $0x47E00, s0;
	[dreg:$0x6] =	wrdreg s4  }
0x16: {  	s24 =	simm.s32 $0x8800;
	[dreg:$0x8] =	wrdreg s0;
	s0 =	simm.s32 $0x280  }
.LBB2_6:
0x17: {  	[bflag:$0x0] =	sbarrier.arrive $0xFFFF  }
0x18: {  	s9 =	rddreg [dreg:$0x7]  }
0x19: {  	s4 =	rddreg [dreg:$0x8]  }
0x1a: {  	s20 =	rddreg [dreg:$0xb]  }
0x1b: {  	[hbm:s4], [sflag:s9] =	dma.local [spmem:s20], $0x13C0  }
0x1c: {  	_ =	swait.ge [sflag:s14], $0x13C0  }
0x1d: {  	s15 =	rddreg [dreg:$0x4]  }
0x1e: {  	s29 =	rddreg [dreg:$0x9];
	s15 =	sadd.s32 $0x1, s15  }
0x1f: {  	p0 =	sne.s32 s15, s29  }
.Ltmp1:
0x20: {  	_ = 	snop;
	(pc) =	sbr.rel @!p0 .LBB2_7-.Ltmp1, $3  }
0x21: {  	_ =	sdelay $0x1  }
0x22: {  	[sflag:s14] =	ssyncset.done $0x0  }
0x23: {  	[sflag:s14] =	ssyncadd.s32 $0xFFFFEC40  }
.LBB2_1:
0x24: {  	[dreg:$0x4] =	wrdreg s15  }
0x25: {  	s4 =	rddreg [dreg:$0x6]  }
0x26: {  	s26 =	rddreg [dreg:$0xa]  }
0x27: {  	[spmem:s26], [sflag:s9] =	dma.local [hbm:s4], $0x1388  }
0x28: {  	_ =	swait.ge [sflag:s14], $0x1388  }
0x29: {  	[sflag:s14] =	ssyncset.done $0x0  }
0x2a: {  	s29 =	rddreg [dreg:$0x5];
	[sflag:s14] =	ssyncadd.s32 $0xFFFFEC78  }
0x2b: {  	[spmem:s20], [sflag:s9] =	dma.local [hbm:s29], $0x13C0  }
.Ltmp2:
0x2c: {  	_ =	swait.ge [sflag:s14], $0x13C0;
	(pc) =	sbr.rel .LBB2_2-.Ltmp2, $4  }
0x2d: {  	[sflag:s14] =	ssyncset.done $0x0  }
0x2e: {  	[sflag:s14] =	ssyncadd.s32 $0xFFFFEC40  }
0x2f: {  	[bflag:$0x0] =	sbarrier.arrive $0xFFFF  }
0x30: {  	s15 =	simm.s32 $0x0  }
.LBB2_5:
0x31: {  	_ =	swait.ge [sflag:s28], $0x2000  }
0x32: {  	[sflag:s28] =	ssyncset.done $0x0  }
0x33: {  	[sflag:s28] =	ssyncadd.s32 $0xFFFFE000  }
0x34: {  	_ =	swait.ge [sflag:s1], $0x2000  }
0x35: {  	[sflag:s1] =	ssyncset.done $0x0  }
0x36: {  	s15 =	sadd.s32 $0x1, s15;
	[sflag:s1] =	ssyncadd.s32 $0xFFFFE000  }
0x37: {  	p0 =	sne.s32 s15, $0x4;
	_ =	swait.ge [sflag:s11], $0x2000  }
.Ltmp3:
0x38: {  	[sflag:s11] =	ssyncset.done $0x0;
	(pc) =	sbr.rel @!p0 .LBB2_6-.Ltmp3, $4  }
0x39: {  	[sflag:s11] =	ssyncadd.s32 $0xFFFFE000  }
0x3a: {  	_ =	swait.ge [sflag:s13], $0x2000  }
0x3b: {  	[sflag:s13] =	ssyncset.done $0x0  }
0x3c: {  	[sflag:s13] =	ssyncadd.s32 $0xFFFFE000  }
.LBB2_2:
0x3d: {  	s4 =	smul.u32 $0x1400, s15;
	_ =	sdelay $0x1  }
0x3e: {  	s4 =	sadd.s32 s10, s4  }
0x3f: {  	s4 =	sshrl.u32 s4, $0x3  }
0x40: {  	s9 =	simm.s32 $0x0;
	s20 =	sadd.s32 s5, s4  }
0x41: {  	[tilespmem:s9], [sflag:$0x9] =	stream.linear.gather [hbm4b:s20+s9], $0x1400, $0x38;
	[tilespmem:$0x1E400] =	vst v63  }
0x42: {  	_ =	swait.ge [sflag:s14], $0x1400  }
0x43: {  	[sflag:s14] =	ssyncset.done $0x0  }
0x44: {  	s4 =	sadd.s32 s6, s4;
	[sflag:s14] =	ssyncadd.s32 $0xFFFFEC00  }
0x45: {  	[tilespmem:s16], [sflag:$0x9] =	stream.linear.gather [hbm4b:s4+s9], $0x1400, $0x38;
	[tilespmem:$0x1E400] =	vst v63  }
0x46: {  	_ =	swait.ge [sflag:s14], $0x1400  }
0x47: {  	[sflag:s14] =	ssyncset.done $0x0  }
0x48: {  	[sflag:s14] =	ssyncadd.s32 $0xFFFFEC00  }
0x49: {  	[tilespmem:s18], [sflag:$0x1] =	stream.indirect.gather [spmem:s2], $0x40, s9, s17, $0xb8;
	[tilespmem:$0x1E400] =	vst v63  }
0x4a: {  	_ = 	snop  }
0x4b: {  	[tilespmem:s19], [sflag:$0x2] =	stream.indirect.gather [spmem:s2], $0x40, s17, s17, $0xb8;
	[tilespmem:$0x1E400] =	vst v63  }
0x4c: {  	s20 =	simm.s32 $0x100  }
0x4d: {  	[tilespmem:s21], [sflag:$0x3] =	stream.indirect.gather [spmem:s2], $0x40, s20, s17, $0xb8;
	[tilespmem:$0x1E400] =	vst v63  }
0x4e: {  	_ =	swait.ge [sflag:s22], $0x2000  }
0x4f: {  	[sflag:s22] =	ssyncset.done $0x0  }
0x50: {  	[sflag:s22] =	ssyncadd.s32 $0xFFFFE000  }
0x51: {  	[spmem:s3] =	stream.indirect.scatter.add.f32 [tilespmem:s18], [sflag:$0x5], $0x40, s16, s17, $0xb8;
	[tilespmem:$0x1E400] =	vst v63  }
0x52: {  	s23 =	simm.s32 $0x180  }
0x53: {  	[tilespmem:s24], [sflag:$0x4] =	stream.indirect.gather [spmem:s2], $0x40, s23, s17, $0xb8;
	[tilespmem:$0x1E400] =	vst v63  }
0x54: {  	_ =	swait.ge [sflag:s25], $0x2000  }
0x55: {  	[sflag:s25] =	ssyncset.done $0x0  }
0x56: {  	s26 =	simm.s32 $0x1480;
	[sflag:s25] =	ssyncadd.s32 $0xFFFFE000  }
0x57: {  	[spmem:s3] =	stream.indirect.scatter.add.f32 [tilespmem:s19], [sflag:$0x6], $0x40, s26, s17, $0xb8;
	[tilespmem:$0x1E400] =	vst v63  }
0x58: {  	_ =	swait.ge [sflag:s28], $0x2000  }
0x59: {  	[sflag:s28] =	ssyncset.done $0x0  }
0x5a: {  	s29 =	simm.s32 $0x200;
	[sflag:s28] =	ssyncadd.s32 $0xFFFFE000  }
0x5b: {  	[tilespmem:s18], [sflag:$0x1] =	stream.indirect.gather [spmem:s2], $0x40, s29, s17, $0xb8;
	[tilespmem:$0x1E400] =	vst v63  }
0x5c: {  	_ =	swait.ge [sflag:s30], $0x2000  }
0x5d: {  	[sflag:s30] =	ssyncset.done $0x0  }
0x5e: {  	[sflag:s30] =	ssyncadd.s32 $0xFFFFE000  }
0x5f: {  	[spmem:s3] =	stream.indirect.scatter.add.f32 [tilespmem:s21], [sflag:$0x7], $0x40, s31, s17, $0xb8;
	[tilespmem:$0x1E400] =	vst v63  }
0x60: {  	_ =	swait.ge [sflag:s1], $0x2000  }
0x61: {  	[sflag:s1] =	ssyncset.done $0x0  }
0x62: {  	[sflag:s1] =	ssyncadd.s32 $0xFFFFE000  }
0x63: {  	[tilespmem:s19], [sflag:$0x2] =	stream.indirect.gather [spmem:s2], $0x40, s0, s17, $0xb8;
	[tilespmem:$0x1E400] =	vst v63  }
0x64: {  	_ =	swait.ge [sflag:s7], $0x2000  }
0x65: {  	[sflag:s7] =	ssyncset.done $0x0  }
0x66: {  	[sflag:s7] =	ssyncadd.s32 $0xFFFFE000  }
0x67: {  	[spmem:s3] =	stream.indirect.scatter.add.f32 [tilespmem:s24], [sflag:$0x8], $0x40, s8, s17, $0xb8;
	[tilespmem:$0x1E400] =	vst v63  }
0x68: {  	_ =	swait.ge [sflag:s11], $0x2000  }
0x69: {  	[sflag:s11] =	ssyncset.done $0x0  }
0x6a: {  	[sflag:s11] =	ssyncadd.s32 $0xFFFFE000  }
0x6b: {  	[tilespmem:s21], [sflag:$0x3] =	stream.indirect.gather [spmem:s2], $0x40, s12, s17, $0xb8;
	[tilespmem:$0x1E400] =	vst v63  }
.LBB2_3:
0x6c: {  	_ =	swait.ge [sflag:s22], $0x2000  }
0x6d: {  	s4 =	sshra.s32 s9, $0x2;
	[sflag:s22] =	ssyncset.done $0x0  }
0x6e: {  	s20 =	sadd.s32 $0x1600, s4;
	[sflag:s22] =	ssyncadd.s32 $0xFFFFE000  }
0x6f: {  	[spmem:s3] =	stream.indirect.scatter.add.f32 [tilespmem:s18], [sflag:$0x5], $0x40, s20, s17, $0xb8;
	[tilespmem:$0x1E400] =	vst v63  }
0x70: {  	_ =	swait.ge [sflag:s13], $0x2000  }
0x71: {  	[sflag:s13] =	ssyncset.done $0x0  }
0x72: {  	s23 =	sadd.s32 $0x380, s4;
	[sflag:s13] =	ssyncadd.s32 $0xFFFFE000  }
0x73: {  	[tilespmem:s24], [sflag:$0x4] =	stream.indirect.gather [spmem:s2], $0x40, s23, s17, $0xb8;
	[tilespmem:$0x1E400] =	vst v63  }
0x74: {  	_ =	swait.ge [sflag:s25], $0x2000  }
0x75: {  	p0 =	seq.s32 s9, $0x4000;
	[sflag:s25] =	ssyncset.done $0x0  }
0x76: {  	s26 =	sadd.s32 $0x1680, s4;
	s20 =	simm.s32 @p0 $0x3;
	[sflag:s25] =	ssyncadd.s32 $0xFFFFE000  }
0x77: {  	[spmem:s3] =	stream.indirect.scatter.add.f32 [tilespmem:s19], [sflag:$0x6], $0x40, s26, s17, $0xb8;
	[tilespmem:$0x1E400] =	vst v63  }
0x78: {  	_ =	swait.ge @p0 [sflag:s20], $0x2000  }
0x79: {  	[sflag:s20] =	ssyncset.done @p0 $0x0  }
0x7a: {  	[sflag:s20] =	ssyncadd.s32 @p0 $0xFFFFE000;
	s20 =	sshra.s32 @p0 s9, $0x2  }
0x7b: {  	s23 =	simm.s32 @p0 $0x80;
	s26 =	simm.s32 @p0 $0x6800;
	s20 =	sadd.s32 @p0 $0x1700, s20  }
0x7c: {  	[spmem:s3] =	stream.indirect.scatter.add.f32 @p0 [tilespmem:s26], [sflag:$0x7], $0x40, s20, s23, $0xb8;
	[tilespmem:$0x1E400] =	vst v63  }
0x7d: {  	s20 =	simm.s32 @!p0 $0x5  }
0x7e: {  	_ =	swait.ge @!p0 [sflag:s20], $0x2000  }
0x7f: {  	[sflag:s20] =	ssyncset.done @!p0 $0x0  }
0x80: {  	[sflag:s20] =	ssyncadd.s32 @!p0 $0xFFFFE000;
	s20 =	sshra.s32 @!p0 s9, $0x2  }
0x81: {  	s29 =	simm.s32 @!p0 $0x2800;
	s26 =	simm.s32 @!p0 $0x80;
	s23 =	sadd.s32 @!p0 $0x400, s20  }
0x82: {  	[tilespmem:s29], [sflag:$0x1] =	stream.indirect.gather @!p0 [spmem:s2], $0x40, s23, s26, $0xb8;
	[tilespmem:$0x1E400] =	vst v63  }
0x83: {  	s23 =	simm.s32 @!p0 $0x3  }
0x84: {  	_ =	swait.ge @!p0 [sflag:s23], $0x2000  }
0x85: {  	[sflag:s23] =	ssyncset.done @!p0 $0x0  }
0x86: {  	s29 =	simm.s32 @!p0 $0x6800;
	[sflag:s23] =	ssyncadd.s32 @!p0 $0xFFFFE000;
	s23 =	sadd.s32 @!p0 $0x1700, s20  }
0x87: {  	[spmem:s3] =	stream.indirect.scatter.add.f32 @!p0 [tilespmem:s29], [sflag:$0x7], $0x40, s23, s26, $0xb8;
	[tilespmem:$0x1E400] =	vst v63  }
0x88: {  	s23 =	simm.s32 @!p0 $0x6  }
0x89: {  	_ =	swait.ge @!p0 [sflag:s23], $0x2000  }
0x8a: {  	[sflag:s23] =	ssyncset.done @!p0 $0x0  }
0x8b: {  	s20 =	sadd.s32 @!p0 $0x480, s20;
	[sflag:s23] =	ssyncadd.s32 @!p0 $0xFFFFE000;
	s23 =	simm.s32 @!p0 $0x4800  }
0x8c: {  	[tilespmem:s23], [sflag:$0x2] =	stream.indirect.gather @!p0 [spmem:s2], $0x40, s20, s26, $0xb8;
	[tilespmem:$0x1E400] =	vst v63  }
.Ltmp4:
0x8d: {  	_ = 	snop;
	(pc) =	sbr.rel @p0 .LBB2_5-.Ltmp4, $4  }
0x8e: {  	_ =	swait.ge [sflag:s7], $0x2000  }
0x8f: {  	[sflag:s7] =	ssyncset.done $0x0  }
0x90: {  	s29 =	sadd.s32 $0x1780, s4;
	[sflag:s7] =	ssyncadd.s32 $0xFFFFE000  }
0x91: {  	[spmem:s3] =	stream.indirect.scatter.add.f32 [tilespmem:s24], [sflag:$0x8], $0x40, s29, s17, $0xb8;
	[tilespmem:$0x1E400] =	vst v63  }
.Ltmp5:
0x92: {  	(pc) =	sbr.rel .LBB2_3-.Ltmp5, $4  }
0x93: {  	_ =	swait.ge [sflag:s11], $0x2000  }
0x94: {  	[sflag:s11] =	ssyncset.done $0x0  }
0x95: {  	s4 =	sadd.s32 $0x500, s4;
	s9 =	sadd.s32 $0x800, s9;
	[sflag:s11] =	ssyncadd.s32 $0xFFFFE000  }
0x96: {  	[tilespmem:s21], [sflag:$0x3] =	stream.indirect.gather [spmem:s2], $0x40, s4, s17, $0xb8;
	[tilespmem:$0x1E400] =	vst v63  }
.LBB2_7:
0x97: {  	_ =	sfence.sel $0x180000  }
0x98: {  	[bflag:$0x0] =	sbarrier.arrive $0xFFFF  }
0x99: {  	_ =	strace $0x9000004A  }
0x9a: {  	s0 =	stileid.u32;
	[bflag:$0x2] =	sbarrier.arrive $0xFFFF  }
0x9b: {  	p0 =	sne.s32 s0, $0x0;
	s0 =	rddreg [dreg:$0x3]  }
0x9c: {  	s0 =	sadd.s32 @!p0 $0x100000, s0  }
0x9d: {  	[sflag:s0] =	ssyncadd.tile.s32 @!p0 $0x1;
	_ =	shalt  }
.Lfunc_end2:
_tile_overlayer_lowered:
.L_overlay_start_2:
0x9e: {  	(tag) =	ssettag $0x2  }
0x9f: {  	s0 =	rddreg [dreg:$0x0];
	s2 =	stileid.u32  }
0xa0: {  	s1 =	rddreg [dreg:$0x1];
	p0 =	sne.s32 s2, $0x0  }
0xa1: {  	s3 =	rddreg [dreg:$0x2];
	[bflag:$0x3] =	sbarrier.arrive $0xFFFF;
	s2 =	simm.s32 @!p0 $0x1C09  }
0xa2: {  	[timem:s3], [sflag:s2] =	dma.local @!p0 [hbm:s0], s1  }
0xa3: {  	s0 =	simm.s32 @!p0 $0x9  }
0xa4: {  	_ =	swait.ge @!p0 [sflag:s0], s1  }
0xa5: {  	s1 =	ssub.s32 @!p0 $0x0, s1;
	[sflag:s0] =	ssyncset.done @!p0 $0x0  }
0xa6: {  	[sflag:s0] =	ssyncadd.s32 @!p0 s1  }
0xa7: {  	[bflag:$0x3] =	sbarrier.arrive $0xFFFF  }
0xa8: {  	_ =	shalt  }

// kernel: kernel.18.cloned.1.call-start
scs
__scs_entry_jumppad:
0x0: {  	(pc) =	sbr.rel $0x88, $3  }
0x1: {  	(tag) =	ssettag $0x0;
	lr =	simm.s32 $0x1  }
0x2: {  	[smem:$0x3F8A] =	sst lr;
	_ =	strace $0xD0000000  }
0x3: {  	_ = 	snop  }
0x4: {  	_ = 	snop  }
0x5: {  	_ = 	snop  }
0x6: {  	_ = 	snop  }
0x7: {  	_ = 	snop  }
__scs_overlays_trampoline_lowered:
0x8: {  	[smem:$0x3F99] =	sst s0  }
0x9: {  	[smem:$0x3F9A] =	sst s1  }
0xa: {  	[smem:$0x3F9B] =	sst s2  }
0xb: {  	[smem:$0x3F9C] =	sst s3  }
0xc: {  	[smem:$0x3F9D] =	sst s4  }
0xd: {  	[smem:$0x3F9E] =	sst s5  }
0xe: {  	[smem:$0x3F9F] =	sst s6  }
0xf: {  	[smem:$0x3FA0] =	sst s7  }
0x10: {  	[smem:$0x3FA1] =	sst s8  }
0x11: {  	[smem:$0x3FA2] =	sst s9;
	s0 =	simm.s32 @!p0 $0x0  }
0x12: {  	s1 =	sld [smem:$0x3F88];
	s0 =	simm.s32 @p0 $0x1  }
0x13: {  	[smem:$0x3FA3] =	sst s0;
	s0 =	simm.s32 @!p1 $0x0  }
0x14: {  	s2 =	sld [smem:$0x3F87];
	s0 =	simm.s32 @p1 $0x1  }
0x15: {  	[smem:$0x3FA4] =	sst s0;
	s0 =	simm.s32 @!p2 $0x0  }
0x16: {  	s3 =	sld [smem:$0x3FDB];
	s0 =	simm.s32 @p2 $0x1  }
0x17: {  	s4 =	simm.s32 $0x1BF5;
	[smem:$0x3FA6] =	sst s0  }
0x18: {  	s0 =	sld [smem:$0x3F89];
	_ =	swait.ge [sflag:s4], $0x0  }
0x19: {  	s7 =	sld [smem:$0x3F8A]  }
0x1a: {  	s8 =	sadd.s32 $0xFFFFE003, lr  }
0x1b: {  	s9 =	sadd.s32 $0xFFFFFEF7, lr;
	s5 =	simm.s32 $0xFFFFFFFF;
	p2 =	slt.u32 s8, $0xFFFFF086  }
0x1c: {  	p1 =	slt.u32 s9, $0xF7A;
	s5 =	simm.s32 @!p2 $0x0  }
0x1d: {  	s5 =	simm.s32 @p1 $0x1;
	p0 =	seq.s32 s7, s2  }
0x1e: {  	s7 =	smul.u32 @!p0 $0xF7A, s2;
	p2 =	seq.s32 @!p0 s5, $0x0  }
0x1f: {  	s9 =	smul.u32 $0xF7A, s1;
	s8 =	simm.s32 @!p0 $0x1BF5;
	p2 =	por !p2, p0  }
0x20: {  	[sflag:s8] =	ssyncset.s32 @!p0 $0xFFFFF086;
	s6 =	sadd.s32 @!p0 s3, s7;
	s7 =	simm.s32 @!p0 $0x108  }
0x21: {  	s3 =	sadd.s32 s3, s9;
	s6 =	sadd.s32 @!p0 $0x88, s6;
	s7 =	simm.s32 @p2 $0x1082  }
0x22: {  	[simem:s7], [sflag:s8] =	dma.local @!p0 [hbm:s6], $0xF7A  }
0x23: {  	s9 =	sor.u32 $0xD0000000, s2;
	s6 =	simm.s32 $0x108;
	_ =	swait.ge @!p0 [sflag:s8], $0x0  }
0x24: {  	s3 =	sadd.s32 $0x88, s3;
	s6 =	simm.s32 @!p1 $0x1082;
	[sflag:s4] =	ssyncset.s32 $0xFFFFF086  }
0x25: {  	[simem:s6], [sflag:s4] =	dma.local [hbm:s3], $0xF7A  }
0x26: {  	[smem:$0x3F8A] =	sst s1;
	(tag) =	ssettag s2;
	_ =	strace s9  }
0x27: {  	s1 =	sld [smem:$0x3F9A]  }
0x28: {  	s2 =	sld [smem:$0x3F9B]  }
0x29: {  	s4 =	sld [smem:$0x3F9D]  }
0x2a: {  	p0 =	seq.s32 s5, $0x0;
	s5 =	sld [smem:$0x3F9E]  }
0x2b: {  	s6 =	sld [smem:$0x3F9F]  }
0x2c: {  	s7 =	sld [smem:$0x3FA0]  }
0x2d: {  	s3 =	simm.s32 $0x108;
	s8 =	sld [smem:$0x3FA1]  }
0x2e: {  	s3 =	simm.s32 @!p0 $0x1082;
	s9 =	sld [smem:$0x3FA2]  }
0x2f: {  	lr =	sadd.s32 s0, s3;
	s0 =	sld [smem:$0x3F99]  }
0x30: {  	s3 =	sld [smem:$0x3F9C]  }
0x31: {  	[smem:$0x3FA5] =	sst s10  }
0x32: {  	s10 =	sld [smem:$0x3FA3];
	_ =	sdelay $0x3  }
0x33: {  	p0 =	seq.s32 s10, $0x1;
	s10 =	sld [smem:$0x3FA5];
	_ =	sdelay $0x3  }
0x34: {  	[smem:$0x3FA5] =	sst s10  }
0x35: {  	s10 =	sld [smem:$0x3FA4];
	_ =	sdelay $0x3  }
0x36: {  	p1 =	seq.s32 s10, $0x1;
	s10 =	sld [smem:$0x3FA5];
	_ =	sdelay $0x3  }
0x37: {  	[smem:$0x3FA5] =	sst s10  }
0x38: {  	s10 =	sld [smem:$0x3FA6]  }
0x39: {  	_ = 	snop;
	(pc) =	sbr.ind lr, $3  }
0x3a: {  	_ = 	snop  }
0x3b: {  	_ = 	snop  }
0x3c: {  	p2 =	seq.s32 s10, $0x1;
	s10 =	sld [smem:$0x3FA5]  }
0x3d: {  	_ =	shalt  }
0x3e: {  	_ =	shalt  }
0x3f: {  	_ =	shalt  }
0x40: {  	_ =	shalt  }
0x41: {  	_ =	shalt  }
0x42: {  	_ =	shalt  }
0x43: {  	_ =	shalt  }
0x44: {  	_ =	shalt  }
0x45: {  	_ =	shalt  }
0x46: {  	_ =	shalt  }
0x47: {  	_ =	shalt  }
0x48: {  	_ =	shalt  }
0x49: {  	_ =	shalt  }
0x4a: {  	_ =	shalt  }
0x4b: {  	_ =	shalt  }
0x4c: {  	_ =	shalt  }
0x4d: {  	_ =	shalt  }
0x4e: {  	_ =	shalt  }
0x4f: {  	_ =	shalt  }
0x50: {  	_ =	shalt  }
0x51: {  	_ =	shalt  }
0x52: {  	_ =	shalt  }
0x53: {  	_ =	shalt  }
0x54: {  	_ =	shalt  }
0x55: {  	_ =	shalt  }
0x56: {  	_ =	shalt  }
0x57: {  	_ =	shalt  }
0x58: {  	_ =	shalt  }
0x59: {  	_ =	shalt  }
0x5a: {  	_ =	shalt  }
0x5b: {  	_ =	shalt  }
0x5c: {  	_ =	shalt  }
0x5d: {  	_ =	shalt  }
0x5e: {  	_ =	shalt  }
0x5f: {  	_ =	shalt  }
0x60: {  	_ =	shalt  }
0x61: {  	_ =	shalt  }
0x62: {  	_ =	shalt  }
0x63: {  	_ =	shalt  }
0x64: {  	_ =	shalt  }
0x65: {  	_ =	shalt  }
0x66: {  	_ =	shalt  }
0x67: {  	_ =	shalt  }
0x68: {  	_ =	shalt  }
0x69: {  	_ =	shalt  }
0x6a: {  	_ =	shalt  }
0x6b: {  	_ =	shalt  }
0x6c: {  	_ =	shalt  }
0x6d: {  	_ =	shalt  }
0x6e: {  	_ =	shalt  }
0x6f: {  	_ =	shalt  }
0x70: {  	_ =	shalt  }
0x71: {  	_ =	shalt  }
0x72: {  	_ =	shalt  }
0x73: {  	_ =	shalt  }
0x74: {  	_ =	shalt  }
0x75: {  	_ =	shalt  }
0x76: {  	_ =	shalt  }
0x77: {  	_ =	shalt  }
0x78: {  	_ =	shalt  }
0x79: {  	_ =	shalt  }
0x7a: {  	_ =	shalt  }
0x7b: {  	_ =	shalt  }
0x7c: {  	_ =	shalt  }
0x7d: {  	_ =	shalt  }
0x7e: {  	_ =	shalt  }
0x7f: {  	_ =	shalt  }
0x80: {  	_ =	shalt  }
0x81: {  	_ =	shalt  }
0x82: {  	_ =	shalt  }
0x83: {  	_ =	shalt  }
0x84: {  	_ =	shalt  }
0x85: {  	_ =	shalt  }
0x86: {  	_ =	shalt  }
0x87: {  	_ =	shalt  }
.Lfunc_end0:
.L_simem_size_0:
called_computation.2_lowered:
.L_overlay_start_0:
0x88: {  	s2 =	sld [smem:$0x3FD9]  }
0x89: {  	s3 =	sld [smem:$0x3FFE];
	_ =	sdelay $0x1  }
0x8a: {  	s1 =	srdreg.scid  }
0x8b: {  	s0 =	sand.u32 $0x1, s1  }
0x8c: {  	s16 =	sshll.u32 s0, $0xA;
	s2 =	sadd.s32 s3, s2  }
0x8d: {  	s2 =	sadd.s32 s2, s16  }
0x8e: {  	[smem:$0x3FB1] =	sst s2  }
0x8f: {  	_ = 	snop  }
0x90: {  	(tm) =	ssettm $0x1  }
0x91: {  	s17 =	sld [smem:$0x3FFB];
	_ =	sdelay $0x3  }
0x92: {  	_ =	strace s17  }
0x93: {  	s2 =	sld [smem:$0x3FFC];
	_ =	sdelay $0x3  }
0x94: {  	_ =	strace s2  }
0x95: {  	s2 =	sld [smem:$0x3FFD];
	_ =	sdelay $0x3  }
0x96: {  	_ =	strace s2  }
0x97: {  	_ =	strace $0x8FFFFFFF  }
0x98: {  	s18 =	sld [smem:$0x3FDB];
	_ =	sdelay $0x1  }
0x99: {  	s19 =	simm.s32 $_scs_section_size  }
0x9a: {  	s4 =	simm.s32 $_size__tile_overlayer_lowered;
	s5 =	simm.s32 $_tile_overlayer_lowered  }
0x9b: {  	s22 =	simm.s32 $0x1BFF;
	s21 =	sshll.u32 s5, $0x1;
	s2 =	sadd.s32 s19, s18  }
0x9c: {  	s6 =	simm.s32 $0x0;
	s20 =	sshll.u32 s4, $0x1;
	s4 =	sadd.s32 s21, s2  }
0x9d: {  	[timem:s6], [sflag:s22] =	dma.local [hbm:s4], s20  }
0x9e: {  	_ =	swait.ge [sflag:s22], s20  }
0x9f: {  	s3 =	ssub.s32 $0x0, s20;
	[sflag:s22] =	ssyncset.done $0x0  }
0xa0: {  	[sflag:s22] =	ssyncadd.s32 s3;
	_ =	sdelay $0x1  }
0xa1: {  	s23 =	simm.s32 $0x1B8B  }
0xa2: {  	_ =	swait.ge [sflag:s23], $0x1  }
0xa3: {  	[sflag:s23] =	ssyncset.done $0x0  }
0xa4: {  	s25 =	simm.s32 $0x1B8E;
	s24 =	sld [smem:$0x3FFE];
	[sflag:s23] =	ssyncadd.s32 $0xFFFFFFFF  }
0xa5: {  	s26 =	simm.s32 $execute0_lowered;
	[smem:$0x3FD2] =	sst s25  }
0xa6: {  	s4 =	sshll.u32 s26, $0x1;
	_ =	strace $0x8000004C;
	[dreg:$0x1] =	wrdreg $0xFFFFFFFF  }
0xa7: {  	s28 =	simm.s32 $_size_execute0_lowered;
	s2 =	sadd.s32 s2, s4;
	[dreg:$0x0] =	wrdreg $0x0  }
0xa8: {  	s4 =	sshll.u32 s28, $0x1;
	[dreg:$0x2] =	wrdreg s2  }
0xa9: {  	[dreg:$0x3] =	wrdreg s4  }
0xaa: {  	[dreg:$0x4] =	wrdreg $0xC0  }
0xab: {  	_ =	task [dreg:s6], $0x5FFFF  }
0xac: {  	[dreg:$0x1] =	wrdreg $0xFFFFFFFF  }
0xad: {  	[dreg:$0x0] =	wrdreg $0x60  }
0xae: {  	[dreg:$0x2] =	wrdreg s24  }
0xaf: {  	[dreg:$0x3] =	wrdreg $0x146000  }
0xb0: {  	[dreg:$0x4] =	wrdreg $0xA8000  }
0xb1: {  	[dreg:$0x5] =	wrdreg $0x9  }
0xb2: {  	_ =	task.clear_ibuf [dreg:s6], $0x6FFFF;
	_ =	strace $0x9000004C  }
0xb3: {  	s29 =	simm.s32 $0x9;
	_ =	strace $0x8000004E  }
0xb4: {  	_ =	swait.ge [sflag:s29], $0x1  }
0xb5: {  	[sflag:s29] =	ssyncadd.s32 $0xFFFFFFFF  }
0xb6: {  	_ =	strace $0x9000004E  }
0xb7: {  	_ =	sfence  }
0xb8: {  	s30 =	sld [smem:$0x0];
	_ =	sdelay $0x2  }
0xb9: {  	s31 =	sshll.u32 s1, $0xD;
	s1 =	sshrl.u32 s1, $0x2  }
0xba: {  	s3 =	sand.u32 $0x4000, s31;
	s1 =	sadd.s32 s1, s30  }
0xbb: {  	s0 =	sor.u32 s3, s0;
	s1 =	sshll.u32 s1, $0x11  }
0xbc: {  	s0 =	sor.u32 s1, s0  }
0xbd: {  	s0 =	sadd.s32 $0x8F2B, s0  }
0xbe: {  	[sflag:s0] =	ssyncadd.remote.s32 $0x1  }
0xbf: {  	_ =	sfence.sel $0xFFFF  }
0xc0: {  	[dreg:$0x0] =	wrdreg $0xFFFFFFFF;
	(pc) =	sbr.abs _section_cstart, $3  }
0xc1: {  	[dreg:$0x1] =	wrdreg $0xFFFFFFFF  }
0xc2: {  	_ =	task.clear_ibuf [dreg:s6], $0x2FFFF;
	_ =	strace $0x9FFFFFFF  }
0xc3: {  	(tm) =	ssettm $0x7FFFFFFF  }
tec
execute0_lowered:
.L_overlay_start_1:
0x0: {  	(tag) =	ssettag $0x1  }
0x1: {  	s0 =	rddreg [dreg:$0x0]  }
0x2: {  	s1 =	srdreg.scid;
	s2 =	rddreg [dreg:$0x1]  }
0x3: {  	s11 =	stileid.u32;
	s3 =	rddreg [dreg:$0x2]  }
0x4: {  	s15 =	simm.s32 $0x0;
	s14 =	simm.s32 $0x9;
	s16 =	simm.s32 $0x1400  }
0x5: {  	s17 =	simm.s32 $0x80;
	s18 =	simm.s32 $0x2800;
	s19 =	simm.s32 $0x4800  }
0x6: {  	s21 =	simm.s32 $0x6800;
	s22 =	simm.s32 $0x1;
	s28 =	simm.s32 $0x5  }
0x7: {  	s30 =	simm.s32 $0x3;
	s31 =	simm.s32 $0x1500;
	s7 =	smul.u32 $0x9C40, s11  }
0x8: {  	s13 =	simm.s32 $0x8;
	s1 =	sand.u32 $0x1, s1;
	s8 =	smul.u32 $0x9E00, s11  }
0x9: {  	[smem:$0x7FF] =	sst s15;
	s5 =	sadd.s32 $0x3DE00, s0;
	s4 =	smul.u32 $0x9C400, s1  }
0xa: {  	s12 =	sadd.s32 $0x33200, s0;
	s24 =	sshll.u32 s11, $0x6;
	s6 =	smul.u32 $0x9E000, s1  }
0xb: {  	_ =	strace $0x8000004D;
	s1 =	ssub.s32 $0x2, s1;
	[dreg:$0x5] =	wrdreg s12  }
0xc: {  	s12 =	simm.s32 $0x300;
	s10 =	sshrl.u32 s1, $0x1;
	s25 =	sadd.s32 s8, s3  }
0xd: {  	s4 =	sadd.s32 s7, s4;
	s9 =	sadd.s32 s8, s6;
	s6 =	sadd.s32 $0x2000, s0  }
0xe: {  	s1 =	ssub.s32 s1, s10;
	s7 =	sadd.s32 s7, s2;
	s10 =	smul.u32 $0x5000, s11  }
0xf: {  	s20 =	sshrl.u32 s25, $0x3;
	s25 =	simm.s32 $0x2;
	s8 =	simm.s32 $0x1580  }
0x10: {  	s11 =	simm.s32 $0x7;
	s4 =	sshrl.u32 s4, $0x3;
	s9 =	sshrl.u32 s9, $0x3  }
0x11: {  	s26 =	smax.u32 s1, $0x1;
	s29 =	sshrl.u32 s7, $0x3;
	[dreg:$0xb] =	wrdreg s20  }
.Ltmp0:
0x12: {  	s4 =	sadd.s32 s4, s0;
	[dreg:$0x9] =	wrdreg s26;
	(pc) =	sbr.rel .LBB2_1-.Ltmp0, $4  }
0x13: {  	s0 =	sadd.s32 s9, s0;
	s9 =	sor.u32 $0x1C09, s24;
	[dreg:$0xa] =	wrdreg s29  }
0x14: {  	s1 =	simm.s32 $0x6;
	s4 =	sadd.s32 $0x96000, s4;
	[dreg:$0x7] =	wrdreg s9  }
0x15: {  	s7 =	simm.s32 $0x4;
	s0 =	sadd.s32 $0xBD200, s0;
	[dreg:$0x6] =	wrdreg s4  }
0x16: {  	s24 =	simm.s32 $0x8800;
	[dreg:$0x8] =	wrdreg s0;
	s0 =	simm.s32 $0x280  }
.LBB2_6:
0x17: {  	[bflag:$0x0] =	sbarrier.arrive $0xFFFF  }
0x18: {  	s9 =	rddreg [dreg:$0x7]  }
0x19: {  	s4 =	rddreg [dreg:$0x8]  }
0x1a: {  	s20 =	rddreg [dreg:$0xb]  }
0x1b: {  	[hbm:s4], [sflag:s9] =	dma.local [spmem:s20], $0x13C0  }
0x1c: {  	_ =	swait.ge [sflag:s14], $0x13C0  }
0x1d: {  	s15 =	rddreg [dreg:$0x4]  }
0x1e: {  	s29 =	rddreg [dreg:$0x9];
	s15 =	sadd.s32 $0x1, s15  }
0x1f: {  	p0 =	sne.s32 s15, s29  }
.Ltmp1:
0x20: {  	_ = 	snop;
	(pc) =	sbr.rel @!p0 .LBB2_7-.Ltmp1, $3  }
0x21: {  	_ =	sdelay $0x1  }
0x22: {  	[sflag:s14] =	ssyncset.done $0x0  }
0x23: {  	[sflag:s14] =	ssyncadd.s32 $0xFFFFEC40  }
.LBB2_1:
0x24: {  	[dreg:$0x4] =	wrdreg s15  }
0x25: {  	s4 =	rddreg [dreg:$0x6]  }
0x26: {  	s26 =	rddreg [dreg:$0xa]  }
0x27: {  	[spmem:s26], [sflag:s9] =	dma.local [hbm:s4], $0x1388  }
0x28: {  	_ =	swait.ge [sflag:s14], $0x1388  }
0x29: {  	[sflag:s14] =	ssyncset.done $0x0  }
0x2a: {  	s29 =	rddreg [dreg:$0x5];
	[sflag:s14] =	ssyncadd.s32 $0xFFFFEC78  }
0x2b: {  	[spmem:s20], [sflag:s9] =	dma.local [hbm:s29], $0x13C0  }
.Ltmp2:
0x2c: {  	_ =	swait.ge [sflag:s14], $0x13C0;
	(pc) =	sbr.rel .LBB2_2-.Ltmp2, $4  }
0x2d: {  	[sflag:s14] =	ssyncset.done $0x0  }
0x2e: {  	[sflag:s14] =	ssyncadd.s32 $0xFFFFEC40  }
0x2f: {  	[bflag:$0x0] =	sbarrier.arrive $0xFFFF  }
0x30: {  	s15 =	simm.s32 $0x0  }
.LBB2_5:
0x31: {  	_ =	swait.ge [sflag:s28], $0x2000  }
0x32: {  	[sflag:s28] =	ssyncset.done $0x0  }
0x33: {  	[sflag:s28] =	ssyncadd.s32 $0xFFFFE000  }
0x34: {  	_ =	swait.ge [sflag:s1], $0x2000  }
0x35: {  	[sflag:s1] =	ssyncset.done $0x0  }
0x36: {  	s15 =	sadd.s32 $0x1, s15;
	[sflag:s1] =	ssyncadd.s32 $0xFFFFE000  }
0x37: {  	p0 =	sne.s32 s15, $0x4;
	_ =	swait.ge [sflag:s11], $0x2000  }
.Ltmp3:
0x38: {  	[sflag:s11] =	ssyncset.done $0x0;
	(pc) =	sbr.rel @!p0 .LBB2_6-.Ltmp3, $4  }
0x39: {  	[sflag:s11] =	ssyncadd.s32 $0xFFFFE000  }
0x3a: {  	_ =	swait.ge [sflag:s13], $0x2000  }
0x3b: {  	[sflag:s13] =	ssyncset.done $0x0  }
0x3c: {  	[sflag:s13] =	ssyncadd.s32 $0xFFFFE000  }
.LBB2_2:
0x3d: {  	s4 =	smul.u32 $0x1400, s15;
	_ =	sdelay $0x1  }
0x3e: {  	s4 =	sadd.s32 s10, s4  }
0x3f: {  	s4 =	sshrl.u32 s4, $0x3  }
0x40: {  	s9 =	simm.s32 $0x0;
	s20 =	sadd.s32 s5, s4  }
0x41: {  	[tilespmem:s9], [sflag:$0x9] =	stream.linear.gather [hbm4b:s20+s9], $0x1400, $0x38;
	[tilespmem:$0x1E400] =	vst v63  }
0x42: {  	_ =	swait.ge [sflag:s14], $0x1400  }
0x43: {  	[sflag:s14] =	ssyncset.done $0x0  }
0x44: {  	s4 =	sadd.s32 s6, s4;
	[sflag:s14] =	ssyncadd.s32 $0xFFFFEC00  }
0x45: {  	[tilespmem:s16], [sflag:$0x9] =	stream.linear.gather [hbm4b:s4+s9], $0x1400, $0x38;
	[tilespmem:$0x1E400] =	vst v63  }
0x46: {  	_ =	swait.ge [sflag:s14], $0x1400  }
0x47: {  	[sflag:s14] =	ssyncset.done $0x0  }
0x48: {  	[sflag:s14] =	ssyncadd.s32 $0xFFFFEC00  }
0x49: {  	[tilespmem:s18], [sflag:$0x1] =	stream.indirect.gather [spmem:s2], $0x40, s9, s17, $0xb8;
	[tilespmem:$0x1E400] =	vst v63  }
0x4a: {  	_ = 	snop  }
0x4b: {  	[tilespmem:s19], [sflag:$0x2] =	stream.indirect.gather [spmem:s2], $0x40, s17, s17, $0xb8;
	[tilespmem:$0x1E400] =	vst v63  }
0x4c: {  	s20 =	simm.s32 $0x100  }
0x4d: {  	[tilespmem:s21], [sflag:$0x3] =	stream.indirect.gather [spmem:s2], $0x40, s20, s17, $0xb8;
	[tilespmem:$0x1E400] =	vst v63  }
0x4e: {  	_ =	swait.ge [sflag:s22], $0x2000  }
0x4f: {  	[sflag:s22] =	ssyncset.done $0x0  }
0x50: {  	[sflag:s22] =	ssyncadd.s32 $0xFFFFE000  }
0x51: {  	[spmem:s3] =	stream.indirect.scatter.add.f32 [tilespmem:s18], [sflag:$0x5], $0x40, s16, s17, $0xb8;
	[tilespmem:$0x1E400] =	vst v63  }
0x52: {  	s23 =	simm.s32 $0x180  }
0x53: {  	[tilespmem:s24], [sflag:$0x4] =	stream.indirect.gather [spmem:s2], $0x40, s23, s17, $0xb8;
	[tilespmem:$0x1E400] =	vst v63  }
0x54: {  	_ =	swait.ge [sflag:s25], $0x2000  }
0x55: {  	[sflag:s25] =	ssyncset.done $0x0  }
0x56: {  	s26 =	simm.s32 $0x1480;
	[sflag:s25] =	ssyncadd.s32 $0xFFFFE000  }
0x57: {  	[spmem:s3] =	stream.indirect.scatter.add.f32 [tilespmem:s19], [sflag:$0x6], $0x40, s26, s17, $0xb8;
	[tilespmem:$0x1E400] =	vst v63  }
0x58: {  	_ =	swait.ge [sflag:s28], $0x2000  }
0x59: {  	[sflag:s28] =	ssyncset.done $0x0  }
0x5a: {  	s29 =	simm.s32 $0x200;
	[sflag:s28] =	ssyncadd.s32 $0xFFFFE000  }
0x5b: {  	[tilespmem:s18], [sflag:$0x1] =	stream.indirect.gather [spmem:s2], $0x40, s29, s17, $0xb8;
	[tilespmem:$0x1E400] =	vst v63  }
0x5c: {  	_ =	swait.ge [sflag:s30], $0x2000  }
0x5d: {  	[sflag:s30] =	ssyncset.done $0x0  }
0x5e: {  	[sflag:s30] =	ssyncadd.s32 $0xFFFFE000  }
0x5f: {  	[spmem:s3] =	stream.indirect.scatter.add.f32 [tilespmem:s21], [sflag:$0x7], $0x40, s31, s17, $0xb8;
	[tilespmem:$0x1E400] =	vst v63  }
0x60: {  	_ =	swait.ge [sflag:s1], $0x2000  }
0x61: {  	[sflag:s1] =	ssyncset.done $0x0  }
0x62: {  	[sflag:s1] =	ssyncadd.s32 $0xFFFFE000  }
0x63: {  	[tilespmem:s19], [sflag:$0x2] =	stream.indirect.gather [spmem:s2], $0x40, s0, s17, $0xb8;
	[tilespmem:$0x1E400] =	vst v63  }
0x64: {  	_ =	swait.ge [sflag:s7], $0x2000  }
0x65: {  	[sflag:s7] =	ssyncset.done $0x0  }
0x66: {  	[sflag:s7] =	ssyncadd.s32 $0xFFFFE000  }
0x67: {  	[spmem:s3] =	stream.indirect.scatter.add.f32 [tilespmem:s24], [sflag:$0x8], $0x40, s8, s17, $0xb8;
	[tilespmem:$0x1E400] =	vst v63  }
0x68: {  	_ =	swait.ge [sflag:s11], $0x2000  }
0x69: {  	[sflag:s11] =	ssyncset.done $0x0  }
0x6a: {  	[sflag:s11] =	ssyncadd.s32 $0xFFFFE000  }
0x6b: {  	[tilespmem:s21], [sflag:$0x3] =	stream.indirect.gather [spmem:s2], $0x40, s12, s17, $0xb8;
	[tilespmem:$0x1E400] =	vst v63  }
.LBB2_3:
0x6c: {  	_ =	swait.ge [sflag:s22], $0x2000  }
0x6d: {  	s4 =	sshra.s32 s9, $0x2;
	[sflag:s22] =	ssyncset.done $0x0  }
0x6e: {  	s20 =	sadd.s32 $0x1600, s4;
	[sflag:s22] =	ssyncadd.s32 $0xFFFFE000  }
0x6f: {  	[spmem:s3] =	stream.indirect.scatter.add.f32 [tilespmem:s18], [sflag:$0x5], $0x40, s20, s17, $0xb8;
	[tilespmem:$0x1E400] =	vst v63  }
0x70: {  	_ =	swait.ge [sflag:s13], $0x2000  }
0x71: {  	[sflag:s13] =	ssyncset.done $0x0  }
0x72: {  	s23 =	sadd.s32 $0x380, s4;
	[sflag:s13] =	ssyncadd.s32 $0xFFFFE000  }
0x73: {  	[tilespmem:s24], [sflag:$0x4] =	stream.indirect.gather [spmem:s2], $0x40, s23, s17, $0xb8;
	[tilespmem:$0x1E400] =	vst v63  }
0x74: {  	_ =	swait.ge [sflag:s25], $0x2000  }
0x75: {  	p0 =	seq.s32 s9, $0x4000;
	[sflag:s25] =	ssyncset.done $0x0  }
0x76: {  	s26 =	sadd.s32 $0x1680, s4;
	s20 =	simm.s32 @p0 $0x3;
	[sflag:s25] =	ssyncadd.s32 $0xFFFFE000  }
0x77: {  	[spmem:s3] =	stream.indirect.scatter.add.f32 [tilespmem:s19], [sflag:$0x6], $0x40, s26, s17, $0xb8;
	[tilespmem:$0x1E400] =	vst v63  }
0x78: {  	_ =	swait.ge @p0 [sflag:s20], $0x2000  }
0x79: {  	[sflag:s20] =	ssyncset.done @p0 $0x0  }
0x7a: {  	[sflag:s20] =	ssyncadd.s32 @p0 $0xFFFFE000;
	s20 =	sshra.s32 @p0 s9, $0x2  }
0x7b: {  	s23 =	simm.s32 @p0 $0x80;
	s26 =	simm.s32 @p0 $0x6800;
	s20 =	sadd.s32 @p0 $0x1700, s20  }
0x7c: {  	[spmem:s3] =	stream.indirect.scatter.add.f32 @p0 [tilespmem:s26], [sflag:$0x7], $0x40, s20, s23, $0xb8;
	[tilespmem:$0x1E400] =	vst v63  }
0x7d: {  	s20 =	simm.s32 @!p0 $0x5  }
0x7e: {  	_ =	swait.ge @!p0 [sflag:s20], $0x2000  }
0x7f: {  	[sflag:s20] =	ssyncset.done @!p0 $0x0  }
0x80: {  	[sflag:s20] =	ssyncadd.s32 @!p0 $0xFFFFE000;
	s20 =	sshra.s32 @!p0 s9, $0x2  }
0x81: {  	s29 =	simm.s32 @!p0 $0x2800;
	s26 =	simm.s32 @!p0 $0x80;
	s23 =	sadd.s32 @!p0 $0x400, s20  }
0x82: {  	[tilespmem:s29], [sflag:$0x1] =	stream.indirect.gather @!p0 [spmem:s2], $0x40, s23, s26, $0xb8;
	[tilespmem:$0x1E400] =	vst v63  }
0x83: {  	s23 =	simm.s32 @!p0 $0x3  }
0x84: {  	_ =	swait.ge @!p0 [sflag:s23], $0x2000  }
0x85: {  	[sflag:s23] =	ssyncset.done @!p0 $0x0  }
0x86: {  	s29 =	simm.s32 @!p0 $0x6800;
	[sflag:s23] =	ssyncadd.s32 @!p0 $0xFFFFE000;
	s23 =	sadd.s32 @!p0 $0x1700, s20  }
0x87: {  	[spmem:s3] =	stream.indirect.scatter.add.f32 @!p0 [tilespmem:s29], [sflag:$0x7], $0x40, s23, s26, $0xb8;
	[tilespmem:$0x1E400] =	vst v63  }
0x88: {  	s23 =	simm.s32 @!p0 $0x6  }
0x89: {  	_ =	swait.ge @!p0 [sflag:s23], $0x2000  }
0x8a: {  	[sflag:s23] =	ssyncset.done @!p0 $0x0  }
0x8b: {  	s20 =	sadd.s32 @!p0 $0x480, s20;
	[sflag:s23] =	ssyncadd.s32 @!p0 $0xFFFFE000;
	s23 =	simm.s32 @!p0 $0x4800  }
0x8c: {  	[tilespmem:s23], [sflag:$0x2] =	stream.indirect.gather @!p0 [spmem:s2], $0x40, s20, s26, $0xb8;
	[tilespmem:$0x1E400] =	vst v63  }
.Ltmp4:
0x8d: {  	_ = 	snop;
	(pc) =	sbr.rel @p0 .LBB2_5-.Ltmp4, $4  }
0x8e: {  	_ =	swait.ge [sflag:s7], $0x2000  }
0x8f: {  	[sflag:s7] =	ssyncset.done $0x0  }
0x90: {  	s29 =	sadd.s32 $0x1780, s4;
	[sflag:s7] =	ssyncadd.s32 $0xFFFFE000  }
0x91: {  	[spmem:s3] =	stream.indirect.scatter.add.f32 [tilespmem:s24], [sflag:$0x8], $0x40, s29, s17, $0xb8;
	[tilespmem:$0x1E400] =	vst v63  }
.Ltmp5:
0x92: {  	(pc) =	sbr.rel .LBB2_3-.Ltmp5, $4  }
0x93: {  	_ =	swait.ge [sflag:s11], $0x2000  }
0x94: {  	[sflag:s11] =	ssyncset.done $0x0  }
0x95: {  	s4 =	sadd.s32 $0x500, s4;
	s9 =	sadd.s32 $0x800, s9;
	[sflag:s11] =	ssyncadd.s32 $0xFFFFE000  }
0x96: {  	[tilespmem:s21], [sflag:$0x3] =	stream.indirect.gather [spmem:s2], $0x40, s4, s17, $0xb8;
	[tilespmem:$0x1E400] =	vst v63  }
.LBB2_7:
0x97: {  	_ =	sfence.sel $0x180000  }
0x98: {  	[bflag:$0x0] =	sbarrier.arrive $0xFFFF  }
0x99: {  	_ =	strace $0x9000004D  }
0x9a: {  	s0 =	stileid.u32;
	[bflag:$0x2] =	sbarrier.arrive $0xFFFF  }
0x9b: {  	p0 =	sne.s32 s0, $0x0;
	s0 =	rddreg [dreg:$0x3]  }
0x9c: {  	s0 =	sadd.s32 @!p0 $0x100000, s0  }
0x9d: {  	[sflag:s0] =	ssyncadd.tile.s32 @!p0 $0x1;
	_ =	shalt  }
.Lfunc_end2:
_tile_overlayer_lowered:
.L_overlay_start_2:
0x9e: {  	(tag) =	ssettag $0x2  }
0x9f: {  	s0 =	rddreg [dreg:$0x0];
	s2 =	stileid.u32  }
0xa0: {  	s1 =	rddreg [dreg:$0x1];
	p0 =	sne.s32 s2, $0x0  }
0xa1: {  	s3 =	rddreg [dreg:$0x2];
	[bflag:$0x3] =	sbarrier.arrive $0xFFFF;
	s2 =	simm.s32 @!p0 $0x1C09  }
0xa2: {  	[timem:s3], [sflag:s2] =	dma.local @!p0 [hbm:s0], s1  }
0xa3: {  	s0 =	simm.s32 @!p0 $0x9  }
0xa4: {  	_ =	swait.ge @!p0 [sflag:s0], s1  }
0xa5: {  	s1 =	ssub.s32 @!p0 $0x0, s1;
	[sflag:s0] =	ssyncset.done @!p0 $0x0  }
0xa6: {  	[sflag:s0] =	ssyncadd.s32 @!p0 s1  }
0xa7: {  	[bflag:$0x3] =	sbarrier.arrive $0xFFFF  }
0xa8: {  	_ =	shalt  }

// kernel: kernel.21.cloned.1.call-start
scs
__scs_entry_jumppad:
0x0: {  	(pc) =	sbr.rel $0x88, $3  }
0x1: {  	(tag) =	ssettag $0x0;
	lr =	simm.s32 $0x1  }
0x2: {  	[smem:$0x3F8A] =	sst lr;
	_ =	strace $0xD0000000  }
0x3: {  	_ = 	snop  }
0x4: {  	_ = 	snop  }
0x5: {  	_ = 	snop  }
0x6: {  	_ = 	snop  }
0x7: {  	_ = 	snop  }
__scs_overlays_trampoline_lowered:
0x8: {  	[smem:$0x3F99] =	sst s0  }
0x9: {  	[smem:$0x3F9A] =	sst s1  }
0xa: {  	[smem:$0x3F9B] =	sst s2  }
0xb: {  	[smem:$0x3F9C] =	sst s3  }
0xc: {  	[smem:$0x3F9D] =	sst s4  }
0xd: {  	[smem:$0x3F9E] =	sst s5  }
0xe: {  	[smem:$0x3F9F] =	sst s6  }
0xf: {  	[smem:$0x3FA0] =	sst s7  }
0x10: {  	[smem:$0x3FA1] =	sst s8  }
0x11: {  	[smem:$0x3FA2] =	sst s9;
	s0 =	simm.s32 @!p0 $0x0  }
0x12: {  	s1 =	sld [smem:$0x3F88];
	s0 =	simm.s32 @p0 $0x1  }
0x13: {  	[smem:$0x3FA3] =	sst s0;
	s0 =	simm.s32 @!p1 $0x0  }
0x14: {  	s2 =	sld [smem:$0x3F87];
	s0 =	simm.s32 @p1 $0x1  }
0x15: {  	[smem:$0x3FA4] =	sst s0;
	s0 =	simm.s32 @!p2 $0x0  }
0x16: {  	s3 =	sld [smem:$0x3FDB];
	s0 =	simm.s32 @p2 $0x1  }
0x17: {  	s4 =	simm.s32 $0x1BF5;
	[smem:$0x3FA6] =	sst s0  }
0x18: {  	s0 =	sld [smem:$0x3F89];
	_ =	swait.ge [sflag:s4], $0x0  }
0x19: {  	s7 =	sld [smem:$0x3F8A]  }
0x1a: {  	s8 =	sadd.s32 $0xFFFFE003, lr  }
0x1b: {  	s9 =	sadd.s32 $0xFFFFFEF7, lr;
	s5 =	simm.s32 $0xFFFFFFFF;
	p2 =	slt.u32 s8, $0xFFFFF086  }
0x1c: {  	p1 =	slt.u32 s9, $0xF7A;
	s5 =	simm.s32 @!p2 $0x0  }
0x1d: {  	s5 =	simm.s32 @p1 $0x1;
	p0 =	seq.s32 s7, s2  }
0x1e: {  	s7 =	smul.u32 @!p0 $0xF7A, s2;
	p2 =	seq.s32 @!p0 s5, $0x0  }
0x1f: {  	s9 =	smul.u32 $0xF7A, s1;
	s8 =	simm.s32 @!p0 $0x1BF5;
	p2 =	por !p2, p0  }
0x20: {  	[sflag:s8] =	ssyncset.s32 @!p0 $0xFFFFF086;
	s6 =	sadd.s32 @!p0 s3, s7;
	s7 =	simm.s32 @!p0 $0x108  }
0x21: {  	s3 =	sadd.s32 s3, s9;
	s6 =	sadd.s32 @!p0 $0x88, s6;
	s7 =	simm.s32 @p2 $0x1082  }
0x22: {  	[simem:s7], [sflag:s8] =	dma.local @!p0 [hbm:s6], $0xF7A  }
0x23: {  	s9 =	sor.u32 $0xD0000000, s2;
	s6 =	simm.s32 $0x108;
	_ =	swait.ge @!p0 [sflag:s8], $0x0  }
0x24: {  	s3 =	sadd.s32 $0x88, s3;
	s6 =	simm.s32 @!p1 $0x1082;
	[sflag:s4] =	ssyncset.s32 $0xFFFFF086  }
0x25: {  	[simem:s6], [sflag:s4] =	dma.local [hbm:s3], $0xF7A  }
0x26: {  	[smem:$0x3F8A] =	sst s1;
	(tag) =	ssettag s2;
	_ =	strace s9  }
0x27: {  	s1 =	sld [smem:$0x3F9A]  }
0x28: {  	s2 =	sld [smem:$0x3F9B]  }
0x29: {  	s4 =	sld [smem:$0x3F9D]  }
0x2a: {  	p0 =	seq.s32 s5, $0x0;
	s5 =	sld [smem:$0x3F9E]  }
0x2b: {  	s6 =	sld [smem:$0x3F9F]  }
0x2c: {  	s7 =	sld [smem:$0x3FA0]  }
0x2d: {  	s3 =	simm.s32 $0x108;
	s8 =	sld [smem:$0x3FA1]  }
0x2e: {  	s3 =	simm.s32 @!p0 $0x1082;
	s9 =	sld [smem:$0x3FA2]  }
0x2f: {  	lr =	sadd.s32 s0, s3;
	s0 =	sld [smem:$0x3F99]  }
0x30: {  	s3 =	sld [smem:$0x3F9C]  }
0x31: {  	[smem:$0x3FA5] =	sst s10  }
0x32: {  	s10 =	sld [smem:$0x3FA3];
	_ =	sdelay $0x3  }
0x33: {  	p0 =	seq.s32 s10, $0x1;
	s10 =	sld [smem:$0x3FA5];
	_ =	sdelay $0x3  }
0x34: {  	[smem:$0x3FA5] =	sst s10  }
0x35: {  	s10 =	sld [smem:$0x3FA4];
	_ =	sdelay $0x3  }
0x36: {  	p1 =	seq.s32 s10, $0x1;
	s10 =	sld [smem:$0x3FA5];
	_ =	sdelay $0x3  }
0x37: {  	[smem:$0x3FA5] =	sst s10  }
0x38: {  	s10 =	sld [smem:$0x3FA6]  }
0x39: {  	_ = 	snop;
	(pc) =	sbr.ind lr, $3  }
0x3a: {  	_ = 	snop  }
0x3b: {  	_ = 	snop  }
0x3c: {  	p2 =	seq.s32 s10, $0x1;
	s10 =	sld [smem:$0x3FA5]  }
0x3d: {  	_ =	shalt  }
0x3e: {  	_ =	shalt  }
0x3f: {  	_ =	shalt  }
0x40: {  	_ =	shalt  }
0x41: {  	_ =	shalt  }
0x42: {  	_ =	shalt  }
0x43: {  	_ =	shalt  }
0x44: {  	_ =	shalt  }
0x45: {  	_ =	shalt  }
0x46: {  	_ =	shalt  }
0x47: {  	_ =	shalt  }
0x48: {  	_ =	shalt  }
0x49: {  	_ =	shalt  }
0x4a: {  	_ =	shalt  }
0x4b: {  	_ =	shalt  }
0x4c: {  	_ =	shalt  }
0x4d: {  	_ =	shalt  }
0x4e: {  	_ =	shalt  }
0x4f: {  	_ =	shalt  }
0x50: {  	_ =	shalt  }
0x51: {  	_ =	shalt  }
0x52: {  	_ =	shalt  }
0x53: {  	_ =	shalt  }
0x54: {  	_ =	shalt  }
0x55: {  	_ =	shalt  }
0x56: {  	_ =	shalt  }
0x57: {  	_ =	shalt  }
0x58: {  	_ =	shalt  }
0x59: {  	_ =	shalt  }
0x5a: {  	_ =	shalt  }
0x5b: {  	_ =	shalt  }
0x5c: {  	_ =	shalt  }
0x5d: {  	_ =	shalt  }
0x5e: {  	_ =	shalt  }
0x5f: {  	_ =	shalt  }
0x60: {  	_ =	shalt  }
0x61: {  	_ =	shalt  }
0x62: {  	_ =	shalt  }
0x63: {  	_ =	shalt  }
0x64: {  	_ =	shalt  }
0x65: {  	_ =	shalt  }
0x66: {  	_ =	shalt  }
0x67: {  	_ =	shalt  }
0x68: {  	_ =	shalt  }
0x69: {  	_ =	shalt  }
0x6a: {  	_ =	shalt  }
0x6b: {  	_ =	shalt  }
0x6c: {  	_ =	shalt  }
0x6d: {  	_ =	shalt  }
0x6e: {  	_ =	shalt  }
0x6f: {  	_ =	shalt  }
0x70: {  	_ =	shalt  }
0x71: {  	_ =	shalt  }
0x72: {  	_ =	shalt  }
0x73: {  	_ =	shalt  }
0x74: {  	_ =	shalt  }
0x75: {  	_ =	shalt  }
0x76: {  	_ =	shalt  }
0x77: {  	_ =	shalt  }
0x78: {  	_ =	shalt  }
0x79: {  	_ =	shalt  }
0x7a: {  	_ =	shalt  }
0x7b: {  	_ =	shalt  }
0x7c: {  	_ =	shalt  }
0x7d: {  	_ =	shalt  }
0x7e: {  	_ =	shalt  }
0x7f: {  	_ =	shalt  }
0x80: {  	_ =	shalt  }
0x81: {  	_ =	shalt  }
0x82: {  	_ =	shalt  }
0x83: {  	_ =	shalt  }
0x84: {  	_ =	shalt  }
0x85: {  	_ =	shalt  }
0x86: {  	_ =	shalt  }
0x87: {  	_ =	shalt  }
.Lfunc_end0:
.L_simem_size_0:
called_computation.3_lowered:
.L_overlay_start_0:
0x88: {  	s2 =	sld [smem:$0x3FD9]  }
0x89: {  	s3 =	sld [smem:$0x3FFE];
	_ =	sdelay $0x1  }
0x8a: {  	s1 =	srdreg.scid  }
0x8b: {  	s0 =	sand.u32 $0x1, s1  }
0x8c: {  	s16 =	sshll.u32 s0, $0xA;
	s2 =	sadd.s32 s3, s2  }
0x8d: {  	s2 =	sadd.s32 s2, s16  }
0x8e: {  	[smem:$0x3FB1] =	sst s2  }
0x8f: {  	_ = 	snop  }
0x90: {  	(tm) =	ssettm $0x1  }
0x91: {  	s17 =	sld [smem:$0x3FFB];
	_ =	sdelay $0x3  }
0x92: {  	_ =	strace s17  }
0x93: {  	s2 =	sld [smem:$0x3FFC];
	_ =	sdelay $0x3  }
0x94: {  	_ =	strace s2  }
0x95: {  	s2 =	sld [smem:$0x3FFD];
	_ =	sdelay $0x3  }
0x96: {  	_ =	strace s2  }
0x97: {  	_ =	strace $0x8FFFFFFF  }
0x98: {  	s18 =	sld [smem:$0x3FDB];
	_ =	sdelay $0x1  }
0x99: {  	s19 =	simm.s32 $_scs_section_size  }
0x9a: {  	s4 =	simm.s32 $_size__tile_overlayer_lowered;
	s5 =	simm.s32 $_tile_overlayer_lowered  }
0x9b: {  	s22 =	simm.s32 $0x1BFF;
	s21 =	sshll.u32 s5, $0x1;
	s2 =	sadd.s32 s19, s18  }
0x9c: {  	s6 =	simm.s32 $0x0;
	s20 =	sshll.u32 s4, $0x1;
	s4 =	sadd.s32 s21, s2  }
0x9d: {  	[timem:s6], [sflag:s22] =	dma.local [hbm:s4], s20  }
0x9e: {  	_ =	swait.ge [sflag:s22], s20  }
0x9f: {  	s3 =	ssub.s32 $0x0, s20;
	[sflag:s22] =	ssyncset.done $0x0  }
0xa0: {  	[sflag:s22] =	ssyncadd.s32 s3;
	_ =	sdelay $0x1  }
0xa1: {  	s23 =	simm.s32 $0x1B8B  }
0xa2: {  	_ =	swait.ge [sflag:s23], $0x1  }
0xa3: {  	[sflag:s23] =	ssyncset.done $0x0  }
0xa4: {  	s25 =	simm.s32 $0x1B8E;
	s24 =	sld [smem:$0x3FFE];
	[sflag:s23] =	ssyncadd.s32 $0xFFFFFFFF  }
0xa5: {  	s26 =	simm.s32 $execute0_lowered;
	[smem:$0x3FD2] =	sst s25  }
0xa6: {  	s4 =	sshll.u32 s26, $0x1;
	_ =	strace $0x8000004F;
	[dreg:$0x1] =	wrdreg $0xFFFFFFFF  }
0xa7: {  	s28 =	simm.s32 $_size_execute0_lowered;
	s2 =	sadd.s32 s2, s4;
	[dreg:$0x0] =	wrdreg $0x0  }
0xa8: {  	s4 =	sshll.u32 s28, $0x1;
	[dreg:$0x2] =	wrdreg s2  }
0xa9: {  	[dreg:$0x3] =	wrdreg s4  }
0xaa: {  	[dreg:$0x4] =	wrdreg $0xC0  }
0xab: {  	_ =	task [dreg:s6], $0x5FFFF  }
0xac: {  	[dreg:$0x1] =	wrdreg $0xFFFFFFFF  }
0xad: {  	[dreg:$0x0] =	wrdreg $0x60  }
0xae: {  	[dreg:$0x2] =	wrdreg s24  }
0xaf: {  	[dreg:$0x3] =	wrdreg $0x146000  }
0xb0: {  	[dreg:$0x4] =	wrdreg $0xA8000  }
0xb1: {  	[dreg:$0x5] =	wrdreg $0x9  }
0xb2: {  	_ =	task.clear_ibuf [dreg:s6], $0x6FFFF;
	_ =	strace $0x9000004F  }
0xb3: {  	s29 =	simm.s32 $0x9;
	_ =	strace $0x80000051  }
0xb4: {  	_ =	swait.ge [sflag:s29], $0x1  }
0xb5: {  	[sflag:s29] =	ssyncadd.s32 $0xFFFFFFFF  }
0xb6: {  	_ =	strace $0x90000051  }
0xb7: {  	_ =	sfence  }
0xb8: {  	s30 =	sld [smem:$0x0];
	_ =	sdelay $0x2  }
0xb9: {  	s31 =	sshll.u32 s1, $0xD;
	s1 =	sshrl.u32 s1, $0x2  }
0xba: {  	s3 =	sand.u32 $0x4000, s31;
	s1 =	sadd.s32 s1, s30  }
0xbb: {  	s0 =	sor.u32 s3, s0;
	s1 =	sshll.u32 s1, $0x11  }
0xbc: {  	s0 =	sor.u32 s1, s0  }
0xbd: {  	s0 =	sadd.s32 $0x8F2B, s0  }
0xbe: {  	[sflag:s0] =	ssyncadd.remote.s32 $0x1  }
0xbf: {  	_ =	sfence.sel $0xFFFF  }
0xc0: {  	[dreg:$0x0] =	wrdreg $0xFFFFFFFF;
	(pc) =	sbr.abs _section_cstart, $3  }
0xc1: {  	[dreg:$0x1] =	wrdreg $0xFFFFFFFF  }
0xc2: {  	_ =	task.clear_ibuf [dreg:s6], $0x2FFFF;
	_ =	strace $0x9FFFFFFF  }
0xc3: {  	(tm) =	ssettm $0x7FFFFFFF  }
tec
execute0_lowered:
.L_overlay_start_1:
0x0: {  	(tag) =	ssettag $0x1  }
0x1: {  	s0 =	rddreg [dreg:$0x0]  }
0x2: {  	s1 =	srdreg.scid;
	s2 =	rddreg [dreg:$0x1]  }
0x3: {  	s11 =	stileid.u32;
	s3 =	rddreg [dreg:$0x2]  }
0x4: {  	s15 =	simm.s32 $0x0;
	s14 =	simm.s32 $0x9;
	s16 =	simm.s32 $0x1400  }
0x5: {  	s17 =	simm.s32 $0x80;
	s18 =	simm.s32 $0x2800;
	s19 =	simm.s32 $0x4800  }
0x6: {  	s21 =	simm.s32 $0x6800;
	s22 =	simm.s32 $0x1;
	s28 =	simm.s32 $0x5  }
0x7: {  	s30 =	simm.s32 $0x3;
	s31 =	simm.s32 $0x1500;
	s7 =	smul.u32 $0x9C40, s11  }
0x8: {  	s13 =	simm.s32 $0x8;
	s1 =	sand.u32 $0x1, s1;
	s8 =	smul.u32 $0x9E00, s11  }
0x9: {  	[smem:$0x7FF] =	sst s15;
	s5 =	sadd.s32 $0x3DE00, s0;
	s4 =	smul.u32 $0x9C400, s1  }
0xa: {  	s12 =	sadd.s32 $0x33200, s0;
	s24 =	sshll.u32 s11, $0x6;
	s6 =	smul.u32 $0x9E000, s1  }
0xb: {  	_ =	strace $0x80000050;
	s1 =	ssub.s32 $0x2, s1;
	[dreg:$0x5] =	wrdreg s12  }
0xc: {  	s12 =	simm.s32 $0x300;
	s10 =	sshrl.u32 s1, $0x1;
	s25 =	sadd.s32 s8, s3  }
0xd: {  	s4 =	sadd.s32 s7, s4;
	s9 =	sadd.s32 s8, s6;
	s6 =	sadd.s32 $0x2000, s0  }
0xe: {  	s1 =	ssub.s32 s1, s10;
	s7 =	sadd.s32 s7, s2;
	s10 =	smul.u32 $0x5000, s11  }
0xf: {  	s20 =	sshrl.u32 s25, $0x3;
	s25 =	simm.s32 $0x2;
	s8 =	simm.s32 $0x1580  }
0x10: {  	s11 =	simm.s32 $0x7;
	s4 =	sshrl.u32 s4, $0x3;
	s9 =	sshrl.u32 s9, $0x3  }
0x11: {  	s26 =	smax.u32 s1, $0x1;
	s29 =	sshrl.u32 s7, $0x3;
	[dreg:$0xb] =	wrdreg s20  }
.Ltmp0:
0x12: {  	s4 =	sadd.s32 s4, s0;
	[dreg:$0x9] =	wrdreg s26;
	(pc) =	sbr.rel .LBB2_1-.Ltmp0, $4  }
0x13: {  	s0 =	sadd.s32 s9, s0;
	s9 =	sor.u32 $0x1C09, s24;
	[dreg:$0xa] =	wrdreg s29  }
0x14: {  	s1 =	simm.s32 $0x6;
	s4 =	sadd.s32 $0xC000, s4;
	[dreg:$0x7] =	wrdreg s9  }
0x15: {  	s7 =	simm.s32 $0x4;
	s0 =	sadd.s32 $0xBD200, s0;
	[dreg:$0x6] =	wrdreg s4  }
0x16: {  	s24 =	simm.s32 $0x8800;
	[dreg:$0x8] =	wrdreg s0;
	s0 =	simm.s32 $0x280  }
.LBB2_6:
0x17: {  	[bflag:$0x0] =	sbarrier.arrive $0xFFFF  }
0x18: {  	s9 =	rddreg [dreg:$0x7]  }
0x19: {  	s4 =	rddreg [dreg:$0x8]  }
0x1a: {  	s20 =	rddreg [dreg:$0xb]  }
0x1b: {  	[hbm:s4], [sflag:s9] =	dma.local [spmem:s20], $0x13C0  }
0x1c: {  	_ =	swait.ge [sflag:s14], $0x13C0  }
0x1d: {  	s15 =	rddreg [dreg:$0x4]  }
0x1e: {  	s29 =	rddreg [dreg:$0x9];
	s15 =	sadd.s32 $0x1, s15  }
0x1f: {  	p0 =	sne.s32 s15, s29  }
.Ltmp1:
0x20: {  	_ = 	snop;
	(pc) =	sbr.rel @!p0 .LBB2_7-.Ltmp1, $3  }
0x21: {  	_ =	sdelay $0x1  }
0x22: {  	[sflag:s14] =	ssyncset.done $0x0  }
0x23: {  	[sflag:s14] =	ssyncadd.s32 $0xFFFFEC40  }
.LBB2_1:
0x24: {  	[dreg:$0x4] =	wrdreg s15  }
0x25: {  	s4 =	rddreg [dreg:$0x6]  }
0x26: {  	s26 =	rddreg [dreg:$0xa]  }
0x27: {  	[spmem:s26], [sflag:s9] =	dma.local [hbm:s4], $0x1388  }
0x28: {  	_ =	swait.ge [sflag:s14], $0x1388  }
0x29: {  	[sflag:s14] =	ssyncset.done $0x0  }
0x2a: {  	s29 =	rddreg [dreg:$0x5];
	[sflag:s14] =	ssyncadd.s32 $0xFFFFEC78  }
0x2b: {  	[spmem:s20], [sflag:s9] =	dma.local [hbm:s29], $0x13C0  }
.Ltmp2:
0x2c: {  	_ =	swait.ge [sflag:s14], $0x13C0;
	(pc) =	sbr.rel .LBB2_2-.Ltmp2, $4  }
0x2d: {  	[sflag:s14] =	ssyncset.done $0x0  }
0x2e: {  	[sflag:s14] =	ssyncadd.s32 $0xFFFFEC40  }
0x2f: {  	[bflag:$0x0] =	sbarrier.arrive $0xFFFF  }
0x30: {  	s15 =	simm.s32 $0x0  }
.LBB2_5:
0x31: {  	_ =	swait.ge [sflag:s28], $0x2000  }
0x32: {  	[sflag:s28] =	ssyncset.done $0x0  }
0x33: {  	[sflag:s28] =	ssyncadd.s32 $0xFFFFE000  }
0x34: {  	_ =	swait.ge [sflag:s1], $0x2000  }
0x35: {  	[sflag:s1] =	ssyncset.done $0x0  }
0x36: {  	s15 =	sadd.s32 $0x1, s15;
	[sflag:s1] =	ssyncadd.s32 $0xFFFFE000  }
0x37: {  	p0 =	sne.s32 s15, $0x4;
	_ =	swait.ge [sflag:s11], $0x2000  }
.Ltmp3:
0x38: {  	[sflag:s11] =	ssyncset.done $0x0;
	(pc) =	sbr.rel @!p0 .LBB2_6-.Ltmp3, $4  }
0x39: {  	[sflag:s11] =	ssyncadd.s32 $0xFFFFE000  }
0x3a: {  	_ =	swait.ge [sflag:s13], $0x2000  }
0x3b: {  	[sflag:s13] =	ssyncset.done $0x0  }
0x3c: {  	[sflag:s13] =	ssyncadd.s32 $0xFFFFE000  }
.LBB2_2:
0x3d: {  	s4 =	smul.u32 $0x1400, s15;
	_ =	sdelay $0x1  }
0x3e: {  	s4 =	sadd.s32 s10, s4  }
0x3f: {  	s4 =	sshrl.u32 s4, $0x3  }
0x40: {  	s9 =	simm.s32 $0x0;
	s20 =	sadd.s32 s5, s4  }
0x41: {  	[tilespmem:s9], [sflag:$0x9] =	stream.linear.gather [hbm4b:s20+s9], $0x1400, $0x38;
	[tilespmem:$0x1E400] =	vst v63  }
0x42: {  	_ =	swait.ge [sflag:s14], $0x1400  }
0x43: {  	[sflag:s14] =	ssyncset.done $0x0  }
0x44: {  	s4 =	sadd.s32 s6, s4;
	[sflag:s14] =	ssyncadd.s32 $0xFFFFEC00  }
0x45: {  	[tilespmem:s16], [sflag:$0x9] =	stream.linear.gather [hbm4b:s4+s9], $0x1400, $0x38;
	[tilespmem:$0x1E400] =	vst v63  }
0x46: {  	_ =	swait.ge [sflag:s14], $0x1400  }
0x47: {  	[sflag:s14] =	ssyncset.done $0x0  }
0x48: {  	[sflag:s14] =	ssyncadd.s32 $0xFFFFEC00  }
0x49: {  	[tilespmem:s18], [sflag:$0x1] =	stream.indirect.gather [spmem:s2], $0x40, s9, s17, $0xb8;
	[tilespmem:$0x1E400] =	vst v63  }
0x4a: {  	_ = 	snop  }
0x4b: {  	[tilespmem:s19], [sflag:$0x2] =	stream.indirect.gather [spmem:s2], $0x40, s17, s17, $0xb8;
	[tilespmem:$0x1E400] =	vst v63  }
0x4c: {  	s20 =	simm.s32 $0x100  }
0x4d: {  	[tilespmem:s21], [sflag:$0x3] =	stream.indirect.gather [spmem:s2], $0x40, s20, s17, $0xb8;
	[tilespmem:$0x1E400] =	vst v63  }
0x4e: {  	_ =	swait.ge [sflag:s22], $0x2000  }
0x4f: {  	[sflag:s22] =	ssyncset.done $0x0  }
0x50: {  	[sflag:s22] =	ssyncadd.s32 $0xFFFFE000  }
0x51: {  	[spmem:s3] =	stream.indirect.scatter.add.f32 [tilespmem:s18], [sflag:$0x5], $0x40, s16, s17, $0xb8;
	[tilespmem:$0x1E400] =	vst v63  }
0x52: {  	s23 =	simm.s32 $0x180  }
0x53: {  	[tilespmem:s24], [sflag:$0x4] =	stream.indirect.gather [spmem:s2], $0x40, s23, s17, $0xb8;
	[tilespmem:$0x1E400] =	vst v63  }
0x54: {  	_ =	swait.ge [sflag:s25], $0x2000  }
0x55: {  	[sflag:s25] =	ssyncset.done $0x0  }
0x56: {  	s26 =	simm.s32 $0x1480;
	[sflag:s25] =	ssyncadd.s32 $0xFFFFE000  }
0x57: {  	[spmem:s3] =	stream.indirect.scatter.add.f32 [tilespmem:s19], [sflag:$0x6], $0x40, s26, s17, $0xb8;
	[tilespmem:$0x1E400] =	vst v63  }
0x58: {  	_ =	swait.ge [sflag:s28], $0x2000  }
0x59: {  	[sflag:s28] =	ssyncset.done $0x0  }
0x5a: {  	s29 =	simm.s32 $0x200;
	[sflag:s28] =	ssyncadd.s32 $0xFFFFE000  }
0x5b: {  	[tilespmem:s18], [sflag:$0x1] =	stream.indirect.gather [spmem:s2], $0x40, s29, s17, $0xb8;
	[tilespmem:$0x1E400] =	vst v63  }
0x5c: {  	_ =	swait.ge [sflag:s30], $0x2000  }
0x5d: {  	[sflag:s30] =	ssyncset.done $0x0  }
0x5e: {  	[sflag:s30] =	ssyncadd.s32 $0xFFFFE000  }
0x5f: {  	[spmem:s3] =	stream.indirect.scatter.add.f32 [tilespmem:s21], [sflag:$0x7], $0x40, s31, s17, $0xb8;
	[tilespmem:$0x1E400] =	vst v63  }
0x60: {  	_ =	swait.ge [sflag:s1], $0x2000  }
0x61: {  	[sflag:s1] =	ssyncset.done $0x0  }
0x62: {  	[sflag:s1] =	ssyncadd.s32 $0xFFFFE000  }
0x63: {  	[tilespmem:s19], [sflag:$0x2] =	stream.indirect.gather [spmem:s2], $0x40, s0, s17, $0xb8;
	[tilespmem:$0x1E400] =	vst v63  }
0x64: {  	_ =	swait.ge [sflag:s7], $0x2000  }
0x65: {  	[sflag:s7] =	ssyncset.done $0x0  }
0x66: {  	[sflag:s7] =	ssyncadd.s32 $0xFFFFE000  }
0x67: {  	[spmem:s3] =	stream.indirect.scatter.add.f32 [tilespmem:s24], [sflag:$0x8], $0x40, s8, s17, $0xb8;
	[tilespmem:$0x1E400] =	vst v63  }
0x68: {  	_ =	swait.ge [sflag:s11], $0x2000  }
0x69: {  	[sflag:s11] =	ssyncset.done $0x0  }
0x6a: {  	[sflag:s11] =	ssyncadd.s32 $0xFFFFE000  }
0x6b: {  	[tilespmem:s21], [sflag:$0x3] =	stream.indirect.gather [spmem:s2], $0x40, s12, s17, $0xb8;
	[tilespmem:$0x1E400] =	vst v63  }
.LBB2_3:
0x6c: {  	_ =	swait.ge [sflag:s22], $0x2000  }
0x6d: {  	s4 =	sshra.s32 s9, $0x2;
	[sflag:s22] =	ssyncset.done $0x0  }
0x6e: {  	s20 =	sadd.s32 $0x1600, s4;
	[sflag:s22] =	ssyncadd.s32 $0xFFFFE000  }
0x6f: {  	[spmem:s3] =	stream.indirect.scatter.add.f32 [tilespmem:s18], [sflag:$0x5], $0x40, s20, s17, $0xb8;
	[tilespmem:$0x1E400] =	vst v63  }
0x70: {  	_ =	swait.ge [sflag:s13], $0x2000  }
0x71: {  	[sflag:s13] =	ssyncset.done $0x0  }
0x72: {  	s23 =	sadd.s32 $0x380, s4;
	[sflag:s13] =	ssyncadd.s32 $0xFFFFE000  }
0x73: {  	[tilespmem:s24], [sflag:$0x4] =	stream.indirect.gather [spmem:s2], $0x40, s23, s17, $0xb8;
	[tilespmem:$0x1E400] =	vst v63  }
0x74: {  	_ =	swait.ge [sflag:s25], $0x2000  }
0x75: {  	p0 =	seq.s32 s9, $0x4000;
	[sflag:s25] =	ssyncset.done $0x0  }
0x76: {  	s26 =	sadd.s32 $0x1680, s4;
	s20 =	simm.s32 @p0 $0x3;
	[sflag:s25] =	ssyncadd.s32 $0xFFFFE000  }
0x77: {  	[spmem:s3] =	stream.indirect.scatter.add.f32 [tilespmem:s19], [sflag:$0x6], $0x40, s26, s17, $0xb8;
	[tilespmem:$0x1E400] =	vst v63  }
0x78: {  	_ =	swait.ge @p0 [sflag:s20], $0x2000  }
0x79: {  	[sflag:s20] =	ssyncset.done @p0 $0x0  }
0x7a: {  	[sflag:s20] =	ssyncadd.s32 @p0 $0xFFFFE000;
	s20 =	sshra.s32 @p0 s9, $0x2  }
0x7b: {  	s23 =	simm.s32 @p0 $0x80;
	s26 =	simm.s32 @p0 $0x6800;
	s20 =	sadd.s32 @p0 $0x1700, s20  }
0x7c: {  	[spmem:s3] =	stream.indirect.scatter.add.f32 @p0 [tilespmem:s26], [sflag:$0x7], $0x40, s20, s23, $0xb8;
	[tilespmem:$0x1E400] =	vst v63  }
0x7d: {  	s20 =	simm.s32 @!p0 $0x5  }
0x7e: {  	_ =	swait.ge @!p0 [sflag:s20], $0x2000  }
0x7f: {  	[sflag:s20] =	ssyncset.done @!p0 $0x0  }
0x80: {  	[sflag:s20] =	ssyncadd.s32 @!p0 $0xFFFFE000;
	s20 =	sshra.s32 @!p0 s9, $0x2  }
0x81: {  	s29 =	simm.s32 @!p0 $0x2800;
	s26 =	simm.s32 @!p0 $0x80;
	s23 =	sadd.s32 @!p0 $0x400, s20  }
0x82: {  	[tilespmem:s29], [sflag:$0x1] =	stream.indirect.gather @!p0 [spmem:s2], $0x40, s23, s26, $0xb8;
	[tilespmem:$0x1E400] =	vst v63  }
0x83: {  	s23 =	simm.s32 @!p0 $0x3  }
0x84: {  	_ =	swait.ge @!p0 [sflag:s23], $0x2000  }
0x85: {  	[sflag:s23] =	ssyncset.done @!p0 $0x0  }
0x86: {  	s29 =	simm.s32 @!p0 $0x6800;
	[sflag:s23] =	ssyncadd.s32 @!p0 $0xFFFFE000;
	s23 =	sadd.s32 @!p0 $0x1700, s20  }
0x87: {  	[spmem:s3] =	stream.indirect.scatter.add.f32 @!p0 [tilespmem:s29], [sflag:$0x7], $0x40, s23, s26, $0xb8;
	[tilespmem:$0x1E400] =	vst v63  }
0x88: {  	s23 =	simm.s32 @!p0 $0x6  }
0x89: {  	_ =	swait.ge @!p0 [sflag:s23], $0x2000  }
0x8a: {  	[sflag:s23] =	ssyncset.done @!p0 $0x0  }
0x8b: {  	s20 =	sadd.s32 @!p0 $0x480, s20;
	[sflag:s23] =	ssyncadd.s32 @!p0 $0xFFFFE000;
	s23 =	simm.s32 @!p0 $0x4800  }
0x8c: {  	[tilespmem:s23], [sflag:$0x2] =	stream.indirect.gather @!p0 [spmem:s2], $0x40, s20, s26, $0xb8;
	[tilespmem:$0x1E400] =	vst v63  }
.Ltmp4:
0x8d: {  	_ = 	snop;
	(pc) =	sbr.rel @p0 .LBB2_5-.Ltmp4, $4  }
0x8e: {  	_ =	swait.ge [sflag:s7], $0x2000  }
0x8f: {  	[sflag:s7] =	ssyncset.done $0x0  }
0x90: {  	s29 =	sadd.s32 $0x1780, s4;
	[sflag:s7] =	ssyncadd.s32 $0xFFFFE000  }
0x91: {  	[spmem:s3] =	stream.indirect.scatter.add.f32 [tilespmem:s24], [sflag:$0x8], $0x40, s29, s17, $0xb8;
	[tilespmem:$0x1E400] =	vst v63  }
.Ltmp5:
0x92: {  	(pc) =	sbr.rel .LBB2_3-.Ltmp5, $4  }
0x93: {  	_ =	swait.ge [sflag:s11], $0x2000  }
0x94: {  	[sflag:s11] =	ssyncset.done $0x0  }
0x95: {  	s4 =	sadd.s32 $0x500, s4;
	s9 =	sadd.s32 $0x800, s9;
	[sflag:s11] =	ssyncadd.s32 $0xFFFFE000  }
0x96: {  	[tilespmem:s21], [sflag:$0x3] =	stream.indirect.gather [spmem:s2], $0x40, s4, s17, $0xb8;
	[tilespmem:$0x1E400] =	vst v63  }
.LBB2_7:
0x97: {  	_ =	sfence.sel $0x180000  }
0x98: {  	[bflag:$0x0] =	sbarrier.arrive $0xFFFF  }
0x99: {  	_ =	strace $0x90000050  }
0x9a: {  	s0 =	stileid.u32;
	[bflag:$0x2] =	sbarrier.arrive $0xFFFF  }
0x9b: {  	p0 =	sne.s32 s0, $0x0;
	s0 =	rddreg [dreg:$0x3]  }
0x9c: {  	s0 =	sadd.s32 @!p0 $0x100000, s0  }
0x9d: {  	[sflag:s0] =	ssyncadd.tile.s32 @!p0 $0x1;
	_ =	shalt  }
.Lfunc_end2:
_tile_overlayer_lowered:
.L_overlay_start_2:
0x9e: {  	(tag) =	ssettag $0x2  }
0x9f: {  	s0 =	rddreg [dreg:$0x0];
	s2 =	stileid.u32  }
0xa0: {  	s1 =	rddreg [dreg:$0x1];
	p0 =	sne.s32 s2, $0x0  }
0xa1: {  	s3 =	rddreg [dreg:$0x2];
	[bflag:$0x3] =	sbarrier.arrive $0xFFFF;
	s2 =	simm.s32 @!p0 $0x1C09  }
0xa2: {  	[timem:s3], [sflag:s2] =	dma.local @!p0 [hbm:s0], s1  }
0xa3: {  	s0 =	simm.s32 @!p0 $0x9  }
0xa4: {  	_ =	swait.ge @!p0 [sflag:s0], s1  }
0xa5: {  	s1 =	ssub.s32 @!p0 $0x0, s1;
	[sflag:s0] =	ssyncset.done @!p0 $0x0  }
0xa6: {  	[sflag:s0] =	ssyncadd.s32 @!p0 s1  }
0xa7: {  	[bflag:$0x3] =	sbarrier.arrive $0xFFFF  }
0xa8: {  	_ =	shalt  }

// kernel: kernel.24.cloned.1.call-start
scs
__scs_entry_jumppad:
0x0: {  	(pc) =	sbr.rel $0x88, $3  }
0x1: {  	(tag) =	ssettag $0x0;
	lr =	simm.s32 $0x1  }
0x2: {  	[smem:$0x3F8A] =	sst lr;
	_ =	strace $0xD0000000  }
0x3: {  	_ = 	snop  }
0x4: {  	_ = 	snop  }
0x5: {  	_ = 	snop  }
0x6: {  	_ = 	snop  }
0x7: {  	_ = 	snop  }
__scs_overlays_trampoline_lowered:
0x8: {  	[smem:$0x3F99] =	sst s0  }
0x9: {  	[smem:$0x3F9A] =	sst s1  }
0xa: {  	[smem:$0x3F9B] =	sst s2  }
0xb: {  	[smem:$0x3F9C] =	sst s3  }
0xc: {  	[smem:$0x3F9D] =	sst s4  }
0xd: {  	[smem:$0x3F9E] =	sst s5  }
0xe: {  	[smem:$0x3F9F] =	sst s6  }
0xf: {  	[smem:$0x3FA0] =	sst s7  }
0x10: {  	[smem:$0x3FA1] =	sst s8  }
0x11: {  	[smem:$0x3FA2] =	sst s9;
	s0 =	simm.s32 @!p0 $0x0  }
0x12: {  	s1 =	sld [smem:$0x3F88];
	s0 =	simm.s32 @p0 $0x1  }
0x13: {  	[smem:$0x3FA3] =	sst s0;
	s0 =	simm.s32 @!p1 $0x0  }
0x14: {  	s2 =	sld [smem:$0x3F87];
	s0 =	simm.s32 @p1 $0x1  }
0x15: {  	[smem:$0x3FA4] =	sst s0;
	s0 =	simm.s32 @!p2 $0x0  }
0x16: {  	s3 =	sld [smem:$0x3FDB];
	s0 =	simm.s32 @p2 $0x1  }
0x17: {  	s4 =	simm.s32 $0x1BF5;
	[smem:$0x3FA6] =	sst s0  }
0x18: {  	s0 =	sld [smem:$0x3F89];
	_ =	swait.ge [sflag:s4], $0x0  }
0x19: {  	s7 =	sld [smem:$0x3F8A]  }
0x1a: {  	s8 =	sadd.s32 $0xFFFFE003, lr  }
0x1b: {  	s9 =	sadd.s32 $0xFFFFFEF7, lr;
	s5 =	simm.s32 $0xFFFFFFFF;
	p2 =	slt.u32 s8, $0xFFFFF086  }
0x1c: {  	p1 =	slt.u32 s9, $0xF7A;
	s5 =	simm.s32 @!p2 $0x0  }
0x1d: {  	s5 =	simm.s32 @p1 $0x1;
	p0 =	seq.s32 s7, s2  }
0x1e: {  	s7 =	smul.u32 @!p0 $0xF7A, s2;
	p2 =	seq.s32 @!p0 s5, $0x0  }
0x1f: {  	s9 =	smul.u32 $0xF7A, s1;
	s8 =	simm.s32 @!p0 $0x1BF5;
	p2 =	por !p2, p0  }
0x20: {  	[sflag:s8] =	ssyncset.s32 @!p0 $0xFFFFF086;
	s6 =	sadd.s32 @!p0 s3, s7;
	s7 =	simm.s32 @!p0 $0x108  }
0x21: {  	s3 =	sadd.s32 s3, s9;
	s6 =	sadd.s32 @!p0 $0x88, s6;
	s7 =	simm.s32 @p2 $0x1082  }
0x22: {  	[simem:s7], [sflag:s8] =	dma.local @!p0 [hbm:s6], $0xF7A  }
0x23: {  	s9 =	sor.u32 $0xD0000000, s2;
	s6 =	simm.s32 $0x108;
	_ =	swait.ge @!p0 [sflag:s8], $0x0  }
0x24: {  	s3 =	sadd.s32 $0x88, s3;
	s6 =	simm.s32 @!p1 $0x1082;
	[sflag:s4] =	ssyncset.s32 $0xFFFFF086  }
0x25: {  	[simem:s6], [sflag:s4] =	dma.local [hbm:s3], $0xF7A  }
0x26: {  	[smem:$0x3F8A] =	sst s1;
	(tag) =	ssettag s2;
	_ =	strace s9  }
0x27: {  	s1 =	sld [smem:$0x3F9A]  }
0x28: {  	s2 =	sld [smem:$0x3F9B]  }
0x29: {  	s4 =	sld [smem:$0x3F9D]  }
0x2a: {  	p0 =	seq.s32 s5, $0x0;
	s5 =	sld [smem:$0x3F9E]  }
0x2b: {  	s6 =	sld [smem:$0x3F9F]  }
0x2c: {  	s7 =	sld [smem:$0x3FA0]  }
0x2d: {  	s3 =	simm.s32 $0x108;
	s8 =	sld [smem:$0x3FA1]  }
0x2e: {  	s3 =	simm.s32 @!p0 $0x1082;
	s9 =	sld [smem:$0x3FA2]  }
0x2f: {  	lr =	sadd.s32 s0, s3;
	s0 =	sld [smem:$0x3F99]  }
0x30: {  	s3 =	sld [smem:$0x3F9C]  }
0x31: {  	[smem:$0x3FA5] =	sst s10  }
0x32: {  	s10 =	sld [smem:$0x3FA3];
	_ =	sdelay $0x3  }
0x33: {  	p0 =	seq.s32 s10, $0x1;
	s10 =	sld [smem:$0x3FA5];
	_ =	sdelay $0x3  }
0x34: {  	[smem:$0x3FA5] =	sst s10  }
0x35: {  	s10 =	sld [smem:$0x3FA4];
	_ =	sdelay $0x3  }
0x36: {  	p1 =	seq.s32 s10, $0x1;
	s10 =	sld [smem:$0x3FA5];
	_ =	sdelay $0x3  }
0x37: {  	[smem:$0x3FA5] =	sst s10  }
0x38: {  	s10 =	sld [smem:$0x3FA6]  }
0x39: {  	_ = 	snop;
	(pc) =	sbr.ind lr, $3  }
0x3a: {  	_ = 	snop  }
0x3b: {  	_ = 	snop  }
0x3c: {  	p2 =	seq.s32 s10, $0x1;
	s10 =	sld [smem:$0x3FA5]  }
0x3d: {  	_ =	shalt  }
0x3e: {  	_ =	shalt  }
0x3f: {  	_ =	shalt  }
0x40: {  	_ =	shalt  }
0x41: {  	_ =	shalt  }
0x42: {  	_ =	shalt  }
0x43: {  	_ =	shalt  }
0x44: {  	_ =	shalt  }
0x45: {  	_ =	shalt  }
0x46: {  	_ =	shalt  }
0x47: {  	_ =	shalt  }
0x48: {  	_ =	shalt  }
0x49: {  	_ =	shalt  }
0x4a: {  	_ =	shalt  }
0x4b: {  	_ =	shalt  }
0x4c: {  	_ =	shalt  }
0x4d: {  	_ =	shalt  }
0x4e: {  	_ =	shalt  }
0x4f: {  	_ =	shalt  }
0x50: {  	_ =	shalt  }
0x51: {  	_ =	shalt  }
0x52: {  	_ =	shalt  }
0x53: {  	_ =	shalt  }
0x54: {  	_ =	shalt  }
0x55: {  	_ =	shalt  }
0x56: {  	_ =	shalt  }
0x57: {  	_ =	shalt  }
0x58: {  	_ =	shalt  }
0x59: {  	_ =	shalt  }
0x5a: {  	_ =	shalt  }
0x5b: {  	_ =	shalt  }
0x5c: {  	_ =	shalt  }
0x5d: {  	_ =	shalt  }
0x5e: {  	_ =	shalt  }
0x5f: {  	_ =	shalt  }
0x60: {  	_ =	shalt  }
0x61: {  	_ =	shalt  }
0x62: {  	_ =	shalt  }
0x63: {  	_ =	shalt  }
0x64: {  	_ =	shalt  }
0x65: {  	_ =	shalt  }
0x66: {  	_ =	shalt  }
0x67: {  	_ =	shalt  }
0x68: {  	_ =	shalt  }
0x69: {  	_ =	shalt  }
0x6a: {  	_ =	shalt  }
0x6b: {  	_ =	shalt  }
0x6c: {  	_ =	shalt  }
0x6d: {  	_ =	shalt  }
0x6e: {  	_ =	shalt  }
0x6f: {  	_ =	shalt  }
0x70: {  	_ =	shalt  }
0x71: {  	_ =	shalt  }
0x72: {  	_ =	shalt  }
0x73: {  	_ =	shalt  }
0x74: {  	_ =	shalt  }
0x75: {  	_ =	shalt  }
0x76: {  	_ =	shalt  }
0x77: {  	_ =	shalt  }
0x78: {  	_ =	shalt  }
0x79: {  	_ =	shalt  }
0x7a: {  	_ =	shalt  }
0x7b: {  	_ =	shalt  }
0x7c: {  	_ =	shalt  }
0x7d: {  	_ =	shalt  }
0x7e: {  	_ =	shalt  }
0x7f: {  	_ =	shalt  }
0x80: {  	_ =	shalt  }
0x81: {  	_ =	shalt  }
0x82: {  	_ =	shalt  }
0x83: {  	_ =	shalt  }
0x84: {  	_ =	shalt  }
0x85: {  	_ =	shalt  }
0x86: {  	_ =	shalt  }
0x87: {  	_ =	shalt  }
.Lfunc_end0:
.L_simem_size_0:
called_computation.4_lowered:
.L_overlay_start_0:
0x88: {  	s2 =	sld [smem:$0x3FD9]  }
0x89: {  	s3 =	sld [smem:$0x3FFE];
	_ =	sdelay $0x1  }
0x8a: {  	s1 =	srdreg.scid  }
0x8b: {  	s0 =	sand.u32 $0x1, s1  }
0x8c: {  	s16 =	sshll.u32 s0, $0xA;
	s2 =	sadd.s32 s3, s2  }
0x8d: {  	s2 =	sadd.s32 s2, s16  }
0x8e: {  	[smem:$0x3FB1] =	sst s2  }
0x8f: {  	_ = 	snop  }
0x90: {  	(tm) =	ssettm $0x1  }
0x91: {  	s17 =	sld [smem:$0x3FFB];
	_ =	sdelay $0x3  }
0x92: {  	_ =	strace s17  }
0x93: {  	s2 =	sld [smem:$0x3FFC];
	_ =	sdelay $0x3  }
0x94: {  	_ =	strace s2  }
0x95: {  	s2 =	sld [smem:$0x3FFD];
	_ =	sdelay $0x3  }
0x96: {  	_ =	strace s2  }
0x97: {  	_ =	strace $0x8FFFFFFF  }
0x98: {  	s18 =	sld [smem:$0x3FDB];
	_ =	sdelay $0x1  }
0x99: {  	s19 =	simm.s32 $_scs_section_size  }
0x9a: {  	s4 =	simm.s32 $_size__tile_overlayer_lowered;
	s5 =	simm.s32 $_tile_overlayer_lowered  }
0x9b: {  	s22 =	simm.s32 $0x1BFF;
	s21 =	sshll.u32 s5, $0x1;
	s2 =	sadd.s32 s19, s18  }
0x9c: {  	s6 =	simm.s32 $0x0;
	s20 =	sshll.u32 s4, $0x1;
	s4 =	sadd.s32 s21, s2  }
0x9d: {  	[timem:s6], [sflag:s22] =	dma.local [hbm:s4], s20  }
0x9e: {  	_ =	swait.ge [sflag:s22], s20  }
0x9f: {  	s3 =	ssub.s32 $0x0, s20;
	[sflag:s22] =	ssyncset.done $0x0  }
0xa0: {  	[sflag:s22] =	ssyncadd.s32 s3;
	_ =	sdelay $0x1  }
0xa1: {  	s23 =	simm.s32 $0x1B8B  }
0xa2: {  	_ =	swait.ge [sflag:s23], $0x1  }
0xa3: {  	[sflag:s23] =	ssyncset.done $0x0  }
0xa4: {  	s25 =	simm.s32 $0x1B8E;
	s24 =	sld [smem:$0x3FFE];
	[sflag:s23] =	ssyncadd.s32 $0xFFFFFFFF  }
0xa5: {  	s26 =	simm.s32 $execute0_lowered;
	[smem:$0x3FD2] =	sst s25  }
0xa6: {  	s4 =	sshll.u32 s26, $0x1;
	_ =	strace $0x80000052;
	[dreg:$0x1] =	wrdreg $0xFFFFFFFF  }
0xa7: {  	s28 =	simm.s32 $_size_execute0_lowered;
	s2 =	sadd.s32 s2, s4;
	[dreg:$0x0] =	wrdreg $0x0  }
0xa8: {  	s4 =	sshll.u32 s28, $0x1;
	[dreg:$0x2] =	wrdreg s2  }
0xa9: {  	[dreg:$0x3] =	wrdreg s4  }
0xaa: {  	[dreg:$0x4] =	wrdreg $0xC0  }
0xab: {  	_ =	task [dreg:s6], $0x5FFFF  }
0xac: {  	[dreg:$0x1] =	wrdreg $0xFFFFFFFF  }
0xad: {  	[dreg:$0x0] =	wrdreg $0x60  }
0xae: {  	[dreg:$0x2] =	wrdreg s24  }
0xaf: {  	[dreg:$0x3] =	wrdreg $0x146000  }
0xb0: {  	[dreg:$0x4] =	wrdreg $0xA8000  }
0xb1: {  	[dreg:$0x5] =	wrdreg $0x9  }
0xb2: {  	_ =	task.clear_ibuf [dreg:s6], $0x6FFFF;
	_ =	strace $0x90000052  }
0xb3: {  	s29 =	simm.s32 $0x9;
	_ =	strace $0x80000054  }
0xb4: {  	_ =	swait.ge [sflag:s29], $0x1  }
0xb5: {  	[sflag:s29] =	ssyncadd.s32 $0xFFFFFFFF  }
0xb6: {  	_ =	strace $0x90000054  }
0xb7: {  	_ =	sfence  }
0xb8: {  	s30 =	sld [smem:$0x0];
	_ =	sdelay $0x2  }
0xb9: {  	s31 =	sshll.u32 s1, $0xD;
	s1 =	sshrl.u32 s1, $0x2  }
0xba: {  	s3 =	sand.u32 $0x4000, s31;
	s1 =	sadd.s32 s1, s30  }
0xbb: {  	s0 =	sor.u32 s3, s0;
	s1 =	sshll.u32 s1, $0x11  }
0xbc: {  	s0 =	sor.u32 s1, s0  }
0xbd: {  	s0 =	sadd.s32 $0x8F2B, s0  }
0xbe: {  	[sflag:s0] =	ssyncadd.remote.s32 $0x1  }
0xbf: {  	_ =	sfence.sel $0xFFFF  }
0xc0: {  	[dreg:$0x0] =	wrdreg $0xFFFFFFFF;
	(pc) =	sbr.abs _section_cstart, $3  }
0xc1: {  	[dreg:$0x1] =	wrdreg $0xFFFFFFFF  }
0xc2: {  	_ =	task.clear_ibuf [dreg:s6], $0x2FFFF;
	_ =	strace $0x9FFFFFFF  }
0xc3: {  	(tm) =	ssettm $0x7FFFFFFF  }
tec
execute0_lowered:
.L_overlay_start_1:
0x0: {  	(tag) =	ssettag $0x1  }
0x1: {  	s0 =	rddreg [dreg:$0x0]  }
0x2: {  	s1 =	srdreg.scid;
	s2 =	rddreg [dreg:$0x1]  }
0x3: {  	s11 =	stileid.u32;
	s3 =	rddreg [dreg:$0x2]  }
0x4: {  	s15 =	simm.s32 $0x0;
	s14 =	simm.s32 $0x9;
	s16 =	simm.s32 $0x1400  }
0x5: {  	s17 =	simm.s32 $0x80;
	s18 =	simm.s32 $0x2800;
	s19 =	simm.s32 $0x4800  }
0x6: {  	s21 =	simm.s32 $0x6800;
	s22 =	simm.s32 $0x1;
	s28 =	simm.s32 $0x5  }
0x7: {  	s30 =	simm.s32 $0x3;
	s31 =	simm.s32 $0x1500;
	s7 =	smul.u32 $0x9C40, s11  }
0x8: {  	s13 =	simm.s32 $0x8;
	s1 =	sand.u32 $0x1, s1;
	s8 =	smul.u32 $0x9E00, s11  }
0x9: {  	[smem:$0x7FF] =	sst s15;
	s5 =	sadd.s32 $0x3DE00, s0;
	s4 =	smul.u32 $0x9C400, s1  }
0xa: {  	s12 =	sadd.s32 $0x33200, s0;
	s24 =	sshll.u32 s11, $0x6;
	s6 =	smul.u32 $0x9E000, s1  }
0xb: {  	_ =	strace $0x80000053;
	s1 =	ssub.s32 $0x2, s1;
	[dreg:$0x5] =	wrdreg s12  }
0xc: {  	s12 =	simm.s32 $0x300;
	s10 =	sshrl.u32 s1, $0x1;
	s25 =	sadd.s32 s8, s3  }
0xd: {  	s4 =	sadd.s32 s7, s4;
	s9 =	sadd.s32 s8, s6;
	s6 =	sadd.s32 $0x2000, s0  }
0xe: {  	s1 =	ssub.s32 s1, s10;
	s7 =	sadd.s32 s7, s2;
	s10 =	smul.u32 $0x5000, s11  }
0xf: {  	s20 =	sshrl.u32 s25, $0x3;
	s25 =	simm.s32 $0x2;
	s8 =	simm.s32 $0x1580  }
0x10: {  	s11 =	simm.s32 $0x7;
	s4 =	sshrl.u32 s4, $0x3;
	s9 =	sshrl.u32 s9, $0x3  }
0x11: {  	s26 =	smax.u32 s1, $0x1;
	s29 =	sshrl.u32 s7, $0x3;
	[dreg:$0xb] =	wrdreg s20  }
.Ltmp0:
0x12: {  	s4 =	sadd.s32 s4, s0;
	[dreg:$0x9] =	wrdreg s26;
	(pc) =	sbr.rel .LBB2_1-.Ltmp0, $4  }
0x13: {  	s0 =	sadd.s32 s9, s0;
	s9 =	sor.u32 $0x1C09, s24;
	[dreg:$0xa] =	wrdreg s29  }
0x14: {  	s1 =	simm.s32 $0x6;
	s4 =	sadd.s32 $0x96000, s4;
	[dreg:$0x7] =	wrdreg s9  }
0x15: {  	s7 =	simm.s32 $0x4;
	s0 =	sadd.s32 $0xBD200, s0;
	[dreg:$0x6] =	wrdreg s4  }
0x16: {  	s24 =	simm.s32 $0x8800;
	[dreg:$0x8] =	wrdreg s0;
	s0 =	simm.s32 $0x280  }
.LBB2_6:
0x17: {  	[bflag:$0x0] =	sbarrier.arrive $0xFFFF  }
0x18: {  	s9 =	rddreg [dreg:$0x7]  }
0x19: {  	s4 =	rddreg [dreg:$0x8]  }
0x1a: {  	s20 =	rddreg [dreg:$0xb]  }
0x1b: {  	[hbm:s4], [sflag:s9] =	dma.local [spmem:s20], $0x13C0  }
0x1c: {  	_ =	swait.ge [sflag:s14], $0x13C0  }
0x1d: {  	s15 =	rddreg [dreg:$0x4]  }
0x1e: {  	s29 =	rddreg [dreg:$0x9];
	s15 =	sadd.s32 $0x1, s15  }
0x1f: {  	p0 =	sne.s32 s15, s29  }
.Ltmp1:
0x20: {  	_ = 	snop;
	(pc) =	sbr.rel @!p0 .LBB2_7-.Ltmp1, $3  }
0x21: {  	_ =	sdelay $0x1  }
0x22: {  	[sflag:s14] =	ssyncset.done $0x0  }
0x23: {  	[sflag:s14] =	ssyncadd.s32 $0xFFFFEC40  }
.LBB2_1:
0x24: {  	[dreg:$0x4] =	wrdreg s15  }
0x25: {  	s4 =	rddreg [dreg:$0x6]  }
0x26: {  	s26 =	rddreg [dreg:$0xa]  }
0x27: {  	[spmem:s26], [sflag:s9] =	dma.local [hbm:s4], $0x1388  }
0x28: {  	_ =	swait.ge [sflag:s14], $0x1388  }
0x29: {  	[sflag:s14] =	ssyncset.done $0x0  }
0x2a: {  	s29 =	rddreg [dreg:$0x5];
	[sflag:s14] =	ssyncadd.s32 $0xFFFFEC78  }
0x2b: {  	[spmem:s20], [sflag:s9] =	dma.local [hbm:s29], $0x13C0  }
.Ltmp2:
0x2c: {  	_ =	swait.ge [sflag:s14], $0x13C0;
	(pc) =	sbr.rel .LBB2_2-.Ltmp2, $4  }
0x2d: {  	[sflag:s14] =	ssyncset.done $0x0  }
0x2e: {  	[sflag:s14] =	ssyncadd.s32 $0xFFFFEC40  }
0x2f: {  	[bflag:$0x0] =	sbarrier.arrive $0xFFFF  }
0x30: {  	s15 =	simm.s32 $0x0  }
.LBB2_5:
0x31: {  	_ =	swait.ge [sflag:s28], $0x2000  }
0x32: {  	[sflag:s28] =	ssyncset.done $0x0  }
0x33: {  	[sflag:s28] =	ssyncadd.s32 $0xFFFFE000  }
0x34: {  	_ =	swait.ge [sflag:s1], $0x2000  }
0x35: {  	[sflag:s1] =	ssyncset.done $0x0  }
0x36: {  	s15 =	sadd.s32 $0x1, s15;
	[sflag:s1] =	ssyncadd.s32 $0xFFFFE000  }
0x37: {  	p0 =	sne.s32 s15, $0x4;
	_ =	swait.ge [sflag:s11], $0x2000  }
.Ltmp3:
0x38: {  	[sflag:s11] =	ssyncset.done $0x0;
	(pc) =	sbr.rel @!p0 .LBB2_6-.Ltmp3, $4  }
0x39: {  	[sflag:s11] =	ssyncadd.s32 $0xFFFFE000  }
0x3a: {  	_ =	swait.ge [sflag:s13], $0x2000  }
0x3b: {  	[sflag:s13] =	ssyncset.done $0x0  }
0x3c: {  	[sflag:s13] =	ssyncadd.s32 $0xFFFFE000  }
.LBB2_2:
0x3d: {  	s4 =	smul.u32 $0x1400, s15;
	_ =	sdelay $0x1  }
0x3e: {  	s4 =	sadd.s32 s10, s4  }
0x3f: {  	s4 =	sshrl.u32 s4, $0x3  }
0x40: {  	s9 =	simm.s32 $0x0;
	s20 =	sadd.s32 s5, s4  }
0x41: {  	[tilespmem:s9], [sflag:$0x9] =	stream.linear.gather [hbm4b:s20+s9], $0x1400, $0x38;
	[tilespmem:$0x1E400] =	vst v63  }
0x42: {  	_ =	swait.ge [sflag:s14], $0x1400  }
0x43: {  	[sflag:s14] =	ssyncset.done $0x0  }
0x44: {  	s4 =	sadd.s32 s6, s4;
	[sflag:s14] =	ssyncadd.s32 $0xFFFFEC00  }
0x45: {  	[tilespmem:s16], [sflag:$0x9] =	stream.linear.gather [hbm4b:s4+s9], $0x1400, $0x38;
	[tilespmem:$0x1E400] =	vst v63  }
0x46: {  	_ =	swait.ge [sflag:s14], $0x1400  }
0x47: {  	[sflag:s14] =	ssyncset.done $0x0  }
0x48: {  	[sflag:s14] =	ssyncadd.s32 $0xFFFFEC00  }
0x49: {  	[tilespmem:s18], [sflag:$0x1] =	stream.indirect.gather [spmem:s2], $0x40, s9, s17, $0xb8;
	[tilespmem:$0x1E400] =	vst v63  }
0x4a: {  	_ = 	snop  }
0x4b: {  	[tilespmem:s19], [sflag:$0x2] =	stream.indirect.gather [spmem:s2], $0x40, s17, s17, $0xb8;
	[tilespmem:$0x1E400] =	vst v63  }
0x4c: {  	s20 =	simm.s32 $0x100  }
0x4d: {  	[tilespmem:s21], [sflag:$0x3] =	stream.indirect.gather [spmem:s2], $0x40, s20, s17, $0xb8;
	[tilespmem:$0x1E400] =	vst v63  }
0x4e: {  	_ =	swait.ge [sflag:s22], $0x2000  }
0x4f: {  	[sflag:s22] =	ssyncset.done $0x0  }
0x50: {  	[sflag:s22] =	ssyncadd.s32 $0xFFFFE000  }
0x51: {  	[spmem:s3] =	stream.indirect.scatter.add.f32 [tilespmem:s18], [sflag:$0x5], $0x40, s16, s17, $0xb8;
	[tilespmem:$0x1E400] =	vst v63  }
0x52: {  	s23 =	simm.s32 $0x180  }
0x53: {  	[tilespmem:s24], [sflag:$0x4] =	stream.indirect.gather [spmem:s2], $0x40, s23, s17, $0xb8;
	[tilespmem:$0x1E400] =	vst v63  }
0x54: {  	_ =	swait.ge [sflag:s25], $0x2000  }
0x55: {  	[sflag:s25] =	ssyncset.done $0x0  }
0x56: {  	s26 =	simm.s32 $0x1480;
	[sflag:s25] =	ssyncadd.s32 $0xFFFFE000  }
0x57: {  	[spmem:s3] =	stream.indirect.scatter.add.f32 [tilespmem:s19], [sflag:$0x6], $0x40, s26, s17, $0xb8;
	[tilespmem:$0x1E400] =	vst v63  }
0x58: {  	_ =	swait.ge [sflag:s28], $0x2000  }
0x59: {  	[sflag:s28] =	ssyncset.done $0x0  }
0x5a: {  	s29 =	simm.s32 $0x200;
	[sflag:s28] =	ssyncadd.s32 $0xFFFFE000  }
0x5b: {  	[tilespmem:s18], [sflag:$0x1] =	stream.indirect.gather [spmem:s2], $0x40, s29, s17, $0xb8;
	[tilespmem:$0x1E400] =	vst v63  }
0x5c: {  	_ =	swait.ge [sflag:s30], $0x2000  }
0x5d: {  	[sflag:s30] =	ssyncset.done $0x0  }
0x5e: {  	[sflag:s30] =	ssyncadd.s32 $0xFFFFE000  }
0x5f: {  	[spmem:s3] =	stream.indirect.scatter.add.f32 [tilespmem:s21], [sflag:$0x7], $0x40, s31, s17, $0xb8;
	[tilespmem:$0x1E400] =	vst v63  }
0x60: {  	_ =	swait.ge [sflag:s1], $0x2000  }
0x61: {  	[sflag:s1] =	ssyncset.done $0x0  }
0x62: {  	[sflag:s1] =	ssyncadd.s32 $0xFFFFE000  }
0x63: {  	[tilespmem:s19], [sflag:$0x2] =	stream.indirect.gather [spmem:s2], $0x40, s0, s17, $0xb8;
	[tilespmem:$0x1E400] =	vst v63  }
0x64: {  	_ =	swait.ge [sflag:s7], $0x2000  }
0x65: {  	[sflag:s7] =	ssyncset.done $0x0  }
0x66: {  	[sflag:s7] =	ssyncadd.s32 $0xFFFFE000  }
0x67: {  	[spmem:s3] =	stream.indirect.scatter.add.f32 [tilespmem:s24], [sflag:$0x8], $0x40, s8, s17, $0xb8;
	[tilespmem:$0x1E400] =	vst v63  }
0x68: {  	_ =	swait.ge [sflag:s11], $0x2000  }
0x69: {  	[sflag:s11] =	ssyncset.done $0x0  }
0x6a: {  	[sflag:s11] =	ssyncadd.s32 $0xFFFFE000  }
0x6b: {  	[tilespmem:s21], [sflag:$0x3] =	stream.indirect.gather [spmem:s2], $0x40, s12, s17, $0xb8;
	[tilespmem:$0x1E400] =	vst v63  }
.LBB2_3:
0x6c: {  	_ =	swait.ge [sflag:s22], $0x2000  }
0x6d: {  	s4 =	sshra.s32 s9, $0x2;
	[sflag:s22] =	ssyncset.done $0x0  }
0x6e: {  	s20 =	sadd.s32 $0x1600, s4;
	[sflag:s22] =	ssyncadd.s32 $0xFFFFE000  }
0x6f: {  	[spmem:s3] =	stream.indirect.scatter.add.f32 [tilespmem:s18], [sflag:$0x5], $0x40, s20, s17, $0xb8;
	[tilespmem:$0x1E400] =	vst v63  }
0x70: {  	_ =	swait.ge [sflag:s13], $0x2000  }
0x71: {  	[sflag:s13] =	ssyncset.done $0x0  }
0x72: {  	s23 =	sadd.s32 $0x380, s4;
	[sflag:s13] =	ssyncadd.s32 $0xFFFFE000  }
0x73: {  	[tilespmem:s24], [sflag:$0x4] =	stream.indirect.gather [spmem:s2], $0x40, s23, s17, $0xb8;
	[tilespmem:$0x1E400] =	vst v63  }
0x74: {  	_ =	swait.ge [sflag:s25], $0x2000  }
0x75: {  	p0 =	seq.s32 s9, $0x4000;
	[sflag:s25] =	ssyncset.done $0x0  }
0x76: {  	s26 =	sadd.s32 $0x1680, s4;
	s20 =	simm.s32 @p0 $0x3;
	[sflag:s25] =	ssyncadd.s32 $0xFFFFE000  }
0x77: {  	[spmem:s3] =	stream.indirect.scatter.add.f32 [tilespmem:s19], [sflag:$0x6], $0x40, s26, s17, $0xb8;
	[tilespmem:$0x1E400] =	vst v63  }
0x78: {  	_ =	swait.ge @p0 [sflag:s20], $0x2000  }
0x79: {  	[sflag:s20] =	ssyncset.done @p0 $0x0  }
0x7a: {  	[sflag:s20] =	ssyncadd.s32 @p0 $0xFFFFE000;
	s20 =	sshra.s32 @p0 s9, $0x2  }
0x7b: {  	s23 =	simm.s32 @p0 $0x80;
	s26 =	simm.s32 @p0 $0x6800;
	s20 =	sadd.s32 @p0 $0x1700, s20  }
0x7c: {  	[spmem:s3] =	stream.indirect.scatter.add.f32 @p0 [tilespmem:s26], [sflag:$0x7], $0x40, s20, s23, $0xb8;
	[tilespmem:$0x1E400] =	vst v63  }
0x7d: {  	s20 =	simm.s32 @!p0 $0x5  }
0x7e: {  	_ =	swait.ge @!p0 [sflag:s20], $0x2000  }
0x7f: {  	[sflag:s20] =	ssyncset.done @!p0 $0x0  }
0x80: {  	[sflag:s20] =	ssyncadd.s32 @!p0 $0xFFFFE000;
	s20 =	sshra.s32 @!p0 s9, $0x2  }
0x81: {  	s29 =	simm.s32 @!p0 $0x2800;
	s26 =	simm.s32 @!p0 $0x80;
	s23 =	sadd.s32 @!p0 $0x400, s20  }
0x82: {  	[tilespmem:s29], [sflag:$0x1] =	stream.indirect.gather @!p0 [spmem:s2], $0x40, s23, s26, $0xb8;
	[tilespmem:$0x1E400] =	vst v63  }
0x83: {  	s23 =	simm.s32 @!p0 $0x3  }
0x84: {  	_ =	swait.ge @!p0 [sflag:s23], $0x2000  }
0x85: {  	[sflag:s23] =	ssyncset.done @!p0 $0x0  }
0x86: {  	s29 =	simm.s32 @!p0 $0x6800;
	[sflag:s23] =	ssyncadd.s32 @!p0 $0xFFFFE000;
	s23 =	sadd.s32 @!p0 $0x1700, s20  }
0x87: {  	[spmem:s3] =	stream.indirect.scatter.add.f32 @!p0 [tilespmem:s29], [sflag:$0x7], $0x40, s23, s26, $0xb8;
	[tilespmem:$0x1E400] =	vst v63  }
0x88: {  	s23 =	simm.s32 @!p0 $0x6  }
0x89: {  	_ =	swait.ge @!p0 [sflag:s23], $0x2000  }
0x8a: {  	[sflag:s23] =	ssyncset.done @!p0 $0x0  }
0x8b: {  	s20 =	sadd.s32 @!p0 $0x480, s20;
	[sflag:s23] =	ssyncadd.s32 @!p0 $0xFFFFE000;
	s23 =	simm.s32 @!p0 $0x4800  }
0x8c: {  	[tilespmem:s23], [sflag:$0x2] =	stream.indirect.gather @!p0 [spmem:s2], $0x40, s20, s26, $0xb8;
	[tilespmem:$0x1E400] =	vst v63  }
.Ltmp4:
0x8d: {  	_ = 	snop;
	(pc) =	sbr.rel @p0 .LBB2_5-.Ltmp4, $4  }
0x8e: {  	_ =	swait.ge [sflag:s7], $0x2000  }
0x8f: {  	[sflag:s7] =	ssyncset.done $0x0  }
0x90: {  	s29 =	sadd.s32 $0x1780, s4;
	[sflag:s7] =	ssyncadd.s32 $0xFFFFE000  }
0x91: {  	[spmem:s3] =	stream.indirect.scatter.add.f32 [tilespmem:s24], [sflag:$0x8], $0x40, s29, s17, $0xb8;
	[tilespmem:$0x1E400] =	vst v63  }
.Ltmp5:
0x92: {  	(pc) =	sbr.rel .LBB2_3-.Ltmp5, $4  }
0x93: {  	_ =	swait.ge [sflag:s11], $0x2000  }
0x94: {  	[sflag:s11] =	ssyncset.done $0x0  }
0x95: {  	s4 =	sadd.s32 $0x500, s4;
	s9 =	sadd.s32 $0x800, s9;
	[sflag:s11] =	ssyncadd.s32 $0xFFFFE000  }
0x96: {  	[tilespmem:s21], [sflag:$0x3] =	stream.indirect.gather [spmem:s2], $0x40, s4, s17, $0xb8;
	[tilespmem:$0x1E400] =	vst v63  }
.LBB2_7:
0x97: {  	_ =	sfence.sel $0x180000  }
0x98: {  	[bflag:$0x0] =	sbarrier.arrive $0xFFFF  }
0x99: {  	_ =	strace $0x90000053  }
0x9a: {  	s0 =	stileid.u32;
	[bflag:$0x2] =	sbarrier.arrive $0xFFFF  }
0x9b: {  	p0 =	sne.s32 s0, $0x0;
	s0 =	rddreg [dreg:$0x3]  }
0x9c: {  	s0 =	sadd.s32 @!p0 $0x100000, s0  }
0x9d: {  	[sflag:s0] =	ssyncadd.tile.s32 @!p0 $0x1;
	_ =	shalt  }
.Lfunc_end2:
_tile_overlayer_lowered:
.L_overlay_start_2:
0x9e: {  	(tag) =	ssettag $0x2  }
0x9f: {  	s0 =	rddreg [dreg:$0x0];
	s2 =	stileid.u32  }
0xa0: {  	s1 =	rddreg [dreg:$0x1];
	p0 =	sne.s32 s2, $0x0  }
0xa1: {  	s3 =	rddreg [dreg:$0x2];
	[bflag:$0x3] =	sbarrier.arrive $0xFFFF;
	s2 =	simm.s32 @!p0 $0x1C09  }
0xa2: {  	[timem:s3], [sflag:s2] =	dma.local @!p0 [hbm:s0], s1  }
0xa3: {  	s0 =	simm.s32 @!p0 $0x9  }
0xa4: {  	_ =	swait.ge @!p0 [sflag:s0], s1  }
0xa5: {  	s1 =	ssub.s32 @!p0 $0x0, s1;
	[sflag:s0] =	ssyncset.done @!p0 $0x0  }
0xa6: {  	[sflag:s0] =	ssyncadd.s32 @!p0 s1  }
0xa7: {  	[bflag:$0x3] =	sbarrier.arrive $0xFFFF  }
0xa8: {  	_ =	shalt  }

</sc_bundles>
